<compile_context>
chip_gen: v7x
topology: tpu7x:2x2x1
jax: 0.10.2.dev20260603
libtpu: 0.0.44.dev20260713+nightly
codegen_flags: <defaults>
</compile_context>

<pallas_src>
import functools

import jax
import jax.numpy as jnp
from jax import lax
from jax.experimental import pallas as pl
from jax.experimental.pallas import tpu as pltpu
from jax.experimental.pallas import tpu_sc as plsc

H = 4096
W = 4096
C = 16
L = 16
SW = W // C

NC = 2
NS = 16
NW = NC * NS
ROWS_PER_W = H // NW
CHUNK = 8
NCHUNK = ROWS_PER_W // CHUNK

_mesh = plsc.VectorSubcoreMesh(core_axis_name="c", subcore_axis_name="s")


def _tree_sum(vs):
    while len(vs) > 1:
        nxt = [vs[k] + vs[k + 1] for k in range(0, len(vs) - 1, 2)]
        if len(vs) % 2:
            nxt.append(vs[-1])
        vs = nxt
    return vs[0]


def _accum_chunk(buf, accs):

    def row_body(r, accs):
        out = []
        for c in range(C):
            vs = [buf[r, pl.ds(c * SW + j * L, L)] for j in range(L)]
            out.append(accs[c] + _tree_sum(vs))
        return tuple(out)

    return lax.fori_loop(0, CHUNK, row_body, accs, unroll=False)


@functools.partial(
    pl.kernel,
    out_type=jax.ShapeDtypeStruct((NW * C, L), jnp.float32),
    mesh=_mesh,
    scratch_types=[
        pltpu.VMEM((CHUNK, W), jnp.float32),
        pltpu.VMEM((CHUNK, W), jnp.float32),
        pltpu.VMEM((C, L), jnp.float32),
        pltpu.SemaphoreType.DMA,
        pltpu.SemaphoreType.DMA,
    ],
)
def _partial_sums(data_hbm, part_hbm, buf0, buf1, mat_v, sem0, sem1):
    wid = lax.axis_index("s") * NC + lax.axis_index("c")
    base = wid * ROWS_PER_W

    def chunk_slice(i):
        return data_hbm.at[pl.ds(base + i * CHUNK, CHUNK)]

    pltpu.async_copy(chunk_slice(0), buf0, sem0)
    pltpu.async_copy(chunk_slice(1), buf1, sem1)

    accs0 = tuple(jnp.zeros((L,), jnp.float32) for _ in range(C))

    def outer(i, accs):
        c0 = 2 * i
        pltpu.make_async_copy(chunk_slice(c0), buf0, sem0).wait()
        accs = _accum_chunk(buf0, accs)

        @pl.when(c0 + 2 < NCHUNK)
        def _():
            pltpu.async_copy(chunk_slice(c0 + 2), buf0, sem0)

        pltpu.make_async_copy(chunk_slice(c0 + 1), buf1, sem1).wait()
        accs = _accum_chunk(buf1, accs)

        @pl.when(c0 + 3 < NCHUNK)
        def _():
            pltpu.async_copy(chunk_slice(c0 + 3), buf1, sem1)

        return accs

    accs = lax.fori_loop(0, NCHUNK // 2, outer, accs0, unroll=False)

    for c in range(C):
        mat_v[c] = accs[c]
    pltpu.sync_copy(mat_v, part_hbm.at[pl.ds(wid * C, C)])


@functools.partial(
    pl.kernel,
    out_type=jax.ShapeDtypeStruct((1, C), jnp.float32),
    mesh=_mesh,
    scratch_types=[
        pltpu.VMEM((NW * C, L), jnp.float32),
        pltpu.VMEM((C,), jnp.float32),
    ],
)
def _finalize(part_hbm, out_hbm, all_v, ovec_v):
    wid = lax.axis_index("s") * NC + lax.axis_index("c")

    @pl.when(wid == 0)
    def _():
        pltpu.sync_copy(part_hbm, all_v)

        def wbody(w, accs):
            return tuple(accs[c] + all_v[w * C + c] for c in range(C))

        accs = lax.fori_loop(
            0, NW, wbody,
            tuple(jnp.zeros((L,), jnp.float32) for _ in range(C)),
            unroll=False)

        totals = [_tree_sum([accs[c][l] for l in range(L)]) for c in range(C)]
        lane = lax.iota(jnp.int32, L)
        class_tot = jnp.zeros((L,), jnp.float32)
        for c in range(C):
            class_tot = jnp.where(lane == c, totals[c], class_tot)
        total = _tree_sum(totals)
        ovec_v[...] = class_tot / total
        pltpu.sync_copy(ovec_v, out_hbm.at[0])


def kernel(detector_data):
    partials = _partial_sums(detector_data)
    return _finalize(partials)

# --- scband reference (transcript-rebuilt; emitter-appended) ---
"""Pipeline reference for scband-detector-processor-clf-9998683865679 (READ-ONLY COPY).

The authoritative reference and input builder live on the scoring server;
editing this copy changes nothing except your own understanding.
"""

import jax, jax.numpy as jnp
import numpy as np

NUM_CLASSES = 16
H, W = 4096, 4096


def _detector_segmentation(shape, num_classes):
    # Faithful to the 'strips' branch for even num_classes and even detector_x
    detector_y, detector_x = shape
    x_center_left_ind = detector_x // 2
    x_center_right_ind = x_center_left_ind
    strip_width = detector_x // num_classes
    cols = jnp.arange(detector_x)
    markup = -1 * jnp.ones((detector_x,), dtype=jnp.int32)
    for ind in range(num_classes // 2):
        ind_class = num_classes // 2 - 1 - ind
        lb = x_center_left_ind - strip_width * (ind + 1)
        rb = x_center_left_ind - strip_width * ind
        markup = jnp.where((cols >= lb) & (cols < rb), jnp.int32(ind_class), markup)
    for ind in range(num_classes // 2):
        ind_class = ind + num_classes // 2  # central_class = 0 for even num_classes
        lb = x_center_right_ind + strip_width * ind
        rb = x_center_right_ind + strip_width * (ind + 1)
        markup = jnp.where((cols >= lb) & (cols < rb), jnp.int32(ind_class), markup)
    return jnp.broadcast_to(markup[None, :], (detector_y, detector_x))


def setup_inputs(seed: int = 0) -> dict:
    key = jax.random.key(seed)
    detector_data = jax.random.uniform(key, (H, W), dtype=jnp.float32)
    return {"detector_data": detector_data}


def reference(detector_data):
    num_classes = NUM_CLASSES
    markup = _detector_segmentation(detector_data.shape, num_classes)
    seg_ids = markup.reshape(-1)
    ones = jnp.ones(seg_ids.shape, dtype=jnp.float32)
    # weight_segments: area per class, weight_i = min_area / area_i
    classes_areas = jax.ops.segment_sum(ones, seg_ids, num_segments=num_classes)
    segments_weights = (classes_areas.min() / classes_areas)[None, :]
    # forward: per-class masked integral == segment-sum over pixels
    integrals_by_classes = jax.ops.segment_sum(
        detector_data.reshape(-1), seg_ids, num_segments=num_classes
    )[None, :]
    integrals_by_classes = integrals_by_classes * segments_weights
    return integrals_by_classes / integrals_by_classes.sum()

if __name__ == "__main__":
    import jax
    _d = setup_inputs()
    print(jax.jit(kernel)(*tuple(_d.values())))

</pallas_src>

<mosaic_0001>
#map = affine_map<(d0, d1) -> (0, 0)>
module attributes {stable_mosaic.version = 14 : i64} {
  func.func @_finalize(%arg0: i32, %arg1: i32, %arg2: memref<512x16xf32, #tpu.memory_space<hbm>>, %arg3: memref<1x16xf32, #tpu.memory_space<hbm>>, %arg4: memref<512x16xf32, #tpu.memory_space<vmem>>, %arg5: memref<16xf32, #tpu.memory_space<vmem>>) attributes {dimension_semantics = [#tpu.dimension_semantics<core_parallel>, #tpu.dimension_semantics<subcore_parallel>], iteration_bounds = array<i64: 2, 16>, scalar_prefetch = 0 : i64, scratch_operands = 2 : i64, tpu.core_type = #tpu.core_type<sc_vector_subcore>, window_params = [{transform_indices = #map}, {transform_indices = #map}]} {
    %mul3A = arith.constant 2 : i32
    %mul3A_0 = arith.muli %arg1, %mul3A : i32
    %add3A = arith.addi %mul3A_0, %arg0 : i32
    %eq3A = arith.constant 0 : i32
    %eq3A_1 = arith.cmpi eq, %add3A, %eq3A : i32
    %convert_element_type3A = arith.extui %eq3A_1 : i1 to i32
    %cond3A = arith.constant 0 : i32
    %cond3A_2 = arith.cmpi ne, %convert_element_type3A, %cond3A : i32
    scf.if %cond3A_2 {
      "tpu.region"() ({
        %run_scoped3A_889 = tpu.sem_alloc : memref<!tpu.dma_semaphore, #tpu.memory_space<semaphore_mem>>
        tpu.enqueue_dma source(%arg2 : memref<512x16xf32, #tpu.memory_space<hbm>>) target(%arg4 : memref<512x16xf32, #tpu.memory_space<vmem>>) target_semaphore(%run_scoped3A_889 : memref<!tpu.dma_semaphore, #tpu.memory_space<semaphore_mem>>)
        tpu.wait_dma2 semaphore(%run_scoped3A_889 : memref<!tpu.dma_semaphore, #tpu.memory_space<semaphore_mem>>) src(%arg2 : memref<512x16xf32, #tpu.memory_space<hbm>>) dst(%arg4 : memref<512x16xf32, #tpu.memory_space<vmem>>)
        tpu.yield
      }) : () -> ()
      %broadcast_in_dim3A = arith.constant 0.000000e+00 : f32
      %broadcast_in_dim3A_3 = vector.broadcast %broadcast_in_dim3A : f32 to vector<16xf32>
      %broadcast_in_dim3A_4 = arith.constant 0.000000e+00 : f32
      %broadcast_in_dim3A_5 = vector.broadcast %broadcast_in_dim3A_4 : f32 to vector<16xf32>
      %broadcast_in_dim3A_6 = arith.constant 0.000000e+00 : f32
      %broadcast_in_dim3A_7 = vector.broadcast %broadcast_in_dim3A_6 : f32 to vector<16xf32>
      %broadcast_in_dim3A_8 = arith.constant 0.000000e+00 : f32
      %broadcast_in_dim3A_9 = vector.broadcast %broadcast_in_dim3A_8 : f32 to vector<16xf32>
      %broadcast_in_dim3A_10 = arith.constant 0.000000e+00 : f32
      %broadcast_in_dim3A_11 = vector.broadcast %broadcast_in_dim3A_10 : f32 to vector<16xf32>
      %broadcast_in_dim3A_12 = arith.constant 0.000000e+00 : f32
      %broadcast_in_dim3A_13 = vector.broadcast %broadcast_in_dim3A_12 : f32 to vector<16xf32>
      %broadcast_in_dim3A_14 = arith.constant 0.000000e+00 : f32
      %broadcast_in_dim3A_15 = vector.broadcast %broadcast_in_dim3A_14 : f32 to vector<16xf32>
      %broadcast_in_dim3A_16 = arith.constant 0.000000e+00 : f32
      %broadcast_in_dim3A_17 = vector.broadcast %broadcast_in_dim3A_16 : f32 to vector<16xf32>
      %broadcast_in_dim3A_18 = arith.constant 0.000000e+00 : f32
      %broadcast_in_dim3A_19 = vector.broadcast %broadcast_in_dim3A_18 : f32 to vector<16xf32>
      %broadcast_in_dim3A_20 = arith.constant 0.000000e+00 : f32
      %broadcast_in_dim3A_21 = vector.broadcast %broadcast_in_dim3A_20 : f32 to vector<16xf32>
      %broadcast_in_dim3A_22 = arith.constant 0.000000e+00 : f32
      %broadcast_in_dim3A_23 = vector.broadcast %broadcast_in_dim3A_22 : f32 to vector<16xf32>
      %broadcast_in_dim3A_24 = arith.constant 0.000000e+00 : f32
      %broadcast_in_dim3A_25 = vector.broadcast %broadcast_in_dim3A_24 : f32 to vector<16xf32>
      %broadcast_in_dim3A_26 = arith.constant 0.000000e+00 : f32
      %broadcast_in_dim3A_27 = vector.broadcast %broadcast_in_dim3A_26 : f32 to vector<16xf32>
      %broadcast_in_dim3A_28 = arith.constant 0.000000e+00 : f32
      %broadcast_in_dim3A_29 = vector.broadcast %broadcast_in_dim3A_28 : f32 to vector<16xf32>
      %broadcast_in_dim3A_30 = arith.constant 0.000000e+00 : f32
      %broadcast_in_dim3A_31 = vector.broadcast %broadcast_in_dim3A_30 : f32 to vector<16xf32>
      %broadcast_in_dim3A_32 = arith.constant 0.000000e+00 : f32
      %broadcast_in_dim3A_33 = vector.broadcast %broadcast_in_dim3A_32 : f32 to vector<16xf32>
      %scan3A = arith.constant 0 : i32
      %scan3A_34 = arith.constant 32 : i32
      %scan3A_35 = arith.addi %scan3A, %scan3A_34 : i32
      %scan3A_36 = arith.constant 1 : i32
      %scan3A_37:16 = scf.for %scan3A_889 = %scan3A to %scan3A_35 step %scan3A_36 iter_args(%scan3A_890 = %broadcast_in_dim3A_3, %scan3A_891 = %broadcast_in_dim3A_5, %scan3A_892 = %broadcast_in_dim3A_7, %scan3A_893 = %broadcast_in_dim3A_9, %scan3A_894 = %broadcast_in_dim3A_11, %scan3A_895 = %broadcast_in_dim3A_13, %scan3A_896 = %broadcast_in_dim3A_15, %scan3A_897 = %broadcast_in_dim3A_17, %scan3A_898 = %broadcast_in_dim3A_19, %scan3A_899 = %broadcast_in_dim3A_21, %scan3A_900 = %broadcast_in_dim3A_23, %scan3A_901 = %broadcast_in_dim3A_25, %scan3A_902 = %broadcast_in_dim3A_27, %scan3A_903 = %broadcast_in_dim3A_29, %scan3A_904 = %broadcast_in_dim3A_31, %scan3A_905 = %broadcast_in_dim3A_33) -> (vector<16xf32>, vector<16xf32>, vector<16xf32>, vector<16xf32>, vector<16xf32>, vector<16xf32>, vector<16xf32>, vector<16xf32>, vector<16xf32>, vector<16xf32>, vector<16xf32>, vector<16xf32>, vector<16xf32>, vector<16xf32>, vector<16xf32>, vector<16xf32>)  : i32 {
        %mul3A_906 = arith.constant 16 : i32
        %mul3A_907 = arith.muli %scan3A_889, %mul3A_906 : i32
        %add3A_908 = arith.constant 0 : i32
        %add3A_909 = arith.addi %mul3A_907, %add3A_908 : i32
        %get3A = arith.index_cast %add3A_909 : i32 to index
        %get3A_910 = arith.constant 0 : index
        %get3A_911 = tpu.vector_load %arg4[%get3A, %get3A_910] {strides = array<i32>} : memref<512x16xf32, #tpu.memory_space<vmem>>, vector<1x16xf32>,
        %get3A_912 = vector.shape_cast %get3A_911 : vector<1x16xf32> to vector<16xf32>
        %add3A_913 = arith.addf %scan3A_890, %get3A_912 : vector<16xf32>
        %mul3A_914 = arith.constant 16 : i32
        %mul3A_915 = arith.muli %scan3A_889, %mul3A_914 : i32
        %add3A_916 = arith.constant 1 : i32
        %add3A_917 = arith.addi %mul3A_915, %add3A_916 : i32
        %get3A_918 = arith.index_cast %add3A_917 : i32 to index
        %get3A_919 = arith.constant 0 : index
        %get3A_920 = tpu.vector_load %arg4[%get3A_918, %get3A_919] {strides = array<i32>} : memref<512x16xf32, #tpu.memory_space<vmem>>, vector<1x16xf32>,
        %get3A_921 = vector.shape_cast %get3A_920 : vector<1x16xf32> to vector<16xf32>
        %add3A_922 = arith.addf %scan3A_891, %get3A_921 : vector<16xf32>
        %mul3A_923 = arith.constant 16 : i32
        %mul3A_924 = arith.muli %scan3A_889, %mul3A_923 : i32
        %add3A_925 = arith.constant 2 : i32
        %add3A_926 = arith.addi %mul3A_924, %add3A_925 : i32
        %get3A_927 = arith.index_cast %add3A_926 : i32 to index
        %get3A_928 = arith.constant 0 : index
        %get3A_929 = tpu.vector_load %arg4[%get3A_927, %get3A_928] {strides = array<i32>} : memref<512x16xf32, #tpu.memory_space<vmem>>, vector<1x16xf32>,
        %get3A_930 = vector.shape_cast %get3A_929 : vector<1x16xf32> to vector<16xf32>
        %add3A_931 = arith.addf %scan3A_892, %get3A_930 : vector<16xf32>
        %mul3A_932 = arith.constant 16 : i32
        %mul3A_933 = arith.muli %scan3A_889, %mul3A_932 : i32
        %add3A_934 = arith.constant 3 : i32
        %add3A_935 = arith.addi %mul3A_933, %add3A_934 : i32
        %get3A_936 = arith.index_cast %add3A_935 : i32 to index
        %get3A_937 = arith.constant 0 : index
        %get3A_938 = tpu.vector_load %arg4[%get3A_936, %get3A_937] {strides = array<i32>} : memref<512x16xf32, #tpu.memory_space<vmem>>, vector<1x16xf32>,
        %get3A_939 = vector.shape_cast %get3A_938 : vector<1x16xf32> to vector<16xf32>
        %add3A_940 = arith.addf %scan3A_893, %get3A_939 : vector<16xf32>
        %mul3A_941 = arith.constant 16 : i32
        %mul3A_942 = arith.muli %scan3A_889, %mul3A_941 : i32
        %add3A_943 = arith.constant 4 : i32
        %add3A_944 = arith.addi %mul3A_942, %add3A_943 : i32
        %get3A_945 = arith.index_cast %add3A_944 : i32 to index
        %get3A_946 = arith.constant 0 : index
        %get3A_947 = tpu.vector_load %arg4[%get3A_945, %get3A_946] {strides = array<i32>} : memref<512x16xf32, #tpu.memory_space<vmem>>, vector<1x16xf32>,
        %get3A_948 = vector.shape_cast %get3A_947 : vector<1x16xf32> to vector<16xf32>
        %add3A_949 = arith.addf %scan3A_894, %get3A_948 : vector<16xf32>
        %mul3A_950 = arith.constant 16 : i32
        %mul3A_951 = arith.muli %scan3A_889, %mul3A_950 : i32
        %add3A_952 = arith.constant 5 : i32
        %add3A_953 = arith.addi %mul3A_951, %add3A_952 : i32
        %get3A_954 = arith.index_cast %add3A_953 : i32 to index
        %get3A_955 = arith.constant 0 : index
        %get3A_956 = tpu.vector_load %arg4[%get3A_954, %get3A_955] {strides = array<i32>} : memref<512x16xf32, #tpu.memory_space<vmem>>, vector<1x16xf32>,
        %get3A_957 = vector.shape_cast %get3A_956 : vector<1x16xf32> to vector<16xf32>
        %add3A_958 = arith.addf %scan3A_895, %get3A_957 : vector<16xf32>
        %mul3A_959 = arith.constant 16 : i32
        %mul3A_960 = arith.muli %scan3A_889, %mul3A_959 : i32
        %add3A_961 = arith.constant 6 : i32
        %add3A_962 = arith.addi %mul3A_960, %add3A_961 : i32
        %get3A_963 = arith.index_cast %add3A_962 : i32 to index
        %get3A_964 = arith.constant 0 : index
        %get3A_965 = tpu.vector_load %arg4[%get3A_963, %get3A_964] {strides = array<i32>} : memref<512x16xf32, #tpu.memory_space<vmem>>, vector<1x16xf32>,
        %get3A_966 = vector.shape_cast %get3A_965 : vector<1x16xf32> to vector<16xf32>
        %add3A_967 = arith.addf %scan3A_896, %get3A_966 : vector<16xf32>
        %mul3A_968 = arith.constant 16 : i32
        %mul3A_969 = arith.muli %scan3A_889, %mul3A_968 : i32
        %add3A_970 = arith.constant 7 : i32
        %add3A_971 = arith.addi %mul3A_969, %add3A_970 : i32
        %get3A_972 = arith.index_cast %add3A_971 : i32 to index
        %get3A_973 = arith.constant 0 : index
        %get3A_974 = tpu.vector_load %arg4[%get3A_972, %get3A_973] {strides = array<i32>} : memref<512x16xf32, #tpu.memory_space<vmem>>, vector<1x16xf32>,
        %get3A_975 = vector.shape_cast %get3A_974 : vector<1x16xf32> to vector<16xf32>
        %add3A_976 = arith.addf %scan3A_897, %get3A_975 : vector<16xf32>
        %mul3A_977 = arith.constant 16 : i32
        %mul3A_978 = arith.muli %scan3A_889, %mul3A_977 : i32
        %add3A_979 = arith.constant 8 : i32
        %add3A_980 = arith.addi %mul3A_978, %add3A_979 : i32
        %get3A_981 = arith.index_cast %add3A_980 : i32 to index
        %get3A_982 = arith.constant 0 : index
        %get3A_983 = tpu.vector_load %arg4[%get3A_981, %get3A_982] {strides = array<i32>} : memref<512x16xf32, #tpu.memory_space<vmem>>, vector<1x16xf32>,
        %get3A_984 = vector.shape_cast %get3A_983 : vector<1x16xf32> to vector<16xf32>
        %add3A_985 = arith.addf %scan3A_898, %get3A_984 : vector<16xf32>
        %mul3A_986 = arith.constant 16 : i32
        %mul3A_987 = arith.muli %scan3A_889, %mul3A_986 : i32
        %add3A_988 = arith.constant 9 : i32
        %add3A_989 = arith.addi %mul3A_987, %add3A_988 : i32
        %get3A_990 = arith.index_cast %add3A_989 : i32 to index
        %get3A_991 = arith.constant 0 : index
        %get3A_992 = tpu.vector_load %arg4[%get3A_990, %get3A_991] {strides = array<i32>} : memref<512x16xf32, #tpu.memory_space<vmem>>, vector<1x16xf32>,
        %get3A_993 = vector.shape_cast %get3A_992 : vector<1x16xf32> to vector<16xf32>
        %add3A_994 = arith.addf %scan3A_899, %get3A_993 : vector<16xf32>
        %mul3A_995 = arith.constant 16 : i32
        %mul3A_996 = arith.muli %scan3A_889, %mul3A_995 : i32
        %add3A_997 = arith.constant 10 : i32
        %add3A_998 = arith.addi %mul3A_996, %add3A_997 : i32
        %get3A_999 = arith.index_cast %add3A_998 : i32 to index
        %get3A_1000 = arith.constant 0 : index
        %get3A_1001 = tpu.vector_load %arg4[%get3A_999, %get3A_1000] {strides = array<i32>} : memref<512x16xf32, #tpu.memory_space<vmem>>, vector<1x16xf32>,
        %get3A_1002 = vector.shape_cast %get3A_1001 : vector<1x16xf32> to vector<16xf32>
        %add3A_1003 = arith.addf %scan3A_900, %get3A_1002 : vector<16xf32>
        %mul3A_1004 = arith.constant 16 : i32
        %mul3A_1005 = arith.muli %scan3A_889, %mul3A_1004 : i32
        %add3A_1006 = arith.constant 11 : i32
        %add3A_1007 = arith.addi %mul3A_1005, %add3A_1006 : i32
        %get3A_1008 = arith.index_cast %add3A_1007 : i32 to index
        %get3A_1009 = arith.constant 0 : index
        %get3A_1010 = tpu.vector_load %arg4[%get3A_1008, %get3A_1009] {strides = array<i32>} : memref<512x16xf32, #tpu.memory_space<vmem>>, vector<1x16xf32>,
        %get3A_1011 = vector.shape_cast %get3A_1010 : vector<1x16xf32> to vector<16xf32>
        %add3A_1012 = arith.addf %scan3A_901, %get3A_1011 : vector<16xf32>
        %mul3A_1013 = arith.constant 16 : i32
        %mul3A_1014 = arith.muli %scan3A_889, %mul3A_1013 : i32
        %add3A_1015 = arith.constant 12 : i32
        %add3A_1016 = arith.addi %mul3A_1014, %add3A_1015 : i32
        %get3A_1017 = arith.index_cast %add3A_1016 : i32 to index
        %get3A_1018 = arith.constant 0 : index
        %get3A_1019 = tpu.vector_load %arg4[%get3A_1017, %get3A_1018] {strides = array<i32>} : memref<512x16xf32, #tpu.memory_space<vmem>>, vector<1x16xf32>,
        %get3A_1020 = vector.shape_cast %get3A_1019 : vector<1x16xf32> to vector<16xf32>
        %add3A_1021 = arith.addf %scan3A_902, %get3A_1020 : vector<16xf32>
        %mul3A_1022 = arith.constant 16 : i32
        %mul3A_1023 = arith.muli %scan3A_889, %mul3A_1022 : i32
        %add3A_1024 = arith.constant 13 : i32
        %add3A_1025 = arith.addi %mul3A_1023, %add3A_1024 : i32
        %get3A_1026 = arith.index_cast %add3A_1025 : i32 to index
        %get3A_1027 = arith.constant 0 : index
        %get3A_1028 = tpu.vector_load %arg4[%get3A_1026, %get3A_1027] {strides = array<i32>} : memref<512x16xf32, #tpu.memory_space<vmem>>, vector<1x16xf32>,
        %get3A_1029 = vector.shape_cast %get3A_1028 : vector<1x16xf32> to vector<16xf32>
        %add3A_1030 = arith.addf %scan3A_903, %get3A_1029 : vector<16xf32>
        %mul3A_1031 = arith.constant 16 : i32
        %mul3A_1032 = arith.muli %scan3A_889, %mul3A_1031 : i32
        %add3A_1033 = arith.constant 14 : i32
        %add3A_1034 = arith.addi %mul3A_1032, %add3A_1033 : i32
        %get3A_1035 = arith.index_cast %add3A_1034 : i32 to index
        %get3A_1036 = arith.constant 0 : index
        %get3A_1037 = tpu.vector_load %arg4[%get3A_1035, %get3A_1036] {strides = array<i32>} : memref<512x16xf32, #tpu.memory_space<vmem>>, vector<1x16xf32>,
        %get3A_1038 = vector.shape_cast %get3A_1037 : vector<1x16xf32> to vector<16xf32>
        %add3A_1039 = arith.addf %scan3A_904, %get3A_1038 : vector<16xf32>
        %mul3A_1040 = arith.constant 16 : i32
        %mul3A_1041 = arith.muli %scan3A_889, %mul3A_1040 : i32
        %add3A_1042 = arith.constant 15 : i32
        %add3A_1043 = arith.addi %mul3A_1041, %add3A_1042 : i32
        %get3A_1044 = arith.index_cast %add3A_1043 : i32 to index
        %get3A_1045 = arith.constant 0 : index
        %get3A_1046 = tpu.vector_load %arg4[%get3A_1044, %get3A_1045] {strides = array<i32>} : memref<512x16xf32, #tpu.memory_space<vmem>>, vector<1x16xf32>,
        %get3A_1047 = vector.shape_cast %get3A_1046 : vector<1x16xf32> to vector<16xf32>
        %add3A_1048 = arith.addf %scan3A_905, %get3A_1047 : vector<16xf32>
        scf.yield %add3A_913, %add3A_922, %add3A_931, %add3A_940, %add3A_949, %add3A_958, %add3A_967, %add3A_976, %add3A_985, %add3A_994, %add3A_1003, %add3A_1012, %add3A_1021, %add3A_1030, %add3A_1039, %add3A_1048 : vector<16xf32>, vector<16xf32>, vector<16xf32>, vector<16xf32>, vector<16xf32>, vector<16xf32>, vector<16xf32>, vector<16xf32>, vector<16xf32>, vector<16xf32>, vector<16xf32>, vector<16xf32>, vector<16xf32>, vector<16xf32>, vector<16xf32>, vector<16xf32>
      }
      %scan3A_38 = arith.constant 32 : i32
      %slice3A = vector.extract_strided_slice %scan3A_37#0 {offsets = [0], sizes = [1], strides = [1]} : vector<16xf32> to vector<1xf32>
      %squeeze3A = vector.extract %slice3A[0] : f32 from vector<1xf32>
      %slice3A_39 = vector.extract_strided_slice %scan3A_37#0 {offsets = [1], sizes = [1], strides = [1]} : vector<16xf32> to vector<1xf32>
      %squeeze3A_40 = vector.extract %slice3A_39[0] : f32 from vector<1xf32>
      %slice3A_41 = vector.extract_strided_slice %scan3A_37#0 {offsets = [2], sizes = [1], strides = [1]} : vector<16xf32> to vector<1xf32>
      %squeeze3A_42 = vector.extract %slice3A_41[0] : f32 from vector<1xf32>
      %slice3A_43 = vector.extract_strided_slice %scan3A_37#0 {offsets = [3], sizes = [1], strides = [1]} : vector<16xf32> to vector<1xf32>
      %squeeze3A_44 = vector.extract %slice3A_43[0] : f32 from vector<1xf32>
      %slice3A_45 = vector.extract_strided_slice %scan3A_37#0 {offsets = [4], sizes = [1], strides = [1]} : vector<16xf32> to vector<1xf32>
      %squeeze3A_46 = vector.extract %slice3A_45[0] : f32 from vector<1xf32>
      %slice3A_47 = vector.extract_strided_slice %scan3A_37#0 {offsets = [5], sizes = [1], strides = [1]} : vector<16xf32> to vector<1xf32>
      %squeeze3A_48 = vector.extract %slice3A_47[0] : f32 from vector<1xf32>
      %slice3A_49 = vector.extract_strided_slice %scan3A_37#0 {offsets = [6], sizes = [1], strides = [1]} : vector<16xf32> to vector<1xf32>
      %squeeze3A_50 = vector.extract %slice3A_49[0] : f32 from vector<1xf32>
      %slice3A_51 = vector.extract_strided_slice %scan3A_37#0 {offsets = [7], sizes = [1], strides = [1]} : vector<16xf32> to vector<1xf32>
      %squeeze3A_52 = vector.extract %slice3A_51[0] : f32 from vector<1xf32>
      %slice3A_53 = vector.extract_strided_slice %scan3A_37#0 {offsets = [8], sizes = [1], strides = [1]} : vector<16xf32> to vector<1xf32>
      %squeeze3A_54 = vector.extract %slice3A_53[0] : f32 from vector<1xf32>
      %slice3A_55 = vector.extract_strided_slice %scan3A_37#0 {offsets = [9], sizes = [1], strides = [1]} : vector<16xf32> to vector<1xf32>
      %squeeze3A_56 = vector.extract %slice3A_55[0] : f32 from vector<1xf32>
      %slice3A_57 = vector.extract_strided_slice %scan3A_37#0 {offsets = [10], sizes = [1], strides = [1]} : vector<16xf32> to vector<1xf32>
      %squeeze3A_58 = vector.extract %slice3A_57[0] : f32 from vector<1xf32>
      %slice3A_59 = vector.extract_strided_slice %scan3A_37#0 {offsets = [11], sizes = [1], strides = [1]} : vector<16xf32> to vector<1xf32>
      %squeeze3A_60 = vector.extract %slice3A_59[0] : f32 from vector<1xf32>
      %slice3A_61 = vector.extract_strided_slice %scan3A_37#0 {offsets = [12], sizes = [1], strides = [1]} : vector<16xf32> to vector<1xf32>
      %squeeze3A_62 = vector.extract %slice3A_61[0] : f32 from vector<1xf32>
      %slice3A_63 = vector.extract_strided_slice %scan3A_37#0 {offsets = [13], sizes = [1], strides = [1]} : vector<16xf32> to vector<1xf32>
      %squeeze3A_64 = vector.extract %slice3A_63[0] : f32 from vector<1xf32>
      %slice3A_65 = vector.extract_strided_slice %scan3A_37#0 {offsets = [14], sizes = [1], strides = [1]} : vector<16xf32> to vector<1xf32>
      %squeeze3A_66 = vector.extract %slice3A_65[0] : f32 from vector<1xf32>
      %slice3A_67 = vector.extract_strided_slice %scan3A_37#0 {offsets = [15], sizes = [1], strides = [1]} : vector<16xf32> to vector<1xf32>
      %squeeze3A_68 = vector.extract %slice3A_67[0] : f32 from vector<1xf32>
      %add3A_69 = arith.addf %squeeze3A, %squeeze3A_40 : f32
      %add3A_70 = arith.addf %squeeze3A_42, %squeeze3A_44 : f32
      %add3A_71 = arith.addf %squeeze3A_46, %squeeze3A_48 : f32
      %add3A_72 = arith.addf %squeeze3A_50, %squeeze3A_52 : f32
      %add3A_73 = arith.addf %squeeze3A_54, %squeeze3A_56 : f32
      %add3A_74 = arith.addf %squeeze3A_58, %squeeze3A_60 : f32
      %add3A_75 = arith.addf %squeeze3A_62, %squeeze3A_64 : f32
      %add3A_76 = arith.addf %squeeze3A_66, %squeeze3A_68 : f32
      %add3A_77 = arith.addf %add3A_69, %add3A_70 : f32
      %add3A_78 = arith.addf %add3A_71, %add3A_72 : f32
      %add3A_79 = arith.addf %add3A_73, %add3A_74 : f32
      %add3A_80 = arith.addf %add3A_75, %add3A_76 : f32
      %add3A_81 = arith.addf %add3A_77, %add3A_78 : f32
      %add3A_82 = arith.addf %add3A_79, %add3A_80 : f32
      %add3A_83 = arith.addf %add3A_81, %add3A_82 : f32
      %slice3A_84 = vector.extract_strided_slice %scan3A_37#1 {offsets = [0], sizes = [1], strides = [1]} : vector<16xf32> to vector<1xf32>
      %squeeze3A_85 = vector.extract %slice3A_84[0] : f32 from vector<1xf32>
      %slice3A_86 = vector.extract_strided_slice %scan3A_37#1 {offsets = [1], sizes = [1], strides = [1]} : vector<16xf32> to vector<1xf32>
      %squeeze3A_87 = vector.extract %slice3A_86[0] : f32 from vector<1xf32>
      %slice3A_88 = vector.extract_strided_slice %scan3A_37#1 {offsets = [2], sizes = [1], strides = [1]} : vector<16xf32> to vector<1xf32>
      %squeeze3A_89 = vector.extract %slice3A_88[0] : f32 from vector<1xf32>
      %slice3A_90 = vector.extract_strided_slice %scan3A_37#1 {offsets = [3], sizes = [1], strides = [1]} : vector<16xf32> to vector<1xf32>
      %squeeze3A_91 = vector.extract %slice3A_90[0] : f32 from vector<1xf32>
      %slice3A_92 = vector.extract_strided_slice %scan3A_37#1 {offsets = [4], sizes = [1], strides = [1]} : vector<16xf32> to vector<1xf32>
      %squeeze3A_93 = vector.extract %slice3A_92[0] : f32 from vector<1xf32>
      %slice3A_94 = vector.extract_strided_slice %scan3A_37#1 {offsets = [5], sizes = [1], strides = [1]} : vector<16xf32> to vector<1xf32>
      %squeeze3A_95 = vector.extract %slice3A_94[0] : f32 from vector<1xf32>
      %slice3A_96 = vector.extract_strided_slice %scan3A_37#1 {offsets = [6], sizes = [1], strides = [1]} : vector<16xf32> to vector<1xf32>
      %squeeze3A_97 = vector.extract %slice3A_96[0] : f32 from vector<1xf32>
      %slice3A_98 = vector.extract_strided_slice %scan3A_37#1 {offsets = [7], sizes = [1], strides = [1]} : vector<16xf32> to vector<1xf32>
      %squeeze3A_99 = vector.extract %slice3A_98[0] : f32 from vector<1xf32>
      %slice3A_100 = vector.extract_strided_slice %scan3A_37#1 {offsets = [8], sizes = [1], strides = [1]} : vector<16xf32> to vector<1xf32>
      %squeeze3A_101 = vector.extract %slice3A_100[0] : f32 from vector<1xf32>
      %slice3A_102 = vector.extract_strided_slice %scan3A_37#1 {offsets = [9], sizes = [1], strides = [1]} : vector<16xf32> to vector<1xf32>
      %squeeze3A_103 = vector.extract %slice3A_102[0] : f32 from vector<1xf32>
      %slice3A_104 = vector.extract_strided_slice %scan3A_37#1 {offsets = [10], sizes = [1], strides = [1]} : vector<16xf32> to vector<1xf32>
      %squeeze3A_105 = vector.extract %slice3A_104[0] : f32 from vector<1xf32>
      %slice3A_106 = vector.extract_strided_slice %scan3A_37#1 {offsets = [11], sizes = [1], strides = [1]} : vector<16xf32> to vector<1xf32>
      %squeeze3A_107 = vector.extract %slice3A_106[0] : f32 from vector<1xf32>
      %slice3A_108 = vector.extract_strided_slice %scan3A_37#1 {offsets = [12], sizes = [1], strides = [1]} : vector<16xf32> to vector<1xf32>
      %squeeze3A_109 = vector.extract %slice3A_108[0] : f32 from vector<1xf32>
      %slice3A_110 = vector.extract_strided_slice %scan3A_37#1 {offsets = [13], sizes = [1], strides = [1]} : vector<16xf32> to vector<1xf32>
      %squeeze3A_111 = vector.extract %slice3A_110[0] : f32 from vector<1xf32>
      %slice3A_112 = vector.extract_strided_slice %scan3A_37#1 {offsets = [14], sizes = [1], strides = [1]} : vector<16xf32> to vector<1xf32>
      %squeeze3A_113 = vector.extract %slice3A_112[0] : f32 from vector<1xf32>
      %slice3A_114 = vector.extract_strided_slice %scan3A_37#1 {offsets = [15], sizes = [1], strides = [1]} : vector<16xf32> to vector<1xf32>
      %squeeze3A_115 = vector.extract %slice3A_114[0] : f32 from vector<1xf32>
      %add3A_116 = arith.addf %squeeze3A_85, %squeeze3A_87 : f32
      %add3A_117 = arith.addf %squeeze3A_89, %squeeze3A_91 : f32
      %add3A_118 = arith.addf %squeeze3A_93, %squeeze3A_95 : f32
      %add3A_119 = arith.addf %squeeze3A_97, %squeeze3A_99 : f32
      %add3A_120 = arith.addf %squeeze3A_101, %squeeze3A_103 : f32
      %add3A_121 = arith.addf %squeeze3A_105, %squeeze3A_107 : f32
      %add3A_122 = arith.addf %squeeze3A_109, %squeeze3A_111 : f32
      %add3A_123 = arith.addf %squeeze3A_113, %squeeze3A_115 : f32
      %add3A_124 = arith.addf %add3A_116, %add3A_117 : f32
      %add3A_125 = arith.addf %add3A_118, %add3A_119 : f32
      %add3A_126 = arith.addf %add3A_120, %add3A_121 : f32
      %add3A_127 = arith.addf %add3A_122, %add3A_123 : f32
      %add3A_128 = arith.addf %add3A_124, %add3A_125 : f32
      %add3A_129 = arith.addf %add3A_126, %add3A_127 : f32
      %add3A_130 = arith.addf %add3A_128, %add3A_129 : f32
      %slice3A_131 = vector.extract_strided_slice %scan3A_37#2 {offsets = [0], sizes = [1], strides = [1]} : vector<16xf32> to vector<1xf32>
      %squeeze3A_132 = vector.extract %slice3A_131[0] : f32 from vector<1xf32>
      %slice3A_133 = vector.extract_strided_slice %scan3A_37#2 {offsets = [1], sizes = [1], strides = [1]} : vector<16xf32> to vector<1xf32>
      %squeeze3A_134 = vector.extract %slice3A_133[0] : f32 from vector<1xf32>
      %slice3A_135 = vector.extract_strided_slice %scan3A_37#2 {offsets = [2], sizes = [1], strides = [1]} : vector<16xf32> to vector<1xf32>
      %squeeze3A_136 = vector.extract %slice3A_135[0] : f32 from vector<1xf32>
      %slice3A_137 = vector.extract_strided_slice %scan3A_37#2 {offsets = [3], sizes = [1], strides = [1]} : vector<16xf32> to vector<1xf32>
      %squeeze3A_138 = vector.extract %slice3A_137[0] : f32 from vector<1xf32>
      %slice3A_139 = vector.extract_strided_slice %scan3A_37#2 {offsets = [4], sizes = [1], strides = [1]} : vector<16xf32> to vector<1xf32>
      %squeeze3A_140 = vector.extract %slice3A_139[0] : f32 from vector<1xf32>
      %slice3A_141 = vector.extract_strided_slice %scan3A_37#2 {offsets = [5], sizes = [1], strides = [1]} : vector<16xf32> to vector<1xf32>
      %squeeze3A_142 = vector.extract %slice3A_141[0] : f32 from vector<1xf32>
      %slice3A_143 = vector.extract_strided_slice %scan3A_37#2 {offsets = [6], sizes = [1], strides = [1]} : vector<16xf32> to vector<1xf32>
      %squeeze3A_144 = vector.extract %slice3A_143[0] : f32 from vector<1xf32>
      %slice3A_145 = vector.extract_strided_slice %scan3A_37#2 {offsets = [7], sizes = [1], strides = [1]} : vector<16xf32> to vector<1xf32>
      %squeeze3A_146 = vector.extract %slice3A_145[0] : f32 from vector<1xf32>
      %slice3A_147 = vector.extract_strided_slice %scan3A_37#2 {offsets = [8], sizes = [1], strides = [1]} : vector<16xf32> to vector<1xf32>
      %squeeze3A_148 = vector.extract %slice3A_147[0] : f32 from vector<1xf32>
      %slice3A_149 = vector.extract_strided_slice %scan3A_37#2 {offsets = [9], sizes = [1], strides = [1]} : vector<16xf32> to vector<1xf32>
      %squeeze3A_150 = vector.extract %slice3A_149[0] : f32 from vector<1xf32>
      %slice3A_151 = vector.extract_strided_slice %scan3A_37#2 {offsets = [10], sizes = [1], strides = [1]} : vector<16xf32> to vector<1xf32>
      %squeeze3A_152 = vector.extract %slice3A_151[0] : f32 from vector<1xf32>
      %slice3A_153 = vector.extract_strided_slice %scan3A_37#2 {offsets = [11], sizes = [1], strides = [1]} : vector<16xf32> to vector<1xf32>
      %squeeze3A_154 = vector.extract %slice3A_153[0] : f32 from vector<1xf32>
      %slice3A_155 = vector.extract_strided_slice %scan3A_37#2 {offsets = [12], sizes = [1], strides = [1]} : vector<16xf32> to vector<1xf32>
      %squeeze3A_156 = vector.extract %slice3A_155[0] : f32 from vector<1xf32>
      %slice3A_157 = vector.extract_strided_slice %scan3A_37#2 {offsets = [13], sizes = [1], strides = [1]} : vector<16xf32> to vector<1xf32>
      %squeeze3A_158 = vector.extract %slice3A_157[0] : f32 from vector<1xf32>
      %slice3A_159 = vector.extract_strided_slice %scan3A_37#2 {offsets = [14], sizes = [1], strides = [1]} : vector<16xf32> to vector<1xf32>
      %squeeze3A_160 = vector.extract %slice3A_159[0] : f32 from vector<1xf32>
      %slice3A_161 = vector.extract_strided_slice %scan3A_37#2 {offsets = [15], sizes = [1], strides = [1]} : vector<16xf32> to vector<1xf32>
      %squeeze3A_162 = vector.extract %slice3A_161[0] : f32 from vector<1xf32>
      %add3A_163 = arith.addf %squeeze3A_132, %squeeze3A_134 : f32
      %add3A_164 = arith.addf %squeeze3A_136, %squeeze3A_138 : f32
      %add3A_165 = arith.addf %squeeze3A_140, %squeeze3A_142 : f32
      %add3A_166 = arith.addf %squeeze3A_144, %squeeze3A_146 : f32
      %add3A_167 = arith.addf %squeeze3A_148, %squeeze3A_150 : f32
      %add3A_168 = arith.addf %squeeze3A_152, %squeeze3A_154 : f32
      %add3A_169 = arith.addf %squeeze3A_156, %squeeze3A_158 : f32
      %add3A_170 = arith.addf %squeeze3A_160, %squeeze3A_162 : f32
      %add3A_171 = arith.addf %add3A_163, %add3A_164 : f32
      %add3A_172 = arith.addf %add3A_165, %add3A_166 : f32
      %add3A_173 = arith.addf %add3A_167, %add3A_168 : f32
      %add3A_174 = arith.addf %add3A_169, %add3A_170 : f32
      %add3A_175 = arith.addf %add3A_171, %add3A_172 : f32
      %add3A_176 = arith.addf %add3A_173, %add3A_174 : f32
      %add3A_177 = arith.addf %add3A_175, %add3A_176 : f32
      %slice3A_178 = vector.extract_strided_slice %scan3A_37#3 {offsets = [0], sizes = [1], strides = [1]} : vector<16xf32> to vector<1xf32>
      %squeeze3A_179 = vector.extract %slice3A_178[0] : f32 from vector<1xf32>
      %slice3A_180 = vector.extract_strided_slice %scan3A_37#3 {offsets = [1], sizes = [1], strides = [1]} : vector<16xf32> to vector<1xf32>
      %squeeze3A_181 = vector.extract %slice3A_180[0] : f32 from vector<1xf32>
      %slice3A_182 = vector.extract_strided_slice %scan3A_37#3 {offsets = [2], sizes = [1], strides = [1]} : vector<16xf32> to vector<1xf32>
      %squeeze3A_183 = vector.extract %slice3A_182[0] : f32 from vector<1xf32>
      %slice3A_184 = vector.extract_strided_slice %scan3A_37#3 {offsets = [3], sizes = [1], strides = [1]} : vector<16xf32> to vector<1xf32>
      %squeeze3A_185 = vector.extract %slice3A_184[0] : f32 from vector<1xf32>
      %slice3A_186 = vector.extract_strided_slice %scan3A_37#3 {offsets = [4], sizes = [1], strides = [1]} : vector<16xf32> to vector<1xf32>
      %squeeze3A_187 = vector.extract %slice3A_186[0] : f32 from vector<1xf32>
      %slice3A_188 = vector.extract_strided_slice %scan3A_37#3 {offsets = [5], sizes = [1], strides = [1]} : vector<16xf32> to vector<1xf32>
      %squeeze3A_189 = vector.extract %slice3A_188[0] : f32 from vector<1xf32>
      %slice3A_190 = vector.extract_strided_slice %scan3A_37#3 {offsets = [6], sizes = [1], strides = [1]} : vector<16xf32> to vector<1xf32>
      %squeeze3A_191 = vector.extract %slice3A_190[0] : f32 from vector<1xf32>
      %slice3A_192 = vector.extract_strided_slice %scan3A_37#3 {offsets = [7], sizes = [1], strides = [1]} : vector<16xf32> to vector<1xf32>
      %squeeze3A_193 = vector.extract %slice3A_192[0] : f32 from vector<1xf32>
      %slice3A_194 = vector.extract_strided_slice %scan3A_37#3 {offsets = [8], sizes = [1], strides = [1]} : vector<16xf32> to vector<1xf32>
      %squeeze3A_195 = vector.extract %slice3A_194[0] : f32 from vector<1xf32>
      %slice3A_196 = vector.extract_strided_slice %scan3A_37#3 {offsets = [9], sizes = [1], strides = [1]} : vector<16xf32> to vector<1xf32>
      %squeeze3A_197 = vector.extract %slice3A_196[0] : f32 from vector<1xf32>
      %slice3A_198 = vector.extract_strided_slice %scan3A_37#3 {offsets = [10], sizes = [1], strides = [1]} : vector<16xf32> to vector<1xf32>
      %squeeze3A_199 = vector.extract %slice3A_198[0] : f32 from vector<1xf32>
      %slice3A_200 = vector.extract_strided_slice %scan3A_37#3 {offsets = [11], sizes = [1], strides = [1]} : vector<16xf32> to vector<1xf32>
      %squeeze3A_201 = vector.extract %slice3A_200[0] : f32 from vector<1xf32>
      %slice3A_202 = vector.extract_strided_slice %scan3A_37#3 {offsets = [12], sizes = [1], strides = [1]} : vector<16xf32> to vector<1xf32>
      %squeeze3A_203 = vector.extract %slice3A_202[0] : f32 from vector<1xf32>
      %slice3A_204 = vector.extract_strided_slice %scan3A_37#3 {offsets = [13], sizes = [1], strides = [1]} : vector<16xf32> to vector<1xf32>
      %squeeze3A_205 = vector.extract %slice3A_204[0] : f32 from vector<1xf32>
      %slice3A_206 = vector.extract_strided_slice %scan3A_37#3 {offsets = [14], sizes = [1], strides = [1]} : vector<16xf32> to vector<1xf32>
      %squeeze3A_207 = vector.extract %slice3A_206[0] : f32 from vector<1xf32>
      %slice3A_208 = vector.extract_strided_slice %scan3A_37#3 {offsets = [15], sizes = [1], strides = [1]} : vector<16xf32> to vector<1xf32>
      %squeeze3A_209 = vector.extract %slice3A_208[0] : f32 from vector<1xf32>
      %add3A_210 = arith.addf %squeeze3A_179, %squeeze3A_181 : f32
      %add3A_211 = arith.addf %squeeze3A_183, %squeeze3A_185 : f32
      %add3A_212 = arith.addf %squeeze3A_187, %squeeze3A_189 : f32
      %add3A_213 = arith.addf %squeeze3A_191, %squeeze3A_193 : f32
      %add3A_214 = arith.addf %squeeze3A_195, %squeeze3A_197 : f32
      %add3A_215 = arith.addf %squeeze3A_199, %squeeze3A_201 : f32
      %add3A_216 = arith.addf %squeeze3A_203, %squeeze3A_205 : f32
      %add3A_217 = arith.addf %squeeze3A_207, %squeeze3A_209 : f32
      %add3A_218 = arith.addf %add3A_210, %add3A_211 : f32
      %add3A_219 = arith.addf %add3A_212, %add3A_213 : f32
      %add3A_220 = arith.addf %add3A_214, %add3A_215 : f32
      %add3A_221 = arith.addf %add3A_216, %add3A_217 : f32
      %add3A_222 = arith.addf %add3A_218, %add3A_219 : f32
      %add3A_223 = arith.addf %add3A_220, %add3A_221 : f32
      %add3A_224 = arith.addf %add3A_222, %add3A_223 : f32
      %slice3A_225 = vector.extract_strided_slice %scan3A_37#4 {offsets = [0], sizes = [1], strides = [1]} : vector<16xf32> to vector<1xf32>
      %squeeze3A_226 = vector.extract %slice3A_225[0] : f32 from vector<1xf32>
      %slice3A_227 = vector.extract_strided_slice %scan3A_37#4 {offsets = [1], sizes = [1], strides = [1]} : vector<16xf32> to vector<1xf32>
      %squeeze3A_228 = vector.extract %slice3A_227[0] : f32 from vector<1xf32>
      %slice3A_229 = vector.extract_strided_slice %scan3A_37#4 {offsets = [2], sizes = [1], strides = [1]} : vector<16xf32> to vector<1xf32>
      %squeeze3A_230 = vector.extract %slice3A_229[0] : f32 from vector<1xf32>
      %slice3A_231 = vector.extract_strided_slice %scan3A_37#4 {offsets = [3], sizes = [1], strides = [1]} : vector<16xf32> to vector<1xf32>
      %squeeze3A_232 = vector.extract %slice3A_231[0] : f32 from vector<1xf32>
      %slice3A_233 = vector.extract_strided_slice %scan3A_37#4 {offsets = [4], sizes = [1], strides = [1]} : vector<16xf32> to vector<1xf32>
      %squeeze3A_234 = vector.extract %slice3A_233[0] : f32 from vector<1xf32>
      %slice3A_235 = vector.extract_strided_slice %scan3A_37#4 {offsets = [5], sizes = [1], strides = [1]} : vector<16xf32> to vector<1xf32>
      %squeeze3A_236 = vector.extract %slice3A_235[0] : f32 from vector<1xf32>
      %slice3A_237 = vector.extract_strided_slice %scan3A_37#4 {offsets = [6], sizes = [1], strides = [1]} : vector<16xf32> to vector<1xf32>
      %squeeze3A_238 = vector.extract %slice3A_237[0] : f32 from vector<1xf32>
      %slice3A_239 = vector.extract_strided_slice %scan3A_37#4 {offsets = [7], sizes = [1], strides = [1]} : vector<16xf32> to vector<1xf32>
      %squeeze3A_240 = vector.extract %slice3A_239[0] : f32 from vector<1xf32>
      %slice3A_241 = vector.extract_strided_slice %scan3A_37#4 {offsets = [8], sizes = [1], strides = [1]} : vector<16xf32> to vector<1xf32>
      %squeeze3A_242 = vector.extract %slice3A_241[0] : f32 from vector<1xf32>
      %slice3A_243 = vector.extract_strided_slice %scan3A_37#4 {offsets = [9], sizes = [1], strides = [1]} : vector<16xf32> to vector<1xf32>
      %squeeze3A_244 = vector.extract %slice3A_243[0] : f32 from vector<1xf32>
      %slice3A_245 = vector.extract_strided_slice %scan3A_37#4 {offsets = [10], sizes = [1], strides = [1]} : vector<16xf32> to vector<1xf32>
      %squeeze3A_246 = vector.extract %slice3A_245[0] : f32 from vector<1xf32>
      %slice3A_247 = vector.extract_strided_slice %scan3A_37#4 {offsets = [11], sizes = [1], strides = [1]} : vector<16xf32> to vector<1xf32>
      %squeeze3A_248 = vector.extract %slice3A_247[0] : f32 from vector<1xf32>
      %slice3A_249 = vector.extract_strided_slice %scan3A_37#4 {offsets = [12], sizes = [1], strides = [1]} : vector<16xf32> to vector<1xf32>
      %squeeze3A_250 = vector.extract %slice3A_249[0] : f32 from vector<1xf32>
      %slice3A_251 = vector.extract_strided_slice %scan3A_37#4 {offsets = [13], sizes = [1], strides = [1]} : vector<16xf32> to vector<1xf32>
      %squeeze3A_252 = vector.extract %slice3A_251[0] : f32 from vector<1xf32>
      %slice3A_253 = vector.extract_strided_slice %scan3A_37#4 {offsets = [14], sizes = [1], strides = [1]} : vector<16xf32> to vector<1xf32>
      %squeeze3A_254 = vector.extract %slice3A_253[0] : f32 from vector<1xf32>
      %slice3A_255 = vector.extract_strided_slice %scan3A_37#4 {offsets = [15], sizes = [1], strides = [1]} : vector<16xf32> to vector<1xf32>
      %squeeze3A_256 = vector.extract %slice3A_255[0] : f32 from vector<1xf32>
      %add3A_257 = arith.addf %squeeze3A_226, %squeeze3A_228 : f32
      %add3A_258 = arith.addf %squeeze3A_230, %squeeze3A_232 : f32
      %add3A_259 = arith.addf %squeeze3A_234, %squeeze3A_236 : f32
      %add3A_260 = arith.addf %squeeze3A_238, %squeeze3A_240 : f32
      %add3A_261 = arith.addf %squeeze3A_242, %squeeze3A_244 : f32
      %add3A_262 = arith.addf %squeeze3A_246, %squeeze3A_248 : f32
      %add3A_263 = arith.addf %squeeze3A_250, %squeeze3A_252 : f32
      %add3A_264 = arith.addf %squeeze3A_254, %squeeze3A_256 : f32
      %add3A_265 = arith.addf %add3A_257, %add3A_258 : f32
      %add3A_266 = arith.addf %add3A_259, %add3A_260 : f32
      %add3A_267 = arith.addf %add3A_261, %add3A_262 : f32
      %add3A_268 = arith.addf %add3A_263, %add3A_264 : f32
      %add3A_269 = arith.addf %add3A_265, %add3A_266 : f32
      %add3A_270 = arith.addf %add3A_267, %add3A_268 : f32
      %add3A_271 = arith.addf %add3A_269, %add3A_270 : f32
      %slice3A_272 = vector.extract_strided_slice %scan3A_37#5 {offsets = [0], sizes = [1], strides = [1]} : vector<16xf32> to vector<1xf32>
      %squeeze3A_273 = vector.extract %slice3A_272[0] : f32 from vector<1xf32>
      %slice3A_274 = vector.extract_strided_slice %scan3A_37#5 {offsets = [1], sizes = [1], strides = [1]} : vector<16xf32> to vector<1xf32>
      %squeeze3A_275 = vector.extract %slice3A_274[0] : f32 from vector<1xf32>
      %slice3A_276 = vector.extract_strided_slice %scan3A_37#5 {offsets = [2], sizes = [1], strides = [1]} : vector<16xf32> to vector<1xf32>
      %squeeze3A_277 = vector.extract %slice3A_276[0] : f32 from vector<1xf32>
      %slice3A_278 = vector.extract_strided_slice %scan3A_37#5 {offsets = [3], sizes = [1], strides = [1]} : vector<16xf32> to vector<1xf32>
      %squeeze3A_279 = vector.extract %slice3A_278[0] : f32 from vector<1xf32>
      %slice3A_280 = vector.extract_strided_slice %scan3A_37#5 {offsets = [4], sizes = [1], strides = [1]} : vector<16xf32> to vector<1xf32>
      %squeeze3A_281 = vector.extract %slice3A_280[0] : f32 from vector<1xf32>
      %slice3A_282 = vector.extract_strided_slice %scan3A_37#5 {offsets = [5], sizes = [1], strides = [1]} : vector<16xf32> to vector<1xf32>
      %squeeze3A_283 = vector.extract %slice3A_282[0] : f32 from vector<1xf32>
      %slice3A_284 = vector.extract_strided_slice %scan3A_37#5 {offsets = [6], sizes = [1], strides = [1]} : vector<16xf32> to vector<1xf32>
      %squeeze3A_285 = vector.extract %slice3A_284[0] : f32 from vector<1xf32>
      %slice3A_286 = vector.extract_strided_slice %scan3A_37#5 {offsets = [7], sizes = [1], strides = [1]} : vector<16xf32> to vector<1xf32>
      %squeeze3A_287 = vector.extract %slice3A_286[0] : f32 from vector<1xf32>
      %slice3A_288 = vector.extract_strided_slice %scan3A_37#5 {offsets = [8], sizes = [1], strides = [1]} : vector<16xf32> to vector<1xf32>
      %squeeze3A_289 = vector.extract %slice3A_288[0] : f32 from vector<1xf32>
      %slice3A_290 = vector.extract_strided_slice %scan3A_37#5 {offsets = [9], sizes = [1], strides = [1]} : vector<16xf32> to vector<1xf32>
      %squeeze3A_291 = vector.extract %slice3A_290[0] : f32 from vector<1xf32>
      %slice3A_292 = vector.extract_strided_slice %scan3A_37#5 {offsets = [10], sizes = [1], strides = [1]} : vector<16xf32> to vector<1xf32>
      %squeeze3A_293 = vector.extract %slice3A_292[0] : f32 from vector<1xf32>
      %slice3A_294 = vector.extract_strided_slice %scan3A_37#5 {offsets = [11], sizes = [1], strides = [1]} : vector<16xf32> to vector<1xf32>
      %squeeze3A_295 = vector.extract %slice3A_294[0] : f32 from vector<1xf32>
      %slice3A_296 = vector.extract_strided_slice %scan3A_37#5 {offsets = [12], sizes = [1], strides = [1]} : vector<16xf32> to vector<1xf32>
      %squeeze3A_297 = vector.extract %slice3A_296[0] : f32 from vector<1xf32>
      %slice3A_298 = vector.extract_strided_slice %scan3A_37#5 {offsets = [13], sizes = [1], strides = [1]} : vector<16xf32> to vector<1xf32>
      %squeeze3A_299 = vector.extract %slice3A_298[0] : f32 from vector<1xf32>
      %slice3A_300 = vector.extract_strided_slice %scan3A_37#5 {offsets = [14], sizes = [1], strides = [1]} : vector<16xf32> to vector<1xf32>
      %squeeze3A_301 = vector.extract %slice3A_300[0] : f32 from vector<1xf32>
      %slice3A_302 = vector.extract_strided_slice %scan3A_37#5 {offsets = [15], sizes = [1], strides = [1]} : vector<16xf32> to vector<1xf32>
      %squeeze3A_303 = vector.extract %slice3A_302[0] : f32 from vector<1xf32>
      %add3A_304 = arith.addf %squeeze3A_273, %squeeze3A_275 : f32
      %add3A_305 = arith.addf %squeeze3A_277, %squeeze3A_279 : f32
      %add3A_306 = arith.addf %squeeze3A_281, %squeeze3A_283 : f32
      %add3A_307 = arith.addf %squeeze3A_285, %squeeze3A_287 : f32
      %add3A_308 = arith.addf %squeeze3A_289, %squeeze3A_291 : f32
      %add3A_309 = arith.addf %squeeze3A_293, %squeeze3A_295 : f32
      %add3A_310 = arith.addf %squeeze3A_297, %squeeze3A_299 : f32
      %add3A_311 = arith.addf %squeeze3A_301, %squeeze3A_303 : f32
      %add3A_312 = arith.addf %add3A_304, %add3A_305 : f32
      %add3A_313 = arith.addf %add3A_306, %add3A_307 : f32
      %add3A_314 = arith.addf %add3A_308, %add3A_309 : f32
      %add3A_315 = arith.addf %add3A_310, %add3A_311 : f32
      %add3A_316 = arith.addf %add3A_312, %add3A_313 : f32
      %add3A_317 = arith.addf %add3A_314, %add3A_315 : f32
      %add3A_318 = arith.addf %add3A_316, %add3A_317 : f32
      %slice3A_319 = vector.extract_strided_slice %scan3A_37#6 {offsets = [0], sizes = [1], strides = [1]} : vector<16xf32> to vector<1xf32>
      %squeeze3A_320 = vector.extract %slice3A_319[0] : f32 from vector<1xf32>
      %slice3A_321 = vector.extract_strided_slice %scan3A_37#6 {offsets = [1], sizes = [1], strides = [1]} : vector<16xf32> to vector<1xf32>
      %squeeze3A_322 = vector.extract %slice3A_321[0] : f32 from vector<1xf32>
      %slice3A_323 = vector.extract_strided_slice %scan3A_37#6 {offsets = [2], sizes = [1], strides = [1]} : vector<16xf32> to vector<1xf32>
      %squeeze3A_324 = vector.extract %slice3A_323[0] : f32 from vector<1xf32>
      %slice3A_325 = vector.extract_strided_slice %scan3A_37#6 {offsets = [3], sizes = [1], strides = [1]} : vector<16xf32> to vector<1xf32>
      %squeeze3A_326 = vector.extract %slice3A_325[0] : f32 from vector<1xf32>
      %slice3A_327 = vector.extract_strided_slice %scan3A_37#6 {offsets = [4], sizes = [1], strides = [1]} : vector<16xf32> to vector<1xf32>
      %squeeze3A_328 = vector.extract %slice3A_327[0] : f32 from vector<1xf32>
      %slice3A_329 = vector.extract_strided_slice %scan3A_37#6 {offsets = [5], sizes = [1], strides = [1]} : vector<16xf32> to vector<1xf32>
      %squeeze3A_330 = vector.extract %slice3A_329[0] : f32 from vector<1xf32>
      %slice3A_331 = vector.extract_strided_slice %scan3A_37#6 {offsets = [6], sizes = [1], strides = [1]} : vector<16xf32> to vector<1xf32>
      %squeeze3A_332 = vector.extract %slice3A_331[0] : f32 from vector<1xf32>
      %slice3A_333 = vector.extract_strided_slice %scan3A_37#6 {offsets = [7], sizes = [1], strides = [1]} : vector<16xf32> to vector<1xf32>
      %squeeze3A_334 = vector.extract %slice3A_333[0] : f32 from vector<1xf32>
      %slice3A_335 = vector.extract_strided_slice %scan3A_37#6 {offsets = [8], sizes = [1], strides = [1]} : vector<16xf32> to vector<1xf32>
      %squeeze3A_336 = vector.extract %slice3A_335[0] : f32 from vector<1xf32>
      %slice3A_337 = vector.extract_strided_slice %scan3A_37#6 {offsets = [9], sizes = [1], strides = [1]} : vector<16xf32> to vector<1xf32>
      %squeeze3A_338 = vector.extract %slice3A_337[0] : f32 from vector<1xf32>
      %slice3A_339 = vector.extract_strided_slice %scan3A_37#6 {offsets = [10], sizes = [1], strides = [1]} : vector<16xf32> to vector<1xf32>
      %squeeze3A_340 = vector.extract %slice3A_339[0] : f32 from vector<1xf32>
      %slice3A_341 = vector.extract_strided_slice %scan3A_37#6 {offsets = [11], sizes = [1], strides = [1]} : vector<16xf32> to vector<1xf32>
      %squeeze3A_342 = vector.extract %slice3A_341[0] : f32 from vector<1xf32>
      %slice3A_343 = vector.extract_strided_slice %scan3A_37#6 {offsets = [12], sizes = [1], strides = [1]} : vector<16xf32> to vector<1xf32>
      %squeeze3A_344 = vector.extract %slice3A_343[0] : f32 from vector<1xf32>
      %slice3A_345 = vector.extract_strided_slice %scan3A_37#6 {offsets = [13], sizes = [1], strides = [1]} : vector<16xf32> to vector<1xf32>
      %squeeze3A_346 = vector.extract %slice3A_345[0] : f32 from vector<1xf32>
      %slice3A_347 = vector.extract_strided_slice %scan3A_37#6 {offsets = [14], sizes = [1], strides = [1]} : vector<16xf32> to vector<1xf32>
      %squeeze3A_348 = vector.extract %slice3A_347[0] : f32 from vector<1xf32>
      %slice3A_349 = vector.extract_strided_slice %scan3A_37#6 {offsets = [15], sizes = [1], strides = [1]} : vector<16xf32> to vector<1xf32>
      %squeeze3A_350 = vector.extract %slice3A_349[0] : f32 from vector<1xf32>
      %add3A_351 = arith.addf %squeeze3A_320, %squeeze3A_322 : f32
      %add3A_352 = arith.addf %squeeze3A_324, %squeeze3A_326 : f32
      %add3A_353 = arith.addf %squeeze3A_328, %squeeze3A_330 : f32
      %add3A_354 = arith.addf %squeeze3A_332, %squeeze3A_334 : f32
      %add3A_355 = arith.addf %squeeze3A_336, %squeeze3A_338 : f32
      %add3A_356 = arith.addf %squeeze3A_340, %squeeze3A_342 : f32
      %add3A_357 = arith.addf %squeeze3A_344, %squeeze3A_346 : f32
      %add3A_358 = arith.addf %squeeze3A_348, %squeeze3A_350 : f32
      %add3A_359 = arith.addf %add3A_351, %add3A_352 : f32
      %add3A_360 = arith.addf %add3A_353, %add3A_354 : f32
      %add3A_361 = arith.addf %add3A_355, %add3A_356 : f32
      %add3A_362 = arith.addf %add3A_357, %add3A_358 : f32
      %add3A_363 = arith.addf %add3A_359, %add3A_360 : f32
      %add3A_364 = arith.addf %add3A_361, %add3A_362 : f32
      %add3A_365 = arith.addf %add3A_363, %add3A_364 : f32
      %slice3A_366 = vector.extract_strided_slice %scan3A_37#7 {offsets = [0], sizes = [1], strides = [1]} : vector<16xf32> to vector<1xf32>
      %squeeze3A_367 = vector.extract %slice3A_366[0] : f32 from vector<1xf32>
      %slice3A_368 = vector.extract_strided_slice %scan3A_37#7 {offsets = [1], sizes = [1], strides = [1]} : vector<16xf32> to vector<1xf32>
      %squeeze3A_369 = vector.extract %slice3A_368[0] : f32 from vector<1xf32>
      %slice3A_370 = vector.extract_strided_slice %scan3A_37#7 {offsets = [2], sizes = [1], strides = [1]} : vector<16xf32> to vector<1xf32>
      %squeeze3A_371 = vector.extract %slice3A_370[0] : f32 from vector<1xf32>
      %slice3A_372 = vector.extract_strided_slice %scan3A_37#7 {offsets = [3], sizes = [1], strides = [1]} : vector<16xf32> to vector<1xf32>
      %squeeze3A_373 = vector.extract %slice3A_372[0] : f32 from vector<1xf32>
      %slice3A_374 = vector.extract_strided_slice %scan3A_37#7 {offsets = [4], sizes = [1], strides = [1]} : vector<16xf32> to vector<1xf32>
      %squeeze3A_375 = vector.extract %slice3A_374[0] : f32 from vector<1xf32>
      %slice3A_376 = vector.extract_strided_slice %scan3A_37#7 {offsets = [5], sizes = [1], strides = [1]} : vector<16xf32> to vector<1xf32>
      %squeeze3A_377 = vector.extract %slice3A_376[0] : f32 from vector<1xf32>
      %slice3A_378 = vector.extract_strided_slice %scan3A_37#7 {offsets = [6], sizes = [1], strides = [1]} : vector<16xf32> to vector<1xf32>
      %squeeze3A_379 = vector.extract %slice3A_378[0] : f32 from vector<1xf32>
      %slice3A_380 = vector.extract_strided_slice %scan3A_37#7 {offsets = [7], sizes = [1], strides = [1]} : vector<16xf32> to vector<1xf32>
      %squeeze3A_381 = vector.extract %slice3A_380[0] : f32 from vector<1xf32>
      %slice3A_382 = vector.extract_strided_slice %scan3A_37#7 {offsets = [8], sizes = [1], strides = [1]} : vector<16xf32> to vector<1xf32>
      %squeeze3A_383 = vector.extract %slice3A_382[0] : f32 from vector<1xf32>
      %slice3A_384 = vector.extract_strided_slice %scan3A_37#7 {offsets = [9], sizes = [1], strides = [1]} : vector<16xf32> to vector<1xf32>
      %squeeze3A_385 = vector.extract %slice3A_384[0] : f32 from vector<1xf32>
      %slice3A_386 = vector.extract_strided_slice %scan3A_37#7 {offsets = [10], sizes = [1], strides = [1]} : vector<16xf32> to vector<1xf32>
      %squeeze3A_387 = vector.extract %slice3A_386[0] : f32 from vector<1xf32>
      %slice3A_388 = vector.extract_strided_slice %scan3A_37#7 {offsets = [11], sizes = [1], strides = [1]} : vector<16xf32> to vector<1xf32>
      %squeeze3A_389 = vector.extract %slice3A_388[0] : f32 from vector<1xf32>
      %slice3A_390 = vector.extract_strided_slice %scan3A_37#7 {offsets = [12], sizes = [1], strides = [1]} : vector<16xf32> to vector<1xf32>
      %squeeze3A_391 = vector.extract %slice3A_390[0] : f32 from vector<1xf32>
      %slice3A_392 = vector.extract_strided_slice %scan3A_37#7 {offsets = [13], sizes = [1], strides = [1]} : vector<16xf32> to vector<1xf32>
      %squeeze3A_393 = vector.extract %slice3A_392[0] : f32 from vector<1xf32>
      %slice3A_394 = vector.extract_strided_slice %scan3A_37#7 {offsets = [14], sizes = [1], strides = [1]} : vector<16xf32> to vector<1xf32>
      %squeeze3A_395 = vector.extract %slice3A_394[0] : f32 from vector<1xf32>
      %slice3A_396 = vector.extract_strided_slice %scan3A_37#7 {offsets = [15], sizes = [1], strides = [1]} : vector<16xf32> to vector<1xf32>
      %squeeze3A_397 = vector.extract %slice3A_396[0] : f32 from vector<1xf32>
      %add3A_398 = arith.addf %squeeze3A_367, %squeeze3A_369 : f32
      %add3A_399 = arith.addf %squeeze3A_371, %squeeze3A_373 : f32
      %add3A_400 = arith.addf %squeeze3A_375, %squeeze3A_377 : f32
      %add3A_401 = arith.addf %squeeze3A_379, %squeeze3A_381 : f32
      %add3A_402 = arith.addf %squeeze3A_383, %squeeze3A_385 : f32
      %add3A_403 = arith.addf %squeeze3A_387, %squeeze3A_389 : f32
      %add3A_404 = arith.addf %squeeze3A_391, %squeeze3A_393 : f32
      %add3A_405 = arith.addf %squeeze3A_395, %squeeze3A_397 : f32
      %add3A_406 = arith.addf %add3A_398, %add3A_399 : f32
      %add3A_407 = arith.addf %add3A_400, %add3A_401 : f32
      %add3A_408 = arith.addf %add3A_402, %add3A_403 : f32
      %add3A_409 = arith.addf %add3A_404, %add3A_405 : f32
      %add3A_410 = arith.addf %add3A_406, %add3A_407 : f32
      %add3A_411 = arith.addf %add3A_408, %add3A_409 : f32
      %add3A_412 = arith.addf %add3A_410, %add3A_411 : f32
      %slice3A_413 = vector.extract_strided_slice %scan3A_37#8 {offsets = [0], sizes = [1], strides = [1]} : vector<16xf32> to vector<1xf32>
      %squeeze3A_414 = vector.extract %slice3A_413[0] : f32 from vector<1xf32>
      %slice3A_415 = vector.extract_strided_slice %scan3A_37#8 {offsets = [1], sizes = [1], strides = [1]} : vector<16xf32> to vector<1xf32>
      %squeeze3A_416 = vector.extract %slice3A_415[0] : f32 from vector<1xf32>
      %slice3A_417 = vector.extract_strided_slice %scan3A_37#8 {offsets = [2], sizes = [1], strides = [1]} : vector<16xf32> to vector<1xf32>
      %squeeze3A_418 = vector.extract %slice3A_417[0] : f32 from vector<1xf32>
      %slice3A_419 = vector.extract_strided_slice %scan3A_37#8 {offsets = [3], sizes = [1], strides = [1]} : vector<16xf32> to vector<1xf32>
      %squeeze3A_420 = vector.extract %slice3A_419[0] : f32 from vector<1xf32>
      %slice3A_421 = vector.extract_strided_slice %scan3A_37#8 {offsets = [4], sizes = [1], strides = [1]} : vector<16xf32> to vector<1xf32>
      %squeeze3A_422 = vector.extract %slice3A_421[0] : f32 from vector<1xf32>
      %slice3A_423 = vector.extract_strided_slice %scan3A_37#8 {offsets = [5], sizes = [1], strides = [1]} : vector<16xf32> to vector<1xf32>
      %squeeze3A_424 = vector.extract %slice3A_423[0] : f32 from vector<1xf32>
      %slice3A_425 = vector.extract_strided_slice %scan3A_37#8 {offsets = [6], sizes = [1], strides = [1]} : vector<16xf32> to vector<1xf32>
      %squeeze3A_426 = vector.extract %slice3A_425[0] : f32 from vector<1xf32>
      %slice3A_427 = vector.extract_strided_slice %scan3A_37#8 {offsets = [7], sizes = [1], strides = [1]} : vector<16xf32> to vector<1xf32>
      %squeeze3A_428 = vector.extract %slice3A_427[0] : f32 from vector<1xf32>
      %slice3A_429 = vector.extract_strided_slice %scan3A_37#8 {offsets = [8], sizes = [1], strides = [1]} : vector<16xf32> to vector<1xf32>
      %squeeze3A_430 = vector.extract %slice3A_429[0] : f32 from vector<1xf32>
      %slice3A_431 = vector.extract_strided_slice %scan3A_37#8 {offsets = [9], sizes = [1], strides = [1]} : vector<16xf32> to vector<1xf32>
      %squeeze3A_432 = vector.extract %slice3A_431[0] : f32 from vector<1xf32>
      %slice3A_433 = vector.extract_strided_slice %scan3A_37#8 {offsets = [10], sizes = [1], strides = [1]} : vector<16xf32> to vector<1xf32>
      %squeeze3A_434 = vector.extract %slice3A_433[0] : f32 from vector<1xf32>
      %slice3A_435 = vector.extract_strided_slice %scan3A_37#8 {offsets = [11], sizes = [1], strides = [1]} : vector<16xf32> to vector<1xf32>
      %squeeze3A_436 = vector.extract %slice3A_435[0] : f32 from vector<1xf32>
      %slice3A_437 = vector.extract_strided_slice %scan3A_37#8 {offsets = [12], sizes = [1], strides = [1]} : vector<16xf32> to vector<1xf32>
      %squeeze3A_438 = vector.extract %slice3A_437[0] : f32 from vector<1xf32>
      %slice3A_439 = vector.extract_strided_slice %scan3A_37#8 {offsets = [13], sizes = [1], strides = [1]} : vector<16xf32> to vector<1xf32>
      %squeeze3A_440 = vector.extract %slice3A_439[0] : f32 from vector<1xf32>
      %slice3A_441 = vector.extract_strided_slice %scan3A_37#8 {offsets = [14], sizes = [1], strides = [1]} : vector<16xf32> to vector<1xf32>
      %squeeze3A_442 = vector.extract %slice3A_441[0] : f32 from vector<1xf32>
      %slice3A_443 = vector.extract_strided_slice %scan3A_37#8 {offsets = [15], sizes = [1], strides = [1]} : vector<16xf32> to vector<1xf32>
      %squeeze3A_444 = vector.extract %slice3A_443[0] : f32 from vector<1xf32>
      %add3A_445 = arith.addf %squeeze3A_414, %squeeze3A_416 : f32
      %add3A_446 = arith.addf %squeeze3A_418, %squeeze3A_420 : f32
      %add3A_447 = arith.addf %squeeze3A_422, %squeeze3A_424 : f32
      %add3A_448 = arith.addf %squeeze3A_426, %squeeze3A_428 : f32
      %add3A_449 = arith.addf %squeeze3A_430, %squeeze3A_432 : f32
      %add3A_450 = arith.addf %squeeze3A_434, %squeeze3A_436 : f32
      %add3A_451 = arith.addf %squeeze3A_438, %squeeze3A_440 : f32
      %add3A_452 = arith.addf %squeeze3A_442, %squeeze3A_444 : f32
      %add3A_453 = arith.addf %add3A_445, %add3A_446 : f32
      %add3A_454 = arith.addf %add3A_447, %add3A_448 : f32
      %add3A_455 = arith.addf %add3A_449, %add3A_450 : f32
      %add3A_456 = arith.addf %add3A_451, %add3A_452 : f32
      %add3A_457 = arith.addf %add3A_453, %add3A_454 : f32
      %add3A_458 = arith.addf %add3A_455, %add3A_456 : f32
      %add3A_459 = arith.addf %add3A_457, %add3A_458 : f32
      %slice3A_460 = vector.extract_strided_slice %scan3A_37#9 {offsets = [0], sizes = [1], strides = [1]} : vector<16xf32> to vector<1xf32>
      %squeeze3A_461 = vector.extract %slice3A_460[0] : f32 from vector<1xf32>
      %slice3A_462 = vector.extract_strided_slice %scan3A_37#9 {offsets = [1], sizes = [1], strides = [1]} : vector<16xf32> to vector<1xf32>
      %squeeze3A_463 = vector.extract %slice3A_462[0] : f32 from vector<1xf32>
      %slice3A_464 = vector.extract_strided_slice %scan3A_37#9 {offsets = [2], sizes = [1], strides = [1]} : vector<16xf32> to vector<1xf32>
      %squeeze3A_465 = vector.extract %slice3A_464[0] : f32 from vector<1xf32>
      %slice3A_466 = vector.extract_strided_slice %scan3A_37#9 {offsets = [3], sizes = [1], strides = [1]} : vector<16xf32> to vector<1xf32>
      %squeeze3A_467 = vector.extract %slice3A_466[0] : f32 from vector<1xf32>
      %slice3A_468 = vector.extract_strided_slice %scan3A_37#9 {offsets = [4], sizes = [1], strides = [1]} : vector<16xf32> to vector<1xf32>
      %squeeze3A_469 = vector.extract %slice3A_468[0] : f32 from vector<1xf32>
      %slice3A_470 = vector.extract_strided_slice %scan3A_37#9 {offsets = [5], sizes = [1], strides = [1]} : vector<16xf32> to vector<1xf32>
      %squeeze3A_471 = vector.extract %slice3A_470[0] : f32 from vector<1xf32>
      %slice3A_472 = vector.extract_strided_slice %scan3A_37#9 {offsets = [6], sizes = [1], strides = [1]} : vector<16xf32> to vector<1xf32>
      %squeeze3A_473 = vector.extract %slice3A_472[0] : f32 from vector<1xf32>
      %slice3A_474 = vector.extract_strided_slice %scan3A_37#9 {offsets = [7], sizes = [1], strides = [1]} : vector<16xf32> to vector<1xf32>
      %squeeze3A_475 = vector.extract %slice3A_474[0] : f32 from vector<1xf32>
      %slice3A_476 = vector.extract_strided_slice %scan3A_37#9 {offsets = [8], sizes = [1], strides = [1]} : vector<16xf32> to vector<1xf32>
      %squeeze3A_477 = vector.extract %slice3A_476[0] : f32 from vector<1xf32>
      %slice3A_478 = vector.extract_strided_slice %scan3A_37#9 {offsets = [9], sizes = [1], strides = [1]} : vector<16xf32> to vector<1xf32>
      %squeeze3A_479 = vector.extract %slice3A_478[0] : f32 from vector<1xf32>
      %slice3A_480 = vector.extract_strided_slice %scan3A_37#9 {offsets = [10], sizes = [1], strides = [1]} : vector<16xf32> to vector<1xf32>
      %squeeze3A_481 = vector.extract %slice3A_480[0] : f32 from vector<1xf32>
      %slice3A_482 = vector.extract_strided_slice %scan3A_37#9 {offsets = [11], sizes = [1], strides = [1]} : vector<16xf32> to vector<1xf32>
      %squeeze3A_483 = vector.extract %slice3A_482[0] : f32 from vector<1xf32>
      %slice3A_484 = vector.extract_strided_slice %scan3A_37#9 {offsets = [12], sizes = [1], strides = [1]} : vector<16xf32> to vector<1xf32>
      %squeeze3A_485 = vector.extract %slice3A_484[0] : f32 from vector<1xf32>
      %slice3A_486 = vector.extract_strided_slice %scan3A_37#9 {offsets = [13], sizes = [1], strides = [1]} : vector<16xf32> to vector<1xf32>
      %squeeze3A_487 = vector.extract %slice3A_486[0] : f32 from vector<1xf32>
      %slice3A_488 = vector.extract_strided_slice %scan3A_37#9 {offsets = [14], sizes = [1], strides = [1]} : vector<16xf32> to vector<1xf32>
      %squeeze3A_489 = vector.extract %slice3A_488[0] : f32 from vector<1xf32>
      %slice3A_490 = vector.extract_strided_slice %scan3A_37#9 {offsets = [15], sizes = [1], strides = [1]} : vector<16xf32> to vector<1xf32>
      %squeeze3A_491 = vector.extract %slice3A_490[0] : f32 from vector<1xf32>
      %add3A_492 = arith.addf %squeeze3A_461, %squeeze3A_463 : f32
      %add3A_493 = arith.addf %squeeze3A_465, %squeeze3A_467 : f32
      %add3A_494 = arith.addf %squeeze3A_469, %squeeze3A_471 : f32
      %add3A_495 = arith.addf %squeeze3A_473, %squeeze3A_475 : f32
      %add3A_496 = arith.addf %squeeze3A_477, %squeeze3A_479 : f32
      %add3A_497 = arith.addf %squeeze3A_481, %squeeze3A_483 : f32
      %add3A_498 = arith.addf %squeeze3A_485, %squeeze3A_487 : f32
      %add3A_499 = arith.addf %squeeze3A_489, %squeeze3A_491 : f32
      %add3A_500 = arith.addf %add3A_492, %add3A_493 : f32
      %add3A_501 = arith.addf %add3A_494, %add3A_495 : f32
      %add3A_502 = arith.addf %add3A_496, %add3A_497 : f32
      %add3A_503 = arith.addf %add3A_498, %add3A_499 : f32
      %add3A_504 = arith.addf %add3A_500, %add3A_501 : f32
      %add3A_505 = arith.addf %add3A_502, %add3A_503 : f32
      %add3A_506 = arith.addf %add3A_504, %add3A_505 : f32
      %slice3A_507 = vector.extract_strided_slice %scan3A_37#10 {offsets = [0], sizes = [1], strides = [1]} : vector<16xf32> to vector<1xf32>
      %squeeze3A_508 = vector.extract %slice3A_507[0] : f32 from vector<1xf32>
      %slice3A_509 = vector.extract_strided_slice %scan3A_37#10 {offsets = [1], sizes = [1], strides = [1]} : vector<16xf32> to vector<1xf32>
      %squeeze3A_510 = vector.extract %slice3A_509[0] : f32 from vector<1xf32>
      %slice3A_511 = vector.extract_strided_slice %scan3A_37#10 {offsets = [2], sizes = [1], strides = [1]} : vector<16xf32> to vector<1xf32>
      %squeeze3A_512 = vector.extract %slice3A_511[0] : f32 from vector<1xf32>
      %slice3A_513 = vector.extract_strided_slice %scan3A_37#10 {offsets = [3], sizes = [1], strides = [1]} : vector<16xf32> to vector<1xf32>
      %squeeze3A_514 = vector.extract %slice3A_513[0] : f32 from vector<1xf32>
      %slice3A_515 = vector.extract_strided_slice %scan3A_37#10 {offsets = [4], sizes = [1], strides = [1]} : vector<16xf32> to vector<1xf32>
      %squeeze3A_516 = vector.extract %slice3A_515[0] : f32 from vector<1xf32>
      %slice3A_517 = vector.extract_strided_slice %scan3A_37#10 {offsets = [5], sizes = [1], strides = [1]} : vector<16xf32> to vector<1xf32>
      %squeeze3A_518 = vector.extract %slice3A_517[0] : f32 from vector<1xf32>
      %slice3A_519 = vector.extract_strided_slice %scan3A_37#10 {offsets = [6], sizes = [1], strides = [1]} : vector<16xf32> to vector<1xf32>
      %squeeze3A_520 = vector.extract %slice3A_519[0] : f32 from vector<1xf32>
      %slice3A_521 = vector.extract_strided_slice %scan3A_37#10 {offsets = [7], sizes = [1], strides = [1]} : vector<16xf32> to vector<1xf32>
      %squeeze3A_522 = vector.extract %slice3A_521[0] : f32 from vector<1xf32>
      %slice3A_523 = vector.extract_strided_slice %scan3A_37#10 {offsets = [8], sizes = [1], strides = [1]} : vector<16xf32> to vector<1xf32>
      %squeeze3A_524 = vector.extract %slice3A_523[0] : f32 from vector<1xf32>
      %slice3A_525 = vector.extract_strided_slice %scan3A_37#10 {offsets = [9], sizes = [1], strides = [1]} : vector<16xf32> to vector<1xf32>
      %squeeze3A_526 = vector.extract %slice3A_525[0] : f32 from vector<1xf32>
      %slice3A_527 = vector.extract_strided_slice %scan3A_37#10 {offsets = [10], sizes = [1], strides = [1]} : vector<16xf32> to vector<1xf32>
      %squeeze3A_528 = vector.extract %slice3A_527[0] : f32 from vector<1xf32>
      %slice3A_529 = vector.extract_strided_slice %scan3A_37#10 {offsets = [11], sizes = [1], strides = [1]} : vector<16xf32> to vector<1xf32>
      %squeeze3A_530 = vector.extract %slice3A_529[0] : f32 from vector<1xf32>
      %slice3A_531 = vector.extract_strided_slice %scan3A_37#10 {offsets = [12], sizes = [1], strides = [1]} : vector<16xf32> to vector<1xf32>
      %squeeze3A_532 = vector.extract %slice3A_531[0] : f32 from vector<1xf32>
      %slice3A_533 = vector.extract_strided_slice %scan3A_37#10 {offsets = [13], sizes = [1], strides = [1]} : vector<16xf32> to vector<1xf32>
      %squeeze3A_534 = vector.extract %slice3A_533[0] : f32 from vector<1xf32>
      %slice3A_535 = vector.extract_strided_slice %scan3A_37#10 {offsets = [14], sizes = [1], strides = [1]} : vector<16xf32> to vector<1xf32>
      %squeeze3A_536 = vector.extract %slice3A_535[0] : f32 from vector<1xf32>
      %slice3A_537 = vector.extract_strided_slice %scan3A_37#10 {offsets = [15], sizes = [1], strides = [1]} : vector<16xf32> to vector<1xf32>
      %squeeze3A_538 = vector.extract %slice3A_537[0] : f32 from vector<1xf32>
      %add3A_539 = arith.addf %squeeze3A_508, %squeeze3A_510 : f32
      %add3A_540 = arith.addf %squeeze3A_512, %squeeze3A_514 : f32
      %add3A_541 = arith.addf %squeeze3A_516, %squeeze3A_518 : f32
      %add3A_542 = arith.addf %squeeze3A_520, %squeeze3A_522 : f32
      %add3A_543 = arith.addf %squeeze3A_524, %squeeze3A_526 : f32
      %add3A_544 = arith.addf %squeeze3A_528, %squeeze3A_530 : f32
      %add3A_545 = arith.addf %squeeze3A_532, %squeeze3A_534 : f32
      %add3A_546 = arith.addf %squeeze3A_536, %squeeze3A_538 : f32
      %add3A_547 = arith.addf %add3A_539, %add3A_540 : f32
      %add3A_548 = arith.addf %add3A_541, %add3A_542 : f32
      %add3A_549 = arith.addf %add3A_543, %add3A_544 : f32
      %add3A_550 = arith.addf %add3A_545, %add3A_546 : f32
      %add3A_551 = arith.addf %add3A_547, %add3A_548 : f32
      %add3A_552 = arith.addf %add3A_549, %add3A_550 : f32
      %add3A_553 = arith.addf %add3A_551, %add3A_552 : f32
      %slice3A_554 = vector.extract_strided_slice %scan3A_37#11 {offsets = [0], sizes = [1], strides = [1]} : vector<16xf32> to vector<1xf32>
      %squeeze3A_555 = vector.extract %slice3A_554[0] : f32 from vector<1xf32>
      %slice3A_556 = vector.extract_strided_slice %scan3A_37#11 {offsets = [1], sizes = [1], strides = [1]} : vector<16xf32> to vector<1xf32>
      %squeeze3A_557 = vector.extract %slice3A_556[0] : f32 from vector<1xf32>
      %slice3A_558 = vector.extract_strided_slice %scan3A_37#11 {offsets = [2], sizes = [1], strides = [1]} : vector<16xf32> to vector<1xf32>
      %squeeze3A_559 = vector.extract %slice3A_558[0] : f32 from vector<1xf32>
      %slice3A_560 = vector.extract_strided_slice %scan3A_37#11 {offsets = [3], sizes = [1], strides = [1]} : vector<16xf32> to vector<1xf32>
      %squeeze3A_561 = vector.extract %slice3A_560[0] : f32 from vector<1xf32>
      %slice3A_562 = vector.extract_strided_slice %scan3A_37#11 {offsets = [4], sizes = [1], strides = [1]} : vector<16xf32> to vector<1xf32>
      %squeeze3A_563 = vector.extract %slice3A_562[0] : f32 from vector<1xf32>
      %slice3A_564 = vector.extract_strided_slice %scan3A_37#11 {offsets = [5], sizes = [1], strides = [1]} : vector<16xf32> to vector<1xf32>
      %squeeze3A_565 = vector.extract %slice3A_564[0] : f32 from vector<1xf32>
      %slice3A_566 = vector.extract_strided_slice %scan3A_37#11 {offsets = [6], sizes = [1], strides = [1]} : vector<16xf32> to vector<1xf32>
      %squeeze3A_567 = vector.extract %slice3A_566[0] : f32 from vector<1xf32>
      %slice3A_568 = vector.extract_strided_slice %scan3A_37#11 {offsets = [7], sizes = [1], strides = [1]} : vector<16xf32> to vector<1xf32>
      %squeeze3A_569 = vector.extract %slice3A_568[0] : f32 from vector<1xf32>
      %slice3A_570 = vector.extract_strided_slice %scan3A_37#11 {offsets = [8], sizes = [1], strides = [1]} : vector<16xf32> to vector<1xf32>
      %squeeze3A_571 = vector.extract %slice3A_570[0] : f32 from vector<1xf32>
      %slice3A_572 = vector.extract_strided_slice %scan3A_37#11 {offsets = [9], sizes = [1], strides = [1]} : vector<16xf32> to vector<1xf32>
      %squeeze3A_573 = vector.extract %slice3A_572[0] : f32 from vector<1xf32>
      %slice3A_574 = vector.extract_strided_slice %scan3A_37#11 {offsets = [10], sizes = [1], strides = [1]} : vector<16xf32> to vector<1xf32>
      %squeeze3A_575 = vector.extract %slice3A_574[0] : f32 from vector<1xf32>
      %slice3A_576 = vector.extract_strided_slice %scan3A_37#11 {offsets = [11], sizes = [1], strides = [1]} : vector<16xf32> to vector<1xf32>
      %squeeze3A_577 = vector.extract %slice3A_576[0] : f32 from vector<1xf32>
      %slice3A_578 = vector.extract_strided_slice %scan3A_37#11 {offsets = [12], sizes = [1], strides = [1]} : vector<16xf32> to vector<1xf32>
      %squeeze3A_579 = vector.extract %slice3A_578[0] : f32 from vector<1xf32>
      %slice3A_580 = vector.extract_strided_slice %scan3A_37#11 {offsets = [13], sizes = [1], strides = [1]} : vector<16xf32> to vector<1xf32>
      %squeeze3A_581 = vector.extract %slice3A_580[0] : f32 from vector<1xf32>
      %slice3A_582 = vector.extract_strided_slice %scan3A_37#11 {offsets = [14], sizes = [1], strides = [1]} : vector<16xf32> to vector<1xf32>
      %squeeze3A_583 = vector.extract %slice3A_582[0] : f32 from vector<1xf32>
      %slice3A_584 = vector.extract_strided_slice %scan3A_37#11 {offsets = [15], sizes = [1], strides = [1]} : vector<16xf32> to vector<1xf32>
      %squeeze3A_585 = vector.extract %slice3A_584[0] : f32 from vector<1xf32>
      %add3A_586 = arith.addf %squeeze3A_555, %squeeze3A_557 : f32
      %add3A_587 = arith.addf %squeeze3A_559, %squeeze3A_561 : f32
      %add3A_588 = arith.addf %squeeze3A_563, %squeeze3A_565 : f32
      %add3A_589 = arith.addf %squeeze3A_567, %squeeze3A_569 : f32
      %add3A_590 = arith.addf %squeeze3A_571, %squeeze3A_573 : f32
      %add3A_591 = arith.addf %squeeze3A_575, %squeeze3A_577 : f32
      %add3A_592 = arith.addf %squeeze3A_579, %squeeze3A_581 : f32
      %add3A_593 = arith.addf %squeeze3A_583, %squeeze3A_585 : f32
      %add3A_594 = arith.addf %add3A_586, %add3A_587 : f32
      %add3A_595 = arith.addf %add3A_588, %add3A_589 : f32
      %add3A_596 = arith.addf %add3A_590, %add3A_591 : f32
      %add3A_597 = arith.addf %add3A_592, %add3A_593 : f32
      %add3A_598 = arith.addf %add3A_594, %add3A_595 : f32
      %add3A_599 = arith.addf %add3A_596, %add3A_597 : f32
      %add3A_600 = arith.addf %add3A_598, %add3A_599 : f32
      %slice3A_601 = vector.extract_strided_slice %scan3A_37#12 {offsets = [0], sizes = [1], strides = [1]} : vector<16xf32> to vector<1xf32>
      %squeeze3A_602 = vector.extract %slice3A_601[0] : f32 from vector<1xf32>
      %slice3A_603 = vector.extract_strided_slice %scan3A_37#12 {offsets = [1], sizes = [1], strides = [1]} : vector<16xf32> to vector<1xf32>
      %squeeze3A_604 = vector.extract %slice3A_603[0] : f32 from vector<1xf32>
      %slice3A_605 = vector.extract_strided_slice %scan3A_37#12 {offsets = [2], sizes = [1], strides = [1]} : vector<16xf32> to vector<1xf32>
      %squeeze3A_606 = vector.extract %slice3A_605[0] : f32 from vector<1xf32>
      %slice3A_607 = vector.extract_strided_slice %scan3A_37#12 {offsets = [3], sizes = [1], strides = [1]} : vector<16xf32> to vector<1xf32>
      %squeeze3A_608 = vector.extract %slice3A_607[0] : f32 from vector<1xf32>
      %slice3A_609 = vector.extract_strided_slice %scan3A_37#12 {offsets = [4], sizes = [1], strides = [1]} : vector<16xf32> to vector<1xf32>
      %squeeze3A_610 = vector.extract %slice3A_609[0] : f32 from vector<1xf32>
      %slice3A_611 = vector.extract_strided_slice %scan3A_37#12 {offsets = [5], sizes = [1], strides = [1]} : vector<16xf32> to vector<1xf32>
      %squeeze3A_612 = vector.extract %slice3A_611[0] : f32 from vector<1xf32>
      %slice3A_613 = vector.extract_strided_slice %scan3A_37#12 {offsets = [6], sizes = [1], strides = [1]} : vector<16xf32> to vector<1xf32>
      %squeeze3A_614 = vector.extract %slice3A_613[0] : f32 from vector<1xf32>
      %slice3A_615 = vector.extract_strided_slice %scan3A_37#12 {offsets = [7], sizes = [1], strides = [1]} : vector<16xf32> to vector<1xf32>
      %squeeze3A_616 = vector.extract %slice3A_615[0] : f32 from vector<1xf32>
      %slice3A_617 = vector.extract_strided_slice %scan3A_37#12 {offsets = [8], sizes = [1], strides = [1]} : vector<16xf32> to vector<1xf32>
      %squeeze3A_618 = vector.extract %slice3A_617[0] : f32 from vector<1xf32>
      %slice3A_619 = vector.extract_strided_slice %scan3A_37#12 {offsets = [9], sizes = [1], strides = [1]} : vector<16xf32> to vector<1xf32>
      %squeeze3A_620 = vector.extract %slice3A_619[0] : f32 from vector<1xf32>
      %slice3A_621 = vector.extract_strided_slice %scan3A_37#12 {offsets = [10], sizes = [1], strides = [1]} : vector<16xf32> to vector<1xf32>
      %squeeze3A_622 = vector.extract %slice3A_621[0] : f32 from vector<1xf32>
      %slice3A_623 = vector.extract_strided_slice %scan3A_37#12 {offsets = [11], sizes = [1], strides = [1]} : vector<16xf32> to vector<1xf32>
      %squeeze3A_624 = vector.extract %slice3A_623[0] : f32 from vector<1xf32>
      %slice3A_625 = vector.extract_strided_slice %scan3A_37#12 {offsets = [12], sizes = [1], strides = [1]} : vector<16xf32> to vector<1xf32>
      %squeeze3A_626 = vector.extract %slice3A_625[0] : f32 from vector<1xf32>
      %slice3A_627 = vector.extract_strided_slice %scan3A_37#12 {offsets = [13], sizes = [1], strides = [1]} : vector<16xf32> to vector<1xf32>
      %squeeze3A_628 = vector.extract %slice3A_627[0] : f32 from vector<1xf32>
      %slice3A_629 = vector.extract_strided_slice %scan3A_37#12 {offsets = [14], sizes = [1], strides = [1]} : vector<16xf32> to vector<1xf32>
      %squeeze3A_630 = vector.extract %slice3A_629[0] : f32 from vector<1xf32>
      %slice3A_631 = vector.extract_strided_slice %scan3A_37#12 {offsets = [15], sizes = [1], strides = [1]} : vector<16xf32> to vector<1xf32>
      %squeeze3A_632 = vector.extract %slice3A_631[0] : f32 from vector<1xf32>
      %add3A_633 = arith.addf %squeeze3A_602, %squeeze3A_604 : f32
      %add3A_634 = arith.addf %squeeze3A_606, %squeeze3A_608 : f32
      %add3A_635 = arith.addf %squeeze3A_610, %squeeze3A_612 : f32
      %add3A_636 = arith.addf %squeeze3A_614, %squeeze3A_616 : f32
      %add3A_637 = arith.addf %squeeze3A_618, %squeeze3A_620 : f32
      %add3A_638 = arith.addf %squeeze3A_622, %squeeze3A_624 : f32
      %add3A_639 = arith.addf %squeeze3A_626, %squeeze3A_628 : f32
      %add3A_640 = arith.addf %squeeze3A_630, %squeeze3A_632 : f32
      %add3A_641 = arith.addf %add3A_633, %add3A_634 : f32
      %add3A_642 = arith.addf %add3A_635, %add3A_636 : f32
      %add3A_643 = arith.addf %add3A_637, %add3A_638 : f32
      %add3A_644 = arith.addf %add3A_639, %add3A_640 : f32
      %add3A_645 = arith.addf %add3A_641, %add3A_642 : f32
      %add3A_646 = arith.addf %add3A_643, %add3A_644 : f32
      %add3A_647 = arith.addf %add3A_645, %add3A_646 : f32
      %slice3A_648 = vector.extract_strided_slice %scan3A_37#13 {offsets = [0], sizes = [1], strides = [1]} : vector<16xf32> to vector<1xf32>
      %squeeze3A_649 = vector.extract %slice3A_648[0] : f32 from vector<1xf32>
      %slice3A_650 = vector.extract_strided_slice %scan3A_37#13 {offsets = [1], sizes = [1], strides = [1]} : vector<16xf32> to vector<1xf32>
      %squeeze3A_651 = vector.extract %slice3A_650[0] : f32 from vector<1xf32>
      %slice3A_652 = vector.extract_strided_slice %scan3A_37#13 {offsets = [2], sizes = [1], strides = [1]} : vector<16xf32> to vector<1xf32>
      %squeeze3A_653 = vector.extract %slice3A_652[0] : f32 from vector<1xf32>
      %slice3A_654 = vector.extract_strided_slice %scan3A_37#13 {offsets = [3], sizes = [1], strides = [1]} : vector<16xf32> to vector<1xf32>
      %squeeze3A_655 = vector.extract %slice3A_654[0] : f32 from vector<1xf32>
      %slice3A_656 = vector.extract_strided_slice %scan3A_37#13 {offsets = [4], sizes = [1], strides = [1]} : vector<16xf32> to vector<1xf32>
      %squeeze3A_657 = vector.extract %slice3A_656[0] : f32 from vector<1xf32>
      %slice3A_658 = vector.extract_strided_slice %scan3A_37#13 {offsets = [5], sizes = [1], strides = [1]} : vector<16xf32> to vector<1xf32>
      %squeeze3A_659 = vector.extract %slice3A_658[0] : f32 from vector<1xf32>
      %slice3A_660 = vector.extract_strided_slice %scan3A_37#13 {offsets = [6], sizes = [1], strides = [1]} : vector<16xf32> to vector<1xf32>
      %squeeze3A_661 = vector.extract %slice3A_660[0] : f32 from vector<1xf32>
      %slice3A_662 = vector.extract_strided_slice %scan3A_37#13 {offsets = [7], sizes = [1], strides = [1]} : vector<16xf32> to vector<1xf32>
      %squeeze3A_663 = vector.extract %slice3A_662[0] : f32 from vector<1xf32>
      %slice3A_664 = vector.extract_strided_slice %scan3A_37#13 {offsets = [8], sizes = [1], strides = [1]} : vector<16xf32> to vector<1xf32>
      %squeeze3A_665 = vector.extract %slice3A_664[0] : f32 from vector<1xf32>
      %slice3A_666 = vector.extract_strided_slice %scan3A_37#13 {offsets = [9], sizes = [1], strides = [1]} : vector<16xf32> to vector<1xf32>
      %squeeze3A_667 = vector.extract %slice3A_666[0] : f32 from vector<1xf32>
      %slice3A_668 = vector.extract_strided_slice %scan3A_37#13 {offsets = [10], sizes = [1], strides = [1]} : vector<16xf32> to vector<1xf32>
      %squeeze3A_669 = vector.extract %slice3A_668[0] : f32 from vector<1xf32>
      %slice3A_670 = vector.extract_strided_slice %scan3A_37#13 {offsets = [11], sizes = [1], strides = [1]} : vector<16xf32> to vector<1xf32>
      %squeeze3A_671 = vector.extract %slice3A_670[0] : f32 from vector<1xf32>
      %slice3A_672 = vector.extract_strided_slice %scan3A_37#13 {offsets = [12], sizes = [1], strides = [1]} : vector<16xf32> to vector<1xf32>
      %squeeze3A_673 = vector.extract %slice3A_672[0] : f32 from vector<1xf32>
      %slice3A_674 = vector.extract_strided_slice %scan3A_37#13 {offsets = [13], sizes = [1], strides = [1]} : vector<16xf32> to vector<1xf32>
      %squeeze3A_675 = vector.extract %slice3A_674[0] : f32 from vector<1xf32>
      %slice3A_676 = vector.extract_strided_slice %scan3A_37#13 {offsets = [14], sizes = [1], strides = [1]} : vector<16xf32> to vector<1xf32>
      %squeeze3A_677 = vector.extract %slice3A_676[0] : f32 from vector<1xf32>
      %slice3A_678 = vector.extract_strided_slice %scan3A_37#13 {offsets = [15], sizes = [1], strides = [1]} : vector<16xf32> to vector<1xf32>
      %squeeze3A_679 = vector.extract %slice3A_678[0] : f32 from vector<1xf32>
      %add3A_680 = arith.addf %squeeze3A_649, %squeeze3A_651 : f32
      %add3A_681 = arith.addf %squeeze3A_653, %squeeze3A_655 : f32
      %add3A_682 = arith.addf %squeeze3A_657, %squeeze3A_659 : f32
      %add3A_683 = arith.addf %squeeze3A_661, %squeeze3A_663 : f32
      %add3A_684 = arith.addf %squeeze3A_665, %squeeze3A_667 : f32
      %add3A_685 = arith.addf %squeeze3A_669, %squeeze3A_671 : f32
      %add3A_686 = arith.addf %squeeze3A_673, %squeeze3A_675 : f32
      %add3A_687 = arith.addf %squeeze3A_677, %squeeze3A_679 : f32
      %add3A_688 = arith.addf %add3A_680, %add3A_681 : f32
      %add3A_689 = arith.addf %add3A_682, %add3A_683 : f32
      %add3A_690 = arith.addf %add3A_684, %add3A_685 : f32
      %add3A_691 = arith.addf %add3A_686, %add3A_687 : f32
      %add3A_692 = arith.addf %add3A_688, %add3A_689 : f32
      %add3A_693 = arith.addf %add3A_690, %add3A_691 : f32
      %add3A_694 = arith.addf %add3A_692, %add3A_693 : f32
      %slice3A_695 = vector.extract_strided_slice %scan3A_37#14 {offsets = [0], sizes = [1], strides = [1]} : vector<16xf32> to vector<1xf32>
      %squeeze3A_696 = vector.extract %slice3A_695[0] : f32 from vector<1xf32>
      %slice3A_697 = vector.extract_strided_slice %scan3A_37#14 {offsets = [1], sizes = [1], strides = [1]} : vector<16xf32> to vector<1xf32>
      %squeeze3A_698 = vector.extract %slice3A_697[0] : f32 from vector<1xf32>
      %slice3A_699 = vector.extract_strided_slice %scan3A_37#14 {offsets = [2], sizes = [1], strides = [1]} : vector<16xf32> to vector<1xf32>
      %squeeze3A_700 = vector.extract %slice3A_699[0] : f32 from vector<1xf32>
      %slice3A_701 = vector.extract_strided_slice %scan3A_37#14 {offsets = [3], sizes = [1], strides = [1]} : vector<16xf32> to vector<1xf32>
      %squeeze3A_702 = vector.extract %slice3A_701[0] : f32 from vector<1xf32>
      %slice3A_703 = vector.extract_strided_slice %scan3A_37#14 {offsets = [4], sizes = [1], strides = [1]} : vector<16xf32> to vector<1xf32>
      %squeeze3A_704 = vector.extract %slice3A_703[0] : f32 from vector<1xf32>
      %slice3A_705 = vector.extract_strided_slice %scan3A_37#14 {offsets = [5], sizes = [1], strides = [1]} : vector<16xf32> to vector<1xf32>
      %squeeze3A_706 = vector.extract %slice3A_705[0] : f32 from vector<1xf32>
      %slice3A_707 = vector.extract_strided_slice %scan3A_37#14 {offsets = [6], sizes = [1], strides = [1]} : vector<16xf32> to vector<1xf32>
      %squeeze3A_708 = vector.extract %slice3A_707[0] : f32 from vector<1xf32>
      %slice3A_709 = vector.extract_strided_slice %scan3A_37#14 {offsets = [7], sizes = [1], strides = [1]} : vector<16xf32> to vector<1xf32>
      %squeeze3A_710 = vector.extract %slice3A_709[0] : f32 from vector<1xf32>
      %slice3A_711 = vector.extract_strided_slice %scan3A_37#14 {offsets = [8], sizes = [1], strides = [1]} : vector<16xf32> to vector<1xf32>
      %squeeze3A_712 = vector.extract %slice3A_711[0] : f32 from vector<1xf32>
      %slice3A_713 = vector.extract_strided_slice %scan3A_37#14 {offsets = [9], sizes = [1], strides = [1]} : vector<16xf32> to vector<1xf32>
      %squeeze3A_714 = vector.extract %slice3A_713[0] : f32 from vector<1xf32>
      %slice3A_715 = vector.extract_strided_slice %scan3A_37#14 {offsets = [10], sizes = [1], strides = [1]} : vector<16xf32> to vector<1xf32>
      %squeeze3A_716 = vector.extract %slice3A_715[0] : f32 from vector<1xf32>
      %slice3A_717 = vector.extract_strided_slice %scan3A_37#14 {offsets = [11], sizes = [1], strides = [1]} : vector<16xf32> to vector<1xf32>
      %squeeze3A_718 = vector.extract %slice3A_717[0] : f32 from vector<1xf32>
      %slice3A_719 = vector.extract_strided_slice %scan3A_37#14 {offsets = [12], sizes = [1], strides = [1]} : vector<16xf32> to vector<1xf32>
      %squeeze3A_720 = vector.extract %slice3A_719[0] : f32 from vector<1xf32>
      %slice3A_721 = vector.extract_strided_slice %scan3A_37#14 {offsets = [13], sizes = [1], strides = [1]} : vector<16xf32> to vector<1xf32>
      %squeeze3A_722 = vector.extract %slice3A_721[0] : f32 from vector<1xf32>
      %slice3A_723 = vector.extract_strided_slice %scan3A_37#14 {offsets = [14], sizes = [1], strides = [1]} : vector<16xf32> to vector<1xf32>
      %squeeze3A_724 = vector.extract %slice3A_723[0] : f32 from vector<1xf32>
      %slice3A_725 = vector.extract_strided_slice %scan3A_37#14 {offsets = [15], sizes = [1], strides = [1]} : vector<16xf32> to vector<1xf32>
      %squeeze3A_726 = vector.extract %slice3A_725[0] : f32 from vector<1xf32>
      %add3A_727 = arith.addf %squeeze3A_696, %squeeze3A_698 : f32
      %add3A_728 = arith.addf %squeeze3A_700, %squeeze3A_702 : f32
      %add3A_729 = arith.addf %squeeze3A_704, %squeeze3A_706 : f32
      %add3A_730 = arith.addf %squeeze3A_708, %squeeze3A_710 : f32
      %add3A_731 = arith.addf %squeeze3A_712, %squeeze3A_714 : f32
      %add3A_732 = arith.addf %squeeze3A_716, %squeeze3A_718 : f32
      %add3A_733 = arith.addf %squeeze3A_720, %squeeze3A_722 : f32
      %add3A_734 = arith.addf %squeeze3A_724, %squeeze3A_726 : f32
      %add3A_735 = arith.addf %add3A_727, %add3A_728 : f32
      %add3A_736 = arith.addf %add3A_729, %add3A_730 : f32
      %add3A_737 = arith.addf %add3A_731, %add3A_732 : f32
      %add3A_738 = arith.addf %add3A_733, %add3A_734 : f32
      %add3A_739 = arith.addf %add3A_735, %add3A_736 : f32
      %add3A_740 = arith.addf %add3A_737, %add3A_738 : f32
      %add3A_741 = arith.addf %add3A_739, %add3A_740 : f32
      %slice3A_742 = vector.extract_strided_slice %scan3A_37#15 {offsets = [0], sizes = [1], strides = [1]} : vector<16xf32> to vector<1xf32>
      %squeeze3A_743 = vector.extract %slice3A_742[0] : f32 from vector<1xf32>
      %slice3A_744 = vector.extract_strided_slice %scan3A_37#15 {offsets = [1], sizes = [1], strides = [1]} : vector<16xf32> to vector<1xf32>
      %squeeze3A_745 = vector.extract %slice3A_744[0] : f32 from vector<1xf32>
      %slice3A_746 = vector.extract_strided_slice %scan3A_37#15 {offsets = [2], sizes = [1], strides = [1]} : vector<16xf32> to vector<1xf32>
      %squeeze3A_747 = vector.extract %slice3A_746[0] : f32 from vector<1xf32>
      %slice3A_748 = vector.extract_strided_slice %scan3A_37#15 {offsets = [3], sizes = [1], strides = [1]} : vector<16xf32> to vector<1xf32>
      %squeeze3A_749 = vector.extract %slice3A_748[0] : f32 from vector<1xf32>
      %slice3A_750 = vector.extract_strided_slice %scan3A_37#15 {offsets = [4], sizes = [1], strides = [1]} : vector<16xf32> to vector<1xf32>
      %squeeze3A_751 = vector.extract %slice3A_750[0] : f32 from vector<1xf32>
      %slice3A_752 = vector.extract_strided_slice %scan3A_37#15 {offsets = [5], sizes = [1], strides = [1]} : vector<16xf32> to vector<1xf32>
      %squeeze3A_753 = vector.extract %slice3A_752[0] : f32 from vector<1xf32>
      %slice3A_754 = vector.extract_strided_slice %scan3A_37#15 {offsets = [6], sizes = [1], strides = [1]} : vector<16xf32> to vector<1xf32>
      %squeeze3A_755 = vector.extract %slice3A_754[0] : f32 from vector<1xf32>
      %slice3A_756 = vector.extract_strided_slice %scan3A_37#15 {offsets = [7], sizes = [1], strides = [1]} : vector<16xf32> to vector<1xf32>
      %squeeze3A_757 = vector.extract %slice3A_756[0] : f32 from vector<1xf32>
      %slice3A_758 = vector.extract_strided_slice %scan3A_37#15 {offsets = [8], sizes = [1], strides = [1]} : vector<16xf32> to vector<1xf32>
      %squeeze3A_759 = vector.extract %slice3A_758[0] : f32 from vector<1xf32>
      %slice3A_760 = vector.extract_strided_slice %scan3A_37#15 {offsets = [9], sizes = [1], strides = [1]} : vector<16xf32> to vector<1xf32>
      %squeeze3A_761 = vector.extract %slice3A_760[0] : f32 from vector<1xf32>
      %slice3A_762 = vector.extract_strided_slice %scan3A_37#15 {offsets = [10], sizes = [1], strides = [1]} : vector<16xf32> to vector<1xf32>
      %squeeze3A_763 = vector.extract %slice3A_762[0] : f32 from vector<1xf32>
      %slice3A_764 = vector.extract_strided_slice %scan3A_37#15 {offsets = [11], sizes = [1], strides = [1]} : vector<16xf32> to vector<1xf32>
      %squeeze3A_765 = vector.extract %slice3A_764[0] : f32 from vector<1xf32>
      %slice3A_766 = vector.extract_strided_slice %scan3A_37#15 {offsets = [12], sizes = [1], strides = [1]} : vector<16xf32> to vector<1xf32>
      %squeeze3A_767 = vector.extract %slice3A_766[0] : f32 from vector<1xf32>
      %slice3A_768 = vector.extract_strided_slice %scan3A_37#15 {offsets = [13], sizes = [1], strides = [1]} : vector<16xf32> to vector<1xf32>
      %squeeze3A_769 = vector.extract %slice3A_768[0] : f32 from vector<1xf32>
      %slice3A_770 = vector.extract_strided_slice %scan3A_37#15 {offsets = [14], sizes = [1], strides = [1]} : vector<16xf32> to vector<1xf32>
      %squeeze3A_771 = vector.extract %slice3A_770[0] : f32 from vector<1xf32>
      %slice3A_772 = vector.extract_strided_slice %scan3A_37#15 {offsets = [15], sizes = [1], strides = [1]} : vector<16xf32> to vector<1xf32>
      %squeeze3A_773 = vector.extract %slice3A_772[0] : f32 from vector<1xf32>
      %add3A_774 = arith.addf %squeeze3A_743, %squeeze3A_745 : f32
      %add3A_775 = arith.addf %squeeze3A_747, %squeeze3A_749 : f32
      %add3A_776 = arith.addf %squeeze3A_751, %squeeze3A_753 : f32
      %add3A_777 = arith.addf %squeeze3A_755, %squeeze3A_757 : f32
      %add3A_778 = arith.addf %squeeze3A_759, %squeeze3A_761 : f32
      %add3A_779 = arith.addf %squeeze3A_763, %squeeze3A_765 : f32
      %add3A_780 = arith.addf %squeeze3A_767, %squeeze3A_769 : f32
      %add3A_781 = arith.addf %squeeze3A_771, %squeeze3A_773 : f32
      %add3A_782 = arith.addf %add3A_774, %add3A_775 : f32
      %add3A_783 = arith.addf %add3A_776, %add3A_777 : f32
      %add3A_784 = arith.addf %add3A_778, %add3A_779 : f32
      %add3A_785 = arith.addf %add3A_780, %add3A_781 : f32
      %add3A_786 = arith.addf %add3A_782, %add3A_783 : f32
      %add3A_787 = arith.addf %add3A_784, %add3A_785 : f32
      %add3A_788 = arith.addf %add3A_786, %add3A_787 : f32
      %iota3A = tpu.iota {dimensions = array<i32: 0>} : vector<16xi32>
      %broadcast_in_dim3A_789 = arith.constant 0.000000e+00 : f32
      %broadcast_in_dim3A_790 = vector.broadcast %broadcast_in_dim3A_789 : f32 to vector<16xf32>
      %eq3A_791 = arith.constant 0 : i32
      %eq3A_792 = vector.broadcast %eq3A_791 : i32 to vector<16xi32>
      %eq3A_793 = arith.cmpi eq, %iota3A, %eq3A_792 : vector<16xi32>
      %broadcast_in_dim3A_794 = vector.broadcast %add3A_83 : f32 to vector<16xf32>
      %select_n3A = arith.select %eq3A_793, %broadcast_in_dim3A_794, %broadcast_in_dim3A_790 : vector<16xi1>, vector<16xf32>
      %eq3A_795 = arith.constant 1 : i32
      %eq3A_796 = vector.broadcast %eq3A_795 : i32 to vector<16xi32>
      %eq3A_797 = arith.cmpi eq, %iota3A, %eq3A_796 : vector<16xi32>
      %broadcast_in_dim3A_798 = vector.broadcast %add3A_130 : f32 to vector<16xf32>
      %select_n3A_799 = arith.select %eq3A_797, %broadcast_in_dim3A_798, %select_n3A : vector<16xi1>, vector<16xf32>
      %eq3A_800 = arith.constant 2 : i32
      %eq3A_801 = vector.broadcast %eq3A_800 : i32 to vector<16xi32>
      %eq3A_802 = arith.cmpi eq, %iota3A, %eq3A_801 : vector<16xi32>
      %broadcast_in_dim3A_803 = vector.broadcast %add3A_177 : f32 to vector<16xf32>
      %select_n3A_804 = arith.select %eq3A_802, %broadcast_in_dim3A_803, %select_n3A_799 : vector<16xi1>, vector<16xf32>
      %eq3A_805 = arith.constant 3 : i32
      %eq3A_806 = vector.broadcast %eq3A_805 : i32 to vector<16xi32>
      %eq3A_807 = arith.cmpi eq, %iota3A, %eq3A_806 : vector<16xi32>
      %broadcast_in_dim3A_808 = vector.broadcast %add3A_224 : f32 to vector<16xf32>
      %select_n3A_809 = arith.select %eq3A_807, %broadcast_in_dim3A_808, %select_n3A_804 : vector<16xi1>, vector<16xf32>
      %eq3A_810 = arith.constant 4 : i32
      %eq3A_811 = vector.broadcast %eq3A_810 : i32 to vector<16xi32>
      %eq3A_812 = arith.cmpi eq, %iota3A, %eq3A_811 : vector<16xi32>
      %broadcast_in_dim3A_813 = vector.broadcast %add3A_271 : f32 to vector<16xf32>
      %select_n3A_814 = arith.select %eq3A_812, %broadcast_in_dim3A_813, %select_n3A_809 : vector<16xi1>, vector<16xf32>
      %eq3A_815 = arith.constant 5 : i32
      %eq3A_816 = vector.broadcast %eq3A_815 : i32 to vector<16xi32>
      %eq3A_817 = arith.cmpi eq, %iota3A, %eq3A_816 : vector<16xi32>
      %broadcast_in_dim3A_818 = vector.broadcast %add3A_318 : f32 to vector<16xf32>
      %select_n3A_819 = arith.select %eq3A_817, %broadcast_in_dim3A_818, %select_n3A_814 : vector<16xi1>, vector<16xf32>
      %eq3A_820 = arith.constant 6 : i32
      %eq3A_821 = vector.broadcast %eq3A_820 : i32 to vector<16xi32>
      %eq3A_822 = arith.cmpi eq, %iota3A, %eq3A_821 : vector<16xi32>
      %broadcast_in_dim3A_823 = vector.broadcast %add3A_365 : f32 to vector<16xf32>
      %select_n3A_824 = arith.select %eq3A_822, %broadcast_in_dim3A_823, %select_n3A_819 : vector<16xi1>, vector<16xf32>
      %eq3A_825 = arith.constant 7 : i32
      %eq3A_826 = vector.broadcast %eq3A_825 : i32 to vector<16xi32>
      %eq3A_827 = arith.cmpi eq, %iota3A, %eq3A_826 : vector<16xi32>
      %broadcast_in_dim3A_828 = vector.broadcast %add3A_412 : f32 to vector<16xf32>
      %select_n3A_829 = arith.select %eq3A_827, %broadcast_in_dim3A_828, %select_n3A_824 : vector<16xi1>, vector<16xf32>
      %eq3A_830 = arith.constant 8 : i32
      %eq3A_831 = vector.broadcast %eq3A_830 : i32 to vector<16xi32>
      %eq3A_832 = arith.cmpi eq, %iota3A, %eq3A_831 : vector<16xi32>
      %broadcast_in_dim3A_833 = vector.broadcast %add3A_459 : f32 to vector<16xf32>
      %select_n3A_834 = arith.select %eq3A_832, %broadcast_in_dim3A_833, %select_n3A_829 : vector<16xi1>, vector<16xf32>
      %eq3A_835 = arith.constant 9 : i32
      %eq3A_836 = vector.broadcast %eq3A_835 : i32 to vector<16xi32>
      %eq3A_837 = arith.cmpi eq, %iota3A, %eq3A_836 : vector<16xi32>
      %broadcast_in_dim3A_838 = vector.broadcast %add3A_506 : f32 to vector<16xf32>
      %select_n3A_839 = arith.select %eq3A_837, %broadcast_in_dim3A_838, %select_n3A_834 : vector<16xi1>, vector<16xf32>
      %eq3A_840 = arith.constant 10 : i32
      %eq3A_841 = vector.broadcast %eq3A_840 : i32 to vector<16xi32>
      %eq3A_842 = arith.cmpi eq, %iota3A, %eq3A_841 : vector<16xi32>
      %broadcast_in_dim3A_843 = vector.broadcast %add3A_553 : f32 to vector<16xf32>
      %select_n3A_844 = arith.select %eq3A_842, %broadcast_in_dim3A_843, %select_n3A_839 : vector<16xi1>, vector<16xf32>
      %eq3A_845 = arith.constant 11 : i32
      %eq3A_846 = vector.broadcast %eq3A_845 : i32 to vector<16xi32>
      %eq3A_847 = arith.cmpi eq, %iota3A, %eq3A_846 : vector<16xi32>
      %broadcast_in_dim3A_848 = vector.broadcast %add3A_600 : f32 to vector<16xf32>
      %select_n3A_849 = arith.select %eq3A_847, %broadcast_in_dim3A_848, %select_n3A_844 : vector<16xi1>, vector<16xf32>
      %eq3A_850 = arith.constant 12 : i32
      %eq3A_851 = vector.broadcast %eq3A_850 : i32 to vector<16xi32>
      %eq3A_852 = arith.cmpi eq, %iota3A, %eq3A_851 : vector<16xi32>
      %broadcast_in_dim3A_853 = vector.broadcast %add3A_647 : f32 to vector<16xf32>
      %select_n3A_854 = arith.select %eq3A_852, %broadcast_in_dim3A_853, %select_n3A_849 : vector<16xi1>, vector<16xf32>
      %eq3A_855 = arith.constant 13 : i32
      %eq3A_856 = vector.broadcast %eq3A_855 : i32 to vector<16xi32>
      %eq3A_857 = arith.cmpi eq, %iota3A, %eq3A_856 : vector<16xi32>
      %broadcast_in_dim3A_858 = vector.broadcast %add3A_694 : f32 to vector<16xf32>
      %select_n3A_859 = arith.select %eq3A_857, %broadcast_in_dim3A_858, %select_n3A_854 : vector<16xi1>, vector<16xf32>
      %eq3A_860 = arith.constant 14 : i32
      %eq3A_861 = vector.broadcast %eq3A_860 : i32 to vector<16xi32>
      %eq3A_862 = arith.cmpi eq, %iota3A, %eq3A_861 : vector<16xi32>
      %broadcast_in_dim3A_863 = vector.broadcast %add3A_741 : f32 to vector<16xf32>
      %select_n3A_864 = arith.select %eq3A_862, %broadcast_in_dim3A_863, %select_n3A_859 : vector<16xi1>, vector<16xf32>
      %eq3A_865 = arith.constant 15 : i32
      %eq3A_866 = vector.broadcast %eq3A_865 : i32 to vector<16xi32>
      %eq3A_867 = arith.cmpi eq, %iota3A, %eq3A_866 : vector<16xi32>
      %broadcast_in_dim3A_868 = vector.broadcast %add3A_788 : f32 to vector<16xf32>
      %select_n3A_869 = arith.select %eq3A_867, %broadcast_in_dim3A_868, %select_n3A_864 : vector<16xi1>, vector<16xf32>
      %add3A_870 = arith.addf %add3A_83, %add3A_130 : f32
      %add3A_871 = arith.addf %add3A_177, %add3A_224 : f32
      %add3A_872 = arith.addf %add3A_271, %add3A_318 : f32
      %add3A_873 = arith.addf %add3A_365, %add3A_412 : f32
      %add3A_874 = arith.addf %add3A_459, %add3A_506 : f32
      %add3A_875 = arith.addf %add3A_553, %add3A_600 : f32
      %add3A_876 = arith.addf %add3A_647, %add3A_694 : f32
      %add3A_877 = arith.addf %add3A_741, %add3A_788 : f32
      %add3A_878 = arith.addf %add3A_870, %add3A_871 : f32
      %add3A_879 = arith.addf %add3A_872, %add3A_873 : f32
      %add3A_880 = arith.addf %add3A_874, %add3A_875 : f32
      %add3A_881 = arith.addf %add3A_876, %add3A_877 : f32
      %add3A_882 = arith.addf %add3A_878, %add3A_879 : f32
      %add3A_883 = arith.addf %add3A_880, %add3A_881 : f32
      %add3A_884 = arith.addf %add3A_882, %add3A_883 : f32
      %div3A = vector.broadcast %add3A_884 : f32 to vector<16xf32>
      %div3A_885 = arith.divf %select_n3A_869, %div3A : vector<16xf32>
      %swap3A = arith.constant 0 : index
      %swap3A_886 = tpu.vector_load %arg5[%swap3A] {strides = array<i32>} : memref<16xf32, #tpu.memory_space<vmem>>, vector<16xf32>,
      %swap3A_887 = vector.shape_cast %swap3A_886 : vector<16xf32> to vector<16xf32>
      %swap3A_888 = vector.shape_cast %div3A_885 : vector<16xf32> to vector<16xf32>
      tpu.vector_store %arg5[%swap3A], %swap3A_888 {strides = array<i32>} : memref<16xf32, #tpu.memory_space<vmem>>, vector<16xf32>,
      %run_scoped3A = arith.constant 0 : i32
      "tpu.region"() ({
        %run_scoped3A_889 = tpu.sem_alloc : memref<!tpu.dma_semaphore, #tpu.memory_space<semaphore_mem>>
        %dma_start3A = arith.constant 0 : i32
        %dma_start3A_890 = tpu.memref_slice %arg3[%run_scoped3A, %dma_start3A] : memref<1x16xf32, #tpu.memory_space<hbm>> -> memref<1x16xf32, #tpu.memory_space<hbm>>
        %dma_start3A_891 = tpu.memref_squeeze %dma_start3A_890 : memref<1x16xf32, #tpu.memory_space<hbm>> -> memref<16xf32, #tpu.memory_space<hbm>>
        %dma_start3A_892 = arith.constant 0 : i32
        %dma_start3A_893 = tpu.memref_slice %arg3[%run_scoped3A, %dma_start3A_892] : memref<1x16xf32, #tpu.memory_space<hbm>> -> memref<1x16xf32, #tpu.memory_space<hbm>>
        %dma_start3A_894 = tpu.memref_squeeze %dma_start3A_893 : memref<1x16xf32, #tpu.memory_space<hbm>> -> memref<16xf32, #tpu.memory_space<hbm>>
        tpu.enqueue_dma source(%arg5 : memref<16xf32, #tpu.memory_space<vmem>>) target(%dma_start3A_894 : memref<16xf32, #tpu.memory_space<hbm>>) target_semaphore(%run_scoped3A_889 : memref<!tpu.dma_semaphore, #tpu.memory_space<semaphore_mem>>)
        %dma_wait3A = arith.constant 0 : i32
        %dma_wait3A_895 = tpu.memref_slice %arg3[%run_scoped3A, %dma_wait3A] : memref<1x16xf32, #tpu.memory_space<hbm>> -> memref<1x16xf32, #tpu.memory_space<hbm>>
        %dma_wait3A_896 = tpu.memref_squeeze %dma_wait3A_895 : memref<1x16xf32, #tpu.memory_space<hbm>> -> memref<16xf32, #tpu.memory_space<hbm>>
        %dma_wait3A_897 = arith.constant 0 : i32
        %dma_wait3A_898 = tpu.memref_slice %arg3[%run_scoped3A, %dma_wait3A_897] : memref<1x16xf32, #tpu.memory_space<hbm>> -> memref<1x16xf32, #tpu.memory_space<hbm>>
        %dma_wait3A_899 = tpu.memref_squeeze %dma_wait3A_898 : memref<1x16xf32, #tpu.memory_space<hbm>> -> memref<16xf32, #tpu.memory_space<hbm>>
        tpu.wait_dma2 semaphore(%run_scoped3A_889 : memref<!tpu.dma_semaphore, #tpu.memory_space<semaphore_mem>>) src(%arg5 : memref<16xf32, #tpu.memory_space<vmem>>) dst(%dma_wait3A_899 : memref<16xf32, #tpu.memory_space<hbm>>)
        tpu.yield
      }) : () -> ()
    } else {
    }
    return
  }
}

#map = affine_map<(d0, d1) -> (0, 0)>
module attributes {stable_mosaic.version = 14 : i64} {
  func.func @_partial_sums(%arg0: i32, %arg1: i32, %arg2: memref<4096x4096xf32, #tpu.memory_space<hbm>>, %arg3: memref<512x16xf32, #tpu.memory_space<hbm>>, %arg4: memref<8x4096xf32, #tpu.memory_space<vmem>>, %arg5: memref<8x4096xf32, #tpu.memory_space<vmem>>, %arg6: memref<16x16xf32, #tpu.memory_space<vmem>>, %arg7: memref<!tpu.dma_semaphore, #tpu.memory_space<semaphore_mem>>, %arg8: memref<!tpu.dma_semaphore, #tpu.memory_space<semaphore_mem>>) attributes {dimension_semantics = [#tpu.dimension_semantics<core_parallel>, #tpu.dimension_semantics<subcore_parallel>], iteration_bounds = array<i64: 2, 16>, scalar_prefetch = 0 : i64, scratch_operands = 5 : i64, tpu.core_type = #tpu.core_type<sc_vector_subcore>, window_params = [{transform_indices = #map}, {transform_indices = #map}]} {
    %mul3A = arith.constant 2 : i32
    %mul3A_0 = arith.muli %arg1, %mul3A : i32
    %add3A = arith.addi %mul3A_0, %arg0 : i32
    %mul3A_1 = arith.constant 128 : i32
    %mul3A_2 = arith.muli %add3A, %mul3A_1 : i32
    %add3A_3 = arith.constant 0 : i32
    %add3A_4 = arith.addi %mul3A_2, %add3A_3 : i32
    %dma_start3A = arith.constant 0 : i32
    %dma_start3A_5 = tpu.memref_slice %arg2[%add3A_4, %dma_start3A] : memref<4096x4096xf32, #tpu.memory_space<hbm>> -> memref<8x4096xf32, #tpu.memory_space<hbm>>
    %dma_start3A_6 = arith.constant 0 : i32
    %dma_start3A_7 = tpu.memref_slice %arg2[%add3A_4, %dma_start3A_6] : memref<4096x4096xf32, #tpu.memory_space<hbm>> -> memref<8x4096xf32, #tpu.memory_space<hbm>>
    tpu.enqueue_dma source(%dma_start3A_7 : memref<8x4096xf32, #tpu.memory_space<hbm>>) target(%arg4 : memref<8x4096xf32, #tpu.memory_space<vmem>>) target_semaphore(%arg7 : memref<!tpu.dma_semaphore, #tpu.memory_space<semaphore_mem>>)
    %add3A_8 = arith.constant 8 : i32
    %add3A_9 = arith.addi %mul3A_2, %add3A_8 : i32
    %dma_start3A_10 = arith.constant 0 : i32
    %dma_start3A_11 = tpu.memref_slice %arg2[%add3A_9, %dma_start3A_10] : memref<4096x4096xf32, #tpu.memory_space<hbm>> -> memref<8x4096xf32, #tpu.memory_space<hbm>>
    %dma_start3A_12 = arith.constant 0 : i32
    %dma_start3A_13 = tpu.memref_slice %arg2[%add3A_9, %dma_start3A_12] : memref<4096x4096xf32, #tpu.memory_space<hbm>> -> memref<8x4096xf32, #tpu.memory_space<hbm>>
    tpu.enqueue_dma source(%dma_start3A_13 : memref<8x4096xf32, #tpu.memory_space<hbm>>) target(%arg5 : memref<8x4096xf32, #tpu.memory_space<vmem>>) target_semaphore(%arg8 : memref<!tpu.dma_semaphore, #tpu.memory_space<semaphore_mem>>)
    %broadcast_in_dim3A = arith.constant 0.000000e+00 : f32
    %broadcast_in_dim3A_14 = vector.broadcast %broadcast_in_dim3A : f32 to vector<16xf32>
    %broadcast_in_dim3A_15 = arith.constant 0.000000e+00 : f32
    %broadcast_in_dim3A_16 = vector.broadcast %broadcast_in_dim3A_15 : f32 to vector<16xf32>
    %broadcast_in_dim3A_17 = arith.constant 0.000000e+00 : f32
    %broadcast_in_dim3A_18 = vector.broadcast %broadcast_in_dim3A_17 : f32 to vector<16xf32>
    %broadcast_in_dim3A_19 = arith.constant 0.000000e+00 : f32
    %broadcast_in_dim3A_20 = vector.broadcast %broadcast_in_dim3A_19 : f32 to vector<16xf32>
    %broadcast_in_dim3A_21 = arith.constant 0.000000e+00 : f32
    %broadcast_in_dim3A_22 = vector.broadcast %broadcast_in_dim3A_21 : f32 to vector<16xf32>
    %broadcast_in_dim3A_23 = arith.constant 0.000000e+00 : f32
    %broadcast_in_dim3A_24 = vector.broadcast %broadcast_in_dim3A_23 : f32 to vector<16xf32>
    %broadcast_in_dim3A_25 = arith.constant 0.000000e+00 : f32
    %broadcast_in_dim3A_26 = vector.broadcast %broadcast_in_dim3A_25 : f32 to vector<16xf32>
    %broadcast_in_dim3A_27 = arith.constant 0.000000e+00 : f32
    %broadcast_in_dim3A_28 = vector.broadcast %broadcast_in_dim3A_27 : f32 to vector<16xf32>
    %broadcast_in_dim3A_29 = arith.constant 0.000000e+00 : f32
    %broadcast_in_dim3A_30 = vector.broadcast %broadcast_in_dim3A_29 : f32 to vector<16xf32>
    %broadcast_in_dim3A_31 = arith.constant 0.000000e+00 : f32
    %broadcast_in_dim3A_32 = vector.broadcast %broadcast_in_dim3A_31 : f32 to vector<16xf32>
    %broadcast_in_dim3A_33 = arith.constant 0.000000e+00 : f32
    %broadcast_in_dim3A_34 = vector.broadcast %broadcast_in_dim3A_33 : f32 to vector<16xf32>
    %broadcast_in_dim3A_35 = arith.constant 0.000000e+00 : f32
    %broadcast_in_dim3A_36 = vector.broadcast %broadcast_in_dim3A_35 : f32 to vector<16xf32>
    %broadcast_in_dim3A_37 = arith.constant 0.000000e+00 : f32
    %broadcast_in_dim3A_38 = vector.broadcast %broadcast_in_dim3A_37 : f32 to vector<16xf32>
    %broadcast_in_dim3A_39 = arith.constant 0.000000e+00 : f32
    %broadcast_in_dim3A_40 = vector.broadcast %broadcast_in_dim3A_39 : f32 to vector<16xf32>
    %broadcast_in_dim3A_41 = arith.constant 0.000000e+00 : f32
    %broadcast_in_dim3A_42 = vector.broadcast %broadcast_in_dim3A_41 : f32 to vector<16xf32>
    %broadcast_in_dim3A_43 = arith.constant 0.000000e+00 : f32
    %broadcast_in_dim3A_44 = vector.broadcast %broadcast_in_dim3A_43 : f32 to vector<16xf32>
    %scan3A = arith.constant 0 : i32
    %scan3A_45 = arith.constant 8 : i32
    %scan3A_46 = arith.addi %scan3A, %scan3A_45 : i32
    %scan3A_47 = arith.constant 1 : i32
    %scan3A_48:16 = scf.for %scan3A_147 = %scan3A to %scan3A_46 step %scan3A_47 iter_args(%scan3A_148 = %broadcast_in_dim3A_14, %scan3A_149 = %broadcast_in_dim3A_16, %scan3A_150 = %broadcast_in_dim3A_18, %scan3A_151 = %broadcast_in_dim3A_20, %scan3A_152 = %broadcast_in_dim3A_22, %scan3A_153 = %broadcast_in_dim3A_24, %scan3A_154 = %broadcast_in_dim3A_26, %scan3A_155 = %broadcast_in_dim3A_28, %scan3A_156 = %broadcast_in_dim3A_30, %scan3A_157 = %broadcast_in_dim3A_32, %scan3A_158 = %broadcast_in_dim3A_34, %scan3A_159 = %broadcast_in_dim3A_36, %scan3A_160 = %broadcast_in_dim3A_38, %scan3A_161 = %broadcast_in_dim3A_40, %scan3A_162 = %broadcast_in_dim3A_42, %scan3A_163 = %broadcast_in_dim3A_44) -> (vector<16xf32>, vector<16xf32>, vector<16xf32>, vector<16xf32>, vector<16xf32>, vector<16xf32>, vector<16xf32>, vector<16xf32>, vector<16xf32>, vector<16xf32>, vector<16xf32>, vector<16xf32>, vector<16xf32>, vector<16xf32>, vector<16xf32>, vector<16xf32>)  : i32 {
      %mul3A_164 = arith.constant 2 : i32
      %mul3A_165 = arith.muli %mul3A_164, %scan3A_147 : i32
      %mul3A_166 = arith.constant 8 : i32
      %mul3A_167 = arith.muli %mul3A_165, %mul3A_166 : i32
      %add3A_168 = arith.addi %mul3A_2, %mul3A_167 : i32
      %dma_wait3A = arith.constant 0 : i32
      %dma_wait3A_169 = tpu.memref_slice %arg2[%add3A_168, %dma_wait3A] : memref<4096x4096xf32, #tpu.memory_space<hbm>> -> memref<8x4096xf32, #tpu.memory_space<hbm>>
      %dma_wait3A_170 = arith.constant 0 : i32
      %dma_wait3A_171 = tpu.memref_slice %arg2[%add3A_168, %dma_wait3A_170] : memref<4096x4096xf32, #tpu.memory_space<hbm>> -> memref<8x4096xf32, #tpu.memory_space<hbm>>
      tpu.wait_dma2 semaphore(%arg7 : memref<!tpu.dma_semaphore, #tpu.memory_space<semaphore_mem>>) src(%dma_wait3A_171 : memref<8x4096xf32, #tpu.memory_space<hbm>>) dst(%arg4 : memref<8x4096xf32, #tpu.memory_space<vmem>>)
      %scan3A_172 = arith.constant 0 : i32
      %scan3A_173 = arith.constant 8 : i32
      %scan3A_174 = arith.addi %scan3A_172, %scan3A_173 : i32
      %scan3A_175 = arith.constant 1 : i32
      %scan3A_176:16 = scf.for %scan3A_204 = %scan3A_172 to %scan3A_174 step %scan3A_175 iter_args(%scan3A_205 = %scan3A_148, %scan3A_206 = %scan3A_149, %scan3A_207 = %scan3A_150, %scan3A_208 = %scan3A_151, %scan3A_209 = %scan3A_152, %scan3A_210 = %scan3A_153, %scan3A_211 = %scan3A_154, %scan3A_212 = %scan3A_155, %scan3A_213 = %scan3A_156, %scan3A_214 = %scan3A_157, %scan3A_215 = %scan3A_158, %scan3A_216 = %scan3A_159, %scan3A_217 = %scan3A_160, %scan3A_218 = %scan3A_161, %scan3A_219 = %scan3A_162, %scan3A_220 = %scan3A_163) -> (vector<16xf32>, vector<16xf32>, vector<16xf32>, vector<16xf32>, vector<16xf32>, vector<16xf32>, vector<16xf32>, vector<16xf32>, vector<16xf32>, vector<16xf32>, vector<16xf32>, vector<16xf32>, vector<16xf32>, vector<16xf32>, vector<16xf32>, vector<16xf32>)  : i32 {
        %get3A = arith.index_cast %scan3A_204 : i32 to index
        %get3A_221 = arith.constant 0 : index
        %get3A_222 = tpu.vector_load %arg4[%get3A, %get3A_221] {strides = array<i32>} : memref<8x4096xf32, #tpu.memory_space<vmem>>, vector<1x16xf32>,
        %get3A_223 = vector.shape_cast %get3A_222 : vector<1x16xf32> to vector<16xf32>
        %get3A_224 = arith.index_cast %scan3A_204 : i32 to index
        %get3A_225 = arith.constant 16 : index
        %get3A_226 = tpu.vector_load %arg4[%get3A_224, %get3A_225] {strides = array<i32>} : memref<8x4096xf32, #tpu.memory_space<vmem>>, vector<1x16xf32>,
        %get3A_227 = vector.shape_cast %get3A_226 : vector<1x16xf32> to vector<16xf32>
        %get3A_228 = arith.index_cast %scan3A_204 : i32 to index
        %get3A_229 = arith.constant 32 : index
        %get3A_230 = tpu.vector_load %arg4[%get3A_228, %get3A_229] {strides = array<i32>} : memref<8x4096xf32, #tpu.memory_space<vmem>>, vector<1x16xf32>,
        %get3A_231 = vector.shape_cast %get3A_230 : vector<1x16xf32> to vector<16xf32>
        %get3A_232 = arith.index_cast %scan3A_204 : i32 to index
        %get3A_233 = arith.constant 48 : index
        %get3A_234 = tpu.vector_load %arg4[%get3A_232, %get3A_233] {strides = array<i32>} : memref<8x4096xf32, #tpu.memory_space<vmem>>, vector<1x16xf32>,
        %get3A_235 = vector.shape_cast %get3A_234 : vector<1x16xf32> to vector<16xf32>
        %get3A_236 = arith.index_cast %scan3A_204 : i32 to index
        %get3A_237 = arith.constant 64 : index
        %get3A_238 = tpu.vector_load %arg4[%get3A_236, %get3A_237] {strides = array<i32>} : memref<8x4096xf32, #tpu.memory_space<vmem>>, vector<1x16xf32>,
        %get3A_239 = vector.shape_cast %get3A_238 : vector<1x16xf32> to vector<16xf32>
        %get3A_240 = arith.index_cast %scan3A_204 : i32 to index
        %get3A_241 = arith.constant 80 : index
        %get3A_242 = tpu.vector_load %arg4[%get3A_240, %get3A_241] {strides = array<i32>} : memref<8x4096xf32, #tpu.memory_space<vmem>>, vector<1x16xf32>,
        %get3A_243 = vector.shape_cast %get3A_242 : vector<1x16xf32> to vector<16xf32>
        %get3A_244 = arith.index_cast %scan3A_204 : i32 to index
        %get3A_245 = arith.constant 96 : index
        %get3A_246 = tpu.vector_load %arg4[%get3A_244, %get3A_245] {strides = array<i32>} : memref<8x4096xf32, #tpu.memory_space<vmem>>, vector<1x16xf32>,
        %get3A_247 = vector.shape_cast %get3A_246 : vector<1x16xf32> to vector<16xf32>
        %get3A_248 = arith.index_cast %scan3A_204 : i32 to index
        %get3A_249 = arith.constant 112 : index
        %get3A_250 = tpu.vector_load %arg4[%get3A_248, %get3A_249] {strides = array<i32>} : memref<8x4096xf32, #tpu.memory_space<vmem>>, vector<1x16xf32>,
        %get3A_251 = vector.shape_cast %get3A_250 : vector<1x16xf32> to vector<16xf32>
        %get3A_252 = arith.index_cast %scan3A_204 : i32 to index
        %get3A_253 = arith.constant 128 : index
        %get3A_254 = tpu.vector_load %arg4[%get3A_252, %get3A_253] {strides = array<i32>} : memref<8x4096xf32, #tpu.memory_space<vmem>>, vector<1x16xf32>,
        %get3A_255 = vector.shape_cast %get3A_254 : vector<1x16xf32> to vector<16xf32>
        %get3A_256 = arith.index_cast %scan3A_204 : i32 to index
        %get3A_257 = arith.constant 144 : index
        %get3A_258 = tpu.vector_load %arg4[%get3A_256, %get3A_257] {strides = array<i32>} : memref<8x4096xf32, #tpu.memory_space<vmem>>, vector<1x16xf32>,
        %get3A_259 = vector.shape_cast %get3A_258 : vector<1x16xf32> to vector<16xf32>
        %get3A_260 = arith.index_cast %scan3A_204 : i32 to index
        %get3A_261 = arith.constant 160 : index
        %get3A_262 = tpu.vector_load %arg4[%get3A_260, %get3A_261] {strides = array<i32>} : memref<8x4096xf32, #tpu.memory_space<vmem>>, vector<1x16xf32>,
        %get3A_263 = vector.shape_cast %get3A_262 : vector<1x16xf32> to vector<16xf32>
        %get3A_264 = arith.index_cast %scan3A_204 : i32 to index
        %get3A_265 = arith.constant 176 : index
        %get3A_266 = tpu.vector_load %arg4[%get3A_264, %get3A_265] {strides = array<i32>} : memref<8x4096xf32, #tpu.memory_space<vmem>>, vector<1x16xf32>,
        %get3A_267 = vector.shape_cast %get3A_266 : vector<1x16xf32> to vector<16xf32>
        %get3A_268 = arith.index_cast %scan3A_204 : i32 to index
        %get3A_269 = arith.constant 192 : index
        %get3A_270 = tpu.vector_load %arg4[%get3A_268, %get3A_269] {strides = array<i32>} : memref<8x4096xf32, #tpu.memory_space<vmem>>, vector<1x16xf32>,
        %get3A_271 = vector.shape_cast %get3A_270 : vector<1x16xf32> to vector<16xf32>
        %get3A_272 = arith.index_cast %scan3A_204 : i32 to index
        %get3A_273 = arith.constant 208 : index
        %get3A_274 = tpu.vector_load %arg4[%get3A_272, %get3A_273] {strides = array<i32>} : memref<8x4096xf32, #tpu.memory_space<vmem>>, vector<1x16xf32>,
        %get3A_275 = vector.shape_cast %get3A_274 : vector<1x16xf32> to vector<16xf32>
        %get3A_276 = arith.index_cast %scan3A_204 : i32 to index
        %get3A_277 = arith.constant 224 : index
        %get3A_278 = tpu.vector_load %arg4[%get3A_276, %get3A_277] {strides = array<i32>} : memref<8x4096xf32, #tpu.memory_space<vmem>>, vector<1x16xf32>,
        %get3A_279 = vector.shape_cast %get3A_278 : vector<1x16xf32> to vector<16xf32>
        %get3A_280 = arith.index_cast %scan3A_204 : i32 to index
        %get3A_281 = arith.constant 240 : index
        %get3A_282 = tpu.vector_load %arg4[%get3A_280, %get3A_281] {strides = array<i32>} : memref<8x4096xf32, #tpu.memory_space<vmem>>, vector<1x16xf32>,
        %get3A_283 = vector.shape_cast %get3A_282 : vector<1x16xf32> to vector<16xf32>
        %add3A_284 = arith.addf %get3A_223, %get3A_227 : vector<16xf32>
        %add3A_285 = arith.addf %get3A_231, %get3A_235 : vector<16xf32>
        %add3A_286 = arith.addf %get3A_239, %get3A_243 : vector<16xf32>
        %add3A_287 = arith.addf %get3A_247, %get3A_251 : vector<16xf32>
        %add3A_288 = arith.addf %get3A_255, %get3A_259 : vector<16xf32>
        %add3A_289 = arith.addf %get3A_263, %get3A_267 : vector<16xf32>
        %add3A_290 = arith.addf %get3A_271, %get3A_275 : vector<16xf32>
        %add3A_291 = arith.addf %get3A_279, %get3A_283 : vector<16xf32>
        %add3A_292 = arith.addf %add3A_284, %add3A_285 : vector<16xf32>
        %add3A_293 = arith.addf %add3A_286, %add3A_287 : vector<16xf32>
        %add3A_294 = arith.addf %add3A_288, %add3A_289 : vector<16xf32>
        %add3A_295 = arith.addf %add3A_290, %add3A_291 : vector<16xf32>
        %add3A_296 = arith.addf %add3A_292, %add3A_293 : vector<16xf32>
        %add3A_297 = arith.addf %add3A_294, %add3A_295 : vector<16xf32>
        %add3A_298 = arith.addf %add3A_296, %add3A_297 : vector<16xf32>
        %add3A_299 = arith.addf %scan3A_205, %add3A_298 : vector<16xf32>
        %get3A_300 = arith.index_cast %scan3A_204 : i32 to index
        %get3A_301 = arith.constant 256 : index
        %get3A_302 = tpu.vector_load %arg4[%get3A_300, %get3A_301] {strides = array<i32>} : memref<8x4096xf32, #tpu.memory_space<vmem>>, vector<1x16xf32>,
        %get3A_303 = vector.shape_cast %get3A_302 : vector<1x16xf32> to vector<16xf32>
        %get3A_304 = arith.index_cast %scan3A_204 : i32 to index
        %get3A_305 = arith.constant 272 : index
        %get3A_306 = tpu.vector_load %arg4[%get3A_304, %get3A_305] {strides = array<i32>} : memref<8x4096xf32, #tpu.memory_space<vmem>>, vector<1x16xf32>,
        %get3A_307 = vector.shape_cast %get3A_306 : vector<1x16xf32> to vector<16xf32>
        %get3A_308 = arith.index_cast %scan3A_204 : i32 to index
        %get3A_309 = arith.constant 288 : index
        %get3A_310 = tpu.vector_load %arg4[%get3A_308, %get3A_309] {strides = array<i32>} : memref<8x4096xf32, #tpu.memory_space<vmem>>, vector<1x16xf32>,
        %get3A_311 = vector.shape_cast %get3A_310 : vector<1x16xf32> to vector<16xf32>
        %get3A_312 = arith.index_cast %scan3A_204 : i32 to index
        %get3A_313 = arith.constant 304 : index
        %get3A_314 = tpu.vector_load %arg4[%get3A_312, %get3A_313] {strides = array<i32>} : memref<8x4096xf32, #tpu.memory_space<vmem>>, vector<1x16xf32>,
        %get3A_315 = vector.shape_cast %get3A_314 : vector<1x16xf32> to vector<16xf32>
        %get3A_316 = arith.index_cast %scan3A_204 : i32 to index
        %get3A_317 = arith.constant 320 : index
        %get3A_318 = tpu.vector_load %arg4[%get3A_316, %get3A_317] {strides = array<i32>} : memref<8x4096xf32, #tpu.memory_space<vmem>>, vector<1x16xf32>,
        %get3A_319 = vector.shape_cast %get3A_318 : vector<1x16xf32> to vector<16xf32>
        %get3A_320 = arith.index_cast %scan3A_204 : i32 to index
        %get3A_321 = arith.constant 336 : index
        %get3A_322 = tpu.vector_load %arg4[%get3A_320, %get3A_321] {strides = array<i32>} : memref<8x4096xf32, #tpu.memory_space<vmem>>, vector<1x16xf32>,
        %get3A_323 = vector.shape_cast %get3A_322 : vector<1x16xf32> to vector<16xf32>
        %get3A_324 = arith.index_cast %scan3A_204 : i32 to index
        %get3A_325 = arith.constant 352 : index
        %get3A_326 = tpu.vector_load %arg4[%get3A_324, %get3A_325] {strides = array<i32>} : memref<8x4096xf32, #tpu.memory_space<vmem>>, vector<1x16xf32>,
        %get3A_327 = vector.shape_cast %get3A_326 : vector<1x16xf32> to vector<16xf32>
        %get3A_328 = arith.index_cast %scan3A_204 : i32 to index
        %get3A_329 = arith.constant 368 : index
        %get3A_330 = tpu.vector_load %arg4[%get3A_328, %get3A_329] {strides = array<i32>} : memref<8x4096xf32, #tpu.memory_space<vmem>>, vector<1x16xf32>,
        %get3A_331 = vector.shape_cast %get3A_330 : vector<1x16xf32> to vector<16xf32>
        %get3A_332 = arith.index_cast %scan3A_204 : i32 to index
        %get3A_333 = arith.constant 384 : index
        %get3A_334 = tpu.vector_load %arg4[%get3A_332, %get3A_333] {strides = array<i32>} : memref<8x4096xf32, #tpu.memory_space<vmem>>, vector<1x16xf32>,
        %get3A_335 = vector.shape_cast %get3A_334 : vector<1x16xf32> to vector<16xf32>
        %get3A_336 = arith.index_cast %scan3A_204 : i32 to index
        %get3A_337 = arith.constant 400 : index
        %get3A_338 = tpu.vector_load %arg4[%get3A_336, %get3A_337] {strides = array<i32>} : memref<8x4096xf32, #tpu.memory_space<vmem>>, vector<1x16xf32>,
        %get3A_339 = vector.shape_cast %get3A_338 : vector<1x16xf32> to vector<16xf32>
        %get3A_340 = arith.index_cast %scan3A_204 : i32 to index
        %get3A_341 = arith.constant 416 : index
        %get3A_342 = tpu.vector_load %arg4[%get3A_340, %get3A_341] {strides = array<i32>} : memref<8x4096xf32, #tpu.memory_space<vmem>>, vector<1x16xf32>,
        %get3A_343 = vector.shape_cast %get3A_342 : vector<1x16xf32> to vector<16xf32>
        %get3A_344 = arith.index_cast %scan3A_204 : i32 to index
        %get3A_345 = arith.constant 432 : index
        %get3A_346 = tpu.vector_load %arg4[%get3A_344, %get3A_345] {strides = array<i32>} : memref<8x4096xf32, #tpu.memory_space<vmem>>, vector<1x16xf32>,
        %get3A_347 = vector.shape_cast %get3A_346 : vector<1x16xf32> to vector<16xf32>
        %get3A_348 = arith.index_cast %scan3A_204 : i32 to index
        %get3A_349 = arith.constant 448 : index
        %get3A_350 = tpu.vector_load %arg4[%get3A_348, %get3A_349] {strides = array<i32>} : memref<8x4096xf32, #tpu.memory_space<vmem>>, vector<1x16xf32>,
        %get3A_351 = vector.shape_cast %get3A_350 : vector<1x16xf32> to vector<16xf32>
        %get3A_352 = arith.index_cast %scan3A_204 : i32 to index
        %get3A_353 = arith.constant 464 : index
        %get3A_354 = tpu.vector_load %arg4[%get3A_352, %get3A_353] {strides = array<i32>} : memref<8x4096xf32, #tpu.memory_space<vmem>>, vector<1x16xf32>,
        %get3A_355 = vector.shape_cast %get3A_354 : vector<1x16xf32> to vector<16xf32>
        %get3A_356 = arith.index_cast %scan3A_204 : i32 to index
        %get3A_357 = arith.constant 480 : index
        %get3A_358 = tpu.vector_load %arg4[%get3A_356, %get3A_357] {strides = array<i32>} : memref<8x4096xf32, #tpu.memory_space<vmem>>, vector<1x16xf32>,
        %get3A_359 = vector.shape_cast %get3A_358 : vector<1x16xf32> to vector<16xf32>
        %get3A_360 = arith.index_cast %scan3A_204 : i32 to index
        %get3A_361 = arith.constant 496 : index
        %get3A_362 = tpu.vector_load %arg4[%get3A_360, %get3A_361] {strides = array<i32>} : memref<8x4096xf32, #tpu.memory_space<vmem>>, vector<1x16xf32>,
        %get3A_363 = vector.shape_cast %get3A_362 : vector<1x16xf32> to vector<16xf32>
        %add3A_364 = arith.addf %get3A_303, %get3A_307 : vector<16xf32>
        %add3A_365 = arith.addf %get3A_311, %get3A_315 : vector<16xf32>
        %add3A_366 = arith.addf %get3A_319, %get3A_323 : vector<16xf32>
        %add3A_367 = arith.addf %get3A_327, %get3A_331 : vector<16xf32>
        %add3A_368 = arith.addf %get3A_335, %get3A_339 : vector<16xf32>
        %add3A_369 = arith.addf %get3A_343, %get3A_347 : vector<16xf32>
        %add3A_370 = arith.addf %get3A_351, %get3A_355 : vector<16xf32>
        %add3A_371 = arith.addf %get3A_359, %get3A_363 : vector<16xf32>
        %add3A_372 = arith.addf %add3A_364, %add3A_365 : vector<16xf32>
        %add3A_373 = arith.addf %add3A_366, %add3A_367 : vector<16xf32>
        %add3A_374 = arith.addf %add3A_368, %add3A_369 : vector<16xf32>
        %add3A_375 = arith.addf %add3A_370, %add3A_371 : vector<16xf32>
        %add3A_376 = arith.addf %add3A_372, %add3A_373 : vector<16xf32>
        %add3A_377 = arith.addf %add3A_374, %add3A_375 : vector<16xf32>
        %add3A_378 = arith.addf %add3A_376, %add3A_377 : vector<16xf32>
        %add3A_379 = arith.addf %scan3A_206, %add3A_378 : vector<16xf32>
        %get3A_380 = arith.index_cast %scan3A_204 : i32 to index
        %get3A_381 = arith.constant 512 : index
        %get3A_382 = tpu.vector_load %arg4[%get3A_380, %get3A_381] {strides = array<i32>} : memref<8x4096xf32, #tpu.memory_space<vmem>>, vector<1x16xf32>,
        %get3A_383 = vector.shape_cast %get3A_382 : vector<1x16xf32> to vector<16xf32>
        %get3A_384 = arith.index_cast %scan3A_204 : i32 to index
        %get3A_385 = arith.constant 528 : index
        %get3A_386 = tpu.vector_load %arg4[%get3A_384, %get3A_385] {strides = array<i32>} : memref<8x4096xf32, #tpu.memory_space<vmem>>, vector<1x16xf32>,
        %get3A_387 = vector.shape_cast %get3A_386 : vector<1x16xf32> to vector<16xf32>
        %get3A_388 = arith.index_cast %scan3A_204 : i32 to index
        %get3A_389 = arith.constant 544 : index
        %get3A_390 = tpu.vector_load %arg4[%get3A_388, %get3A_389] {strides = array<i32>} : memref<8x4096xf32, #tpu.memory_space<vmem>>, vector<1x16xf32>,
        %get3A_391 = vector.shape_cast %get3A_390 : vector<1x16xf32> to vector<16xf32>
        %get3A_392 = arith.index_cast %scan3A_204 : i32 to index
        %get3A_393 = arith.constant 560 : index
        %get3A_394 = tpu.vector_load %arg4[%get3A_392, %get3A_393] {strides = array<i32>} : memref<8x4096xf32, #tpu.memory_space<vmem>>, vector<1x16xf32>,
        %get3A_395 = vector.shape_cast %get3A_394 : vector<1x16xf32> to vector<16xf32>
        %get3A_396 = arith.index_cast %scan3A_204 : i32 to index
        %get3A_397 = arith.constant 576 : index
        %get3A_398 = tpu.vector_load %arg4[%get3A_396, %get3A_397] {strides = array<i32>} : memref<8x4096xf32, #tpu.memory_space<vmem>>, vector<1x16xf32>,
        %get3A_399 = vector.shape_cast %get3A_398 : vector<1x16xf32> to vector<16xf32>
        %get3A_400 = arith.index_cast %scan3A_204 : i32 to index
        %get3A_401 = arith.constant 592 : index
        %get3A_402 = tpu.vector_load %arg4[%get3A_400, %get3A_401] {strides = array<i32>} : memref<8x4096xf32, #tpu.memory_space<vmem>>, vector<1x16xf32>,
        %get3A_403 = vector.shape_cast %get3A_402 : vector<1x16xf32> to vector<16xf32>
        %get3A_404 = arith.index_cast %scan3A_204 : i32 to index
        %get3A_405 = arith.constant 608 : index
        %get3A_406 = tpu.vector_load %arg4[%get3A_404, %get3A_405] {strides = array<i32>} : memref<8x4096xf32, #tpu.memory_space<vmem>>, vector<1x16xf32>,
        %get3A_407 = vector.shape_cast %get3A_406 : vector<1x16xf32> to vector<16xf32>
        %get3A_408 = arith.index_cast %scan3A_204 : i32 to index
        %get3A_409 = arith.constant 624 : index
        %get3A_410 = tpu.vector_load %arg4[%get3A_408, %get3A_409] {strides = array<i32>} : memref<8x4096xf32, #tpu.memory_space<vmem>>, vector<1x16xf32>,
        %get3A_411 = vector.shape_cast %get3A_410 : vector<1x16xf32> to vector<16xf32>
        %get3A_412 = arith.index_cast %scan3A_204 : i32 to index
        %get3A_413 = arith.constant 640 : index
        %get3A_414 = tpu.vector_load %arg4[%get3A_412, %get3A_413] {strides = array<i32>} : memref<8x4096xf32, #tpu.memory_space<vmem>>, vector<1x16xf32>,
        %get3A_415 = vector.shape_cast %get3A_414 : vector<1x16xf32> to vector<16xf32>
        %get3A_416 = arith.index_cast %scan3A_204 : i32 to index
        %get3A_417 = arith.constant 656 : index
        %get3A_418 = tpu.vector_load %arg4[%get3A_416, %get3A_417] {strides = array<i32>} : memref<8x4096xf32, #tpu.memory_space<vmem>>, vector<1x16xf32>,
        %get3A_419 = vector.shape_cast %get3A_418 : vector<1x16xf32> to vector<16xf32>
        %get3A_420 = arith.index_cast %scan3A_204 : i32 to index
        %get3A_421 = arith.constant 672 : index
        %get3A_422 = tpu.vector_load %arg4[%get3A_420, %get3A_421] {strides = array<i32>} : memref<8x4096xf32, #tpu.memory_space<vmem>>, vector<1x16xf32>,
        %get3A_423 = vector.shape_cast %get3A_422 : vector<1x16xf32> to vector<16xf32>
        %get3A_424 = arith.index_cast %scan3A_204 : i32 to index
        %get3A_425 = arith.constant 688 : index
        %get3A_426 = tpu.vector_load %arg4[%get3A_424, %get3A_425] {strides = array<i32>} : memref<8x4096xf32, #tpu.memory_space<vmem>>, vector<1x16xf32>,
        %get3A_427 = vector.shape_cast %get3A_426 : vector<1x16xf32> to vector<16xf32>
        %get3A_428 = arith.index_cast %scan3A_204 : i32 to index
        %get3A_429 = arith.constant 704 : index
        %get3A_430 = tpu.vector_load %arg4[%get3A_428, %get3A_429] {strides = array<i32>} : memref<8x4096xf32, #tpu.memory_space<vmem>>, vector<1x16xf32>,
        %get3A_431 = vector.shape_cast %get3A_430 : vector<1x16xf32> to vector<16xf32>
        %get3A_432 = arith.index_cast %scan3A_204 : i32 to index
        %get3A_433 = arith.constant 720 : index
        %get3A_434 = tpu.vector_load %arg4[%get3A_432, %get3A_433] {strides = array<i32>} : memref<8x4096xf32, #tpu.memory_space<vmem>>, vector<1x16xf32>,
        %get3A_435 = vector.shape_cast %get3A_434 : vector<1x16xf32> to vector<16xf32>
        %get3A_436 = arith.index_cast %scan3A_204 : i32 to index
        %get3A_437 = arith.constant 736 : index
        %get3A_438 = tpu.vector_load %arg4[%get3A_436, %get3A_437] {strides = array<i32>} : memref<8x4096xf32, #tpu.memory_space<vmem>>, vector<1x16xf32>,
        %get3A_439 = vector.shape_cast %get3A_438 : vector<1x16xf32> to vector<16xf32>
        %get3A_440 = arith.index_cast %scan3A_204 : i32 to index
        %get3A_441 = arith.constant 752 : index
        %get3A_442 = tpu.vector_load %arg4[%get3A_440, %get3A_441] {strides = array<i32>} : memref<8x4096xf32, #tpu.memory_space<vmem>>, vector<1x16xf32>,
        %get3A_443 = vector.shape_cast %get3A_442 : vector<1x16xf32> to vector<16xf32>
        %add3A_444 = arith.addf %get3A_383, %get3A_387 : vector<16xf32>
        %add3A_445 = arith.addf %get3A_391, %get3A_395 : vector<16xf32>
        %add3A_446 = arith.addf %get3A_399, %get3A_403 : vector<16xf32>
        %add3A_447 = arith.addf %get3A_407, %get3A_411 : vector<16xf32>
        %add3A_448 = arith.addf %get3A_415, %get3A_419 : vector<16xf32>
        %add3A_449 = arith.addf %get3A_423, %get3A_427 : vector<16xf32>
        %add3A_450 = arith.addf %get3A_431, %get3A_435 : vector<16xf32>
        %add3A_451 = arith.addf %get3A_439, %get3A_443 : vector<16xf32>
        %add3A_452 = arith.addf %add3A_444, %add3A_445 : vector<16xf32>
        %add3A_453 = arith.addf %add3A_446, %add3A_447 : vector<16xf32>
        %add3A_454 = arith.addf %add3A_448, %add3A_449 : vector<16xf32>
        %add3A_455 = arith.addf %add3A_450, %add3A_451 : vector<16xf32>
        %add3A_456 = arith.addf %add3A_452, %add3A_453 : vector<16xf32>
        %add3A_457 = arith.addf %add3A_454, %add3A_455 : vector<16xf32>
        %add3A_458 = arith.addf %add3A_456, %add3A_457 : vector<16xf32>
        %add3A_459 = arith.addf %scan3A_207, %add3A_458 : vector<16xf32>
        %get3A_460 = arith.index_cast %scan3A_204 : i32 to index
        %get3A_461 = arith.constant 768 : index
        %get3A_462 = tpu.vector_load %arg4[%get3A_460, %get3A_461] {strides = array<i32>} : memref<8x4096xf32, #tpu.memory_space<vmem>>, vector<1x16xf32>,
        %get3A_463 = vector.shape_cast %get3A_462 : vector<1x16xf32> to vector<16xf32>
        %get3A_464 = arith.index_cast %scan3A_204 : i32 to index
        %get3A_465 = arith.constant 784 : index
        %get3A_466 = tpu.vector_load %arg4[%get3A_464, %get3A_465] {strides = array<i32>} : memref<8x4096xf32, #tpu.memory_space<vmem>>, vector<1x16xf32>,
        %get3A_467 = vector.shape_cast %get3A_466 : vector<1x16xf32> to vector<16xf32>
        %get3A_468 = arith.index_cast %scan3A_204 : i32 to index
        %get3A_469 = arith.constant 800 : index
        %get3A_470 = tpu.vector_load %arg4[%get3A_468, %get3A_469] {strides = array<i32>} : memref<8x4096xf32, #tpu.memory_space<vmem>>, vector<1x16xf32>,
        %get3A_471 = vector.shape_cast %get3A_470 : vector<1x16xf32> to vector<16xf32>
        %get3A_472 = arith.index_cast %scan3A_204 : i32 to index
        %get3A_473 = arith.constant 816 : index
        %get3A_474 = tpu.vector_load %arg4[%get3A_472, %get3A_473] {strides = array<i32>} : memref<8x4096xf32, #tpu.memory_space<vmem>>, vector<1x16xf32>,
        %get3A_475 = vector.shape_cast %get3A_474 : vector<1x16xf32> to vector<16xf32>
        %get3A_476 = arith.index_cast %scan3A_204 : i32 to index
        %get3A_477 = arith.constant 832 : index
        %get3A_478 = tpu.vector_load %arg4[%get3A_476, %get3A_477] {strides = array<i32>} : memref<8x4096xf32, #tpu.memory_space<vmem>>, vector<1x16xf32>,
        %get3A_479 = vector.shape_cast %get3A_478 : vector<1x16xf32> to vector<16xf32>
        %get3A_480 = arith.index_cast %scan3A_204 : i32 to index
        %get3A_481 = arith.constant 848 : index
        %get3A_482 = tpu.vector_load %arg4[%get3A_480, %get3A_481] {strides = array<i32>} : memref<8x4096xf32, #tpu.memory_space<vmem>>, vector<1x16xf32>,
        %get3A_483 = vector.shape_cast %get3A_482 : vector<1x16xf32> to vector<16xf32>
        %get3A_484 = arith.index_cast %scan3A_204 : i32 to index
        %get3A_485 = arith.constant 864 : index
        %get3A_486 = tpu.vector_load %arg4[%get3A_484, %get3A_485] {strides = array<i32>} : memref<8x4096xf32, #tpu.memory_space<vmem>>, vector<1x16xf32>,
        %get3A_487 = vector.shape_cast %get3A_486 : vector<1x16xf32> to vector<16xf32>
        %get3A_488 = arith.index_cast %scan3A_204 : i32 to index
        %get3A_489 = arith.constant 880 : index
        %get3A_490 = tpu.vector_load %arg4[%get3A_488, %get3A_489] {strides = array<i32>} : memref<8x4096xf32, #tpu.memory_space<vmem>>, vector<1x16xf32>,
        %get3A_491 = vector.shape_cast %get3A_490 : vector<1x16xf32> to vector<16xf32>
        %get3A_492 = arith.index_cast %scan3A_204 : i32 to index
        %get3A_493 = arith.constant 896 : index
        %get3A_494 = tpu.vector_load %arg4[%get3A_492, %get3A_493] {strides = array<i32>} : memref<8x4096xf32, #tpu.memory_space<vmem>>, vector<1x16xf32>,
        %get3A_495 = vector.shape_cast %get3A_494 : vector<1x16xf32> to vector<16xf32>
        %get3A_496 = arith.index_cast %scan3A_204 : i32 to index
        %get3A_497 = arith.constant 912 : index
        %get3A_498 = tpu.vector_load %arg4[%get3A_496, %get3A_497] {strides = array<i32>} : memref<8x4096xf32, #tpu.memory_space<vmem>>, vector<1x16xf32>,
        %get3A_499 = vector.shape_cast %get3A_498 : vector<1x16xf32> to vector<16xf32>
        %get3A_500 = arith.index_cast %scan3A_204 : i32 to index
        %get3A_501 = arith.constant 928 : index
        %get3A_502 = tpu.vector_load %arg4[%get3A_500, %get3A_501] {strides = array<i32>} : memref<8x4096xf32, #tpu.memory_space<vmem>>, vector<1x16xf32>,
        %get3A_503 = vector.shape_cast %get3A_502 : vector<1x16xf32> to vector<16xf32>
        %get3A_504 = arith.index_cast %scan3A_204 : i32 to index
        %get3A_505 = arith.constant 944 : index
        %get3A_506 = tpu.vector_load %arg4[%get3A_504, %get3A_505] {strides = array<i32>} : memref<8x4096xf32, #tpu.memory_space<vmem>>, vector<1x16xf32>,
        %get3A_507 = vector.shape_cast %get3A_506 : vector<1x16xf32> to vector<16xf32>
        %get3A_508 = arith.index_cast %scan3A_204 : i32 to index
        %get3A_509 = arith.constant 960 : index
        %get3A_510 = tpu.vector_load %arg4[%get3A_508, %get3A_509] {strides = array<i32>} : memref<8x4096xf32, #tpu.memory_space<vmem>>, vector<1x16xf32>,
        %get3A_511 = vector.shape_cast %get3A_510 : vector<1x16xf32> to vector<16xf32>
        %get3A_512 = arith.index_cast %scan3A_204 : i32 to index
        %get3A_513 = arith.constant 976 : index
        %get3A_514 = tpu.vector_load %arg4[%get3A_512, %get3A_513] {strides = array<i32>} : memref<8x4096xf32, #tpu.memory_space<vmem>>, vector<1x16xf32>,
        %get3A_515 = vector.shape_cast %get3A_514 : vector<1x16xf32> to vector<16xf32>
        %get3A_516 = arith.index_cast %scan3A_204 : i32 to index
        %get3A_517 = arith.constant 992 : index
        %get3A_518 = tpu.vector_load %arg4[%get3A_516, %get3A_517] {strides = array<i32>} : memref<8x4096xf32, #tpu.memory_space<vmem>>, vector<1x16xf32>,
        %get3A_519 = vector.shape_cast %get3A_518 : vector<1x16xf32> to vector<16xf32>
        %get3A_520 = arith.index_cast %scan3A_204 : i32 to index
        %get3A_521 = arith.constant 1008 : index
        %get3A_522 = tpu.vector_load %arg4[%get3A_520, %get3A_521] {strides = array<i32>} : memref<8x4096xf32, #tpu.memory_space<vmem>>, vector<1x16xf32>,
        %get3A_523 = vector.shape_cast %get3A_522 : vector<1x16xf32> to vector<16xf32>
        %add3A_524 = arith.addf %get3A_463, %get3A_467 : vector<16xf32>
        %add3A_525 = arith.addf %get3A_471, %get3A_475 : vector<16xf32>
        %add3A_526 = arith.addf %get3A_479, %get3A_483 : vector<16xf32>
        %add3A_527 = arith.addf %get3A_487, %get3A_491 : vector<16xf32>
        %add3A_528 = arith.addf %get3A_495, %get3A_499 : vector<16xf32>
        %add3A_529 = arith.addf %get3A_503, %get3A_507 : vector<16xf32>
        %add3A_530 = arith.addf %get3A_511, %get3A_515 : vector<16xf32>
        %add3A_531 = arith.addf %get3A_519, %get3A_523 : vector<16xf32>
        %add3A_532 = arith.addf %add3A_524, %add3A_525 : vector<16xf32>
        %add3A_533 = arith.addf %add3A_526, %add3A_527 : vector<16xf32>
        %add3A_534 = arith.addf %add3A_528, %add3A_529 : vector<16xf32>
        %add3A_535 = arith.addf %add3A_530, %add3A_531 : vector<16xf32>
        %add3A_536 = arith.addf %add3A_532, %add3A_533 : vector<16xf32>
        %add3A_537 = arith.addf %add3A_534, %add3A_535 : vector<16xf32>
        %add3A_538 = arith.addf %add3A_536, %add3A_537 : vector<16xf32>
        %add3A_539 = arith.addf %scan3A_208, %add3A_538 : vector<16xf32>
        %get3A_540 = arith.index_cast %scan3A_204 : i32 to index
        %get3A_541 = arith.constant 1024 : index
        %get3A_542 = tpu.vector_load %arg4[%get3A_540, %get3A_541] {strides = array<i32>} : memref<8x4096xf32, #tpu.memory_space<vmem>>, vector<1x16xf32>,
        %get3A_543 = vector.shape_cast %get3A_542 : vector<1x16xf32> to vector<16xf32>
        %get3A_544 = arith.index_cast %scan3A_204 : i32 to index
        %get3A_545 = arith.constant 1040 : index
        %get3A_546 = tpu.vector_load %arg4[%get3A_544, %get3A_545] {strides = array<i32>} : memref<8x4096xf32, #tpu.memory_space<vmem>>, vector<1x16xf32>,
        %get3A_547 = vector.shape_cast %get3A_546 : vector<1x16xf32> to vector<16xf32>
        %get3A_548 = arith.index_cast %scan3A_204 : i32 to index
        %get3A_549 = arith.constant 1056 : index
        %get3A_550 = tpu.vector_load %arg4[%get3A_548, %get3A_549] {strides = array<i32>} : memref<8x4096xf32, #tpu.memory_space<vmem>>, vector<1x16xf32>,
        %get3A_551 = vector.shape_cast %get3A_550 : vector<1x16xf32> to vector<16xf32>
        %get3A_552 = arith.index_cast %scan3A_204 : i32 to index
        %get3A_553 = arith.constant 1072 : index
        %get3A_554 = tpu.vector_load %arg4[%get3A_552, %get3A_553] {strides = array<i32>} : memref<8x4096xf32, #tpu.memory_space<vmem>>, vector<1x16xf32>,
        %get3A_555 = vector.shape_cast %get3A_554 : vector<1x16xf32> to vector<16xf32>
        %get3A_556 = arith.index_cast %scan3A_204 : i32 to index
        %get3A_557 = arith.constant 1088 : index
        %get3A_558 = tpu.vector_load %arg4[%get3A_556, %get3A_557] {strides = array<i32>} : memref<8x4096xf32, #tpu.memory_space<vmem>>, vector<1x16xf32>,
        %get3A_559 = vector.shape_cast %get3A_558 : vector<1x16xf32> to vector<16xf32>
        %get3A_560 = arith.index_cast %scan3A_204 : i32 to index
        %get3A_561 = arith.constant 1104 : index
        %get3A_562 = tpu.vector_load %arg4[%get3A_560, %get3A_561] {strides = array<i32>} : memref<8x4096xf32, #tpu.memory_space<vmem>>, vector<1x16xf32>,
        %get3A_563 = vector.shape_cast %get3A_562 : vector<1x16xf32> to vector<16xf32>
        %get3A_564 = arith.index_cast %scan3A_204 : i32 to index
        %get3A_565 = arith.constant 1120 : index
        %get3A_566 = tpu.vector_load %arg4[%get3A_564, %get3A_565] {strides = array<i32>} : memref<8x4096xf32, #tpu.memory_space<vmem>>, vector<1x16xf32>,
        %get3A_567 = vector.shape_cast %get3A_566 : vector<1x16xf32> to vector<16xf32>
        %get3A_568 = arith.index_cast %scan3A_204 : i32 to index
        %get3A_569 = arith.constant 1136 : index
        %get3A_570 = tpu.vector_load %arg4[%get3A_568, %get3A_569] {strides = array<i32>} : memref<8x4096xf32, #tpu.memory_space<vmem>>, vector<1x16xf32>,
        %get3A_571 = vector.shape_cast %get3A_570 : vector<1x16xf32> to vector<16xf32>
        %get3A_572 = arith.index_cast %scan3A_204 : i32 to index
        %get3A_573 = arith.constant 1152 : index
        %get3A_574 = tpu.vector_load %arg4[%get3A_572, %get3A_573] {strides = array<i32>} : memref<8x4096xf32, #tpu.memory_space<vmem>>, vector<1x16xf32>,
        %get3A_575 = vector.shape_cast %get3A_574 : vector<1x16xf32> to vector<16xf32>
        %get3A_576 = arith.index_cast %scan3A_204 : i32 to index
        %get3A_577 = arith.constant 1168 : index
        %get3A_578 = tpu.vector_load %arg4[%get3A_576, %get3A_577] {strides = array<i32>} : memref<8x4096xf32, #tpu.memory_space<vmem>>, vector<1x16xf32>,
        %get3A_579 = vector.shape_cast %get3A_578 : vector<1x16xf32> to vector<16xf32>
        %get3A_580 = arith.index_cast %scan3A_204 : i32 to index
        %get3A_581 = arith.constant 1184 : index
        %get3A_582 = tpu.vector_load %arg4[%get3A_580, %get3A_581] {strides = array<i32>} : memref<8x4096xf32, #tpu.memory_space<vmem>>, vector<1x16xf32>,
        %get3A_583 = vector.shape_cast %get3A_582 : vector<1x16xf32> to vector<16xf32>
        %get3A_584 = arith.index_cast %scan3A_204 : i32 to index
        %get3A_585 = arith.constant 1200 : index
        %get3A_586 = tpu.vector_load %arg4[%get3A_584, %get3A_585] {strides = array<i32>} : memref<8x4096xf32, #tpu.memory_space<vmem>>, vector<1x16xf32>,
        %get3A_587 = vector.shape_cast %get3A_586 : vector<1x16xf32> to vector<16xf32>
        %get3A_588 = arith.index_cast %scan3A_204 : i32 to index
        %get3A_589 = arith.constant 1216 : index
        %get3A_590 = tpu.vector_load %arg4[%get3A_588, %get3A_589] {strides = array<i32>} : memref<8x4096xf32, #tpu.memory_space<vmem>>, vector<1x16xf32>,
        %get3A_591 = vector.shape_cast %get3A_590 : vector<1x16xf32> to vector<16xf32>
        %get3A_592 = arith.index_cast %scan3A_204 : i32 to index
        %get3A_593 = arith.constant 1232 : index
        %get3A_594 = tpu.vector_load %arg4[%get3A_592, %get3A_593] {strides = array<i32>} : memref<8x4096xf32, #tpu.memory_space<vmem>>, vector<1x16xf32>,
        %get3A_595 = vector.shape_cast %get3A_594 : vector<1x16xf32> to vector<16xf32>
        %get3A_596 = arith.index_cast %scan3A_204 : i32 to index
        %get3A_597 = arith.constant 1248 : index
        %get3A_598 = tpu.vector_load %arg4[%get3A_596, %get3A_597] {strides = array<i32>} : memref<8x4096xf32, #tpu.memory_space<vmem>>, vector<1x16xf32>,
        %get3A_599 = vector.shape_cast %get3A_598 : vector<1x16xf32> to vector<16xf32>
        %get3A_600 = arith.index_cast %scan3A_204 : i32 to index
        %get3A_601 = arith.constant 1264 : index
        %get3A_602 = tpu.vector_load %arg4[%get3A_600, %get3A_601] {strides = array<i32>} : memref<8x4096xf32, #tpu.memory_space<vmem>>, vector<1x16xf32>,
        %get3A_603 = vector.shape_cast %get3A_602 : vector<1x16xf32> to vector<16xf32>
        %add3A_604 = arith.addf %get3A_543, %get3A_547 : vector<16xf32>
        %add3A_605 = arith.addf %get3A_551, %get3A_555 : vector<16xf32>
        %add3A_606 = arith.addf %get3A_559, %get3A_563 : vector<16xf32>
        %add3A_607 = arith.addf %get3A_567, %get3A_571 : vector<16xf32>
        %add3A_608 = arith.addf %get3A_575, %get3A_579 : vector<16xf32>
        %add3A_609 = arith.addf %get3A_583, %get3A_587 : vector<16xf32>
        %add3A_610 = arith.addf %get3A_591, %get3A_595 : vector<16xf32>
        %add3A_611 = arith.addf %get3A_599, %get3A_603 : vector<16xf32>
        %add3A_612 = arith.addf %add3A_604, %add3A_605 : vector<16xf32>
        %add3A_613 = arith.addf %add3A_606, %add3A_607 : vector<16xf32>
        %add3A_614 = arith.addf %add3A_608, %add3A_609 : vector<16xf32>
        %add3A_615 = arith.addf %add3A_610, %add3A_611 : vector<16xf32>
        %add3A_616 = arith.addf %add3A_612, %add3A_613 : vector<16xf32>
        %add3A_617 = arith.addf %add3A_614, %add3A_615 : vector<16xf32>
        %add3A_618 = arith.addf %add3A_616, %add3A_617 : vector<16xf32>
        %add3A_619 = arith.addf %scan3A_209, %add3A_618 : vector<16xf32>
        %get3A_620 = arith.index_cast %scan3A_204 : i32 to index
        %get3A_621 = arith.constant 1280 : index
        %get3A_622 = tpu.vector_load %arg4[%get3A_620, %get3A_621] {strides = array<i32>} : memref<8x4096xf32, #tpu.memory_space<vmem>>, vector<1x16xf32>,
        %get3A_623 = vector.shape_cast %get3A_622 : vector<1x16xf32> to vector<16xf32>
        %get3A_624 = arith.index_cast %scan3A_204 : i32 to index
        %get3A_625 = arith.constant 1296 : index
        %get3A_626 = tpu.vector_load %arg4[%get3A_624, %get3A_625] {strides = array<i32>} : memref<8x4096xf32, #tpu.memory_space<vmem>>, vector<1x16xf32>,
        %get3A_627 = vector.shape_cast %get3A_626 : vector<1x16xf32> to vector<16xf32>
        %get3A_628 = arith.index_cast %scan3A_204 : i32 to index
        %get3A_629 = arith.constant 1312 : index
        %get3A_630 = tpu.vector_load %arg4[%get3A_628, %get3A_629] {strides = array<i32>} : memref<8x4096xf32, #tpu.memory_space<vmem>>, vector<1x16xf32>,
        %get3A_631 = vector.shape_cast %get3A_630 : vector<1x16xf32> to vector<16xf32>
        %get3A_632 = arith.index_cast %scan3A_204 : i32 to index
        %get3A_633 = arith.constant 1328 : index
        %get3A_634 = tpu.vector_load %arg4[%get3A_632, %get3A_633] {strides = array<i32>} : memref<8x4096xf32, #tpu.memory_space<vmem>>, vector<1x16xf32>,
        %get3A_635 = vector.shape_cast %get3A_634 : vector<1x16xf32> to vector<16xf32>
        %get3A_636 = arith.index_cast %scan3A_204 : i32 to index
        %get3A_637 = arith.constant 1344 : index
        %get3A_638 = tpu.vector_load %arg4[%get3A_636, %get3A_637] {strides = array<i32>} : memref<8x4096xf32, #tpu.memory_space<vmem>>, vector<1x16xf32>,
        %get3A_639 = vector.shape_cast %get3A_638 : vector<1x16xf32> to vector<16xf32>
        %get3A_640 = arith.index_cast %scan3A_204 : i32 to index
        %get3A_641 = arith.constant 1360 : index
        %get3A_642 = tpu.vector_load %arg4[%get3A_640, %get3A_641] {strides = array<i32>} : memref<8x4096xf32, #tpu.memory_space<vmem>>, vector<1x16xf32>,
        %get3A_643 = vector.shape_cast %get3A_642 : vector<1x16xf32> to vector<16xf32>
        %get3A_644 = arith.index_cast %scan3A_204 : i32 to index
        %get3A_645 = arith.constant 1376 : index
        %get3A_646 = tpu.vector_load %arg4[%get3A_644, %get3A_645] {strides = array<i32>} : memref<8x4096xf32, #tpu.memory_space<vmem>>, vector<1x16xf32>,
        %get3A_647 = vector.shape_cast %get3A_646 : vector<1x16xf32> to vector<16xf32>
        %get3A_648 = arith.index_cast %scan3A_204 : i32 to index
        %get3A_649 = arith.constant 1392 : index
        %get3A_650 = tpu.vector_load %arg4[%get3A_648, %get3A_649] {strides = array<i32>} : memref<8x4096xf32, #tpu.memory_space<vmem>>, vector<1x16xf32>,
        %get3A_651 = vector.shape_cast %get3A_650 : vector<1x16xf32> to vector<16xf32>
        %get3A_652 = arith.index_cast %scan3A_204 : i32 to index
        %get3A_653 = arith.constant 1408 : index
        %get3A_654 = tpu.vector_load %arg4[%get3A_652, %get3A_653] {strides = array<i32>} : memref<8x4096xf32, #tpu.memory_space<vmem>>, vector<1x16xf32>,
        %get3A_655 = vector.shape_cast %get3A_654 : vector<1x16xf32> to vector<16xf32>
        %get3A_656 = arith.index_cast %scan3A_204 : i32 to index
        %get3A_657 = arith.constant 1424 : index
        %get3A_658 = tpu.vector_load %arg4[%get3A_656, %get3A_657] {strides = array<i32>} : memref<8x4096xf32, #tpu.memory_space<vmem>>, vector<1x16xf32>,
        %get3A_659 = vector.shape_cast %get3A_658 : vector<1x16xf32> to vector<16xf32>
        %get3A_660 = arith.index_cast %scan3A_204 : i32 to index
        %get3A_661 = arith.constant 1440 : index
        %get3A_662 = tpu.vector_load %arg4[%get3A_660, %get3A_661] {strides = array<i32>} : memref<8x4096xf32, #tpu.memory_space<vmem>>, vector<1x16xf32>,
        %get3A_663 = vector.shape_cast %get3A_662 : vector<1x16xf32> to vector<16xf32>
        %get3A_664 = arith.index_cast %scan3A_204 : i32 to index
        %get3A_665 = arith.constant 1456 : index
        %get3A_666 = tpu.vector_load %arg4[%get3A_664, %get3A_665] {strides = array<i32>} : memref<8x4096xf32, #tpu.memory_space<vmem>>, vector<1x16xf32>,
        %get3A_667 = vector.shape_cast %get3A_666 : vector<1x16xf32> to vector<16xf32>
        %get3A_668 = arith.index_cast %scan3A_204 : i32 to index
        %get3A_669 = arith.constant 1472 : index
        %get3A_670 = tpu.vector_load %arg4[%get3A_668, %get3A_669] {strides = array<i32>} : memref<8x4096xf32, #tpu.memory_space<vmem>>, vector<1x16xf32>,
        %get3A_671 = vector.shape_cast %get3A_670 : vector<1x16xf32> to vector<16xf32>
        %get3A_672 = arith.index_cast %scan3A_204 : i32 to index
        %get3A_673 = arith.constant 1488 : index
        %get3A_674 = tpu.vector_load %arg4[%get3A_672, %get3A_673] {strides = array<i32>} : memref<8x4096xf32, #tpu.memory_space<vmem>>, vector<1x16xf32>,
        %get3A_675 = vector.shape_cast %get3A_674 : vector<1x16xf32> to vector<16xf32>
        %get3A_676 = arith.index_cast %scan3A_204 : i32 to index
        %get3A_677 = arith.constant 1504 : index
        %get3A_678 = tpu.vector_load %arg4[%get3A_676, %get3A_677] {strides = array<i32>} : memref<8x4096xf32, #tpu.memory_space<vmem>>, vector<1x16xf32>,
        %get3A_679 = vector.shape_cast %get3A_678 : vector<1x16xf32> to vector<16xf32>
        %get3A_680 = arith.index_cast %scan3A_204 : i32 to index
        %get3A_681 = arith.constant 1520 : index
        %get3A_682 = tpu.vector_load %arg4[%get3A_680, %get3A_681] {strides = array<i32>} : memref<8x4096xf32, #tpu.memory_space<vmem>>, vector<1x16xf32>,
        %get3A_683 = vector.shape_cast %get3A_682 : vector<1x16xf32> to vector<16xf32>
        %add3A_684 = arith.addf %get3A_623, %get3A_627 : vector<16xf32>
        %add3A_685 = arith.addf %get3A_631, %get3A_635 : vector<16xf32>
        %add3A_686 = arith.addf %get3A_639, %get3A_643 : vector<16xf32>
        %add3A_687 = arith.addf %get3A_647, %get3A_651 : vector<16xf32>
        %add3A_688 = arith.addf %get3A_655, %get3A_659 : vector<16xf32>
        %add3A_689 = arith.addf %get3A_663, %get3A_667 : vector<16xf32>
        %add3A_690 = arith.addf %get3A_671, %get3A_675 : vector<16xf32>
        %add3A_691 = arith.addf %get3A_679, %get3A_683 : vector<16xf32>
        %add3A_692 = arith.addf %add3A_684, %add3A_685 : vector<16xf32>
        %add3A_693 = arith.addf %add3A_686, %add3A_687 : vector<16xf32>
        %add3A_694 = arith.addf %add3A_688, %add3A_689 : vector<16xf32>
        %add3A_695 = arith.addf %add3A_690, %add3A_691 : vector<16xf32>
        %add3A_696 = arith.addf %add3A_692, %add3A_693 : vector<16xf32>
        %add3A_697 = arith.addf %add3A_694, %add3A_695 : vector<16xf32>
        %add3A_698 = arith.addf %add3A_696, %add3A_697 : vector<16xf32>
        %add3A_699 = arith.addf %scan3A_210, %add3A_698 : vector<16xf32>
        %get3A_700 = arith.index_cast %scan3A_204 : i32 to index
        %get3A_701 = arith.constant 1536 : index
        %get3A_702 = tpu.vector_load %arg4[%get3A_700, %get3A_701] {strides = array<i32>} : memref<8x4096xf32, #tpu.memory_space<vmem>>, vector<1x16xf32>,
        %get3A_703 = vector.shape_cast %get3A_702 : vector<1x16xf32> to vector<16xf32>
        %get3A_704 = arith.index_cast %scan3A_204 : i32 to index
        %get3A_705 = arith.constant 1552 : index
        %get3A_706 = tpu.vector_load %arg4[%get3A_704, %get3A_705] {strides = array<i32>} : memref<8x4096xf32, #tpu.memory_space<vmem>>, vector<1x16xf32>,
        %get3A_707 = vector.shape_cast %get3A_706 : vector<1x16xf32> to vector<16xf32>
        %get3A_708 = arith.index_cast %scan3A_204 : i32 to index
        %get3A_709 = arith.constant 1568 : index
        %get3A_710 = tpu.vector_load %arg4[%get3A_708, %get3A_709] {strides = array<i32>} : memref<8x4096xf32, #tpu.memory_space<vmem>>, vector<1x16xf32>,
        %get3A_711 = vector.shape_cast %get3A_710 : vector<1x16xf32> to vector<16xf32>
        %get3A_712 = arith.index_cast %scan3A_204 : i32 to index
        %get3A_713 = arith.constant 1584 : index
        %get3A_714 = tpu.vector_load %arg4[%get3A_712, %get3A_713] {strides = array<i32>} : memref<8x4096xf32, #tpu.memory_space<vmem>>, vector<1x16xf32>,
        %get3A_715 = vector.shape_cast %get3A_714 : vector<1x16xf32> to vector<16xf32>
        %get3A_716 = arith.index_cast %scan3A_204 : i32 to index
        %get3A_717 = arith.constant 1600 : index
        %get3A_718 = tpu.vector_load %arg4[%get3A_716, %get3A_717] {strides = array<i32>} : memref<8x4096xf32, #tpu.memory_space<vmem>>, vector<1x16xf32>,
        %get3A_719 = vector.shape_cast %get3A_718 : vector<1x16xf32> to vector<16xf32>
        %get3A_720 = arith.index_cast %scan3A_204 : i32 to index
        %get3A_721 = arith.constant 1616 : index
        %get3A_722 = tpu.vector_load %arg4[%get3A_720, %get3A_721] {strides = array<i32>} : memref<8x4096xf32, #tpu.memory_space<vmem>>, vector<1x16xf32>,
        %get3A_723 = vector.shape_cast %get3A_722 : vector<1x16xf32> to vector<16xf32>
        %get3A_724 = arith.index_cast %scan3A_204 : i32 to index
        %get3A_725 = arith.constant 1632 : index
        %get3A_726 = tpu.vector_load %arg4[%get3A_724, %get3A_725] {strides = array<i32>} : memref<8x4096xf32, #tpu.memory_space<vmem>>, vector<1x16xf32>,
        %get3A_727 = vector.shape_cast %get3A_726 : vector<1x16xf32> to vector<16xf32>
        %get3A_728 = arith.index_cast %scan3A_204 : i32 to index
        %get3A_729 = arith.constant 1648 : index
        %get3A_730 = tpu.vector_load %arg4[%get3A_728, %get3A_729] {strides = array<i32>} : memref<8x4096xf32, #tpu.memory_space<vmem>>, vector<1x16xf32>,
        %get3A_731 = vector.shape_cast %get3A_730 : vector<1x16xf32> to vector<16xf32>
        %get3A_732 = arith.index_cast %scan3A_204 : i32 to index
        %get3A_733 = arith.constant 1664 : index
        %get3A_734 = tpu.vector_load %arg4[%get3A_732, %get3A_733] {strides = array<i32>} : memref<8x4096xf32, #tpu.memory_space<vmem>>, vector<1x16xf32>,
        %get3A_735 = vector.shape_cast %get3A_734 : vector<1x16xf32> to vector<16xf32>
        %get3A_736 = arith.index_cast %scan3A_204 : i32 to index
        %get3A_737 = arith.constant 1680 : index
        %get3A_738 = tpu.vector_load %arg4[%get3A_736, %get3A_737] {strides = array<i32>} : memref<8x4096xf32, #tpu.memory_space<vmem>>, vector<1x16xf32>,
        %get3A_739 = vector.shape_cast %get3A_738 : vector<1x16xf32> to vector<16xf32>
        %get3A_740 = arith.index_cast %scan3A_204 : i32 to index
        %get3A_741 = arith.constant 1696 : index
        %get3A_742 = tpu.vector_load %arg4[%get3A_740, %get3A_741] {strides = array<i32>} : memref<8x4096xf32, #tpu.memory_space<vmem>>, vector<1x16xf32>,
        %get3A_743 = vector.shape_cast %get3A_742 : vector<1x16xf32> to vector<16xf32>
        %get3A_744 = arith.index_cast %scan3A_204 : i32 to index
        %get3A_745 = arith.constant 1712 : index
        %get3A_746 = tpu.vector_load %arg4[%get3A_744, %get3A_745] {strides = array<i32>} : memref<8x4096xf32, #tpu.memory_space<vmem>>, vector<1x16xf32>,
        %get3A_747 = vector.shape_cast %get3A_746 : vector<1x16xf32> to vector<16xf32>
        %get3A_748 = arith.index_cast %scan3A_204 : i32 to index
        %get3A_749 = arith.constant 1728 : index
        %get3A_750 = tpu.vector_load %arg4[%get3A_748, %get3A_749] {strides = array<i32>} : memref<8x4096xf32, #tpu.memory_space<vmem>>, vector<1x16xf32>,
        %get3A_751 = vector.shape_cast %get3A_750 : vector<1x16xf32> to vector<16xf32>
        %get3A_752 = arith.index_cast %scan3A_204 : i32 to index
        %get3A_753 = arith.constant 1744 : index
        %get3A_754 = tpu.vector_load %arg4[%get3A_752, %get3A_753] {strides = array<i32>} : memref<8x4096xf32, #tpu.memory_space<vmem>>, vector<1x16xf32>,
        %get3A_755 = vector.shape_cast %get3A_754 : vector<1x16xf32> to vector<16xf32>
        %get3A_756 = arith.index_cast %scan3A_204 : i32 to index
        %get3A_757 = arith.constant 1760 : index
        %get3A_758 = tpu.vector_load %arg4[%get3A_756, %get3A_757] {strides = array<i32>} : memref<8x4096xf32, #tpu.memory_space<vmem>>, vector<1x16xf32>,
        %get3A_759 = vector.shape_cast %get3A_758 : vector<1x16xf32> to vector<16xf32>
        %get3A_760 = arith.index_cast %scan3A_204 : i32 to index
        %get3A_761 = arith.constant 1776 : index
        %get3A_762 = tpu.vector_load %arg4[%get3A_760, %get3A_761] {strides = array<i32>} : memref<8x4096xf32, #tpu.memory_space<vmem>>, vector<1x16xf32>,
        %get3A_763 = vector.shape_cast %get3A_762 : vector<1x16xf32> to vector<16xf32>
        %add3A_764 = arith.addf %get3A_703, %get3A_707 : vector<16xf32>
        %add3A_765 = arith.addf %get3A_711, %get3A_715 : vector<16xf32>
        %add3A_766 = arith.addf %get3A_719, %get3A_723 : vector<16xf32>
        %add3A_767 = arith.addf %get3A_727, %get3A_731 : vector<16xf32>
        %add3A_768 = arith.addf %get3A_735, %get3A_739 : vector<16xf32>
        %add3A_769 = arith.addf %get3A_743, %get3A_747 : vector<16xf32>
        %add3A_770 = arith.addf %get3A_751, %get3A_755 : vector<16xf32>
        %add3A_771 = arith.addf %get3A_759, %get3A_763 : vector<16xf32>
        %add3A_772 = arith.addf %add3A_764, %add3A_765 : vector<16xf32>
        %add3A_773 = arith.addf %add3A_766, %add3A_767 : vector<16xf32>
        %add3A_774 = arith.addf %add3A_768, %add3A_769 : vector<16xf32>
        %add3A_775 = arith.addf %add3A_770, %add3A_771 : vector<16xf32>
        %add3A_776 = arith.addf %add3A_772, %add3A_773 : vector<16xf32>
        %add3A_777 = arith.addf %add3A_774, %add3A_775 : vector<16xf32>
        %add3A_778 = arith.addf %add3A_776, %add3A_777 : vector<16xf32>
        %add3A_779 = arith.addf %scan3A_211, %add3A_778 : vector<16xf32>
        %get3A_780 = arith.index_cast %scan3A_204 : i32 to index
        %get3A_781 = arith.constant 1792 : index
        %get3A_782 = tpu.vector_load %arg4[%get3A_780, %get3A_781] {strides = array<i32>} : memref<8x4096xf32, #tpu.memory_space<vmem>>, vector<1x16xf32>,
        %get3A_783 = vector.shape_cast %get3A_782 : vector<1x16xf32> to vector<16xf32>
        %get3A_784 = arith.index_cast %scan3A_204 : i32 to index
        %get3A_785 = arith.constant 1808 : index
        %get3A_786 = tpu.vector_load %arg4[%get3A_784, %get3A_785] {strides = array<i32>} : memref<8x4096xf32, #tpu.memory_space<vmem>>, vector<1x16xf32>,
        %get3A_787 = vector.shape_cast %get3A_786 : vector<1x16xf32> to vector<16xf32>
        %get3A_788 = arith.index_cast %scan3A_204 : i32 to index
        %get3A_789 = arith.constant 1824 : index
        %get3A_790 = tpu.vector_load %arg4[%get3A_788, %get3A_789] {strides = array<i32>} : memref<8x4096xf32, #tpu.memory_space<vmem>>, vector<1x16xf32>,
        %get3A_791 = vector.shape_cast %get3A_790 : vector<1x16xf32> to vector<16xf32>
        %get3A_792 = arith.index_cast %scan3A_204 : i32 to index
        %get3A_793 = arith.constant 1840 : index
        %get3A_794 = tpu.vector_load %arg4[%get3A_792, %get3A_793] {strides = array<i32>} : memref<8x4096xf32, #tpu.memory_space<vmem>>, vector<1x16xf32>,
        %get3A_795 = vector.shape_cast %get3A_794 : vector<1x16xf32> to vector<16xf32>
        %get3A_796 = arith.index_cast %scan3A_204 : i32 to index
        %get3A_797 = arith.constant 1856 : index
        %get3A_798 = tpu.vector_load %arg4[%get3A_796, %get3A_797] {strides = array<i32>} : memref<8x4096xf32, #tpu.memory_space<vmem>>, vector<1x16xf32>,
        %get3A_799 = vector.shape_cast %get3A_798 : vector<1x16xf32> to vector<16xf32>
        %get3A_800 = arith.index_cast %scan3A_204 : i32 to index
        %get3A_801 = arith.constant 1872 : index
        %get3A_802 = tpu.vector_load %arg4[%get3A_800, %get3A_801] {strides = array<i32>} : memref<8x4096xf32, #tpu.memory_space<vmem>>, vector<1x16xf32>,
        %get3A_803 = vector.shape_cast %get3A_802 : vector<1x16xf32> to vector<16xf32>
        %get3A_804 = arith.index_cast %scan3A_204 : i32 to index
        %get3A_805 = arith.constant 1888 : index
        %get3A_806 = tpu.vector_load %arg4[%get3A_804, %get3A_805] {strides = array<i32>} : memref<8x4096xf32, #tpu.memory_space<vmem>>, vector<1x16xf32>,
        %get3A_807 = vector.shape_cast %get3A_806 : vector<1x16xf32> to vector<16xf32>
        %get3A_808 = arith.index_cast %scan3A_204 : i32 to index
        %get3A_809 = arith.constant 1904 : index
        %get3A_810 = tpu.vector_load %arg4[%get3A_808, %get3A_809] {strides = array<i32>} : memref<8x4096xf32, #tpu.memory_space<vmem>>, vector<1x16xf32>,
        %get3A_811 = vector.shape_cast %get3A_810 : vector<1x16xf32> to vector<16xf32>
        %get3A_812 = arith.index_cast %scan3A_204 : i32 to index
        %get3A_813 = arith.constant 1920 : index
        %get3A_814 = tpu.vector_load %arg4[%get3A_812, %get3A_813] {strides = array<i32>} : memref<8x4096xf32, #tpu.memory_space<vmem>>, vector<1x16xf32>,
        %get3A_815 = vector.shape_cast %get3A_814 : vector<1x16xf32> to vector<16xf32>
        %get3A_816 = arith.index_cast %scan3A_204 : i32 to index
        %get3A_817 = arith.constant 1936 : index
        %get3A_818 = tpu.vector_load %arg4[%get3A_816, %get3A_817] {strides = array<i32>} : memref<8x4096xf32, #tpu.memory_space<vmem>>, vector<1x16xf32>,
        %get3A_819 = vector.shape_cast %get3A_818 : vector<1x16xf32> to vector<16xf32>
        %get3A_820 = arith.index_cast %scan3A_204 : i32 to index
        %get3A_821 = arith.constant 1952 : index
        %get3A_822 = tpu.vector_load %arg4[%get3A_820, %get3A_821] {strides = array<i32>} : memref<8x4096xf32, #tpu.memory_space<vmem>>, vector<1x16xf32>,
        %get3A_823 = vector.shape_cast %get3A_822 : vector<1x16xf32> to vector<16xf32>
        %get3A_824 = arith.index_cast %scan3A_204 : i32 to index
        %get3A_825 = arith.constant 1968 : index
        %get3A_826 = tpu.vector_load %arg4[%get3A_824, %get3A_825] {strides = array<i32>} : memref<8x4096xf32, #tpu.memory_space<vmem>>, vector<1x16xf32>,
        %get3A_827 = vector.shape_cast %get3A_826 : vector<1x16xf32> to vector<16xf32>
        %get3A_828 = arith.index_cast %scan3A_204 : i32 to index
        %get3A_829 = arith.constant 1984 : index
        %get3A_830 = tpu.vector_load %arg4[%get3A_828, %get3A_829] {strides = array<i32>} : memref<8x4096xf32, #tpu.memory_space<vmem>>, vector<1x16xf32>,
        %get3A_831 = vector.shape_cast %get3A_830 : vector<1x16xf32> to vector<16xf32>
        %get3A_832 = arith.index_cast %scan3A_204 : i32 to index
        %get3A_833 = arith.constant 2000 : index
        %get3A_834 = tpu.vector_load %arg4[%get3A_832, %get3A_833] {strides = array<i32>} : memref<8x4096xf32, #tpu.memory_space<vmem>>, vector<1x16xf32>,
        %get3A_835 = vector.shape_cast %get3A_834 : vector<1x16xf32> to vector<16xf32>
        %get3A_836 = arith.index_cast %scan3A_204 : i32 to index
        %get3A_837 = arith.constant 2016 : index
        %get3A_838 = tpu.vector_load %arg4[%get3A_836, %get3A_837] {strides = array<i32>} : memref<8x4096xf32, #tpu.memory_space<vmem>>, vector<1x16xf32>,
        %get3A_839 = vector.shape_cast %get3A_838 : vector<1x16xf32> to vector<16xf32>
        %get3A_840 = arith.index_cast %scan3A_204 : i32 to index
        %get3A_841 = arith.constant 2032 : index
        %get3A_842 = tpu.vector_load %arg4[%get3A_840, %get3A_841] {strides = array<i32>} : memref<8x4096xf32, #tpu.memory_space<vmem>>, vector<1x16xf32>,
        %get3A_843 = vector.shape_cast %get3A_842 : vector<1x16xf32> to vector<16xf32>
        %add3A_844 = arith.addf %get3A_783, %get3A_787 : vector<16xf32>
        %add3A_845 = arith.addf %get3A_791, %get3A_795 : vector<16xf32>
        %add3A_846 = arith.addf %get3A_799, %get3A_803 : vector<16xf32>
        %add3A_847 = arith.addf %get3A_807, %get3A_811 : vector<16xf32>
        %add3A_848 = arith.addf %get3A_815, %get3A_819 : vector<16xf32>
        %add3A_849 = arith.addf %get3A_823, %get3A_827 : vector<16xf32>
        %add3A_850 = arith.addf %get3A_831, %get3A_835 : vector<16xf32>
        %add3A_851 = arith.addf %get3A_839, %get3A_843 : vector<16xf32>
        %add3A_852 = arith.addf %add3A_844, %add3A_845 : vector<16xf32>
        %add3A_853 = arith.addf %add3A_846, %add3A_847 : vector<16xf32>
        %add3A_854 = arith.addf %add3A_848, %add3A_849 : vector<16xf32>
        %add3A_855 = arith.addf %add3A_850, %add3A_851 : vector<16xf32>
        %add3A_856 = arith.addf %add3A_852, %add3A_853 : vector<16xf32>
        %add3A_857 = arith.addf %add3A_854, %add3A_855 : vector<16xf32>
        %add3A_858 = arith.addf %add3A_856, %add3A_857 : vector<16xf32>
        %add3A_859 = arith.addf %scan3A_212, %add3A_858 : vector<16xf32>
        %get3A_860 = arith.index_cast %scan3A_204 : i32 to index
        %get3A_861 = arith.constant 2048 : index
        %get3A_862 = tpu.vector_load %arg4[%get3A_860, %get3A_861] {strides = array<i32>} : memref<8x4096xf32, #tpu.memory_space<vmem>>, vector<1x16xf32>,
        %get3A_863 = vector.shape_cast %get3A_862 : vector<1x16xf32> to vector<16xf32>
        %get3A_864 = arith.index_cast %scan3A_204 : i32 to index
        %get3A_865 = arith.constant 2064 : index
        %get3A_866 = tpu.vector_load %arg4[%get3A_864, %get3A_865] {strides = array<i32>} : memref<8x4096xf32, #tpu.memory_space<vmem>>, vector<1x16xf32>,
        %get3A_867 = vector.shape_cast %get3A_866 : vector<1x16xf32> to vector<16xf32>
        %get3A_868 = arith.index_cast %scan3A_204 : i32 to index
        %get3A_869 = arith.constant 2080 : index
        %get3A_870 = tpu.vector_load %arg4[%get3A_868, %get3A_869] {strides = array<i32>} : memref<8x4096xf32, #tpu.memory_space<vmem>>, vector<1x16xf32>,
        %get3A_871 = vector.shape_cast %get3A_870 : vector<1x16xf32> to vector<16xf32>
        %get3A_872 = arith.index_cast %scan3A_204 : i32 to index
        %get3A_873 = arith.constant 2096 : index
        %get3A_874 = tpu.vector_load %arg4[%get3A_872, %get3A_873] {strides = array<i32>} : memref<8x4096xf32, #tpu.memory_space<vmem>>, vector<1x16xf32>,
        %get3A_875 = vector.shape_cast %get3A_874 : vector<1x16xf32> to vector<16xf32>
        %get3A_876 = arith.index_cast %scan3A_204 : i32 to index
        %get3A_877 = arith.constant 2112 : index
        %get3A_878 = tpu.vector_load %arg4[%get3A_876, %get3A_877] {strides = array<i32>} : memref<8x4096xf32, #tpu.memory_space<vmem>>, vector<1x16xf32>,
        %get3A_879 = vector.shape_cast %get3A_878 : vector<1x16xf32> to vector<16xf32>
        %get3A_880 = arith.index_cast %scan3A_204 : i32 to index
        %get3A_881 = arith.constant 2128 : index
        %get3A_882 = tpu.vector_load %arg4[%get3A_880, %get3A_881] {strides = array<i32>} : memref<8x4096xf32, #tpu.memory_space<vmem>>, vector<1x16xf32>,
        %get3A_883 = vector.shape_cast %get3A_882 : vector<1x16xf32> to vector<16xf32>
        %get3A_884 = arith.index_cast %scan3A_204 : i32 to index
        %get3A_885 = arith.constant 2144 : index
        %get3A_886 = tpu.vector_load %arg4[%get3A_884, %get3A_885] {strides = array<i32>} : memref<8x4096xf32, #tpu.memory_space<vmem>>, vector<1x16xf32>,
        %get3A_887 = vector.shape_cast %get3A_886 : vector<1x16xf32> to vector<16xf32>
        %get3A_888 = arith.index_cast %scan3A_204 : i32 to index
        %get3A_889 = arith.constant 2160 : index
        %get3A_890 = tpu.vector_load %arg4[%get3A_888, %get3A_889] {strides = array<i32>} : memref<8x4096xf32, #tpu.memory_space<vmem>>, vector<1x16xf32>,
        %get3A_891 = vector.shape_cast %get3A_890 : vector<1x16xf32> to vector<16xf32>
        %get3A_892 = arith.index_cast %scan3A_204 : i32 to index
        %get3A_893 = arith.constant 2176 : index
        %get3A_894 = tpu.vector_load %arg4[%get3A_892, %get3A_893] {strides = array<i32>} : memref<8x4096xf32, #tpu.memory_space<vmem>>, vector<1x16xf32>,
        %get3A_895 = vector.shape_cast %get3A_894 : vector<1x16xf32> to vector<16xf32>
        %get3A_896 = arith.index_cast %scan3A_204 : i32 to index
        %get3A_897 = arith.constant 2192 : index
        %get3A_898 = tpu.vector_load %arg4[%get3A_896, %get3A_897] {strides = array<i32>} : memref<8x4096xf32, #tpu.memory_space<vmem>>, vector<1x16xf32>,
        %get3A_899 = vector.shape_cast %get3A_898 : vector<1x16xf32> to vector<16xf32>
        %get3A_900 = arith.index_cast %scan3A_204 : i32 to index
        %get3A_901 = arith.constant 2208 : index
        %get3A_902 = tpu.vector_load %arg4[%get3A_900, %get3A_901] {strides = array<i32>} : memref<8x4096xf32, #tpu.memory_space<vmem>>, vector<1x16xf32>,
        %get3A_903 = vector.shape_cast %get3A_902 : vector<1x16xf32> to vector<16xf32>
        %get3A_904 = arith.index_cast %scan3A_204 : i32 to index
        %get3A_905 = arith.constant 2224 : index
        %get3A_906 = tpu.vector_load %arg4[%get3A_904, %get3A_905] {strides = array<i32>} : memref<8x4096xf32, #tpu.memory_space<vmem>>, vector<1x16xf32>,
        %get3A_907 = vector.shape_cast %get3A_906 : vector<1x16xf32> to vector<16xf32>
        %get3A_908 = arith.index_cast %scan3A_204 : i32 to index
        %get3A_909 = arith.constant 2240 : index
        %get3A_910 = tpu.vector_load %arg4[%get3A_908, %get3A_909] {strides = array<i32>} : memref<8x4096xf32, #tpu.memory_space<vmem>>, vector<1x16xf32>,
        %get3A_911 = vector.shape_cast %get3A_910 : vector<1x16xf32> to vector<16xf32>
        %get3A_912 = arith.index_cast %scan3A_204 : i32 to index
        %get3A_913 = arith.constant 2256 : index
        %get3A_914 = tpu.vector_load %arg4[%get3A_912, %get3A_913] {strides = array<i32>} : memref<8x4096xf32, #tpu.memory_space<vmem>>, vector<1x16xf32>,
        %get3A_915 = vector.shape_cast %get3A_914 : vector<1x16xf32> to vector<16xf32>
        %get3A_916 = arith.index_cast %scan3A_204 : i32 to index
        %get3A_917 = arith.constant 2272 : index
        %get3A_918 = tpu.vector_load %arg4[%get3A_916, %get3A_917] {strides = array<i32>} : memref<8x4096xf32, #tpu.memory_space<vmem>>, vector<1x16xf32>,
        %get3A_919 = vector.shape_cast %get3A_918 : vector<1x16xf32> to vector<16xf32>
        %get3A_920 = arith.index_cast %scan3A_204 : i32 to index
        %get3A_921 = arith.constant 2288 : index
        %get3A_922 = tpu.vector_load %arg4[%get3A_920, %get3A_921] {strides = array<i32>} : memref<8x4096xf32, #tpu.memory_space<vmem>>, vector<1x16xf32>,
        %get3A_923 = vector.shape_cast %get3A_922 : vector<1x16xf32> to vector<16xf32>
        %add3A_924 = arith.addf %get3A_863, %get3A_867 : vector<16xf32>
        %add3A_925 = arith.addf %get3A_871, %get3A_875 : vector<16xf32>
        %add3A_926 = arith.addf %get3A_879, %get3A_883 : vector<16xf32>
        %add3A_927 = arith.addf %get3A_887, %get3A_891 : vector<16xf32>
        %add3A_928 = arith.addf %get3A_895, %get3A_899 : vector<16xf32>
        %add3A_929 = arith.addf %get3A_903, %get3A_907 : vector<16xf32>
        %add3A_930 = arith.addf %get3A_911, %get3A_915 : vector<16xf32>
        %add3A_931 = arith.addf %get3A_919, %get3A_923 : vector<16xf32>
        %add3A_932 = arith.addf %add3A_924, %add3A_925 : vector<16xf32>
        %add3A_933 = arith.addf %add3A_926, %add3A_927 : vector<16xf32>
        %add3A_934 = arith.addf %add3A_928, %add3A_929 : vector<16xf32>
        %add3A_935 = arith.addf %add3A_930, %add3A_931 : vector<16xf32>
        %add3A_936 = arith.addf %add3A_932, %add3A_933 : vector<16xf32>
        %add3A_937 = arith.addf %add3A_934, %add3A_935 : vector<16xf32>
        %add3A_938 = arith.addf %add3A_936, %add3A_937 : vector<16xf32>
        %add3A_939 = arith.addf %scan3A_213, %add3A_938 : vector<16xf32>
        %get3A_940 = arith.index_cast %scan3A_204 : i32 to index
        %get3A_941 = arith.constant 2304 : index
        %get3A_942 = tpu.vector_load %arg4[%get3A_940, %get3A_941] {strides = array<i32>} : memref<8x4096xf32, #tpu.memory_space<vmem>>, vector<1x16xf32>,
        %get3A_943 = vector.shape_cast %get3A_942 : vector<1x16xf32> to vector<16xf32>
        %get3A_944 = arith.index_cast %scan3A_204 : i32 to index
        %get3A_945 = arith.constant 2320 : index
        %get3A_946 = tpu.vector_load %arg4[%get3A_944, %get3A_945] {strides = array<i32>} : memref<8x4096xf32, #tpu.memory_space<vmem>>, vector<1x16xf32>,
        %get3A_947 = vector.shape_cast %get3A_946 : vector<1x16xf32> to vector<16xf32>
        %get3A_948 = arith.index_cast %scan3A_204 : i32 to index
        %get3A_949 = arith.constant 2336 : index
        %get3A_950 = tpu.vector_load %arg4[%get3A_948, %get3A_949] {strides = array<i32>} : memref<8x4096xf32, #tpu.memory_space<vmem>>, vector<1x16xf32>,
        %get3A_951 = vector.shape_cast %get3A_950 : vector<1x16xf32> to vector<16xf32>
        %get3A_952 = arith.index_cast %scan3A_204 : i32 to index
        %get3A_953 = arith.constant 2352 : index
        %get3A_954 = tpu.vector_load %arg4[%get3A_952, %get3A_953] {strides = array<i32>} : memref<8x4096xf32, #tpu.memory_space<vmem>>, vector<1x16xf32>,
        %get3A_955 = vector.shape_cast %get3A_954 : vector<1x16xf32> to vector<16xf32>
        %get3A_956 = arith.index_cast %scan3A_204 : i32 to index
        %get3A_957 = arith.constant 2368 : index
        %get3A_958 = tpu.vector_load %arg4[%get3A_956, %get3A_957] {strides = array<i32>} : memref<8x4096xf32, #tpu.memory_space<vmem>>, vector<1x16xf32>,
        %get3A_959 = vector.shape_cast %get3A_958 : vector<1x16xf32> to vector<16xf32>
        %get3A_960 = arith.index_cast %scan3A_204 : i32 to index
        %get3A_961 = arith.constant 2384 : index
        %get3A_962 = tpu.vector_load %arg4[%get3A_960, %get3A_961] {strides = array<i32>} : memref<8x4096xf32, #tpu.memory_space<vmem>>, vector<1x16xf32>,
        %get3A_963 = vector.shape_cast %get3A_962 : vector<1x16xf32> to vector<16xf32>
        %get3A_964 = arith.index_cast %scan3A_204 : i32 to index
        %get3A_965 = arith.constant 2400 : index
        %get3A_966 = tpu.vector_load %arg4[%get3A_964, %get3A_965] {strides = array<i32>} : memref<8x4096xf32, #tpu.memory_space<vmem>>, vector<1x16xf32>,
        %get3A_967 = vector.shape_cast %get3A_966 : vector<1x16xf32> to vector<16xf32>
        %get3A_968 = arith.index_cast %scan3A_204 : i32 to index
        %get3A_969 = arith.constant 2416 : index
        %get3A_970 = tpu.vector_load %arg4[%get3A_968, %get3A_969] {strides = array<i32>} : memref<8x4096xf32, #tpu.memory_space<vmem>>, vector<1x16xf32>,
        %get3A_971 = vector.shape_cast %get3A_970 : vector<1x16xf32> to vector<16xf32>
        %get3A_972 = arith.index_cast %scan3A_204 : i32 to index
        %get3A_973 = arith.constant 2432 : index
        %get3A_974 = tpu.vector_load %arg4[%get3A_972, %get3A_973] {strides = array<i32>} : memref<8x4096xf32, #tpu.memory_space<vmem>>, vector<1x16xf32>,
        %get3A_975 = vector.shape_cast %get3A_974 : vector<1x16xf32> to vector<16xf32>
        %get3A_976 = arith.index_cast %scan3A_204 : i32 to index
        %get3A_977 = arith.constant 2448 : index
        %get3A_978 = tpu.vector_load %arg4[%get3A_976, %get3A_977] {strides = array<i32>} : memref<8x4096xf32, #tpu.memory_space<vmem>>, vector<1x16xf32>,
        %get3A_979 = vector.shape_cast %get3A_978 : vector<1x16xf32> to vector<16xf32>
        %get3A_980 = arith.index_cast %scan3A_204 : i32 to index
        %get3A_981 = arith.constant 2464 : index
        %get3A_982 = tpu.vector_load %arg4[%get3A_980, %get3A_981] {strides = array<i32>} : memref<8x4096xf32, #tpu.memory_space<vmem>>, vector<1x16xf32>,
        %get3A_983 = vector.shape_cast %get3A_982 : vector<1x16xf32> to vector<16xf32>
        %get3A_984 = arith.index_cast %scan3A_204 : i32 to index
        %get3A_985 = arith.constant 2480 : index
        %get3A_986 = tpu.vector_load %arg4[%get3A_984, %get3A_985] {strides = array<i32>} : memref<8x4096xf32, #tpu.memory_space<vmem>>, vector<1x16xf32>,
        %get3A_987 = vector.shape_cast %get3A_986 : vector<1x16xf32> to vector<16xf32>
        %get3A_988 = arith.index_cast %scan3A_204 : i32 to index
        %get3A_989 = arith.constant 2496 : index
        %get3A_990 = tpu.vector_load %arg4[%get3A_988, %get3A_989] {strides = array<i32>} : memref<8x4096xf32, #tpu.memory_space<vmem>>, vector<1x16xf32>,
        %get3A_991 = vector.shape_cast %get3A_990 : vector<1x16xf32> to vector<16xf32>
        %get3A_992 = arith.index_cast %scan3A_204 : i32 to index
        %get3A_993 = arith.constant 2512 : index
        %get3A_994 = tpu.vector_load %arg4[%get3A_992, %get3A_993] {strides = array<i32>} : memref<8x4096xf32, #tpu.memory_space<vmem>>, vector<1x16xf32>,
        %get3A_995 = vector.shape_cast %get3A_994 : vector<1x16xf32> to vector<16xf32>
        %get3A_996 = arith.index_cast %scan3A_204 : i32 to index
        %get3A_997 = arith.constant 2528 : index
        %get3A_998 = tpu.vector_load %arg4[%get3A_996, %get3A_997] {strides = array<i32>} : memref<8x4096xf32, #tpu.memory_space<vmem>>, vector<1x16xf32>,
        %get3A_999 = vector.shape_cast %get3A_998 : vector<1x16xf32> to vector<16xf32>
        %get3A_1000 = arith.index_cast %scan3A_204 : i32 to index
        %get3A_1001 = arith.constant 2544 : index
        %get3A_1002 = tpu.vector_load %arg4[%get3A_1000, %get3A_1001] {strides = array<i32>} : memref<8x4096xf32, #tpu.memory_space<vmem>>, vector<1x16xf32>,
        %get3A_1003 = vector.shape_cast %get3A_1002 : vector<1x16xf32> to vector<16xf32>
        %add3A_1004 = arith.addf %get3A_943, %get3A_947 : vector<16xf32>
        %add3A_1005 = arith.addf %get3A_951, %get3A_955 : vector<16xf32>
        %add3A_1006 = arith.addf %get3A_959, %get3A_963 : vector<16xf32>
        %add3A_1007 = arith.addf %get3A_967, %get3A_971 : vector<16xf32>
        %add3A_1008 = arith.addf %get3A_975, %get3A_979 : vector<16xf32>
        %add3A_1009 = arith.addf %get3A_983, %get3A_987 : vector<16xf32>
        %add3A_1010 = arith.addf %get3A_991, %get3A_995 : vector<16xf32>
        %add3A_1011 = arith.addf %get3A_999, %get3A_1003 : vector<16xf32>
        %add3A_1012 = arith.addf %add3A_1004, %add3A_1005 : vector<16xf32>
        %add3A_1013 = arith.addf %add3A_1006, %add3A_1007 : vector<16xf32>
        %add3A_1014 = arith.addf %add3A_1008, %add3A_1009 : vector<16xf32>
        %add3A_1015 = arith.addf %add3A_1010, %add3A_1011 : vector<16xf32>
        %add3A_1016 = arith.addf %add3A_1012, %add3A_1013 : vector<16xf32>
        %add3A_1017 = arith.addf %add3A_1014, %add3A_1015 : vector<16xf32>
        %add3A_1018 = arith.addf %add3A_1016, %add3A_1017 : vector<16xf32>
        %add3A_1019 = arith.addf %scan3A_214, %add3A_1018 : vector<16xf32>
        %get3A_1020 = arith.index_cast %scan3A_204 : i32 to index
        %get3A_1021 = arith.constant 2560 : index
        %get3A_1022 = tpu.vector_load %arg4[%get3A_1020, %get3A_1021] {strides = array<i32>} : memref<8x4096xf32, #tpu.memory_space<vmem>>, vector<1x16xf32>,
        %get3A_1023 = vector.shape_cast %get3A_1022 : vector<1x16xf32> to vector<16xf32>
        %get3A_1024 = arith.index_cast %scan3A_204 : i32 to index
        %get3A_1025 = arith.constant 2576 : index
        %get3A_1026 = tpu.vector_load %arg4[%get3A_1024, %get3A_1025] {strides = array<i32>} : memref<8x4096xf32, #tpu.memory_space<vmem>>, vector<1x16xf32>,
        %get3A_1027 = vector.shape_cast %get3A_1026 : vector<1x16xf32> to vector<16xf32>
        %get3A_1028 = arith.index_cast %scan3A_204 : i32 to index
        %get3A_1029 = arith.constant 2592 : index
        %get3A_1030 = tpu.vector_load %arg4[%get3A_1028, %get3A_1029] {strides = array<i32>} : memref<8x4096xf32, #tpu.memory_space<vmem>>, vector<1x16xf32>,
        %get3A_1031 = vector.shape_cast %get3A_1030 : vector<1x16xf32> to vector<16xf32>
        %get3A_1032 = arith.index_cast %scan3A_204 : i32 to index
        %get3A_1033 = arith.constant 2608 : index
        %get3A_1034 = tpu.vector_load %arg4[%get3A_1032, %get3A_1033] {strides = array<i32>} : memref<8x4096xf32, #tpu.memory_space<vmem>>, vector<1x16xf32>,
        %get3A_1035 = vector.shape_cast %get3A_1034 : vector<1x16xf32> to vector<16xf32>
        %get3A_1036 = arith.index_cast %scan3A_204 : i32 to index
        %get3A_1037 = arith.constant 2624 : index
        %get3A_1038 = tpu.vector_load %arg4[%get3A_1036, %get3A_1037] {strides = array<i32>} : memref<8x4096xf32, #tpu.memory_space<vmem>>, vector<1x16xf32>,
        %get3A_1039 = vector.shape_cast %get3A_1038 : vector<1x16xf32> to vector<16xf32>
        %get3A_1040 = arith.index_cast %scan3A_204 : i32 to index
        %get3A_1041 = arith.constant 2640 : index
        %get3A_1042 = tpu.vector_load %arg4[%get3A_1040, %get3A_1041] {strides = array<i32>} : memref<8x4096xf32, #tpu.memory_space<vmem>>, vector<1x16xf32>,
        %get3A_1043 = vector.shape_cast %get3A_1042 : vector<1x16xf32> to vector<16xf32>
        %get3A_1044 = arith.index_cast %scan3A_204 : i32 to index
        %get3A_1045 = arith.constant 2656 : index
        %get3A_1046 = tpu.vector_load %arg4[%get3A_1044, %get3A_1045] {strides = array<i32>} : memref<8x4096xf32, #tpu.memory_space<vmem>>, vector<1x16xf32>,
        %get3A_1047 = vector.shape_cast %get3A_1046 : vector<1x16xf32> to vector<16xf32>
        %get3A_1048 = arith.index_cast %scan3A_204 : i32 to index
        %get3A_1049 = arith.constant 2672 : index
        %get3A_1050 = tpu.vector_load %arg4[%get3A_1048, %get3A_1049] {strides = array<i32>} : memref<8x4096xf32, #tpu.memory_space<vmem>>, vector<1x16xf32>,
        %get3A_1051 = vector.shape_cast %get3A_1050 : vector<1x16xf32> to vector<16xf32>
        %get3A_1052 = arith.index_cast %scan3A_204 : i32 to index
        %get3A_1053 = arith.constant 2688 : index
        %get3A_1054 = tpu.vector_load %arg4[%get3A_1052, %get3A_1053] {strides = array<i32>} : memref<8x4096xf32, #tpu.memory_space<vmem>>, vector<1x16xf32>,
        %get3A_1055 = vector.shape_cast %get3A_1054 : vector<1x16xf32> to vector<16xf32>
        %get3A_1056 = arith.index_cast %scan3A_204 : i32 to index
        %get3A_1057 = arith.constant 2704 : index
        %get3A_1058 = tpu.vector_load %arg4[%get3A_1056, %get3A_1057] {strides = array<i32>} : memref<8x4096xf32, #tpu.memory_space<vmem>>, vector<1x16xf32>,
        %get3A_1059 = vector.shape_cast %get3A_1058 : vector<1x16xf32> to vector<16xf32>
        %get3A_1060 = arith.index_cast %scan3A_204 : i32 to index
        %get3A_1061 = arith.constant 2720 : index
        %get3A_1062 = tpu.vector_load %arg4[%get3A_1060, %get3A_1061] {strides = array<i32>} : memref<8x4096xf32, #tpu.memory_space<vmem>>, vector<1x16xf32>,
        %get3A_1063 = vector.shape_cast %get3A_1062 : vector<1x16xf32> to vector<16xf32>
        %get3A_1064 = arith.index_cast %scan3A_204 : i32 to index
        %get3A_1065 = arith.constant 2736 : index
        %get3A_1066 = tpu.vector_load %arg4[%get3A_1064, %get3A_1065] {strides = array<i32>} : memref<8x4096xf32, #tpu.memory_space<vmem>>, vector<1x16xf32>,
        %get3A_1067 = vector.shape_cast %get3A_1066 : vector<1x16xf32> to vector<16xf32>
        %get3A_1068 = arith.index_cast %scan3A_204 : i32 to index
        %get3A_1069 = arith.constant 2752 : index
        %get3A_1070 = tpu.vector_load %arg4[%get3A_1068, %get3A_1069] {strides = array<i32>} : memref<8x4096xf32, #tpu.memory_space<vmem>>, vector<1x16xf32>,
        %get3A_1071 = vector.shape_cast %get3A_1070 : vector<1x16xf32> to vector<16xf32>
        %get3A_1072 = arith.index_cast %scan3A_204 : i32 to index
        %get3A_1073 = arith.constant 2768 : index
        %get3A_1074 = tpu.vector_load %arg4[%get3A_1072, %get3A_1073] {strides = array<i32>} : memref<8x4096xf32, #tpu.memory_space<vmem>>, vector<1x16xf32>,
        %get3A_1075 = vector.shape_cast %get3A_1074 : vector<1x16xf32> to vector<16xf32>
        %get3A_1076 = arith.index_cast %scan3A_204 : i32 to index
        %get3A_1077 = arith.constant 2784 : index
        %get3A_1078 = tpu.vector_load %arg4[%get3A_1076, %get3A_1077] {strides = array<i32>} : memref<8x4096xf32, #tpu.memory_space<vmem>>, vector<1x16xf32>,
        %get3A_1079 = vector.shape_cast %get3A_1078 : vector<1x16xf32> to vector<16xf32>
        %get3A_1080 = arith.index_cast %scan3A_204 : i32 to index
        %get3A_1081 = arith.constant 2800 : index
        %get3A_1082 = tpu.vector_load %arg4[%get3A_1080, %get3A_1081] {strides = array<i32>} : memref<8x4096xf32, #tpu.memory_space<vmem>>, vector<1x16xf32>,
        %get3A_1083 = vector.shape_cast %get3A_1082 : vector<1x16xf32> to vector<16xf32>
        %add3A_1084 = arith.addf %get3A_1023, %get3A_1027 : vector<16xf32>
        %add3A_1085 = arith.addf %get3A_1031, %get3A_1035 : vector<16xf32>
        %add3A_1086 = arith.addf %get3A_1039, %get3A_1043 : vector<16xf32>
        %add3A_1087 = arith.addf %get3A_1047, %get3A_1051 : vector<16xf32>
        %add3A_1088 = arith.addf %get3A_1055, %get3A_1059 : vector<16xf32>
        %add3A_1089 = arith.addf %get3A_1063, %get3A_1067 : vector<16xf32>
        %add3A_1090 = arith.addf %get3A_1071, %get3A_1075 : vector<16xf32>
        %add3A_1091 = arith.addf %get3A_1079, %get3A_1083 : vector<16xf32>
        %add3A_1092 = arith.addf %add3A_1084, %add3A_1085 : vector<16xf32>
        %add3A_1093 = arith.addf %add3A_1086, %add3A_1087 : vector<16xf32>
        %add3A_1094 = arith.addf %add3A_1088, %add3A_1089 : vector<16xf32>
        %add3A_1095 = arith.addf %add3A_1090, %add3A_1091 : vector<16xf32>
        %add3A_1096 = arith.addf %add3A_1092, %add3A_1093 : vector<16xf32>
        %add3A_1097 = arith.addf %add3A_1094, %add3A_1095 : vector<16xf32>
        %add3A_1098 = arith.addf %add3A_1096, %add3A_1097 : vector<16xf32>
        %add3A_1099 = arith.addf %scan3A_215, %add3A_1098 : vector<16xf32>
        %get3A_1100 = arith.index_cast %scan3A_204 : i32 to index
        %get3A_1101 = arith.constant 2816 : index
        %get3A_1102 = tpu.vector_load %arg4[%get3A_1100, %get3A_1101] {strides = array<i32>} : memref<8x4096xf32, #tpu.memory_space<vmem>>, vector<1x16xf32>,
        %get3A_1103 = vector.shape_cast %get3A_1102 : vector<1x16xf32> to vector<16xf32>
        %get3A_1104 = arith.index_cast %scan3A_204 : i32 to index
        %get3A_1105 = arith.constant 2832 : index
        %get3A_1106 = tpu.vector_load %arg4[%get3A_1104, %get3A_1105] {strides = array<i32>} : memref<8x4096xf32, #tpu.memory_space<vmem>>, vector<1x16xf32>,
        %get3A_1107 = vector.shape_cast %get3A_1106 : vector<1x16xf32> to vector<16xf32>
        %get3A_1108 = arith.index_cast %scan3A_204 : i32 to index
        %get3A_1109 = arith.constant 2848 : index
        %get3A_1110 = tpu.vector_load %arg4[%get3A_1108, %get3A_1109] {strides = array<i32>} : memref<8x4096xf32, #tpu.memory_space<vmem>>, vector<1x16xf32>,
        %get3A_1111 = vector.shape_cast %get3A_1110 : vector<1x16xf32> to vector<16xf32>
        %get3A_1112 = arith.index_cast %scan3A_204 : i32 to index
        %get3A_1113 = arith.constant 2864 : index
        %get3A_1114 = tpu.vector_load %arg4[%get3A_1112, %get3A_1113] {strides = array<i32>} : memref<8x4096xf32, #tpu.memory_space<vmem>>, vector<1x16xf32>,
        %get3A_1115 = vector.shape_cast %get3A_1114 : vector<1x16xf32> to vector<16xf32>
        %get3A_1116 = arith.index_cast %scan3A_204 : i32 to index
        %get3A_1117 = arith.constant 2880 : index
        %get3A_1118 = tpu.vector_load %arg4[%get3A_1116, %get3A_1117] {strides = array<i32>} : memref<8x4096xf32, #tpu.memory_space<vmem>>, vector<1x16xf32>,
        %get3A_1119 = vector.shape_cast %get3A_1118 : vector<1x16xf32> to vector<16xf32>
        %get3A_1120 = arith.index_cast %scan3A_204 : i32 to index
        %get3A_1121 = arith.constant 2896 : index
        %get3A_1122 = tpu.vector_load %arg4[%get3A_1120, %get3A_1121] {strides = array<i32>} : memref<8x4096xf32, #tpu.memory_space<vmem>>, vector<1x16xf32>,
        %get3A_1123 = vector.shape_cast %get3A_1122 : vector<1x16xf32> to vector<16xf32>
        %get3A_1124 = arith.index_cast %scan3A_204 : i32 to index
        %get3A_1125 = arith.constant 2912 : index
        %get3A_1126 = tpu.vector_load %arg4[%get3A_1124, %get3A_1125] {strides = array<i32>} : memref<8x4096xf32, #tpu.memory_space<vmem>>, vector<1x16xf32>,
        %get3A_1127 = vector.shape_cast %get3A_1126 : vector<1x16xf32> to vector<16xf32>
        %get3A_1128 = arith.index_cast %scan3A_204 : i32 to index
        %get3A_1129 = arith.constant 2928 : index
        %get3A_1130 = tpu.vector_load %arg4[%get3A_1128, %get3A_1129] {strides = array<i32>} : memref<8x4096xf32, #tpu.memory_space<vmem>>, vector<1x16xf32>,
        %get3A_1131 = vector.shape_cast %get3A_1130 : vector<1x16xf32> to vector<16xf32>
        %get3A_1132 = arith.index_cast %scan3A_204 : i32 to index
        %get3A_1133 = arith.constant 2944 : index
        %get3A_1134 = tpu.vector_load %arg4[%get3A_1132, %get3A_1133] {strides = array<i32>} : memref<8x4096xf32, #tpu.memory_space<vmem>>, vector<1x16xf32>,
        %get3A_1135 = vector.shape_cast %get3A_1134 : vector<1x16xf32> to vector<16xf32>
        %get3A_1136 = arith.index_cast %scan3A_204 : i32 to index
        %get3A_1137 = arith.constant 2960 : index
        %get3A_1138 = tpu.vector_load %arg4[%get3A_1136, %get3A_1137] {strides = array<i32>} : memref<8x4096xf32, #tpu.memory_space<vmem>>, vector<1x16xf32>,
        %get3A_1139 = vector.shape_cast %get3A_1138 : vector<1x16xf32> to vector<16xf32>
        %get3A_1140 = arith.index_cast %scan3A_204 : i32 to index
        %get3A_1141 = arith.constant 2976 : index
        %get3A_1142 = tpu.vector_load %arg4[%get3A_1140, %get3A_1141] {strides = array<i32>} : memref<8x4096xf32, #tpu.memory_space<vmem>>, vector<1x16xf32>,
        %get3A_1143 = vector.shape_cast %get3A_1142 : vector<1x16xf32> to vector<16xf32>
        %get3A_1144 = arith.index_cast %scan3A_204 : i32 to index
        %get3A_1145 = arith.constant 2992 : index
        %get3A_1146 = tpu.vector_load %arg4[%get3A_1144, %get3A_1145] {strides = array<i32>} : memref<8x4096xf32, #tpu.memory_space<vmem>>, vector<1x16xf32>,
        %get3A_1147 = vector.shape_cast %get3A_1146 : vector<1x16xf32> to vector<16xf32>
        %get3A_1148 = arith.index_cast %scan3A_204 : i32 to index
        %get3A_1149 = arith.constant 3008 : index
        %get3A_1150 = tpu.vector_load %arg4[%get3A_1148, %get3A_1149] {strides = array<i32>} : memref<8x4096xf32, #tpu.memory_space<vmem>>, vector<1x16xf32>,
        %get3A_1151 = vector.shape_cast %get3A_1150 : vector<1x16xf32> to vector<16xf32>
        %get3A_1152 = arith.index_cast %scan3A_204 : i32 to index
        %get3A_1153 = arith.constant 3024 : index
        %get3A_1154 = tpu.vector_load %arg4[%get3A_1152, %get3A_1153] {strides = array<i32>} : memref<8x4096xf32, #tpu.memory_space<vmem>>, vector<1x16xf32>,
        %get3A_1155 = vector.shape_cast %get3A_1154 : vector<1x16xf32> to vector<16xf32>
        %get3A_1156 = arith.index_cast %scan3A_204 : i32 to index
        %get3A_1157 = arith.constant 3040 : index
        %get3A_1158 = tpu.vector_load %arg4[%get3A_1156, %get3A_1157] {strides = array<i32>} : memref<8x4096xf32, #tpu.memory_space<vmem>>, vector<1x16xf32>,
        %get3A_1159 = vector.shape_cast %get3A_1158 : vector<1x16xf32> to vector<16xf32>
        %get3A_1160 = arith.index_cast %scan3A_204 : i32 to index
        %get3A_1161 = arith.constant 3056 : index
        %get3A_1162 = tpu.vector_load %arg4[%get3A_1160, %get3A_1161] {strides = array<i32>} : memref<8x4096xf32, #tpu.memory_space<vmem>>, vector<1x16xf32>,
        %get3A_1163 = vector.shape_cast %get3A_1162 : vector<1x16xf32> to vector<16xf32>
        %add3A_1164 = arith.addf %get3A_1103, %get3A_1107 : vector<16xf32>
        %add3A_1165 = arith.addf %get3A_1111, %get3A_1115 : vector<16xf32>
        %add3A_1166 = arith.addf %get3A_1119, %get3A_1123 : vector<16xf32>
        %add3A_1167 = arith.addf %get3A_1127, %get3A_1131 : vector<16xf32>
        %add3A_1168 = arith.addf %get3A_1135, %get3A_1139 : vector<16xf32>
        %add3A_1169 = arith.addf %get3A_1143, %get3A_1147 : vector<16xf32>
        %add3A_1170 = arith.addf %get3A_1151, %get3A_1155 : vector<16xf32>
        %add3A_1171 = arith.addf %get3A_1159, %get3A_1163 : vector<16xf32>
        %add3A_1172 = arith.addf %add3A_1164, %add3A_1165 : vector<16xf32>
        %add3A_1173 = arith.addf %add3A_1166, %add3A_1167 : vector<16xf32>
        %add3A_1174 = arith.addf %add3A_1168, %add3A_1169 : vector<16xf32>
        %add3A_1175 = arith.addf %add3A_1170, %add3A_1171 : vector<16xf32>
        %add3A_1176 = arith.addf %add3A_1172, %add3A_1173 : vector<16xf32>
        %add3A_1177 = arith.addf %add3A_1174, %add3A_1175 : vector<16xf32>
        %add3A_1178 = arith.addf %add3A_1176, %add3A_1177 : vector<16xf32>
        %add3A_1179 = arith.addf %scan3A_216, %add3A_1178 : vector<16xf32>
        %get3A_1180 = arith.index_cast %scan3A_204 : i32 to index
        %get3A_1181 = arith.constant 3072 : index
        %get3A_1182 = tpu.vector_load %arg4[%get3A_1180, %get3A_1181] {strides = array<i32>} : memref<8x4096xf32, #tpu.memory_space<vmem>>, vector<1x16xf32>,
        %get3A_1183 = vector.shape_cast %get3A_1182 : vector<1x16xf32> to vector<16xf32>
        %get3A_1184 = arith.index_cast %scan3A_204 : i32 to index
        %get3A_1185 = arith.constant 3088 : index
        %get3A_1186 = tpu.vector_load %arg4[%get3A_1184, %get3A_1185] {strides = array<i32>} : memref<8x4096xf32, #tpu.memory_space<vmem>>, vector<1x16xf32>,
        %get3A_1187 = vector.shape_cast %get3A_1186 : vector<1x16xf32> to vector<16xf32>
        %get3A_1188 = arith.index_cast %scan3A_204 : i32 to index
        %get3A_1189 = arith.constant 3104 : index
        %get3A_1190 = tpu.vector_load %arg4[%get3A_1188, %get3A_1189] {strides = array<i32>} : memref<8x4096xf32, #tpu.memory_space<vmem>>, vector<1x16xf32>,
        %get3A_1191 = vector.shape_cast %get3A_1190 : vector<1x16xf32> to vector<16xf32>
        %get3A_1192 = arith.index_cast %scan3A_204 : i32 to index
        %get3A_1193 = arith.constant 3120 : index
        %get3A_1194 = tpu.vector_load %arg4[%get3A_1192, %get3A_1193] {strides = array<i32>} : memref<8x4096xf32, #tpu.memory_space<vmem>>, vector<1x16xf32>,
        %get3A_1195 = vector.shape_cast %get3A_1194 : vector<1x16xf32> to vector<16xf32>
        %get3A_1196 = arith.index_cast %scan3A_204 : i32 to index
        %get3A_1197 = arith.constant 3136 : index
        %get3A_1198 = tpu.vector_load %arg4[%get3A_1196, %get3A_1197] {strides = array<i32>} : memref<8x4096xf32, #tpu.memory_space<vmem>>, vector<1x16xf32>,
        %get3A_1199 = vector.shape_cast %get3A_1198 : vector<1x16xf32> to vector<16xf32>
        %get3A_1200 = arith.index_cast %scan3A_204 : i32 to index
        %get3A_1201 = arith.constant 3152 : index
        %get3A_1202 = tpu.vector_load %arg4[%get3A_1200, %get3A_1201] {strides = array<i32>} : memref<8x4096xf32, #tpu.memory_space<vmem>>, vector<1x16xf32>,
        %get3A_1203 = vector.shape_cast %get3A_1202 : vector<1x16xf32> to vector<16xf32>
        %get3A_1204 = arith.index_cast %scan3A_204 : i32 to index
        %get3A_1205 = arith.constant 3168 : index
        %get3A_1206 = tpu.vector_load %arg4[%get3A_1204, %get3A_1205] {strides = array<i32>} : memref<8x4096xf32, #tpu.memory_space<vmem>>, vector<1x16xf32>,
        %get3A_1207 = vector.shape_cast %get3A_1206 : vector<1x16xf32> to vector<16xf32>
        %get3A_1208 = arith.index_cast %scan3A_204 : i32 to index
        %get3A_1209 = arith.constant 3184 : index
        %get3A_1210 = tpu.vector_load %arg4[%get3A_1208, %get3A_1209] {strides = array<i32>} : memref<8x4096xf32, #tpu.memory_space<vmem>>, vector<1x16xf32>,
        %get3A_1211 = vector.shape_cast %get3A_1210 : vector<1x16xf32> to vector<16xf32>
        %get3A_1212 = arith.index_cast %scan3A_204 : i32 to index
        %get3A_1213 = arith.constant 3200 : index
        %get3A_1214 = tpu.vector_load %arg4[%get3A_1212, %get3A_1213] {strides = array<i32>} : memref<8x4096xf32, #tpu.memory_space<vmem>>, vector<1x16xf32>,
        %get3A_1215 = vector.shape_cast %get3A_1214 : vector<1x16xf32> to vector<16xf32>
        %get3A_1216 = arith.index_cast %scan3A_204 : i32 to index
        %get3A_1217 = arith.constant 3216 : index
        %get3A_1218 = tpu.vector_load %arg4[%get3A_1216, %get3A_1217] {strides = array<i32>} : memref<8x4096xf32, #tpu.memory_space<vmem>>, vector<1x16xf32>,
        %get3A_1219 = vector.shape_cast %get3A_1218 : vector<1x16xf32> to vector<16xf32>
        %get3A_1220 = arith.index_cast %scan3A_204 : i32 to index
        %get3A_1221 = arith.constant 3232 : index
        %get3A_1222 = tpu.vector_load %arg4[%get3A_1220, %get3A_1221] {strides = array<i32>} : memref<8x4096xf32, #tpu.memory_space<vmem>>, vector<1x16xf32>,
        %get3A_1223 = vector.shape_cast %get3A_1222 : vector<1x16xf32> to vector<16xf32>
        %get3A_1224 = arith.index_cast %scan3A_204 : i32 to index
        %get3A_1225 = arith.constant 3248 : index
        %get3A_1226 = tpu.vector_load %arg4[%get3A_1224, %get3A_1225] {strides = array<i32>} : memref<8x4096xf32, #tpu.memory_space<vmem>>, vector<1x16xf32>,
        %get3A_1227 = vector.shape_cast %get3A_1226 : vector<1x16xf32> to vector<16xf32>
        %get3A_1228 = arith.index_cast %scan3A_204 : i32 to index
        %get3A_1229 = arith.constant 3264 : index
        %get3A_1230 = tpu.vector_load %arg4[%get3A_1228, %get3A_1229] {strides = array<i32>} : memref<8x4096xf32, #tpu.memory_space<vmem>>, vector<1x16xf32>,
        %get3A_1231 = vector.shape_cast %get3A_1230 : vector<1x16xf32> to vector<16xf32>
        %get3A_1232 = arith.index_cast %scan3A_204 : i32 to index
        %get3A_1233 = arith.constant 3280 : index
        %get3A_1234 = tpu.vector_load %arg4[%get3A_1232, %get3A_1233] {strides = array<i32>} : memref<8x4096xf32, #tpu.memory_space<vmem>>, vector<1x16xf32>,
        %get3A_1235 = vector.shape_cast %get3A_1234 : vector<1x16xf32> to vector<16xf32>
        %get3A_1236 = arith.index_cast %scan3A_204 : i32 to index
        %get3A_1237 = arith.constant 3296 : index
        %get3A_1238 = tpu.vector_load %arg4[%get3A_1236, %get3A_1237] {strides = array<i32>} : memref<8x4096xf32, #tpu.memory_space<vmem>>, vector<1x16xf32>,
        %get3A_1239 = vector.shape_cast %get3A_1238 : vector<1x16xf32> to vector<16xf32>
        %get3A_1240 = arith.index_cast %scan3A_204 : i32 to index
        %get3A_1241 = arith.constant 3312 : index
        %get3A_1242 = tpu.vector_load %arg4[%get3A_1240, %get3A_1241] {strides = array<i32>} : memref<8x4096xf32, #tpu.memory_space<vmem>>, vector<1x16xf32>,
        %get3A_1243 = vector.shape_cast %get3A_1242 : vector<1x16xf32> to vector<16xf32>
        %add3A_1244 = arith.addf %get3A_1183, %get3A_1187 : vector<16xf32>
        %add3A_1245 = arith.addf %get3A_1191, %get3A_1195 : vector<16xf32>
        %add3A_1246 = arith.addf %get3A_1199, %get3A_1203 : vector<16xf32>
        %add3A_1247 = arith.addf %get3A_1207, %get3A_1211 : vector<16xf32>
        %add3A_1248 = arith.addf %get3A_1215, %get3A_1219 : vector<16xf32>
        %add3A_1249 = arith.addf %get3A_1223, %get3A_1227 : vector<16xf32>
        %add3A_1250 = arith.addf %get3A_1231, %get3A_1235 : vector<16xf32>
        %add3A_1251 = arith.addf %get3A_1239, %get3A_1243 : vector<16xf32>
        %add3A_1252 = arith.addf %add3A_1244, %add3A_1245 : vector<16xf32>
        %add3A_1253 = arith.addf %add3A_1246, %add3A_1247 : vector<16xf32>
        %add3A_1254 = arith.addf %add3A_1248, %add3A_1249 : vector<16xf32>
        %add3A_1255 = arith.addf %add3A_1250, %add3A_1251 : vector<16xf32>
        %add3A_1256 = arith.addf %add3A_1252, %add3A_1253 : vector<16xf32>
        %add3A_1257 = arith.addf %add3A_1254, %add3A_1255 : vector<16xf32>
        %add3A_1258 = arith.addf %add3A_1256, %add3A_1257 : vector<16xf32>
        %add3A_1259 = arith.addf %scan3A_217, %add3A_1258 : vector<16xf32>
        %get3A_1260 = arith.index_cast %scan3A_204 : i32 to index
        %get3A_1261 = arith.constant 3328 : index
        %get3A_1262 = tpu.vector_load %arg4[%get3A_1260, %get3A_1261] {strides = array<i32>} : memref<8x4096xf32, #tpu.memory_space<vmem>>, vector<1x16xf32>,
        %get3A_1263 = vector.shape_cast %get3A_1262 : vector<1x16xf32> to vector<16xf32>
        %get3A_1264 = arith.index_cast %scan3A_204 : i32 to index
        %get3A_1265 = arith.constant 3344 : index
        %get3A_1266 = tpu.vector_load %arg4[%get3A_1264, %get3A_1265] {strides = array<i32>} : memref<8x4096xf32, #tpu.memory_space<vmem>>, vector<1x16xf32>,
        %get3A_1267 = vector.shape_cast %get3A_1266 : vector<1x16xf32> to vector<16xf32>
        %get3A_1268 = arith.index_cast %scan3A_204 : i32 to index
        %get3A_1269 = arith.constant 3360 : index
        %get3A_1270 = tpu.vector_load %arg4[%get3A_1268, %get3A_1269] {strides = array<i32>} : memref<8x4096xf32, #tpu.memory_space<vmem>>, vector<1x16xf32>,
        %get3A_1271 = vector.shape_cast %get3A_1270 : vector<1x16xf32> to vector<16xf32>
        %get3A_1272 = arith.index_cast %scan3A_204 : i32 to index
        %get3A_1273 = arith.constant 3376 : index
        %get3A_1274 = tpu.vector_load %arg4[%get3A_1272, %get3A_1273] {strides = array<i32>} : memref<8x4096xf32, #tpu.memory_space<vmem>>, vector<1x16xf32>,
        %get3A_1275 = vector.shape_cast %get3A_1274 : vector<1x16xf32> to vector<16xf32>
        %get3A_1276 = arith.index_cast %scan3A_204 : i32 to index
        %get3A_1277 = arith.constant 3392 : index
        %get3A_1278 = tpu.vector_load %arg4[%get3A_1276, %get3A_1277] {strides = array<i32>} : memref<8x4096xf32, #tpu.memory_space<vmem>>, vector<1x16xf32>,
        %get3A_1279 = vector.shape_cast %get3A_1278 : vector<1x16xf32> to vector<16xf32>
        %get3A_1280 = arith.index_cast %scan3A_204 : i32 to index
        %get3A_1281 = arith.constant 3408 : index
        %get3A_1282 = tpu.vector_load %arg4[%get3A_1280, %get3A_1281] {strides = array<i32>} : memref<8x4096xf32, #tpu.memory_space<vmem>>, vector<1x16xf32>,
        %get3A_1283 = vector.shape_cast %get3A_1282 : vector<1x16xf32> to vector<16xf32>
        %get3A_1284 = arith.index_cast %scan3A_204 : i32 to index
        %get3A_1285 = arith.constant 3424 : index
        %get3A_1286 = tpu.vector_load %arg4[%get3A_1284, %get3A_1285] {strides = array<i32>} : memref<8x4096xf32, #tpu.memory_space<vmem>>, vector<1x16xf32>,
        %get3A_1287 = vector.shape_cast %get3A_1286 : vector<1x16xf32> to vector<16xf32>
        %get3A_1288 = arith.index_cast %scan3A_204 : i32 to index
        %get3A_1289 = arith.constant 3440 : index
        %get3A_1290 = tpu.vector_load %arg4[%get3A_1288, %get3A_1289] {strides = array<i32>} : memref<8x4096xf32, #tpu.memory_space<vmem>>, vector<1x16xf32>,
        %get3A_1291 = vector.shape_cast %get3A_1290 : vector<1x16xf32> to vector<16xf32>
        %get3A_1292 = arith.index_cast %scan3A_204 : i32 to index
        %get3A_1293 = arith.constant 3456 : index
        %get3A_1294 = tpu.vector_load %arg4[%get3A_1292, %get3A_1293] {strides = array<i32>} : memref<8x4096xf32, #tpu.memory_space<vmem>>, vector<1x16xf32>,
        %get3A_1295 = vector.shape_cast %get3A_1294 : vector<1x16xf32> to vector<16xf32>
        %get3A_1296 = arith.index_cast %scan3A_204 : i32 to index
        %get3A_1297 = arith.constant 3472 : index
        %get3A_1298 = tpu.vector_load %arg4[%get3A_1296, %get3A_1297] {strides = array<i32>} : memref<8x4096xf32, #tpu.memory_space<vmem>>, vector<1x16xf32>,
        %get3A_1299 = vector.shape_cast %get3A_1298 : vector<1x16xf32> to vector<16xf32>
        %get3A_1300 = arith.index_cast %scan3A_204 : i32 to index
        %get3A_1301 = arith.constant 3488 : index
        %get3A_1302 = tpu.vector_load %arg4[%get3A_1300, %get3A_1301] {strides = array<i32>} : memref<8x4096xf32, #tpu.memory_space<vmem>>, vector<1x16xf32>,
        %get3A_1303 = vector.shape_cast %get3A_1302 : vector<1x16xf32> to vector<16xf32>
        %get3A_1304 = arith.index_cast %scan3A_204 : i32 to index
        %get3A_1305 = arith.constant 3504 : index
        %get3A_1306 = tpu.vector_load %arg4[%get3A_1304, %get3A_1305] {strides = array<i32>} : memref<8x4096xf32, #tpu.memory_space<vmem>>, vector<1x16xf32>,
        %get3A_1307 = vector.shape_cast %get3A_1306 : vector<1x16xf32> to vector<16xf32>
        %get3A_1308 = arith.index_cast %scan3A_204 : i32 to index
        %get3A_1309 = arith.constant 3520 : index
        %get3A_1310 = tpu.vector_load %arg4[%get3A_1308, %get3A_1309] {strides = array<i32>} : memref<8x4096xf32, #tpu.memory_space<vmem>>, vector<1x16xf32>,
        %get3A_1311 = vector.shape_cast %get3A_1310 : vector<1x16xf32> to vector<16xf32>
        %get3A_1312 = arith.index_cast %scan3A_204 : i32 to index
        %get3A_1313 = arith.constant 3536 : index
        %get3A_1314 = tpu.vector_load %arg4[%get3A_1312, %get3A_1313] {strides = array<i32>} : memref<8x4096xf32, #tpu.memory_space<vmem>>, vector<1x16xf32>,
        %get3A_1315 = vector.shape_cast %get3A_1314 : vector<1x16xf32> to vector<16xf32>
        %get3A_1316 = arith.index_cast %scan3A_204 : i32 to index
        %get3A_1317 = arith.constant 3552 : index
        %get3A_1318 = tpu.vector_load %arg4[%get3A_1316, %get3A_1317] {strides = array<i32>} : memref<8x4096xf32, #tpu.memory_space<vmem>>, vector<1x16xf32>,
        %get3A_1319 = vector.shape_cast %get3A_1318 : vector<1x16xf32> to vector<16xf32>
        %get3A_1320 = arith.index_cast %scan3A_204 : i32 to index
        %get3A_1321 = arith.constant 3568 : index
        %get3A_1322 = tpu.vector_load %arg4[%get3A_1320, %get3A_1321] {strides = array<i32>} : memref<8x4096xf32, #tpu.memory_space<vmem>>, vector<1x16xf32>,
        %get3A_1323 = vector.shape_cast %get3A_1322 : vector<1x16xf32> to vector<16xf32>
        %add3A_1324 = arith.addf %get3A_1263, %get3A_1267 : vector<16xf32>
        %add3A_1325 = arith.addf %get3A_1271, %get3A_1275 : vector<16xf32>
        %add3A_1326 = arith.addf %get3A_1279, %get3A_1283 : vector<16xf32>
        %add3A_1327 = arith.addf %get3A_1287, %get3A_1291 : vector<16xf32>
        %add3A_1328 = arith.addf %get3A_1295, %get3A_1299 : vector<16xf32>
        %add3A_1329 = arith.addf %get3A_1303, %get3A_1307 : vector<16xf32>
        %add3A_1330 = arith.addf %get3A_1311, %get3A_1315 : vector<16xf32>
        %add3A_1331 = arith.addf %get3A_1319, %get3A_1323 : vector<16xf32>
        %add3A_1332 = arith.addf %add3A_1324, %add3A_1325 : vector<16xf32>
        %add3A_1333 = arith.addf %add3A_1326, %add3A_1327 : vector<16xf32>
        %add3A_1334 = arith.addf %add3A_1328, %add3A_1329 : vector<16xf32>
        %add3A_1335 = arith.addf %add3A_1330, %add3A_1331 : vector<16xf32>
        %add3A_1336 = arith.addf %add3A_1332, %add3A_1333 : vector<16xf32>
        %add3A_1337 = arith.addf %add3A_1334, %add3A_1335 : vector<16xf32>
        %add3A_1338 = arith.addf %add3A_1336, %add3A_1337 : vector<16xf32>
        %add3A_1339 = arith.addf %scan3A_218, %add3A_1338 : vector<16xf32>
        %get3A_1340 = arith.index_cast %scan3A_204 : i32 to index
        %get3A_1341 = arith.constant 3584 : index
        %get3A_1342 = tpu.vector_load %arg4[%get3A_1340, %get3A_1341] {strides = array<i32>} : memref<8x4096xf32, #tpu.memory_space<vmem>>, vector<1x16xf32>,
        %get3A_1343 = vector.shape_cast %get3A_1342 : vector<1x16xf32> to vector<16xf32>
        %get3A_1344 = arith.index_cast %scan3A_204 : i32 to index
        %get3A_1345 = arith.constant 3600 : index
        %get3A_1346 = tpu.vector_load %arg4[%get3A_1344, %get3A_1345] {strides = array<i32>} : memref<8x4096xf32, #tpu.memory_space<vmem>>, vector<1x16xf32>,
        %get3A_1347 = vector.shape_cast %get3A_1346 : vector<1x16xf32> to vector<16xf32>
        %get3A_1348 = arith.index_cast %scan3A_204 : i32 to index
        %get3A_1349 = arith.constant 3616 : index
        %get3A_1350 = tpu.vector_load %arg4[%get3A_1348, %get3A_1349] {strides = array<i32>} : memref<8x4096xf32, #tpu.memory_space<vmem>>, vector<1x16xf32>,
        %get3A_1351 = vector.shape_cast %get3A_1350 : vector<1x16xf32> to vector<16xf32>
        %get3A_1352 = arith.index_cast %scan3A_204 : i32 to index
        %get3A_1353 = arith.constant 3632 : index
        %get3A_1354 = tpu.vector_load %arg4[%get3A_1352, %get3A_1353] {strides = array<i32>} : memref<8x4096xf32, #tpu.memory_space<vmem>>, vector<1x16xf32>,
        %get3A_1355 = vector.shape_cast %get3A_1354 : vector<1x16xf32> to vector<16xf32>
        %get3A_1356 = arith.index_cast %scan3A_204 : i32 to index
        %get3A_1357 = arith.constant 3648 : index
        %get3A_1358 = tpu.vector_load %arg4[%get3A_1356, %get3A_1357] {strides = array<i32>} : memref<8x4096xf32, #tpu.memory_space<vmem>>, vector<1x16xf32>,
        %get3A_1359 = vector.shape_cast %get3A_1358 : vector<1x16xf32> to vector<16xf32>
        %get3A_1360 = arith.index_cast %scan3A_204 : i32 to index
        %get3A_1361 = arith.constant 3664 : index
        %get3A_1362 = tpu.vector_load %arg4[%get3A_1360, %get3A_1361] {strides = array<i32>} : memref<8x4096xf32, #tpu.memory_space<vmem>>, vector<1x16xf32>,
        %get3A_1363 = vector.shape_cast %get3A_1362 : vector<1x16xf32> to vector<16xf32>
        %get3A_1364 = arith.index_cast %scan3A_204 : i32 to index
        %get3A_1365 = arith.constant 3680 : index
        %get3A_1366 = tpu.vector_load %arg4[%get3A_1364, %get3A_1365] {strides = array<i32>} : memref<8x4096xf32, #tpu.memory_space<vmem>>, vector<1x16xf32>,
        %get3A_1367 = vector.shape_cast %get3A_1366 : vector<1x16xf32> to vector<16xf32>
        %get3A_1368 = arith.index_cast %scan3A_204 : i32 to index
        %get3A_1369 = arith.constant 3696 : index
        %get3A_1370 = tpu.vector_load %arg4[%get3A_1368, %get3A_1369] {strides = array<i32>} : memref<8x4096xf32, #tpu.memory_space<vmem>>, vector<1x16xf32>,
        %get3A_1371 = vector.shape_cast %get3A_1370 : vector<1x16xf32> to vector<16xf32>
        %get3A_1372 = arith.index_cast %scan3A_204 : i32 to index
        %get3A_1373 = arith.constant 3712 : index
        %get3A_1374 = tpu.vector_load %arg4[%get3A_1372, %get3A_1373] {strides = array<i32>} : memref<8x4096xf32, #tpu.memory_space<vmem>>, vector<1x16xf32>,
        %get3A_1375 = vector.shape_cast %get3A_1374 : vector<1x16xf32> to vector<16xf32>
        %get3A_1376 = arith.index_cast %scan3A_204 : i32 to index
        %get3A_1377 = arith.constant 3728 : index
        %get3A_1378 = tpu.vector_load %arg4[%get3A_1376, %get3A_1377] {strides = array<i32>} : memref<8x4096xf32, #tpu.memory_space<vmem>>, vector<1x16xf32>,
        %get3A_1379 = vector.shape_cast %get3A_1378 : vector<1x16xf32> to vector<16xf32>
        %get3A_1380 = arith.index_cast %scan3A_204 : i32 to index
        %get3A_1381 = arith.constant 3744 : index
        %get3A_1382 = tpu.vector_load %arg4[%get3A_1380, %get3A_1381] {strides = array<i32>} : memref<8x4096xf32, #tpu.memory_space<vmem>>, vector<1x16xf32>,
        %get3A_1383 = vector.shape_cast %get3A_1382 : vector<1x16xf32> to vector<16xf32>
        %get3A_1384 = arith.index_cast %scan3A_204 : i32 to index
        %get3A_1385 = arith.constant 3760 : index
        %get3A_1386 = tpu.vector_load %arg4[%get3A_1384, %get3A_1385] {strides = array<i32>} : memref<8x4096xf32, #tpu.memory_space<vmem>>, vector<1x16xf32>,
        %get3A_1387 = vector.shape_cast %get3A_1386 : vector<1x16xf32> to vector<16xf32>
        %get3A_1388 = arith.index_cast %scan3A_204 : i32 to index
        %get3A_1389 = arith.constant 3776 : index
        %get3A_1390 = tpu.vector_load %arg4[%get3A_1388, %get3A_1389] {strides = array<i32>} : memref<8x4096xf32, #tpu.memory_space<vmem>>, vector<1x16xf32>,
        %get3A_1391 = vector.shape_cast %get3A_1390 : vector<1x16xf32> to vector<16xf32>
        %get3A_1392 = arith.index_cast %scan3A_204 : i32 to index
        %get3A_1393 = arith.constant 3792 : index
        %get3A_1394 = tpu.vector_load %arg4[%get3A_1392, %get3A_1393] {strides = array<i32>} : memref<8x4096xf32, #tpu.memory_space<vmem>>, vector<1x16xf32>,
        %get3A_1395 = vector.shape_cast %get3A_1394 : vector<1x16xf32> to vector<16xf32>
        %get3A_1396 = arith.index_cast %scan3A_204 : i32 to index
        %get3A_1397 = arith.constant 3808 : index
        %get3A_1398 = tpu.vector_load %arg4[%get3A_1396, %get3A_1397] {strides = array<i32>} : memref<8x4096xf32, #tpu.memory_space<vmem>>, vector<1x16xf32>,
        %get3A_1399 = vector.shape_cast %get3A_1398 : vector<1x16xf32> to vector<16xf32>
        %get3A_1400 = arith.index_cast %scan3A_204 : i32 to index
        %get3A_1401 = arith.constant 3824 : index
        %get3A_1402 = tpu.vector_load %arg4[%get3A_1400, %get3A_1401] {strides = array<i32>} : memref<8x4096xf32, #tpu.memory_space<vmem>>, vector<1x16xf32>,
        %get3A_1403 = vector.shape_cast %get3A_1402 : vector<1x16xf32> to vector<16xf32>
        %add3A_1404 = arith.addf %get3A_1343, %get3A_1347 : vector<16xf32>
        %add3A_1405 = arith.addf %get3A_1351, %get3A_1355 : vector<16xf32>
        %add3A_1406 = arith.addf %get3A_1359, %get3A_1363 : vector<16xf32>
        %add3A_1407 = arith.addf %get3A_1367, %get3A_1371 : vector<16xf32>
        %add3A_1408 = arith.addf %get3A_1375, %get3A_1379 : vector<16xf32>
        %add3A_1409 = arith.addf %get3A_1383, %get3A_1387 : vector<16xf32>
        %add3A_1410 = arith.addf %get3A_1391, %get3A_1395 : vector<16xf32>
        %add3A_1411 = arith.addf %get3A_1399, %get3A_1403 : vector<16xf32>
        %add3A_1412 = arith.addf %add3A_1404, %add3A_1405 : vector<16xf32>
        %add3A_1413 = arith.addf %add3A_1406, %add3A_1407 : vector<16xf32>
        %add3A_1414 = arith.addf %add3A_1408, %add3A_1409 : vector<16xf32>
        %add3A_1415 = arith.addf %add3A_1410, %add3A_1411 : vector<16xf32>
        %add3A_1416 = arith.addf %add3A_1412, %add3A_1413 : vector<16xf32>
        %add3A_1417 = arith.addf %add3A_1414, %add3A_1415 : vector<16xf32>
        %add3A_1418 = arith.addf %add3A_1416, %add3A_1417 : vector<16xf32>
        %add3A_1419 = arith.addf %scan3A_219, %add3A_1418 : vector<16xf32>
        %get3A_1420 = arith.index_cast %scan3A_204 : i32 to index
        %get3A_1421 = arith.constant 3840 : index
        %get3A_1422 = tpu.vector_load %arg4[%get3A_1420, %get3A_1421] {strides = array<i32>} : memref<8x4096xf32, #tpu.memory_space<vmem>>, vector<1x16xf32>,
        %get3A_1423 = vector.shape_cast %get3A_1422 : vector<1x16xf32> to vector<16xf32>
        %get3A_1424 = arith.index_cast %scan3A_204 : i32 to index
        %get3A_1425 = arith.constant 3856 : index
        %get3A_1426 = tpu.vector_load %arg4[%get3A_1424, %get3A_1425] {strides = array<i32>} : memref<8x4096xf32, #tpu.memory_space<vmem>>, vector<1x16xf32>,
        %get3A_1427 = vector.shape_cast %get3A_1426 : vector<1x16xf32> to vector<16xf32>
        %get3A_1428 = arith.index_cast %scan3A_204 : i32 to index
        %get3A_1429 = arith.constant 3872 : index
        %get3A_1430 = tpu.vector_load %arg4[%get3A_1428, %get3A_1429] {strides = array<i32>} : memref<8x4096xf32, #tpu.memory_space<vmem>>, vector<1x16xf32>,
        %get3A_1431 = vector.shape_cast %get3A_1430 : vector<1x16xf32> to vector<16xf32>
        %get3A_1432 = arith.index_cast %scan3A_204 : i32 to index
        %get3A_1433 = arith.constant 3888 : index
        %get3A_1434 = tpu.vector_load %arg4[%get3A_1432, %get3A_1433] {strides = array<i32>} : memref<8x4096xf32, #tpu.memory_space<vmem>>, vector<1x16xf32>,
        %get3A_1435 = vector.shape_cast %get3A_1434 : vector<1x16xf32> to vector<16xf32>
        %get3A_1436 = arith.index_cast %scan3A_204 : i32 to index
        %get3A_1437 = arith.constant 3904 : index
        %get3A_1438 = tpu.vector_load %arg4[%get3A_1436, %get3A_1437] {strides = array<i32>} : memref<8x4096xf32, #tpu.memory_space<vmem>>, vector<1x16xf32>,
        %get3A_1439 = vector.shape_cast %get3A_1438 : vector<1x16xf32> to vector<16xf32>
        %get3A_1440 = arith.index_cast %scan3A_204 : i32 to index
        %get3A_1441 = arith.constant 3920 : index
        %get3A_1442 = tpu.vector_load %arg4[%get3A_1440, %get3A_1441] {strides = array<i32>} : memref<8x4096xf32, #tpu.memory_space<vmem>>, vector<1x16xf32>,
        %get3A_1443 = vector.shape_cast %get3A_1442 : vector<1x16xf32> to vector<16xf32>
        %get3A_1444 = arith.index_cast %scan3A_204 : i32 to index
        %get3A_1445 = arith.constant 3936 : index
        %get3A_1446 = tpu.vector_load %arg4[%get3A_1444, %get3A_1445] {strides = array<i32>} : memref<8x4096xf32, #tpu.memory_space<vmem>>, vector<1x16xf32>,
        %get3A_1447 = vector.shape_cast %get3A_1446 : vector<1x16xf32> to vector<16xf32>
        %get3A_1448 = arith.index_cast %scan3A_204 : i32 to index
        %get3A_1449 = arith.constant 3952 : index
        %get3A_1450 = tpu.vector_load %arg4[%get3A_1448, %get3A_1449] {strides = array<i32>} : memref<8x4096xf32, #tpu.memory_space<vmem>>, vector<1x16xf32>,
        %get3A_1451 = vector.shape_cast %get3A_1450 : vector<1x16xf32> to vector<16xf32>
        %get3A_1452 = arith.index_cast %scan3A_204 : i32 to index
        %get3A_1453 = arith.constant 3968 : index
        %get3A_1454 = tpu.vector_load %arg4[%get3A_1452, %get3A_1453] {strides = array<i32>} : memref<8x4096xf32, #tpu.memory_space<vmem>>, vector<1x16xf32>,
        %get3A_1455 = vector.shape_cast %get3A_1454 : vector<1x16xf32> to vector<16xf32>
        %get3A_1456 = arith.index_cast %scan3A_204 : i32 to index
        %get3A_1457 = arith.constant 3984 : index
        %get3A_1458 = tpu.vector_load %arg4[%get3A_1456, %get3A_1457] {strides = array<i32>} : memref<8x4096xf32, #tpu.memory_space<vmem>>, vector<1x16xf32>,
        %get3A_1459 = vector.shape_cast %get3A_1458 : vector<1x16xf32> to vector<16xf32>
        %get3A_1460 = arith.index_cast %scan3A_204 : i32 to index
        %get3A_1461 = arith.constant 4000 : index
        %get3A_1462 = tpu.vector_load %arg4[%get3A_1460, %get3A_1461] {strides = array<i32>} : memref<8x4096xf32, #tpu.memory_space<vmem>>, vector<1x16xf32>,
        %get3A_1463 = vector.shape_cast %get3A_1462 : vector<1x16xf32> to vector<16xf32>
        %get3A_1464 = arith.index_cast %scan3A_204 : i32 to index
        %get3A_1465 = arith.constant 4016 : index
        %get3A_1466 = tpu.vector_load %arg4[%get3A_1464, %get3A_1465] {strides = array<i32>} : memref<8x4096xf32, #tpu.memory_space<vmem>>, vector<1x16xf32>,
        %get3A_1467 = vector.shape_cast %get3A_1466 : vector<1x16xf32> to vector<16xf32>
        %get3A_1468 = arith.index_cast %scan3A_204 : i32 to index
        %get3A_1469 = arith.constant 4032 : index
        %get3A_1470 = tpu.vector_load %arg4[%get3A_1468, %get3A_1469] {strides = array<i32>} : memref<8x4096xf32, #tpu.memory_space<vmem>>, vector<1x16xf32>,
        %get3A_1471 = vector.shape_cast %get3A_1470 : vector<1x16xf32> to vector<16xf32>
        %get3A_1472 = arith.index_cast %scan3A_204 : i32 to index
        %get3A_1473 = arith.constant 4048 : index
        %get3A_1474 = tpu.vector_load %arg4[%get3A_1472, %get3A_1473] {strides = array<i32>} : memref<8x4096xf32, #tpu.memory_space<vmem>>, vector<1x16xf32>,
        %get3A_1475 = vector.shape_cast %get3A_1474 : vector<1x16xf32> to vector<16xf32>
        %get3A_1476 = arith.index_cast %scan3A_204 : i32 to index
        %get3A_1477 = arith.constant 4064 : index
        %get3A_1478 = tpu.vector_load %arg4[%get3A_1476, %get3A_1477] {strides = array<i32>} : memref<8x4096xf32, #tpu.memory_space<vmem>>, vector<1x16xf32>,
        %get3A_1479 = vector.shape_cast %get3A_1478 : vector<1x16xf32> to vector<16xf32>
        %get3A_1480 = arith.index_cast %scan3A_204 : i32 to index
        %get3A_1481 = arith.constant 4080 : index
        %get3A_1482 = tpu.vector_load %arg4[%get3A_1480, %get3A_1481] {strides = array<i32>} : memref<8x4096xf32, #tpu.memory_space<vmem>>, vector<1x16xf32>,
        %get3A_1483 = vector.shape_cast %get3A_1482 : vector<1x16xf32> to vector<16xf32>
        %add3A_1484 = arith.addf %get3A_1423, %get3A_1427 : vector<16xf32>
        %add3A_1485 = arith.addf %get3A_1431, %get3A_1435 : vector<16xf32>
        %add3A_1486 = arith.addf %get3A_1439, %get3A_1443 : vector<16xf32>
        %add3A_1487 = arith.addf %get3A_1447, %get3A_1451 : vector<16xf32>
        %add3A_1488 = arith.addf %get3A_1455, %get3A_1459 : vector<16xf32>
        %add3A_1489 = arith.addf %get3A_1463, %get3A_1467 : vector<16xf32>
        %add3A_1490 = arith.addf %get3A_1471, %get3A_1475 : vector<16xf32>
        %add3A_1491 = arith.addf %get3A_1479, %get3A_1483 : vector<16xf32>
        %add3A_1492 = arith.addf %add3A_1484, %add3A_1485 : vector<16xf32>
        %add3A_1493 = arith.addf %add3A_1486, %add3A_1487 : vector<16xf32>
        %add3A_1494 = arith.addf %add3A_1488, %add3A_1489 : vector<16xf32>
        %add3A_1495 = arith.addf %add3A_1490, %add3A_1491 : vector<16xf32>
        %add3A_1496 = arith.addf %add3A_1492, %add3A_1493 : vector<16xf32>
        %add3A_1497 = arith.addf %add3A_1494, %add3A_1495 : vector<16xf32>
        %add3A_1498 = arith.addf %add3A_1496, %add3A_1497 : vector<16xf32>
        %add3A_1499 = arith.addf %scan3A_220, %add3A_1498 : vector<16xf32>
        scf.yield %add3A_299, %add3A_379, %add3A_459, %add3A_539, %add3A_619, %add3A_699, %add3A_779, %add3A_859, %add3A_939, %add3A_1019, %add3A_1099, %add3A_1179, %add3A_1259, %add3A_1339, %add3A_1419, %add3A_1499 : vector<16xf32>, vector<16xf32>, vector<16xf32>, vector<16xf32>, vector<16xf32>, vector<16xf32>, vector<16xf32>, vector<16xf32>, vector<16xf32>, vector<16xf32>, vector<16xf32>, vector<16xf32>, vector<16xf32>, vector<16xf32>, vector<16xf32>, vector<16xf32>
      }
      %scan3A_177 = arith.constant 8 : i32
      %add3A_178 = arith.constant 2 : i32
      %add3A_179 = arith.addi %mul3A_165, %add3A_178 : i32
      %lt3A = arith.constant 16 : i32
      %lt3A_180 = arith.cmpi slt, %add3A_179, %lt3A : i32
      %convert_element_type3A = arith.extui %lt3A_180 : i1 to i32
      %cond3A = arith.constant 0 : i32
      %cond3A_181 = arith.cmpi ne, %convert_element_type3A, %cond3A : i32
      scf.if %cond3A_181 {
        %add3A_204 = arith.constant 2 : i32
        %add3A_205 = arith.addi %mul3A_165, %add3A_204 : i32
        %mul3A_206 = arith.constant 8 : i32
        %mul3A_207 = arith.muli %add3A_205, %mul3A_206 : i32
        %add3A_208 = arith.addi %mul3A_2, %mul3A_207 : i32
        %dma_start3A_209 = arith.constant 0 : i32
        %dma_start3A_210 = tpu.memref_slice %arg2[%add3A_208, %dma_start3A_209] : memref<4096x4096xf32, #tpu.memory_space<hbm>> -> memref<8x4096xf32, #tpu.memory_space<hbm>>
        %dma_start3A_211 = arith.constant 0 : i32
        %dma_start3A_212 = tpu.memref_slice %arg2[%add3A_208, %dma_start3A_211] : memref<4096x4096xf32, #tpu.memory_space<hbm>> -> memref<8x4096xf32, #tpu.memory_space<hbm>>
        tpu.enqueue_dma source(%dma_start3A_212 : memref<8x4096xf32, #tpu.memory_space<hbm>>) target(%arg4 : memref<8x4096xf32, #tpu.memory_space<vmem>>) target_semaphore(%arg7 : memref<!tpu.dma_semaphore, #tpu.memory_space<semaphore_mem>>)
      } else {
      }
      %add3A_182 = arith.constant 1 : i32
      %add3A_183 = arith.addi %mul3A_165, %add3A_182 : i32
      %mul3A_184 = arith.constant 8 : i32
      %mul3A_185 = arith.muli %add3A_183, %mul3A_184 : i32
      %add3A_186 = arith.addi %mul3A_2, %mul3A_185 : i32
      %dma_wait3A_187 = arith.constant 0 : i32
      %dma_wait3A_188 = tpu.memref_slice %arg2[%add3A_186, %dma_wait3A_187] : memref<4096x4096xf32, #tpu.memory_space<hbm>> -> memref<8x4096xf32, #tpu.memory_space<hbm>>
      %dma_wait3A_189 = arith.constant 0 : i32
      %dma_wait3A_190 = tpu.memref_slice %arg2[%add3A_186, %dma_wait3A_189] : memref<4096x4096xf32, #tpu.memory_space<hbm>> -> memref<8x4096xf32, #tpu.memory_space<hbm>>
      tpu.wait_dma2 semaphore(%arg8 : memref<!tpu.dma_semaphore, #tpu.memory_space<semaphore_mem>>) src(%dma_wait3A_190 : memref<8x4096xf32, #tpu.memory_space<hbm>>) dst(%arg5 : memref<8x4096xf32, #tpu.memory_space<vmem>>)
      %scan3A_191 = arith.constant 0 : i32
      %scan3A_192 = arith.constant 8 : i32
      %scan3A_193 = arith.addi %scan3A_191, %scan3A_192 : i32
      %scan3A_194 = arith.constant 1 : i32
      %scan3A_195:16 = scf.for %scan3A_204 = %scan3A_191 to %scan3A_193 step %scan3A_194 iter_args(%scan3A_205 = %scan3A_176#0, %scan3A_206 = %scan3A_176#1, %scan3A_207 = %scan3A_176#2, %scan3A_208 = %scan3A_176#3, %scan3A_209 = %scan3A_176#4, %scan3A_210 = %scan3A_176#5, %scan3A_211 = %scan3A_176#6, %scan3A_212 = %scan3A_176#7, %scan3A_213 = %scan3A_176#8, %scan3A_214 = %scan3A_176#9, %scan3A_215 = %scan3A_176#10, %scan3A_216 = %scan3A_176#11, %scan3A_217 = %scan3A_176#12, %scan3A_218 = %scan3A_176#13, %scan3A_219 = %scan3A_176#14, %scan3A_220 = %scan3A_176#15) -> (vector<16xf32>, vector<16xf32>, vector<16xf32>, vector<16xf32>, vector<16xf32>, vector<16xf32>, vector<16xf32>, vector<16xf32>, vector<16xf32>, vector<16xf32>, vector<16xf32>, vector<16xf32>, vector<16xf32>, vector<16xf32>, vector<16xf32>, vector<16xf32>)  : i32 {
        %get3A = arith.index_cast %scan3A_204 : i32 to index
        %get3A_221 = arith.constant 0 : index
        %get3A_222 = tpu.vector_load %arg5[%get3A, %get3A_221] {strides = array<i32>} : memref<8x4096xf32, #tpu.memory_space<vmem>>, vector<1x16xf32>,
        %get3A_223 = vector.shape_cast %get3A_222 : vector<1x16xf32> to vector<16xf32>
        %get3A_224 = arith.index_cast %scan3A_204 : i32 to index
        %get3A_225 = arith.constant 16 : index
        %get3A_226 = tpu.vector_load %arg5[%get3A_224, %get3A_225] {strides = array<i32>} : memref<8x4096xf32, #tpu.memory_space<vmem>>, vector<1x16xf32>,
        %get3A_227 = vector.shape_cast %get3A_226 : vector<1x16xf32> to vector<16xf32>
        %get3A_228 = arith.index_cast %scan3A_204 : i32 to index
        %get3A_229 = arith.constant 32 : index
        %get3A_230 = tpu.vector_load %arg5[%get3A_228, %get3A_229] {strides = array<i32>} : memref<8x4096xf32, #tpu.memory_space<vmem>>, vector<1x16xf32>,
        %get3A_231 = vector.shape_cast %get3A_230 : vector<1x16xf32> to vector<16xf32>
        %get3A_232 = arith.index_cast %scan3A_204 : i32 to index
        %get3A_233 = arith.constant 48 : index
        %get3A_234 = tpu.vector_load %arg5[%get3A_232, %get3A_233] {strides = array<i32>} : memref<8x4096xf32, #tpu.memory_space<vmem>>, vector<1x16xf32>,
        %get3A_235 = vector.shape_cast %get3A_234 : vector<1x16xf32> to vector<16xf32>
        %get3A_236 = arith.index_cast %scan3A_204 : i32 to index
        %get3A_237 = arith.constant 64 : index
        %get3A_238 = tpu.vector_load %arg5[%get3A_236, %get3A_237] {strides = array<i32>} : memref<8x4096xf32, #tpu.memory_space<vmem>>, vector<1x16xf32>,
        %get3A_239 = vector.shape_cast %get3A_238 : vector<1x16xf32> to vector<16xf32>
        %get3A_240 = arith.index_cast %scan3A_204 : i32 to index
        %get3A_241 = arith.constant 80 : index
        %get3A_242 = tpu.vector_load %arg5[%get3A_240, %get3A_241] {strides = array<i32>} : memref<8x4096xf32, #tpu.memory_space<vmem>>, vector<1x16xf32>,
        %get3A_243 = vector.shape_cast %get3A_242 : vector<1x16xf32> to vector<16xf32>
        %get3A_244 = arith.index_cast %scan3A_204 : i32 to index
        %get3A_245 = arith.constant 96 : index
        %get3A_246 = tpu.vector_load %arg5[%get3A_244, %get3A_245] {strides = array<i32>} : memref<8x4096xf32, #tpu.memory_space<vmem>>, vector<1x16xf32>,
        %get3A_247 = vector.shape_cast %get3A_246 : vector<1x16xf32> to vector<16xf32>
        %get3A_248 = arith.index_cast %scan3A_204 : i32 to index
        %get3A_249 = arith.constant 112 : index
        %get3A_250 = tpu.vector_load %arg5[%get3A_248, %get3A_249] {strides = array<i32>} : memref<8x4096xf32, #tpu.memory_space<vmem>>, vector<1x16xf32>,
        %get3A_251 = vector.shape_cast %get3A_250 : vector<1x16xf32> to vector<16xf32>
        %get3A_252 = arith.index_cast %scan3A_204 : i32 to index
        %get3A_253 = arith.constant 128 : index
        %get3A_254 = tpu.vector_load %arg5[%get3A_252, %get3A_253] {strides = array<i32>} : memref<8x4096xf32, #tpu.memory_space<vmem>>, vector<1x16xf32>,
        %get3A_255 = vector.shape_cast %get3A_254 : vector<1x16xf32> to vector<16xf32>
        %get3A_256 = arith.index_cast %scan3A_204 : i32 to index
        %get3A_257 = arith.constant 144 : index
        %get3A_258 = tpu.vector_load %arg5[%get3A_256, %get3A_257] {strides = array<i32>} : memref<8x4096xf32, #tpu.memory_space<vmem>>, vector<1x16xf32>,
        %get3A_259 = vector.shape_cast %get3A_258 : vector<1x16xf32> to vector<16xf32>
        %get3A_260 = arith.index_cast %scan3A_204 : i32 to index
        %get3A_261 = arith.constant 160 : index
        %get3A_262 = tpu.vector_load %arg5[%get3A_260, %get3A_261] {strides = array<i32>} : memref<8x4096xf32, #tpu.memory_space<vmem>>, vector<1x16xf32>,
        %get3A_263 = vector.shape_cast %get3A_262 : vector<1x16xf32> to vector<16xf32>
        %get3A_264 = arith.index_cast %scan3A_204 : i32 to index
        %get3A_265 = arith.constant 176 : index
        %get3A_266 = tpu.vector_load %arg5[%get3A_264, %get3A_265] {strides = array<i32>} : memref<8x4096xf32, #tpu.memory_space<vmem>>, vector<1x16xf32>,
        %get3A_267 = vector.shape_cast %get3A_266 : vector<1x16xf32> to vector<16xf32>
        %get3A_268 = arith.index_cast %scan3A_204 : i32 to index
        %get3A_269 = arith.constant 192 : index
        %get3A_270 = tpu.vector_load %arg5[%get3A_268, %get3A_269] {strides = array<i32>} : memref<8x4096xf32, #tpu.memory_space<vmem>>, vector<1x16xf32>,
        %get3A_271 = vector.shape_cast %get3A_270 : vector<1x16xf32> to vector<16xf32>
        %get3A_272 = arith.index_cast %scan3A_204 : i32 to index
        %get3A_273 = arith.constant 208 : index
        %get3A_274 = tpu.vector_load %arg5[%get3A_272, %get3A_273] {strides = array<i32>} : memref<8x4096xf32, #tpu.memory_space<vmem>>, vector<1x16xf32>,
        %get3A_275 = vector.shape_cast %get3A_274 : vector<1x16xf32> to vector<16xf32>
        %get3A_276 = arith.index_cast %scan3A_204 : i32 to index
        %get3A_277 = arith.constant 224 : index
        %get3A_278 = tpu.vector_load %arg5[%get3A_276, %get3A_277] {strides = array<i32>} : memref<8x4096xf32, #tpu.memory_space<vmem>>, vector<1x16xf32>,
        %get3A_279 = vector.shape_cast %get3A_278 : vector<1x16xf32> to vector<16xf32>
        %get3A_280 = arith.index_cast %scan3A_204 : i32 to index
        %get3A_281 = arith.constant 240 : index
        %get3A_282 = tpu.vector_load %arg5[%get3A_280, %get3A_281] {strides = array<i32>} : memref<8x4096xf32, #tpu.memory_space<vmem>>, vector<1x16xf32>,
        %get3A_283 = vector.shape_cast %get3A_282 : vector<1x16xf32> to vector<16xf32>
        %add3A_284 = arith.addf %get3A_223, %get3A_227 : vector<16xf32>
        %add3A_285 = arith.addf %get3A_231, %get3A_235 : vector<16xf32>
        %add3A_286 = arith.addf %get3A_239, %get3A_243 : vector<16xf32>
        %add3A_287 = arith.addf %get3A_247, %get3A_251 : vector<16xf32>
        %add3A_288 = arith.addf %get3A_255, %get3A_259 : vector<16xf32>
        %add3A_289 = arith.addf %get3A_263, %get3A_267 : vector<16xf32>
        %add3A_290 = arith.addf %get3A_271, %get3A_275 : vector<16xf32>
        %add3A_291 = arith.addf %get3A_279, %get3A_283 : vector<16xf32>
        %add3A_292 = arith.addf %add3A_284, %add3A_285 : vector<16xf32>
        %add3A_293 = arith.addf %add3A_286, %add3A_287 : vector<16xf32>
        %add3A_294 = arith.addf %add3A_288, %add3A_289 : vector<16xf32>
        %add3A_295 = arith.addf %add3A_290, %add3A_291 : vector<16xf32>
        %add3A_296 = arith.addf %add3A_292, %add3A_293 : vector<16xf32>
        %add3A_297 = arith.addf %add3A_294, %add3A_295 : vector<16xf32>
        %add3A_298 = arith.addf %add3A_296, %add3A_297 : vector<16xf32>
        %add3A_299 = arith.addf %scan3A_205, %add3A_298 : vector<16xf32>
        %get3A_300 = arith.index_cast %scan3A_204 : i32 to index
        %get3A_301 = arith.constant 256 : index
        %get3A_302 = tpu.vector_load %arg5[%get3A_300, %get3A_301] {strides = array<i32>} : memref<8x4096xf32, #tpu.memory_space<vmem>>, vector<1x16xf32>,
        %get3A_303 = vector.shape_cast %get3A_302 : vector<1x16xf32> to vector<16xf32>
        %get3A_304 = arith.index_cast %scan3A_204 : i32 to index
        %get3A_305 = arith.constant 272 : index
        %get3A_306 = tpu.vector_load %arg5[%get3A_304, %get3A_305] {strides = array<i32>} : memref<8x4096xf32, #tpu.memory_space<vmem>>, vector<1x16xf32>,
        %get3A_307 = vector.shape_cast %get3A_306 : vector<1x16xf32> to vector<16xf32>
        %get3A_308 = arith.index_cast %scan3A_204 : i32 to index
        %get3A_309 = arith.constant 288 : index
        %get3A_310 = tpu.vector_load %arg5[%get3A_308, %get3A_309] {strides = array<i32>} : memref<8x4096xf32, #tpu.memory_space<vmem>>, vector<1x16xf32>,
        %get3A_311 = vector.shape_cast %get3A_310 : vector<1x16xf32> to vector<16xf32>
        %get3A_312 = arith.index_cast %scan3A_204 : i32 to index
        %get3A_313 = arith.constant 304 : index
        %get3A_314 = tpu.vector_load %arg5[%get3A_312, %get3A_313] {strides = array<i32>} : memref<8x4096xf32, #tpu.memory_space<vmem>>, vector<1x16xf32>,
        %get3A_315 = vector.shape_cast %get3A_314 : vector<1x16xf32> to vector<16xf32>
        %get3A_316 = arith.index_cast %scan3A_204 : i32 to index
        %get3A_317 = arith.constant 320 : index
        %get3A_318 = tpu.vector_load %arg5[%get3A_316, %get3A_317] {strides = array<i32>} : memref<8x4096xf32, #tpu.memory_space<vmem>>, vector<1x16xf32>,
        %get3A_319 = vector.shape_cast %get3A_318 : vector<1x16xf32> to vector<16xf32>
        %get3A_320 = arith.index_cast %scan3A_204 : i32 to index
        %get3A_321 = arith.constant 336 : index
        %get3A_322 = tpu.vector_load %arg5[%get3A_320, %get3A_321] {strides = array<i32>} : memref<8x4096xf32, #tpu.memory_space<vmem>>, vector<1x16xf32>,
        %get3A_323 = vector.shape_cast %get3A_322 : vector<1x16xf32> to vector<16xf32>
        %get3A_324 = arith.index_cast %scan3A_204 : i32 to index
        %get3A_325 = arith.constant 352 : index
        %get3A_326 = tpu.vector_load %arg5[%get3A_324, %get3A_325] {strides = array<i32>} : memref<8x4096xf32, #tpu.memory_space<vmem>>, vector<1x16xf32>,
        %get3A_327 = vector.shape_cast %get3A_326 : vector<1x16xf32> to vector<16xf32>
        %get3A_328 = arith.index_cast %scan3A_204 : i32 to index
        %get3A_329 = arith.constant 368 : index
        %get3A_330 = tpu.vector_load %arg5[%get3A_328, %get3A_329] {strides = array<i32>} : memref<8x4096xf32, #tpu.memory_space<vmem>>, vector<1x16xf32>,
        %get3A_331 = vector.shape_cast %get3A_330 : vector<1x16xf32> to vector<16xf32>
        %get3A_332 = arith.index_cast %scan3A_204 : i32 to index
        %get3A_333 = arith.constant 384 : index
        %get3A_334 = tpu.vector_load %arg5[%get3A_332, %get3A_333] {strides = array<i32>} : memref<8x4096xf32, #tpu.memory_space<vmem>>, vector<1x16xf32>,
        %get3A_335 = vector.shape_cast %get3A_334 : vector<1x16xf32> to vector<16xf32>
        %get3A_336 = arith.index_cast %scan3A_204 : i32 to index
        %get3A_337 = arith.constant 400 : index
        %get3A_338 = tpu.vector_load %arg5[%get3A_336, %get3A_337] {strides = array<i32>} : memref<8x4096xf32, #tpu.memory_space<vmem>>, vector<1x16xf32>,
        %get3A_339 = vector.shape_cast %get3A_338 : vector<1x16xf32> to vector<16xf32>
        %get3A_340 = arith.index_cast %scan3A_204 : i32 to index
        %get3A_341 = arith.constant 416 : index
        %get3A_342 = tpu.vector_load %arg5[%get3A_340, %get3A_341] {strides = array<i32>} : memref<8x4096xf32, #tpu.memory_space<vmem>>, vector<1x16xf32>,
        %get3A_343 = vector.shape_cast %get3A_342 : vector<1x16xf32> to vector<16xf32>
        %get3A_344 = arith.index_cast %scan3A_204 : i32 to index
        %get3A_345 = arith.constant 432 : index
        %get3A_346 = tpu.vector_load %arg5[%get3A_344, %get3A_345] {strides = array<i32>} : memref<8x4096xf32, #tpu.memory_space<vmem>>, vector<1x16xf32>,
        %get3A_347 = vector.shape_cast %get3A_346 : vector<1x16xf32> to vector<16xf32>
        %get3A_348 = arith.index_cast %scan3A_204 : i32 to index
        %get3A_349 = arith.constant 448 : index
        %get3A_350 = tpu.vector_load %arg5[%get3A_348, %get3A_349] {strides = array<i32>} : memref<8x4096xf32, #tpu.memory_space<vmem>>, vector<1x16xf32>,
        %get3A_351 = vector.shape_cast %get3A_350 : vector<1x16xf32> to vector<16xf32>
        %get3A_352 = arith.index_cast %scan3A_204 : i32 to index
        %get3A_353 = arith.constant 464 : index
        %get3A_354 = tpu.vector_load %arg5[%get3A_352, %get3A_353] {strides = array<i32>} : memref<8x4096xf32, #tpu.memory_space<vmem>>, vector<1x16xf32>,
        %get3A_355 = vector.shape_cast %get3A_354 : vector<1x16xf32> to vector<16xf32>
        %get3A_356 = arith.index_cast %scan3A_204 : i32 to index
        %get3A_357 = arith.constant 480 : index
        %get3A_358 = tpu.vector_load %arg5[%get3A_356, %get3A_357] {strides = array<i32>} : memref<8x4096xf32, #tpu.memory_space<vmem>>, vector<1x16xf32>,
        %get3A_359 = vector.shape_cast %get3A_358 : vector<1x16xf32> to vector<16xf32>
        %get3A_360 = arith.index_cast %scan3A_204 : i32 to index
        %get3A_361 = arith.constant 496 : index
        %get3A_362 = tpu.vector_load %arg5[%get3A_360, %get3A_361] {strides = array<i32>} : memref<8x4096xf32, #tpu.memory_space<vmem>>, vector<1x16xf32>,
        %get3A_363 = vector.shape_cast %get3A_362 : vector<1x16xf32> to vector<16xf32>
        %add3A_364 = arith.addf %get3A_303, %get3A_307 : vector<16xf32>
        %add3A_365 = arith.addf %get3A_311, %get3A_315 : vector<16xf32>
        %add3A_366 = arith.addf %get3A_319, %get3A_323 : vector<16xf32>
        %add3A_367 = arith.addf %get3A_327, %get3A_331 : vector<16xf32>
        %add3A_368 = arith.addf %get3A_335, %get3A_339 : vector<16xf32>
        %add3A_369 = arith.addf %get3A_343, %get3A_347 : vector<16xf32>
        %add3A_370 = arith.addf %get3A_351, %get3A_355 : vector<16xf32>
        %add3A_371 = arith.addf %get3A_359, %get3A_363 : vector<16xf32>
        %add3A_372 = arith.addf %add3A_364, %add3A_365 : vector<16xf32>
        %add3A_373 = arith.addf %add3A_366, %add3A_367 : vector<16xf32>
        %add3A_374 = arith.addf %add3A_368, %add3A_369 : vector<16xf32>
        %add3A_375 = arith.addf %add3A_370, %add3A_371 : vector<16xf32>
        %add3A_376 = arith.addf %add3A_372, %add3A_373 : vector<16xf32>
        %add3A_377 = arith.addf %add3A_374, %add3A_375 : vector<16xf32>
        %add3A_378 = arith.addf %add3A_376, %add3A_377 : vector<16xf32>
        %add3A_379 = arith.addf %scan3A_206, %add3A_378 : vector<16xf32>
        %get3A_380 = arith.index_cast %scan3A_204 : i32 to index
        %get3A_381 = arith.constant 512 : index
        %get3A_382 = tpu.vector_load %arg5[%get3A_380, %get3A_381] {strides = array<i32>} : memref<8x4096xf32, #tpu.memory_space<vmem>>, vector<1x16xf32>,
        %get3A_383 = vector.shape_cast %get3A_382 : vector<1x16xf32> to vector<16xf32>
        %get3A_384 = arith.index_cast %scan3A_204 : i32 to index
        %get3A_385 = arith.constant 528 : index
        %get3A_386 = tpu.vector_load %arg5[%get3A_384, %get3A_385] {strides = array<i32>} : memref<8x4096xf32, #tpu.memory_space<vmem>>, vector<1x16xf32>,
        %get3A_387 = vector.shape_cast %get3A_386 : vector<1x16xf32> to vector<16xf32>
        %get3A_388 = arith.index_cast %scan3A_204 : i32 to index
        %get3A_389 = arith.constant 544 : index
        %get3A_390 = tpu.vector_load %arg5[%get3A_388, %get3A_389] {strides = array<i32>} : memref<8x4096xf32, #tpu.memory_space<vmem>>, vector<1x16xf32>,
        %get3A_391 = vector.shape_cast %get3A_390 : vector<1x16xf32> to vector<16xf32>
        %get3A_392 = arith.index_cast %scan3A_204 : i32 to index
        %get3A_393 = arith.constant 560 : index
        %get3A_394 = tpu.vector_load %arg5[%get3A_392, %get3A_393] {strides = array<i32>} : memref<8x4096xf32, #tpu.memory_space<vmem>>, vector<1x16xf32>,
        %get3A_395 = vector.shape_cast %get3A_394 : vector<1x16xf32> to vector<16xf32>
        %get3A_396 = arith.index_cast %scan3A_204 : i32 to index
        %get3A_397 = arith.constant 576 : index
        %get3A_398 = tpu.vector_load %arg5[%get3A_396, %get3A_397] {strides = array<i32>} : memref<8x4096xf32, #tpu.memory_space<vmem>>, vector<1x16xf32>,
        %get3A_399 = vector.shape_cast %get3A_398 : vector<1x16xf32> to vector<16xf32>
        %get3A_400 = arith.index_cast %scan3A_204 : i32 to index
        %get3A_401 = arith.constant 592 : index
        %get3A_402 = tpu.vector_load %arg5[%get3A_400, %get3A_401] {strides = array<i32>} : memref<8x4096xf32, #tpu.memory_space<vmem>>, vector<1x16xf32>,
        %get3A_403 = vector.shape_cast %get3A_402 : vector<1x16xf32> to vector<16xf32>
        %get3A_404 = arith.index_cast %scan3A_204 : i32 to index
        %get3A_405 = arith.constant 608 : index
        %get3A_406 = tpu.vector_load %arg5[%get3A_404, %get3A_405] {strides = array<i32>} : memref<8x4096xf32, #tpu.memory_space<vmem>>, vector<1x16xf32>,
        %get3A_407 = vector.shape_cast %get3A_406 : vector<1x16xf32> to vector<16xf32>
        %get3A_408 = arith.index_cast %scan3A_204 : i32 to index
        %get3A_409 = arith.constant 624 : index
        %get3A_410 = tpu.vector_load %arg5[%get3A_408, %get3A_409] {strides = array<i32>} : memref<8x4096xf32, #tpu.memory_space<vmem>>, vector<1x16xf32>,
        %get3A_411 = vector.shape_cast %get3A_410 : vector<1x16xf32> to vector<16xf32>
        %get3A_412 = arith.index_cast %scan3A_204 : i32 to index
        %get3A_413 = arith.constant 640 : index
        %get3A_414 = tpu.vector_load %arg5[%get3A_412, %get3A_413] {strides = array<i32>} : memref<8x4096xf32, #tpu.memory_space<vmem>>, vector<1x16xf32>,
        %get3A_415 = vector.shape_cast %get3A_414 : vector<1x16xf32> to vector<16xf32>
        %get3A_416 = arith.index_cast %scan3A_204 : i32 to index
        %get3A_417 = arith.constant 656 : index
        %get3A_418 = tpu.vector_load %arg5[%get3A_416, %get3A_417] {strides = array<i32>} : memref<8x4096xf32, #tpu.memory_space<vmem>>, vector<1x16xf32>,
        %get3A_419 = vector.shape_cast %get3A_418 : vector<1x16xf32> to vector<16xf32>
        %get3A_420 = arith.index_cast %scan3A_204 : i32 to index
        %get3A_421 = arith.constant 672 : index
        %get3A_422 = tpu.vector_load %arg5[%get3A_420, %get3A_421] {strides = array<i32>} : memref<8x4096xf32, #tpu.memory_space<vmem>>, vector<1x16xf32>,
        %get3A_423 = vector.shape_cast %get3A_422 : vector<1x16xf32> to vector<16xf32>
        %get3A_424 = arith.index_cast %scan3A_204 : i32 to index
        %get3A_425 = arith.constant 688 : index
        %get3A_426 = tpu.vector_load %arg5[%get3A_424, %get3A_425] {strides = array<i32>} : memref<8x4096xf32, #tpu.memory_space<vmem>>, vector<1x16xf32>,
        %get3A_427 = vector.shape_cast %get3A_426 : vector<1x16xf32> to vector<16xf32>
        %get3A_428 = arith.index_cast %scan3A_204 : i32 to index
        %get3A_429 = arith.constant 704 : index
        %get3A_430 = tpu.vector_load %arg5[%get3A_428, %get3A_429] {strides = array<i32>} : memref<8x4096xf32, #tpu.memory_space<vmem>>, vector<1x16xf32>,
        %get3A_431 = vector.shape_cast %get3A_430 : vector<1x16xf32> to vector<16xf32>
        %get3A_432 = arith.index_cast %scan3A_204 : i32 to index
        %get3A_433 = arith.constant 720 : index
        %get3A_434 = tpu.vector_load %arg5[%get3A_432, %get3A_433] {strides = array<i32>} : memref<8x4096xf32, #tpu.memory_space<vmem>>, vector<1x16xf32>,
        %get3A_435 = vector.shape_cast %get3A_434 : vector<1x16xf32> to vector<16xf32>
        %get3A_436 = arith.index_cast %scan3A_204 : i32 to index
        %get3A_437 = arith.constant 736 : index
        %get3A_438 = tpu.vector_load %arg5[%get3A_436, %get3A_437] {strides = array<i32>} : memref<8x4096xf32, #tpu.memory_space<vmem>>, vector<1x16xf32>,
        %get3A_439 = vector.shape_cast %get3A_438 : vector<1x16xf32> to vector<16xf32>
        %get3A_440 = arith.index_cast %scan3A_204 : i32 to index
        %get3A_441 = arith.constant 752 : index
        %get3A_442 = tpu.vector_load %arg5[%get3A_440, %get3A_441] {strides = array<i32>} : memref<8x4096xf32, #tpu.memory_space<vmem>>, vector<1x16xf32>,
        %get3A_443 = vector.shape_cast %get3A_442 : vector<1x16xf32> to vector<16xf32>
        %add3A_444 = arith.addf %get3A_383, %get3A_387 : vector<16xf32>
        %add3A_445 = arith.addf %get3A_391, %get3A_395 : vector<16xf32>
        %add3A_446 = arith.addf %get3A_399, %get3A_403 : vector<16xf32>
        %add3A_447 = arith.addf %get3A_407, %get3A_411 : vector<16xf32>
        %add3A_448 = arith.addf %get3A_415, %get3A_419 : vector<16xf32>
        %add3A_449 = arith.addf %get3A_423, %get3A_427 : vector<16xf32>
        %add3A_450 = arith.addf %get3A_431, %get3A_435 : vector<16xf32>
        %add3A_451 = arith.addf %get3A_439, %get3A_443 : vector<16xf32>
        %add3A_452 = arith.addf %add3A_444, %add3A_445 : vector<16xf32>
        %add3A_453 = arith.addf %add3A_446, %add3A_447 : vector<16xf32>
        %add3A_454 = arith.addf %add3A_448, %add3A_449 : vector<16xf32>
        %add3A_455 = arith.addf %add3A_450, %add3A_451 : vector<16xf32>
        %add3A_456 = arith.addf %add3A_452, %add3A_453 : vector<16xf32>
        %add3A_457 = arith.addf %add3A_454, %add3A_455 : vector<16xf32>
        %add3A_458 = arith.addf %add3A_456, %add3A_457 : vector<16xf32>
        %add3A_459 = arith.addf %scan3A_207, %add3A_458 : vector<16xf32>
        %get3A_460 = arith.index_cast %scan3A_204 : i32 to index
        %get3A_461 = arith.constant 768 : index
        %get3A_462 = tpu.vector_load %arg5[%get3A_460, %get3A_461] {strides = array<i32>} : memref<8x4096xf32, #tpu.memory_space<vmem>>, vector<1x16xf32>,
        %get3A_463 = vector.shape_cast %get3A_462 : vector<1x16xf32> to vector<16xf32>
        %get3A_464 = arith.index_cast %scan3A_204 : i32 to index
        %get3A_465 = arith.constant 784 : index
        %get3A_466 = tpu.vector_load %arg5[%get3A_464, %get3A_465] {strides = array<i32>} : memref<8x4096xf32, #tpu.memory_space<vmem>>, vector<1x16xf32>,
        %get3A_467 = vector.shape_cast %get3A_466 : vector<1x16xf32> to vector<16xf32>
        %get3A_468 = arith.index_cast %scan3A_204 : i32 to index
        %get3A_469 = arith.constant 800 : index
        %get3A_470 = tpu.vector_load %arg5[%get3A_468, %get3A_469] {strides = array<i32>} : memref<8x4096xf32, #tpu.memory_space<vmem>>, vector<1x16xf32>,
        %get3A_471 = vector.shape_cast %get3A_470 : vector<1x16xf32> to vector<16xf32>
        %get3A_472 = arith.index_cast %scan3A_204 : i32 to index
        %get3A_473 = arith.constant 816 : index
        %get3A_474 = tpu.vector_load %arg5[%get3A_472, %get3A_473] {strides = array<i32>} : memref<8x4096xf32, #tpu.memory_space<vmem>>, vector<1x16xf32>,
        %get3A_475 = vector.shape_cast %get3A_474 : vector<1x16xf32> to vector<16xf32>
        %get3A_476 = arith.index_cast %scan3A_204 : i32 to index
        %get3A_477 = arith.constant 832 : index
        %get3A_478 = tpu.vector_load %arg5[%get3A_476, %get3A_477] {strides = array<i32>} : memref<8x4096xf32, #tpu.memory_space<vmem>>, vector<1x16xf32>,
        %get3A_479 = vector.shape_cast %get3A_478 : vector<1x16xf32> to vector<16xf32>
        %get3A_480 = arith.index_cast %scan3A_204 : i32 to index
        %get3A_481 = arith.constant 848 : index
        %get3A_482 = tpu.vector_load %arg5[%get3A_480, %get3A_481] {strides = array<i32>} : memref<8x4096xf32, #tpu.memory_space<vmem>>, vector<1x16xf32>,
        %get3A_483 = vector.shape_cast %get3A_482 : vector<1x16xf32> to vector<16xf32>
        %get3A_484 = arith.index_cast %scan3A_204 : i32 to index
        %get3A_485 = arith.constant 864 : index
        %get3A_486 = tpu.vector_load %arg5[%get3A_484, %get3A_485] {strides = array<i32>} : memref<8x4096xf32, #tpu.memory_space<vmem>>, vector<1x16xf32>,
        %get3A_487 = vector.shape_cast %get3A_486 : vector<1x16xf32> to vector<16xf32>
        %get3A_488 = arith.index_cast %scan3A_204 : i32 to index
        %get3A_489 = arith.constant 880 : index
        %get3A_490 = tpu.vector_load %arg5[%get3A_488, %get3A_489] {strides = array<i32>} : memref<8x4096xf32, #tpu.memory_space<vmem>>, vector<1x16xf32>,
        %get3A_491 = vector.shape_cast %get3A_490 : vector<1x16xf32> to vector<16xf32>
        %get3A_492 = arith.index_cast %scan3A_204 : i32 to index
        %get3A_493 = arith.constant 896 : index
        %get3A_494 = tpu.vector_load %arg5[%get3A_492, %get3A_493] {strides = array<i32>} : memref<8x4096xf32, #tpu.memory_space<vmem>>, vector<1x16xf32>,
        %get3A_495 = vector.shape_cast %get3A_494 : vector<1x16xf32> to vector<16xf32>
        %get3A_496 = arith.index_cast %scan3A_204 : i32 to index
        %get3A_497 = arith.constant 912 : index
        %get3A_498 = tpu.vector_load %arg5[%get3A_496, %get3A_497] {strides = array<i32>} : memref<8x4096xf32, #tpu.memory_space<vmem>>, vector<1x16xf32>,
        %get3A_499 = vector.shape_cast %get3A_498 : vector<1x16xf32> to vector<16xf32>
        %get3A_500 = arith.index_cast %scan3A_204 : i32 to index
        %get3A_501 = arith.constant 928 : index
        %get3A_502 = tpu.vector_load %arg5[%get3A_500, %get3A_501] {strides = array<i32>} : memref<8x4096xf32, #tpu.memory_space<vmem>>, vector<1x16xf32>,
        %get3A_503 = vector.shape_cast %get3A_502 : vector<1x16xf32> to vector<16xf32>
        %get3A_504 = arith.index_cast %scan3A_204 : i32 to index
        %get3A_505 = arith.constant 944 : index
        %get3A_506 = tpu.vector_load %arg5[%get3A_504, %get3A_505] {strides = array<i32>} : memref<8x4096xf32, #tpu.memory_space<vmem>>, vector<1x16xf32>,
        %get3A_507 = vector.shape_cast %get3A_506 : vector<1x16xf32> to vector<16xf32>
        %get3A_508 = arith.index_cast %scan3A_204 : i32 to index
        %get3A_509 = arith.constant 960 : index
        %get3A_510 = tpu.vector_load %arg5[%get3A_508, %get3A_509] {strides = array<i32>} : memref<8x4096xf32, #tpu.memory_space<vmem>>, vector<1x16xf32>,
        %get3A_511 = vector.shape_cast %get3A_510 : vector<1x16xf32> to vector<16xf32>
        %get3A_512 = arith.index_cast %scan3A_204 : i32 to index
        %get3A_513 = arith.constant 976 : index
        %get3A_514 = tpu.vector_load %arg5[%get3A_512, %get3A_513] {strides = array<i32>} : memref<8x4096xf32, #tpu.memory_space<vmem>>, vector<1x16xf32>,
        %get3A_515 = vector.shape_cast %get3A_514 : vector<1x16xf32> to vector<16xf32>
        %get3A_516 = arith.index_cast %scan3A_204 : i32 to index
        %get3A_517 = arith.constant 992 : index
        %get3A_518 = tpu.vector_load %arg5[%get3A_516, %get3A_517] {strides = array<i32>} : memref<8x4096xf32, #tpu.memory_space<vmem>>, vector<1x16xf32>,
        %get3A_519 = vector.shape_cast %get3A_518 : vector<1x16xf32> to vector<16xf32>
        %get3A_520 = arith.index_cast %scan3A_204 : i32 to index
        %get3A_521 = arith.constant 1008 : index
        %get3A_522 = tpu.vector_load %arg5[%get3A_520, %get3A_521] {strides = array<i32>} : memref<8x4096xf32, #tpu.memory_space<vmem>>, vector<1x16xf32>,
        %get3A_523 = vector.shape_cast %get3A_522 : vector<1x16xf32> to vector<16xf32>
        %add3A_524 = arith.addf %get3A_463, %get3A_467 : vector<16xf32>
        %add3A_525 = arith.addf %get3A_471, %get3A_475 : vector<16xf32>
        %add3A_526 = arith.addf %get3A_479, %get3A_483 : vector<16xf32>
        %add3A_527 = arith.addf %get3A_487, %get3A_491 : vector<16xf32>
        %add3A_528 = arith.addf %get3A_495, %get3A_499 : vector<16xf32>
        %add3A_529 = arith.addf %get3A_503, %get3A_507 : vector<16xf32>
        %add3A_530 = arith.addf %get3A_511, %get3A_515 : vector<16xf32>
        %add3A_531 = arith.addf %get3A_519, %get3A_523 : vector<16xf32>
        %add3A_532 = arith.addf %add3A_524, %add3A_525 : vector<16xf32>
        %add3A_533 = arith.addf %add3A_526, %add3A_527 : vector<16xf32>
        %add3A_534 = arith.addf %add3A_528, %add3A_529 : vector<16xf32>
        %add3A_535 = arith.addf %add3A_530, %add3A_531 : vector<16xf32>
        %add3A_536 = arith.addf %add3A_532, %add3A_533 : vector<16xf32>
        %add3A_537 = arith.addf %add3A_534, %add3A_535 : vector<16xf32>
        %add3A_538 = arith.addf %add3A_536, %add3A_537 : vector<16xf32>
        %add3A_539 = arith.addf %scan3A_208, %add3A_538 : vector<16xf32>
        %get3A_540 = arith.index_cast %scan3A_204 : i32 to index
        %get3A_541 = arith.constant 1024 : index
        %get3A_542 = tpu.vector_load %arg5[%get3A_540, %get3A_541] {strides = array<i32>} : memref<8x4096xf32, #tpu.memory_space<vmem>>, vector<1x16xf32>,
        %get3A_543 = vector.shape_cast %get3A_542 : vector<1x16xf32> to vector<16xf32>
        %get3A_544 = arith.index_cast %scan3A_204 : i32 to index
        %get3A_545 = arith.constant 1040 : index
        %get3A_546 = tpu.vector_load %arg5[%get3A_544, %get3A_545] {strides = array<i32>} : memref<8x4096xf32, #tpu.memory_space<vmem>>, vector<1x16xf32>,
        %get3A_547 = vector.shape_cast %get3A_546 : vector<1x16xf32> to vector<16xf32>
        %get3A_548 = arith.index_cast %scan3A_204 : i32 to index
        %get3A_549 = arith.constant 1056 : index
        %get3A_550 = tpu.vector_load %arg5[%get3A_548, %get3A_549] {strides = array<i32>} : memref<8x4096xf32, #tpu.memory_space<vmem>>, vector<1x16xf32>,
        %get3A_551 = vector.shape_cast %get3A_550 : vector<1x16xf32> to vector<16xf32>
        %get3A_552 = arith.index_cast %scan3A_204 : i32 to index
        %get3A_553 = arith.constant 1072 : index
        %get3A_554 = tpu.vector_load %arg5[%get3A_552, %get3A_553] {strides = array<i32>} : memref<8x4096xf32, #tpu.memory_space<vmem>>, vector<1x16xf32>,
        %get3A_555 = vector.shape_cast %get3A_554 : vector<1x16xf32> to vector<16xf32>
        %get3A_556 = arith.index_cast %scan3A_204 : i32 to index
        %get3A_557 = arith.constant 1088 : index
        %get3A_558 = tpu.vector_load %arg5[%get3A_556, %get3A_557] {strides = array<i32>} : memref<8x4096xf32, #tpu.memory_space<vmem>>, vector<1x16xf32>,
        %get3A_559 = vector.shape_cast %get3A_558 : vector<1x16xf32> to vector<16xf32>
        %get3A_560 = arith.index_cast %scan3A_204 : i32 to index
        %get3A_561 = arith.constant 1104 : index
        %get3A_562 = tpu.vector_load %arg5[%get3A_560, %get3A_561] {strides = array<i32>} : memref<8x4096xf32, #tpu.memory_space<vmem>>, vector<1x16xf32>,
        %get3A_563 = vector.shape_cast %get3A_562 : vector<1x16xf32> to vector<16xf32>
        %get3A_564 = arith.index_cast %scan3A_204 : i32 to index
        %get3A_565 = arith.constant 1120 : index
        %get3A_566 = tpu.vector_load %arg5[%get3A_564, %get3A_565] {strides = array<i32>} : memref<8x4096xf32, #tpu.memory_space<vmem>>, vector<1x16xf32>,
        %get3A_567 = vector.shape_cast %get3A_566 : vector<1x16xf32> to vector<16xf32>
        %get3A_568 = arith.index_cast %scan3A_204 : i32 to index
        %get3A_569 = arith.constant 1136 : index
        %get3A_570 = tpu.vector_load %arg5[%get3A_568, %get3A_569] {strides = array<i32>} : memref<8x4096xf32, #tpu.memory_space<vmem>>, vector<1x16xf32>,
        %get3A_571 = vector.shape_cast %get3A_570 : vector<1x16xf32> to vector<16xf32>
        %get3A_572 = arith.index_cast %scan3A_204 : i32 to index
        %get3A_573 = arith.constant 1152 : index
        %get3A_574 = tpu.vector_load %arg5[%get3A_572, %get3A_573] {strides = array<i32>} : memref<8x4096xf32, #tpu.memory_space<vmem>>, vector<1x16xf32>,
        %get3A_575 = vector.shape_cast %get3A_574 : vector<1x16xf32> to vector<16xf32>
        %get3A_576 = arith.index_cast %scan3A_204 : i32 to index
        %get3A_577 = arith.constant 1168 : index
        %get3A_578 = tpu.vector_load %arg5[%get3A_576, %get3A_577] {strides = array<i32>} : memref<8x4096xf32, #tpu.memory_space<vmem>>, vector<1x16xf32>,
        %get3A_579 = vector.shape_cast %get3A_578 : vector<1x16xf32> to vector<16xf32>
        %get3A_580 = arith.index_cast %scan3A_204 : i32 to index
        %get3A_581 = arith.constant 1184 : index
        %get3A_582 = tpu.vector_load %arg5[%get3A_580, %get3A_581] {strides = array<i32>} : memref<8x4096xf32, #tpu.memory_space<vmem>>, vector<1x16xf32>,
        %get3A_583 = vector.shape_cast %get3A_582 : vector<1x16xf32> to vector<16xf32>
        %get3A_584 = arith.index_cast %scan3A_204 : i32 to index
        %get3A_585 = arith.constant 1200 : index
        %get3A_586 = tpu.vector_load %arg5[%get3A_584, %get3A_585] {strides = array<i32>} : memref<8x4096xf32, #tpu.memory_space<vmem>>, vector<1x16xf32>,
        %get3A_587 = vector.shape_cast %get3A_586 : vector<1x16xf32> to vector<16xf32>
        %get3A_588 = arith.index_cast %scan3A_204 : i32 to index
        %get3A_589 = arith.constant 1216 : index
        %get3A_590 = tpu.vector_load %arg5[%get3A_588, %get3A_589] {strides = array<i32>} : memref<8x4096xf32, #tpu.memory_space<vmem>>, vector<1x16xf32>,
        %get3A_591 = vector.shape_cast %get3A_590 : vector<1x16xf32> to vector<16xf32>
        %get3A_592 = arith.index_cast %scan3A_204 : i32 to index
        %get3A_593 = arith.constant 1232 : index
        %get3A_594 = tpu.vector_load %arg5[%get3A_592, %get3A_593] {strides = array<i32>} : memref<8x4096xf32, #tpu.memory_space<vmem>>, vector<1x16xf32>,
        %get3A_595 = vector.shape_cast %get3A_594 : vector<1x16xf32> to vector<16xf32>
        %get3A_596 = arith.index_cast %scan3A_204 : i32 to index
        %get3A_597 = arith.constant 1248 : index
        %get3A_598 = tpu.vector_load %arg5[%get3A_596, %get3A_597] {strides = array<i32>} : memref<8x4096xf32, #tpu.memory_space<vmem>>, vector<1x16xf32>,
        %get3A_599 = vector.shape_cast %get3A_598 : vector<1x16xf32> to vector<16xf32>
        %get3A_600 = arith.index_cast %scan3A_204 : i32 to index
        %get3A_601 = arith.constant 1264 : index
        %get3A_602 = tpu.vector_load %arg5[%get3A_600, %get3A_601] {strides = array<i32>} : memref<8x4096xf32, #tpu.memory_space<vmem>>, vector<1x16xf32>,
        %get3A_603 = vector.shape_cast %get3A_602 : vector<1x16xf32> to vector<16xf32>
        %add3A_604 = arith.addf %get3A_543, %get3A_547 : vector<16xf32>
        %add3A_605 = arith.addf %get3A_551, %get3A_555 : vector<16xf32>
        %add3A_606 = arith.addf %get3A_559, %get3A_563 : vector<16xf32>
        %add3A_607 = arith.addf %get3A_567, %get3A_571 : vector<16xf32>
        %add3A_608 = arith.addf %get3A_575, %get3A_579 : vector<16xf32>
        %add3A_609 = arith.addf %get3A_583, %get3A_587 : vector<16xf32>
        %add3A_610 = arith.addf %get3A_591, %get3A_595 : vector<16xf32>
        %add3A_611 = arith.addf %get3A_599, %get3A_603 : vector<16xf32>
        %add3A_612 = arith.addf %add3A_604, %add3A_605 : vector<16xf32>
        %add3A_613 = arith.addf %add3A_606, %add3A_607 : vector<16xf32>
        %add3A_614 = arith.addf %add3A_608, %add3A_609 : vector<16xf32>
        %add3A_615 = arith.addf %add3A_610, %add3A_611 : vector<16xf32>
        %add3A_616 = arith.addf %add3A_612, %add3A_613 : vector<16xf32>
        %add3A_617 = arith.addf %add3A_614, %add3A_615 : vector<16xf32>
        %add3A_618 = arith.addf %add3A_616, %add3A_617 : vector<16xf32>
        %add3A_619 = arith.addf %scan3A_209, %add3A_618 : vector<16xf32>
        %get3A_620 = arith.index_cast %scan3A_204 : i32 to index
        %get3A_621 = arith.constant 1280 : index
        %get3A_622 = tpu.vector_load %arg5[%get3A_620, %get3A_621] {strides = array<i32>} : memref<8x4096xf32, #tpu.memory_space<vmem>>, vector<1x16xf32>,
        %get3A_623 = vector.shape_cast %get3A_622 : vector<1x16xf32> to vector<16xf32>
        %get3A_624 = arith.index_cast %scan3A_204 : i32 to index
        %get3A_625 = arith.constant 1296 : index
        %get3A_626 = tpu.vector_load %arg5[%get3A_624, %get3A_625] {strides = array<i32>} : memref<8x4096xf32, #tpu.memory_space<vmem>>, vector<1x16xf32>,
        %get3A_627 = vector.shape_cast %get3A_626 : vector<1x16xf32> to vector<16xf32>
        %get3A_628 = arith.index_cast %scan3A_204 : i32 to index
        %get3A_629 = arith.constant 1312 : index
        %get3A_630 = tpu.vector_load %arg5[%get3A_628, %get3A_629] {strides = array<i32>} : memref<8x4096xf32, #tpu.memory_space<vmem>>, vector<1x16xf32>,
        %get3A_631 = vector.shape_cast %get3A_630 : vector<1x16xf32> to vector<16xf32>
        %get3A_632 = arith.index_cast %scan3A_204 : i32 to index
        %get3A_633 = arith.constant 1328 : index
        %get3A_634 = tpu.vector_load %arg5[%get3A_632, %get3A_633] {strides = array<i32>} : memref<8x4096xf32, #tpu.memory_space<vmem>>, vector<1x16xf32>,
        %get3A_635 = vector.shape_cast %get3A_634 : vector<1x16xf32> to vector<16xf32>
        %get3A_636 = arith.index_cast %scan3A_204 : i32 to index
        %get3A_637 = arith.constant 1344 : index
        %get3A_638 = tpu.vector_load %arg5[%get3A_636, %get3A_637] {strides = array<i32>} : memref<8x4096xf32, #tpu.memory_space<vmem>>, vector<1x16xf32>,
        %get3A_639 = vector.shape_cast %get3A_638 : vector<1x16xf32> to vector<16xf32>
        %get3A_640 = arith.index_cast %scan3A_204 : i32 to index
        %get3A_641 = arith.constant 1360 : index
        %get3A_642 = tpu.vector_load %arg5[%get3A_640, %get3A_641] {strides = array<i32>} : memref<8x4096xf32, #tpu.memory_space<vmem>>, vector<1x16xf32>,
        %get3A_643 = vector.shape_cast %get3A_642 : vector<1x16xf32> to vector<16xf32>
        %get3A_644 = arith.index_cast %scan3A_204 : i32 to index
        %get3A_645 = arith.constant 1376 : index
        %get3A_646 = tpu.vector_load %arg5[%get3A_644, %get3A_645] {strides = array<i32>} : memref<8x4096xf32, #tpu.memory_space<vmem>>, vector<1x16xf32>,
        %get3A_647 = vector.shape_cast %get3A_646 : vector<1x16xf32> to vector<16xf32>
        %get3A_648 = arith.index_cast %scan3A_204 : i32 to index
        %get3A_649 = arith.constant 1392 : index
        %get3A_650 = tpu.vector_load %arg5[%get3A_648, %get3A_649] {strides = array<i32>} : memref<8x4096xf32, #tpu.memory_space<vmem>>, vector<1x16xf32>,
        %get3A_651 = vector.shape_cast %get3A_650 : vector<1x16xf32> to vector<16xf32>
        %get3A_652 = arith.index_cast %scan3A_204 : i32 to index
        %get3A_653 = arith.constant 1408 : index
        %get3A_654 = tpu.vector_load %arg5[%get3A_652, %get3A_653] {strides = array<i32>} : memref<8x4096xf32, #tpu.memory_space<vmem>>, vector<1x16xf32>,
        %get3A_655 = vector.shape_cast %get3A_654 : vector<1x16xf32> to vector<16xf32>
        %get3A_656 = arith.index_cast %scan3A_204 : i32 to index
        %get3A_657 = arith.constant 1424 : index
        %get3A_658 = tpu.vector_load %arg5[%get3A_656, %get3A_657] {strides = array<i32>} : memref<8x4096xf32, #tpu.memory_space<vmem>>, vector<1x16xf32>,
        %get3A_659 = vector.shape_cast %get3A_658 : vector<1x16xf32> to vector<16xf32>
        %get3A_660 = arith.index_cast %scan3A_204 : i32 to index
        %get3A_661 = arith.constant 1440 : index
        %get3A_662 = tpu.vector_load %arg5[%get3A_660, %get3A_661] {strides = array<i32>} : memref<8x4096xf32, #tpu.memory_space<vmem>>, vector<1x16xf32>,
        %get3A_663 = vector.shape_cast %get3A_662 : vector<1x16xf32> to vector<16xf32>
        %get3A_664 = arith.index_cast %scan3A_204 : i32 to index
        %get3A_665 = arith.constant 1456 : index
        %get3A_666 = tpu.vector_load %arg5[%get3A_664, %get3A_665] {strides = array<i32>} : memref<8x4096xf32, #tpu.memory_space<vmem>>, vector<1x16xf32>,
        %get3A_667 = vector.shape_cast %get3A_666 : vector<1x16xf32> to vector<16xf32>
        %get3A_668 = arith.index_cast %scan3A_204 : i32 to index
        %get3A_669 = arith.constant 1472 : index
        %get3A_670 = tpu.vector_load %arg5[%get3A_668, %get3A_669] {strides = array<i32>} : memref<8x4096xf32, #tpu.memory_space<vmem>>, vector<1x16xf32>,
        %get3A_671 = vector.shape_cast %get3A_670 : vector<1x16xf32> to vector<16xf32>
        %get3A_672 = arith.index_cast %scan3A_204 : i32 to index
        %get3A_673 = arith.constant 1488 : index
        %get3A_674 = tpu.vector_load %arg5[%get3A_672, %get3A_673] {strides = array<i32>} : memref<8x4096xf32, #tpu.memory_space<vmem>>, vector<1x16xf32>,
        %get3A_675 = vector.shape_cast %get3A_674 : vector<1x16xf32> to vector<16xf32>
        %get3A_676 = arith.index_cast %scan3A_204 : i32 to index
        %get3A_677 = arith.constant 1504 : index
        %get3A_678 = tpu.vector_load %arg5[%get3A_676, %get3A_677] {strides = array<i32>} : memref<8x4096xf32, #tpu.memory_space<vmem>>, vector<1x16xf32>,
        %get3A_679 = vector.shape_cast %get3A_678 : vector<1x16xf32> to vector<16xf32>
        %get3A_680 = arith.index_cast %scan3A_204 : i32 to index
        %get3A_681 = arith.constant 1520 : index
        %get3A_682 = tpu.vector_load %arg5[%get3A_680, %get3A_681] {strides = array<i32>} : memref<8x4096xf32, #tpu.memory_space<vmem>>, vector<1x16xf32>,
        %get3A_683 = vector.shape_cast %get3A_682 : vector<1x16xf32> to vector<16xf32>
        %add3A_684 = arith.addf %get3A_623, %get3A_627 : vector<16xf32>
        %add3A_685 = arith.addf %get3A_631, %get3A_635 : vector<16xf32>
        %add3A_686 = arith.addf %get3A_639, %get3A_643 : vector<16xf32>
        %add3A_687 = arith.addf %get3A_647, %get3A_651 : vector<16xf32>
        %add3A_688 = arith.addf %get3A_655, %get3A_659 : vector<16xf32>
        %add3A_689 = arith.addf %get3A_663, %get3A_667 : vector<16xf32>
        %add3A_690 = arith.addf %get3A_671, %get3A_675 : vector<16xf32>
        %add3A_691 = arith.addf %get3A_679, %get3A_683 : vector<16xf32>
        %add3A_692 = arith.addf %add3A_684, %add3A_685 : vector<16xf32>
        %add3A_693 = arith.addf %add3A_686, %add3A_687 : vector<16xf32>
        %add3A_694 = arith.addf %add3A_688, %add3A_689 : vector<16xf32>
        %add3A_695 = arith.addf %add3A_690, %add3A_691 : vector<16xf32>
        %add3A_696 = arith.addf %add3A_692, %add3A_693 : vector<16xf32>
        %add3A_697 = arith.addf %add3A_694, %add3A_695 : vector<16xf32>
        %add3A_698 = arith.addf %add3A_696, %add3A_697 : vector<16xf32>
        %add3A_699 = arith.addf %scan3A_210, %add3A_698 : vector<16xf32>
        %get3A_700 = arith.index_cast %scan3A_204 : i32 to index
        %get3A_701 = arith.constant 1536 : index
        %get3A_702 = tpu.vector_load %arg5[%get3A_700, %get3A_701] {strides = array<i32>} : memref<8x4096xf32, #tpu.memory_space<vmem>>, vector<1x16xf32>,
        %get3A_703 = vector.shape_cast %get3A_702 : vector<1x16xf32> to vector<16xf32>
        %get3A_704 = arith.index_cast %scan3A_204 : i32 to index
        %get3A_705 = arith.constant 1552 : index
        %get3A_706 = tpu.vector_load %arg5[%get3A_704, %get3A_705] {strides = array<i32>} : memref<8x4096xf32, #tpu.memory_space<vmem>>, vector<1x16xf32>,
        %get3A_707 = vector.shape_cast %get3A_706 : vector<1x16xf32> to vector<16xf32>
        %get3A_708 = arith.index_cast %scan3A_204 : i32 to index
        %get3A_709 = arith.constant 1568 : index
        %get3A_710 = tpu.vector_load %arg5[%get3A_708, %get3A_709] {strides = array<i32>} : memref<8x4096xf32, #tpu.memory_space<vmem>>, vector<1x16xf32>,
        %get3A_711 = vector.shape_cast %get3A_710 : vector<1x16xf32> to vector<16xf32>
        %get3A_712 = arith.index_cast %scan3A_204 : i32 to index
        %get3A_713 = arith.constant 1584 : index
        %get3A_714 = tpu.vector_load %arg5[%get3A_712, %get3A_713] {strides = array<i32>} : memref<8x4096xf32, #tpu.memory_space<vmem>>, vector<1x16xf32>,
        %get3A_715 = vector.shape_cast %get3A_714 : vector<1x16xf32> to vector<16xf32>
        %get3A_716 = arith.index_cast %scan3A_204 : i32 to index
        %get3A_717 = arith.constant 1600 : index
        %get3A_718 = tpu.vector_load %arg5[%get3A_716, %get3A_717] {strides = array<i32>} : memref<8x4096xf32, #tpu.memory_space<vmem>>, vector<1x16xf32>,
        %get3A_719 = vector.shape_cast %get3A_718 : vector<1x16xf32> to vector<16xf32>
        %get3A_720 = arith.index_cast %scan3A_204 : i32 to index
        %get3A_721 = arith.constant 1616 : index
        %get3A_722 = tpu.vector_load %arg5[%get3A_720, %get3A_721] {strides = array<i32>} : memref<8x4096xf32, #tpu.memory_space<vmem>>, vector<1x16xf32>,
        %get3A_723 = vector.shape_cast %get3A_722 : vector<1x16xf32> to vector<16xf32>
        %get3A_724 = arith.index_cast %scan3A_204 : i32 to index
        %get3A_725 = arith.constant 1632 : index
        %get3A_726 = tpu.vector_load %arg5[%get3A_724, %get3A_725] {strides = array<i32>} : memref<8x4096xf32, #tpu.memory_space<vmem>>, vector<1x16xf32>,
        %get3A_727 = vector.shape_cast %get3A_726 : vector<1x16xf32> to vector<16xf32>
        %get3A_728 = arith.index_cast %scan3A_204 : i32 to index
        %get3A_729 = arith.constant 1648 : index
        %get3A_730 = tpu.vector_load %arg5[%get3A_728, %get3A_729] {strides = array<i32>} : memref<8x4096xf32, #tpu.memory_space<vmem>>, vector<1x16xf32>,
        %get3A_731 = vector.shape_cast %get3A_730 : vector<1x16xf32> to vector<16xf32>
        %get3A_732 = arith.index_cast %scan3A_204 : i32 to index
        %get3A_733 = arith.constant 1664 : index
        %get3A_734 = tpu.vector_load %arg5[%get3A_732, %get3A_733] {strides = array<i32>} : memref<8x4096xf32, #tpu.memory_space<vmem>>, vector<1x16xf32>,
        %get3A_735 = vector.shape_cast %get3A_734 : vector<1x16xf32> to vector<16xf32>
        %get3A_736 = arith.index_cast %scan3A_204 : i32 to index
        %get3A_737 = arith.constant 1680 : index
        %get3A_738 = tpu.vector_load %arg5[%get3A_736, %get3A_737] {strides = array<i32>} : memref<8x4096xf32, #tpu.memory_space<vmem>>, vector<1x16xf32>,
        %get3A_739 = vector.shape_cast %get3A_738 : vector<1x16xf32> to vector<16xf32>
        %get3A_740 = arith.index_cast %scan3A_204 : i32 to index
        %get3A_741 = arith.constant 1696 : index
        %get3A_742 = tpu.vector_load %arg5[%get3A_740, %get3A_741] {strides = array<i32>} : memref<8x4096xf32, #tpu.memory_space<vmem>>, vector<1x16xf32>,
        %get3A_743 = vector.shape_cast %get3A_742 : vector<1x16xf32> to vector<16xf32>
        %get3A_744 = arith.index_cast %scan3A_204 : i32 to index
        %get3A_745 = arith.constant 1712 : index
        %get3A_746 = tpu.vector_load %arg5[%get3A_744, %get3A_745] {strides = array<i32>} : memref<8x4096xf32, #tpu.memory_space<vmem>>, vector<1x16xf32>,
        %get3A_747 = vector.shape_cast %get3A_746 : vector<1x16xf32> to vector<16xf32>
        %get3A_748 = arith.index_cast %scan3A_204 : i32 to index
        %get3A_749 = arith.constant 1728 : index
        %get3A_750 = tpu.vector_load %arg5[%get3A_748, %get3A_749] {strides = array<i32>} : memref<8x4096xf32, #tpu.memory_space<vmem>>, vector<1x16xf32>,
        %get3A_751 = vector.shape_cast %get3A_750 : vector<1x16xf32> to vector<16xf32>
        %get3A_752 = arith.index_cast %scan3A_204 : i32 to index
        %get3A_753 = arith.constant 1744 : index
        %get3A_754 = tpu.vector_load %arg5[%get3A_752, %get3A_753] {strides = array<i32>} : memref<8x4096xf32, #tpu.memory_space<vmem>>, vector<1x16xf32>,
        %get3A_755 = vector.shape_cast %get3A_754 : vector<1x16xf32> to vector<16xf32>
        %get3A_756 = arith.index_cast %scan3A_204 : i32 to index
        %get3A_757 = arith.constant 1760 : index
        %get3A_758 = tpu.vector_load %arg5[%get3A_756, %get3A_757] {strides = array<i32>} : memref<8x4096xf32, #tpu.memory_space<vmem>>, vector<1x16xf32>,
        %get3A_759 = vector.shape_cast %get3A_758 : vector<1x16xf32> to vector<16xf32>
        %get3A_760 = arith.index_cast %scan3A_204 : i32 to index
        %get3A_761 = arith.constant 1776 : index
        %get3A_762 = tpu.vector_load %arg5[%get3A_760, %get3A_761] {strides = array<i32>} : memref<8x4096xf32, #tpu.memory_space<vmem>>, vector<1x16xf32>,
        %get3A_763 = vector.shape_cast %get3A_762 : vector<1x16xf32> to vector<16xf32>
        %add3A_764 = arith.addf %get3A_703, %get3A_707 : vector<16xf32>
        %add3A_765 = arith.addf %get3A_711, %get3A_715 : vector<16xf32>
        %add3A_766 = arith.addf %get3A_719, %get3A_723 : vector<16xf32>
        %add3A_767 = arith.addf %get3A_727, %get3A_731 : vector<16xf32>
        %add3A_768 = arith.addf %get3A_735, %get3A_739 : vector<16xf32>
        %add3A_769 = arith.addf %get3A_743, %get3A_747 : vector<16xf32>
        %add3A_770 = arith.addf %get3A_751, %get3A_755 : vector<16xf32>
        %add3A_771 = arith.addf %get3A_759, %get3A_763 : vector<16xf32>
        %add3A_772 = arith.addf %add3A_764, %add3A_765 : vector<16xf32>
        %add3A_773 = arith.addf %add3A_766, %add3A_767 : vector<16xf32>
        %add3A_774 = arith.addf %add3A_768, %add3A_769 : vector<16xf32>
        %add3A_775 = arith.addf %add3A_770, %add3A_771 : vector<16xf32>
        %add3A_776 = arith.addf %add3A_772, %add3A_773 : vector<16xf32>
        %add3A_777 = arith.addf %add3A_774, %add3A_775 : vector<16xf32>
        %add3A_778 = arith.addf %add3A_776, %add3A_777 : vector<16xf32>
        %add3A_779 = arith.addf %scan3A_211, %add3A_778 : vector<16xf32>
        %get3A_780 = arith.index_cast %scan3A_204 : i32 to index
        %get3A_781 = arith.constant 1792 : index
        %get3A_782 = tpu.vector_load %arg5[%get3A_780, %get3A_781] {strides = array<i32>} : memref<8x4096xf32, #tpu.memory_space<vmem>>, vector<1x16xf32>,
        %get3A_783 = vector.shape_cast %get3A_782 : vector<1x16xf32> to vector<16xf32>
        %get3A_784 = arith.index_cast %scan3A_204 : i32 to index
        %get3A_785 = arith.constant 1808 : index
        %get3A_786 = tpu.vector_load %arg5[%get3A_784, %get3A_785] {strides = array<i32>} : memref<8x4096xf32, #tpu.memory_space<vmem>>, vector<1x16xf32>,
        %get3A_787 = vector.shape_cast %get3A_786 : vector<1x16xf32> to vector<16xf32>
        %get3A_788 = arith.index_cast %scan3A_204 : i32 to index
        %get3A_789 = arith.constant 1824 : index
        %get3A_790 = tpu.vector_load %arg5[%get3A_788, %get3A_789] {strides = array<i32>} : memref<8x4096xf32, #tpu.memory_space<vmem>>, vector<1x16xf32>,
        %get3A_791 = vector.shape_cast %get3A_790 : vector<1x16xf32> to vector<16xf32>
        %get3A_792 = arith.index_cast %scan3A_204 : i32 to index
        %get3A_793 = arith.constant 1840 : index
        %get3A_794 = tpu.vector_load %arg5[%get3A_792, %get3A_793] {strides = array<i32>} : memref<8x4096xf32, #tpu.memory_space<vmem>>, vector<1x16xf32>,
        %get3A_795 = vector.shape_cast %get3A_794 : vector<1x16xf32> to vector<16xf32>
        %get3A_796 = arith.index_cast %scan3A_204 : i32 to index
        %get3A_797 = arith.constant 1856 : index
        %get3A_798 = tpu.vector_load %arg5[%get3A_796, %get3A_797] {strides = array<i32>} : memref<8x4096xf32, #tpu.memory_space<vmem>>, vector<1x16xf32>,
        %get3A_799 = vector.shape_cast %get3A_798 : vector<1x16xf32> to vector<16xf32>
        %get3A_800 = arith.index_cast %scan3A_204 : i32 to index
        %get3A_801 = arith.constant 1872 : index
        %get3A_802 = tpu.vector_load %arg5[%get3A_800, %get3A_801] {strides = array<i32>} : memref<8x4096xf32, #tpu.memory_space<vmem>>, vector<1x16xf32>,
        %get3A_803 = vector.shape_cast %get3A_802 : vector<1x16xf32> to vector<16xf32>
        %get3A_804 = arith.index_cast %scan3A_204 : i32 to index
        %get3A_805 = arith.constant 1888 : index
        %get3A_806 = tpu.vector_load %arg5[%get3A_804, %get3A_805] {strides = array<i32>} : memref<8x4096xf32, #tpu.memory_space<vmem>>, vector<1x16xf32>,
        %get3A_807 = vector.shape_cast %get3A_806 : vector<1x16xf32> to vector<16xf32>
        %get3A_808 = arith.index_cast %scan3A_204 : i32 to index
        %get3A_809 = arith.constant 1904 : index
        %get3A_810 = tpu.vector_load %arg5[%get3A_808, %get3A_809] {strides = array<i32>} : memref<8x4096xf32, #tpu.memory_space<vmem>>, vector<1x16xf32>,
        %get3A_811 = vector.shape_cast %get3A_810 : vector<1x16xf32> to vector<16xf32>
        %get3A_812 = arith.index_cast %scan3A_204 : i32 to index
        %get3A_813 = arith.constant 1920 : index
        %get3A_814 = tpu.vector_load %arg5[%get3A_812, %get3A_813] {strides = array<i32>} : memref<8x4096xf32, #tpu.memory_space<vmem>>, vector<1x16xf32>,
        %get3A_815 = vector.shape_cast %get3A_814 : vector<1x16xf32> to vector<16xf32>
        %get3A_816 = arith.index_cast %scan3A_204 : i32 to index
        %get3A_817 = arith.constant 1936 : index
        %get3A_818 = tpu.vector_load %arg5[%get3A_816, %get3A_817] {strides = array<i32>} : memref<8x4096xf32, #tpu.memory_space<vmem>>, vector<1x16xf32>,
        %get3A_819 = vector.shape_cast %get3A_818 : vector<1x16xf32> to vector<16xf32>
        %get3A_820 = arith.index_cast %scan3A_204 : i32 to index
        %get3A_821 = arith.constant 1952 : index
        %get3A_822 = tpu.vector_load %arg5[%get3A_820, %get3A_821] {strides = array<i32>} : memref<8x4096xf32, #tpu.memory_space<vmem>>, vector<1x16xf32>,
        %get3A_823 = vector.shape_cast %get3A_822 : vector<1x16xf32> to vector<16xf32>
        %get3A_824 = arith.index_cast %scan3A_204 : i32 to index
        %get3A_825 = arith.constant 1968 : index
        %get3A_826 = tpu.vector_load %arg5[%get3A_824, %get3A_825] {strides = array<i32>} : memref<8x4096xf32, #tpu.memory_space<vmem>>, vector<1x16xf32>,
        %get3A_827 = vector.shape_cast %get3A_826 : vector<1x16xf32> to vector<16xf32>
        %get3A_828 = arith.index_cast %scan3A_204 : i32 to index
        %get3A_829 = arith.constant 1984 : index
        %get3A_830 = tpu.vector_load %arg5[%get3A_828, %get3A_829] {strides = array<i32>} : memref<8x4096xf32, #tpu.memory_space<vmem>>, vector<1x16xf32>,
        %get3A_831 = vector.shape_cast %get3A_830 : vector<1x16xf32> to vector<16xf32>
        %get3A_832 = arith.index_cast %scan3A_204 : i32 to index
        %get3A_833 = arith.constant 2000 : index
        %get3A_834 = tpu.vector_load %arg5[%get3A_832, %get3A_833] {strides = array<i32>} : memref<8x4096xf32, #tpu.memory_space<vmem>>, vector<1x16xf32>,
        %get3A_835 = vector.shape_cast %get3A_834 : vector<1x16xf32> to vector<16xf32>
        %get3A_836 = arith.index_cast %scan3A_204 : i32 to index
        %get3A_837 = arith.constant 2016 : index
        %get3A_838 = tpu.vector_load %arg5[%get3A_836, %get3A_837] {strides = array<i32>} : memref<8x4096xf32, #tpu.memory_space<vmem>>, vector<1x16xf32>,
        %get3A_839 = vector.shape_cast %get3A_838 : vector<1x16xf32> to vector<16xf32>
        %get3A_840 = arith.index_cast %scan3A_204 : i32 to index
        %get3A_841 = arith.constant 2032 : index
        %get3A_842 = tpu.vector_load %arg5[%get3A_840, %get3A_841] {strides = array<i32>} : memref<8x4096xf32, #tpu.memory_space<vmem>>, vector<1x16xf32>,
        %get3A_843 = vector.shape_cast %get3A_842 : vector<1x16xf32> to vector<16xf32>
        %add3A_844 = arith.addf %get3A_783, %get3A_787 : vector<16xf32>
        %add3A_845 = arith.addf %get3A_791, %get3A_795 : vector<16xf32>
        %add3A_846 = arith.addf %get3A_799, %get3A_803 : vector<16xf32>
        %add3A_847 = arith.addf %get3A_807, %get3A_811 : vector<16xf32>
        %add3A_848 = arith.addf %get3A_815, %get3A_819 : vector<16xf32>
        %add3A_849 = arith.addf %get3A_823, %get3A_827 : vector<16xf32>
        %add3A_850 = arith.addf %get3A_831, %get3A_835 : vector<16xf32>
        %add3A_851 = arith.addf %get3A_839, %get3A_843 : vector<16xf32>
        %add3A_852 = arith.addf %add3A_844, %add3A_845 : vector<16xf32>
        %add3A_853 = arith.addf %add3A_846, %add3A_847 : vector<16xf32>
        %add3A_854 = arith.addf %add3A_848, %add3A_849 : vector<16xf32>
        %add3A_855 = arith.addf %add3A_850, %add3A_851 : vector<16xf32>
        %add3A_856 = arith.addf %add3A_852, %add3A_853 : vector<16xf32>
        %add3A_857 = arith.addf %add3A_854, %add3A_855 : vector<16xf32>
        %add3A_858 = arith.addf %add3A_856, %add3A_857 : vector<16xf32>
        %add3A_859 = arith.addf %scan3A_212, %add3A_858 : vector<16xf32>
        %get3A_860 = arith.index_cast %scan3A_204 : i32 to index
        %get3A_861 = arith.constant 2048 : index
        %get3A_862 = tpu.vector_load %arg5[%get3A_860, %get3A_861] {strides = array<i32>} : memref<8x4096xf32, #tpu.memory_space<vmem>>, vector<1x16xf32>,
        %get3A_863 = vector.shape_cast %get3A_862 : vector<1x16xf32> to vector<16xf32>
        %get3A_864 = arith.index_cast %scan3A_204 : i32 to index
        %get3A_865 = arith.constant 2064 : index
        %get3A_866 = tpu.vector_load %arg5[%get3A_864, %get3A_865] {strides = array<i32>} : memref<8x4096xf32, #tpu.memory_space<vmem>>, vector<1x16xf32>,
        %get3A_867 = vector.shape_cast %get3A_866 : vector<1x16xf32> to vector<16xf32>
        %get3A_868 = arith.index_cast %scan3A_204 : i32 to index
        %get3A_869 = arith.constant 2080 : index
        %get3A_870 = tpu.vector_load %arg5[%get3A_868, %get3A_869] {strides = array<i32>} : memref<8x4096xf32, #tpu.memory_space<vmem>>, vector<1x16xf32>,
        %get3A_871 = vector.shape_cast %get3A_870 : vector<1x16xf32> to vector<16xf32>
        %get3A_872 = arith.index_cast %scan3A_204 : i32 to index
        %get3A_873 = arith.constant 2096 : index
        %get3A_874 = tpu.vector_load %arg5[%get3A_872, %get3A_873] {strides = array<i32>} : memref<8x4096xf32, #tpu.memory_space<vmem>>, vector<1x16xf32>,
        %get3A_875 = vector.shape_cast %get3A_874 : vector<1x16xf32> to vector<16xf32>
        %get3A_876 = arith.index_cast %scan3A_204 : i32 to index
        %get3A_877 = arith.constant 2112 : index
        %get3A_878 = tpu.vector_load %arg5[%get3A_876, %get3A_877] {strides = array<i32>} : memref<8x4096xf32, #tpu.memory_space<vmem>>, vector<1x16xf32>,
        %get3A_879 = vector.shape_cast %get3A_878 : vector<1x16xf32> to vector<16xf32>
        %get3A_880 = arith.index_cast %scan3A_204 : i32 to index
        %get3A_881 = arith.constant 2128 : index
        %get3A_882 = tpu.vector_load %arg5[%get3A_880, %get3A_881] {strides = array<i32>} : memref<8x4096xf32, #tpu.memory_space<vmem>>, vector<1x16xf32>,
        %get3A_883 = vector.shape_cast %get3A_882 : vector<1x16xf32> to vector<16xf32>
        %get3A_884 = arith.index_cast %scan3A_204 : i32 to index
        %get3A_885 = arith.constant 2144 : index
        %get3A_886 = tpu.vector_load %arg5[%get3A_884, %get3A_885] {strides = array<i32>} : memref<8x4096xf32, #tpu.memory_space<vmem>>, vector<1x16xf32>,
        %get3A_887 = vector.shape_cast %get3A_886 : vector<1x16xf32> to vector<16xf32>
        %get3A_888 = arith.index_cast %scan3A_204 : i32 to index
        %get3A_889 = arith.constant 2160 : index
        %get3A_890 = tpu.vector_load %arg5[%get3A_888, %get3A_889] {strides = array<i32>} : memref<8x4096xf32, #tpu.memory_space<vmem>>, vector<1x16xf32>,
        %get3A_891 = vector.shape_cast %get3A_890 : vector<1x16xf32> to vector<16xf32>
        %get3A_892 = arith.index_cast %scan3A_204 : i32 to index
        %get3A_893 = arith.constant 2176 : index
        %get3A_894 = tpu.vector_load %arg5[%get3A_892, %get3A_893] {strides = array<i32>} : memref<8x4096xf32, #tpu.memory_space<vmem>>, vector<1x16xf32>,
        %get3A_895 = vector.shape_cast %get3A_894 : vector<1x16xf32> to vector<16xf32>
        %get3A_896 = arith.index_cast %scan3A_204 : i32 to index
        %get3A_897 = arith.constant 2192 : index
        %get3A_898 = tpu.vector_load %arg5[%get3A_896, %get3A_897] {strides = array<i32>} : memref<8x4096xf32, #tpu.memory_space<vmem>>, vector<1x16xf32>,
        %get3A_899 = vector.shape_cast %get3A_898 : vector<1x16xf32> to vector<16xf32>
        %get3A_900 = arith.index_cast %scan3A_204 : i32 to index
        %get3A_901 = arith.constant 2208 : index
        %get3A_902 = tpu.vector_load %arg5[%get3A_900, %get3A_901] {strides = array<i32>} : memref<8x4096xf32, #tpu.memory_space<vmem>>, vector<1x16xf32>,
        %get3A_903 = vector.shape_cast %get3A_902 : vector<1x16xf32> to vector<16xf32>
        %get3A_904 = arith.index_cast %scan3A_204 : i32 to index
        %get3A_905 = arith.constant 2224 : index
        %get3A_906 = tpu.vector_load %arg5[%get3A_904, %get3A_905] {strides = array<i32>} : memref<8x4096xf32, #tpu.memory_space<vmem>>, vector<1x16xf32>,
        %get3A_907 = vector.shape_cast %get3A_906 : vector<1x16xf32> to vector<16xf32>
        %get3A_908 = arith.index_cast %scan3A_204 : i32 to index
        %get3A_909 = arith.constant 2240 : index
        %get3A_910 = tpu.vector_load %arg5[%get3A_908, %get3A_909] {strides = array<i32>} : memref<8x4096xf32, #tpu.memory_space<vmem>>, vector<1x16xf32>,
        %get3A_911 = vector.shape_cast %get3A_910 : vector<1x16xf32> to vector<16xf32>
        %get3A_912 = arith.index_cast %scan3A_204 : i32 to index
        %get3A_913 = arith.constant 2256 : index
        %get3A_914 = tpu.vector_load %arg5[%get3A_912, %get3A_913] {strides = array<i32>} : memref<8x4096xf32, #tpu.memory_space<vmem>>, vector<1x16xf32>,
        %get3A_915 = vector.shape_cast %get3A_914 : vector<1x16xf32> to vector<16xf32>
        %get3A_916 = arith.index_cast %scan3A_204 : i32 to index
        %get3A_917 = arith.constant 2272 : index
        %get3A_918 = tpu.vector_load %arg5[%get3A_916, %get3A_917] {strides = array<i32>} : memref<8x4096xf32, #tpu.memory_space<vmem>>, vector<1x16xf32>,
        %get3A_919 = vector.shape_cast %get3A_918 : vector<1x16xf32> to vector<16xf32>
        %get3A_920 = arith.index_cast %scan3A_204 : i32 to index
        %get3A_921 = arith.constant 2288 : index
        %get3A_922 = tpu.vector_load %arg5[%get3A_920, %get3A_921] {strides = array<i32>} : memref<8x4096xf32, #tpu.memory_space<vmem>>, vector<1x16xf32>,
        %get3A_923 = vector.shape_cast %get3A_922 : vector<1x16xf32> to vector<16xf32>
        %add3A_924 = arith.addf %get3A_863, %get3A_867 : vector<16xf32>
        %add3A_925 = arith.addf %get3A_871, %get3A_875 : vector<16xf32>
        %add3A_926 = arith.addf %get3A_879, %get3A_883 : vector<16xf32>
        %add3A_927 = arith.addf %get3A_887, %get3A_891 : vector<16xf32>
        %add3A_928 = arith.addf %get3A_895, %get3A_899 : vector<16xf32>
        %add3A_929 = arith.addf %get3A_903, %get3A_907 : vector<16xf32>
        %add3A_930 = arith.addf %get3A_911, %get3A_915 : vector<16xf32>
        %add3A_931 = arith.addf %get3A_919, %get3A_923 : vector<16xf32>
        %add3A_932 = arith.addf %add3A_924, %add3A_925 : vector<16xf32>
        %add3A_933 = arith.addf %add3A_926, %add3A_927 : vector<16xf32>
        %add3A_934 = arith.addf %add3A_928, %add3A_929 : vector<16xf32>
        %add3A_935 = arith.addf %add3A_930, %add3A_931 : vector<16xf32>
        %add3A_936 = arith.addf %add3A_932, %add3A_933 : vector<16xf32>
        %add3A_937 = arith.addf %add3A_934, %add3A_935 : vector<16xf32>
        %add3A_938 = arith.addf %add3A_936, %add3A_937 : vector<16xf32>
        %add3A_939 = arith.addf %scan3A_213, %add3A_938 : vector<16xf32>
        %get3A_940 = arith.index_cast %scan3A_204 : i32 to index
        %get3A_941 = arith.constant 2304 : index
        %get3A_942 = tpu.vector_load %arg5[%get3A_940, %get3A_941] {strides = array<i32>} : memref<8x4096xf32, #tpu.memory_space<vmem>>, vector<1x16xf32>,
        %get3A_943 = vector.shape_cast %get3A_942 : vector<1x16xf32> to vector<16xf32>
        %get3A_944 = arith.index_cast %scan3A_204 : i32 to index
        %get3A_945 = arith.constant 2320 : index
        %get3A_946 = tpu.vector_load %arg5[%get3A_944, %get3A_945] {strides = array<i32>} : memref<8x4096xf32, #tpu.memory_space<vmem>>, vector<1x16xf32>,
        %get3A_947 = vector.shape_cast %get3A_946 : vector<1x16xf32> to vector<16xf32>
        %get3A_948 = arith.index_cast %scan3A_204 : i32 to index
        %get3A_949 = arith.constant 2336 : index
        %get3A_950 = tpu.vector_load %arg5[%get3A_948, %get3A_949] {strides = array<i32>} : memref<8x4096xf32, #tpu.memory_space<vmem>>, vector<1x16xf32>,
        %get3A_951 = vector.shape_cast %get3A_950 : vector<1x16xf32> to vector<16xf32>
        %get3A_952 = arith.index_cast %scan3A_204 : i32 to index
        %get3A_953 = arith.constant 2352 : index
        %get3A_954 = tpu.vector_load %arg5[%get3A_952, %get3A_953] {strides = array<i32>} : memref<8x4096xf32, #tpu.memory_space<vmem>>, vector<1x16xf32>,
        %get3A_955 = vector.shape_cast %get3A_954 : vector<1x16xf32> to vector<16xf32>
        %get3A_956 = arith.index_cast %scan3A_204 : i32 to index
        %get3A_957 = arith.constant 2368 : index
        %get3A_958 = tpu.vector_load %arg5[%get3A_956, %get3A_957] {strides = array<i32>} : memref<8x4096xf32, #tpu.memory_space<vmem>>, vector<1x16xf32>,
        %get3A_959 = vector.shape_cast %get3A_958 : vector<1x16xf32> to vector<16xf32>
        %get3A_960 = arith.index_cast %scan3A_204 : i32 to index
        %get3A_961 = arith.constant 2384 : index
        %get3A_962 = tpu.vector_load %arg5[%get3A_960, %get3A_961] {strides = array<i32>} : memref<8x4096xf32, #tpu.memory_space<vmem>>, vector<1x16xf32>,
        %get3A_963 = vector.shape_cast %get3A_962 : vector<1x16xf32> to vector<16xf32>
        %get3A_964 = arith.index_cast %scan3A_204 : i32 to index
        %get3A_965 = arith.constant 2400 : index
        %get3A_966 = tpu.vector_load %arg5[%get3A_964, %get3A_965] {strides = array<i32>} : memref<8x4096xf32, #tpu.memory_space<vmem>>, vector<1x16xf32>,
        %get3A_967 = vector.shape_cast %get3A_966 : vector<1x16xf32> to vector<16xf32>
        %get3A_968 = arith.index_cast %scan3A_204 : i32 to index
        %get3A_969 = arith.constant 2416 : index
        %get3A_970 = tpu.vector_load %arg5[%get3A_968, %get3A_969] {strides = array<i32>} : memref<8x4096xf32, #tpu.memory_space<vmem>>, vector<1x16xf32>,
        %get3A_971 = vector.shape_cast %get3A_970 : vector<1x16xf32> to vector<16xf32>
        %get3A_972 = arith.index_cast %scan3A_204 : i32 to index
        %get3A_973 = arith.constant 2432 : index
        %get3A_974 = tpu.vector_load %arg5[%get3A_972, %get3A_973] {strides = array<i32>} : memref<8x4096xf32, #tpu.memory_space<vmem>>, vector<1x16xf32>,
        %get3A_975 = vector.shape_cast %get3A_974 : vector<1x16xf32> to vector<16xf32>
        %get3A_976 = arith.index_cast %scan3A_204 : i32 to index
        %get3A_977 = arith.constant 2448 : index
        %get3A_978 = tpu.vector_load %arg5[%get3A_976, %get3A_977] {strides = array<i32>} : memref<8x4096xf32, #tpu.memory_space<vmem>>, vector<1x16xf32>,
        %get3A_979 = vector.shape_cast %get3A_978 : vector<1x16xf32> to vector<16xf32>
        %get3A_980 = arith.index_cast %scan3A_204 : i32 to index
        %get3A_981 = arith.constant 2464 : index
        %get3A_982 = tpu.vector_load %arg5[%get3A_980, %get3A_981] {strides = array<i32>} : memref<8x4096xf32, #tpu.memory_space<vmem>>, vector<1x16xf32>,
        %get3A_983 = vector.shape_cast %get3A_982 : vector<1x16xf32> to vector<16xf32>
        %get3A_984 = arith.index_cast %scan3A_204 : i32 to index
        %get3A_985 = arith.constant 2480 : index
        %get3A_986 = tpu.vector_load %arg5[%get3A_984, %get3A_985] {strides = array<i32>} : memref<8x4096xf32, #tpu.memory_space<vmem>>, vector<1x16xf32>,
        %get3A_987 = vector.shape_cast %get3A_986 : vector<1x16xf32> to vector<16xf32>
        %get3A_988 = arith.index_cast %scan3A_204 : i32 to index
        %get3A_989 = arith.constant 2496 : index
        %get3A_990 = tpu.vector_load %arg5[%get3A_988, %get3A_989] {strides = array<i32>} : memref<8x4096xf32, #tpu.memory_space<vmem>>, vector<1x16xf32>,
        %get3A_991 = vector.shape_cast %get3A_990 : vector<1x16xf32> to vector<16xf32>
        %get3A_992 = arith.index_cast %scan3A_204 : i32 to index
        %get3A_993 = arith.constant 2512 : index
        %get3A_994 = tpu.vector_load %arg5[%get3A_992, %get3A_993] {strides = array<i32>} : memref<8x4096xf32, #tpu.memory_space<vmem>>, vector<1x16xf32>,
        %get3A_995 = vector.shape_cast %get3A_994 : vector<1x16xf32> to vector<16xf32>
        %get3A_996 = arith.index_cast %scan3A_204 : i32 to index
        %get3A_997 = arith.constant 2528 : index
        %get3A_998 = tpu.vector_load %arg5[%get3A_996, %get3A_997] {strides = array<i32>} : memref<8x4096xf32, #tpu.memory_space<vmem>>, vector<1x16xf32>,
        %get3A_999 = vector.shape_cast %get3A_998 : vector<1x16xf32> to vector<16xf32>
        %get3A_1000 = arith.index_cast %scan3A_204 : i32 to index
        %get3A_1001 = arith.constant 2544 : index
        %get3A_1002 = tpu.vector_load %arg5[%get3A_1000, %get3A_1001] {strides = array<i32>} : memref<8x4096xf32, #tpu.memory_space<vmem>>, vector<1x16xf32>,
        %get3A_1003 = vector.shape_cast %get3A_1002 : vector<1x16xf32> to vector<16xf32>
        %add3A_1004 = arith.addf %get3A_943, %get3A_947 : vector<16xf32>
        %add3A_1005 = arith.addf %get3A_951, %get3A_955 : vector<16xf32>
        %add3A_1006 = arith.addf %get3A_959, %get3A_963 : vector<16xf32>
        %add3A_1007 = arith.addf %get3A_967, %get3A_971 : vector<16xf32>
        %add3A_1008 = arith.addf %get3A_975, %get3A_979 : vector<16xf32>
        %add3A_1009 = arith.addf %get3A_983, %get3A_987 : vector<16xf32>
        %add3A_1010 = arith.addf %get3A_991, %get3A_995 : vector<16xf32>
        %add3A_1011 = arith.addf %get3A_999, %get3A_1003 : vector<16xf32>
        %add3A_1012 = arith.addf %add3A_1004, %add3A_1005 : vector<16xf32>
        %add3A_1013 = arith.addf %add3A_1006, %add3A_1007 : vector<16xf32>
        %add3A_1014 = arith.addf %add3A_1008, %add3A_1009 : vector<16xf32>
        %add3A_1015 = arith.addf %add3A_1010, %add3A_1011 : vector<16xf32>
        %add3A_1016 = arith.addf %add3A_1012, %add3A_1013 : vector<16xf32>
        %add3A_1017 = arith.addf %add3A_1014, %add3A_1015 : vector<16xf32>
        %add3A_1018 = arith.addf %add3A_1016, %add3A_1017 : vector<16xf32>
        %add3A_1019 = arith.addf %scan3A_214, %add3A_1018 : vector<16xf32>
        %get3A_1020 = arith.index_cast %scan3A_204 : i32 to index
        %get3A_1021 = arith.constant 2560 : index
        %get3A_1022 = tpu.vector_load %arg5[%get3A_1020, %get3A_1021] {strides = array<i32>} : memref<8x4096xf32, #tpu.memory_space<vmem>>, vector<1x16xf32>,
        %get3A_1023 = vector.shape_cast %get3A_1022 : vector<1x16xf32> to vector<16xf32>
        %get3A_1024 = arith.index_cast %scan3A_204 : i32 to index
        %get3A_1025 = arith.constant 2576 : index
        %get3A_1026 = tpu.vector_load %arg5[%get3A_1024, %get3A_1025] {strides = array<i32>} : memref<8x4096xf32, #tpu.memory_space<vmem>>, vector<1x16xf32>,
        %get3A_1027 = vector.shape_cast %get3A_1026 : vector<1x16xf32> to vector<16xf32>
        %get3A_1028 = arith.index_cast %scan3A_204 : i32 to index
        %get3A_1029 = arith.constant 2592 : index
        %get3A_1030 = tpu.vector_load %arg5[%get3A_1028, %get3A_1029] {strides = array<i32>} : memref<8x4096xf32, #tpu.memory_space<vmem>>, vector<1x16xf32>,
        %get3A_1031 = vector.shape_cast %get3A_1030 : vector<1x16xf32> to vector<16xf32>
        %get3A_1032 = arith.index_cast %scan3A_204 : i32 to index
        %get3A_1033 = arith.constant 2608 : index
        %get3A_1034 = tpu.vector_load %arg5[%get3A_1032, %get3A_1033] {strides = array<i32>} : memref<8x4096xf32, #tpu.memory_space<vmem>>, vector<1x16xf32>,
        %get3A_1035 = vector.shape_cast %get3A_1034 : vector<1x16xf32> to vector<16xf32>
        %get3A_1036 = arith.index_cast %scan3A_204 : i32 to index
        %get3A_1037 = arith.constant 2624 : index
        %get3A_1038 = tpu.vector_load %arg5[%get3A_1036, %get3A_1037] {strides = array<i32>} : memref<8x4096xf32, #tpu.memory_space<vmem>>, vector<1x16xf32>,
        %get3A_1039 = vector.shape_cast %get3A_1038 : vector<1x16xf32> to vector<16xf32>
        %get3A_1040 = arith.index_cast %scan3A_204 : i32 to index
        %get3A_1041 = arith.constant 2640 : index
        %get3A_1042 = tpu.vector_load %arg5[%get3A_1040, %get3A_1041] {strides = array<i32>} : memref<8x4096xf32, #tpu.memory_space<vmem>>, vector<1x16xf32>,
        %get3A_1043 = vector.shape_cast %get3A_1042 : vector<1x16xf32> to vector<16xf32>
        %get3A_1044 = arith.index_cast %scan3A_204 : i32 to index
        %get3A_1045 = arith.constant 2656 : index
        %get3A_1046 = tpu.vector_load %arg5[%get3A_1044, %get3A_1045] {strides = array<i32>} : memref<8x4096xf32, #tpu.memory_space<vmem>>, vector<1x16xf32>,
        %get3A_1047 = vector.shape_cast %get3A_1046 : vector<1x16xf32> to vector<16xf32>
        %get3A_1048 = arith.index_cast %scan3A_204 : i32 to index
        %get3A_1049 = arith.constant 2672 : index
        %get3A_1050 = tpu.vector_load %arg5[%get3A_1048, %get3A_1049] {strides = array<i32>} : memref<8x4096xf32, #tpu.memory_space<vmem>>, vector<1x16xf32>,
        %get3A_1051 = vector.shape_cast %get3A_1050 : vector<1x16xf32> to vector<16xf32>
        %get3A_1052 = arith.index_cast %scan3A_204 : i32 to index
        %get3A_1053 = arith.constant 2688 : index
        %get3A_1054 = tpu.vector_load %arg5[%get3A_1052, %get3A_1053] {strides = array<i32>} : memref<8x4096xf32, #tpu.memory_space<vmem>>, vector<1x16xf32>,
        %get3A_1055 = vector.shape_cast %get3A_1054 : vector<1x16xf32> to vector<16xf32>
        %get3A_1056 = arith.index_cast %scan3A_204 : i32 to index
        %get3A_1057 = arith.constant 2704 : index
        %get3A_1058 = tpu.vector_load %arg5[%get3A_1056, %get3A_1057] {strides = array<i32>} : memref<8x4096xf32, #tpu.memory_space<vmem>>, vector<1x16xf32>,
        %get3A_1059 = vector.shape_cast %get3A_1058 : vector<1x16xf32> to vector<16xf32>
        %get3A_1060 = arith.index_cast %scan3A_204 : i32 to index
        %get3A_1061 = arith.constant 2720 : index
        %get3A_1062 = tpu.vector_load %arg5[%get3A_1060, %get3A_1061] {strides = array<i32>} : memref<8x4096xf32, #tpu.memory_space<vmem>>, vector<1x16xf32>,
        %get3A_1063 = vector.shape_cast %get3A_1062 : vector<1x16xf32> to vector<16xf32>
        %get3A_1064 = arith.index_cast %scan3A_204 : i32 to index
        %get3A_1065 = arith.constant 2736 : index
        %get3A_1066 = tpu.vector_load %arg5[%get3A_1064, %get3A_1065] {strides = array<i32>} : memref<8x4096xf32, #tpu.memory_space<vmem>>, vector<1x16xf32>,
        %get3A_1067 = vector.shape_cast %get3A_1066 : vector<1x16xf32> to vector<16xf32>
        %get3A_1068 = arith.index_cast %scan3A_204 : i32 to index
        %get3A_1069 = arith.constant 2752 : index
        %get3A_1070 = tpu.vector_load %arg5[%get3A_1068, %get3A_1069] {strides = array<i32>} : memref<8x4096xf32, #tpu.memory_space<vmem>>, vector<1x16xf32>,
        %get3A_1071 = vector.shape_cast %get3A_1070 : vector<1x16xf32> to vector<16xf32>
        %get3A_1072 = arith.index_cast %scan3A_204 : i32 to index
        %get3A_1073 = arith.constant 2768 : index
        %get3A_1074 = tpu.vector_load %arg5[%get3A_1072, %get3A_1073] {strides = array<i32>} : memref<8x4096xf32, #tpu.memory_space<vmem>>, vector<1x16xf32>,
        %get3A_1075 = vector.shape_cast %get3A_1074 : vector<1x16xf32> to vector<16xf32>
        %get3A_1076 = arith.index_cast %scan3A_204 : i32 to index
        %get3A_1077 = arith.constant 2784 : index
        %get3A_1078 = tpu.vector_load %arg5[%get3A_1076, %get3A_1077] {strides = array<i32>} : memref<8x4096xf32, #tpu.memory_space<vmem>>, vector<1x16xf32>,
        %get3A_1079 = vector.shape_cast %get3A_1078 : vector<1x16xf32> to vector<16xf32>
        %get3A_1080 = arith.index_cast %scan3A_204 : i32 to index
        %get3A_1081 = arith.constant 2800 : index
        %get3A_1082 = tpu.vector_load %arg5[%get3A_1080, %get3A_1081] {strides = array<i32>} : memref<8x4096xf32, #tpu.memory_space<vmem>>, vector<1x16xf32>,
        %get3A_1083 = vector.shape_cast %get3A_1082 : vector<1x16xf32> to vector<16xf32>
        %add3A_1084 = arith.addf %get3A_1023, %get3A_1027 : vector<16xf32>
        %add3A_1085 = arith.addf %get3A_1031, %get3A_1035 : vector<16xf32>
        %add3A_1086 = arith.addf %get3A_1039, %get3A_1043 : vector<16xf32>
        %add3A_1087 = arith.addf %get3A_1047, %get3A_1051 : vector<16xf32>
        %add3A_1088 = arith.addf %get3A_1055, %get3A_1059 : vector<16xf32>
        %add3A_1089 = arith.addf %get3A_1063, %get3A_1067 : vector<16xf32>
        %add3A_1090 = arith.addf %get3A_1071, %get3A_1075 : vector<16xf32>
        %add3A_1091 = arith.addf %get3A_1079, %get3A_1083 : vector<16xf32>
        %add3A_1092 = arith.addf %add3A_1084, %add3A_1085 : vector<16xf32>
        %add3A_1093 = arith.addf %add3A_1086, %add3A_1087 : vector<16xf32>
        %add3A_1094 = arith.addf %add3A_1088, %add3A_1089 : vector<16xf32>
        %add3A_1095 = arith.addf %add3A_1090, %add3A_1091 : vector<16xf32>
        %add3A_1096 = arith.addf %add3A_1092, %add3A_1093 : vector<16xf32>
        %add3A_1097 = arith.addf %add3A_1094, %add3A_1095 : vector<16xf32>
        %add3A_1098 = arith.addf %add3A_1096, %add3A_1097 : vector<16xf32>
        %add3A_1099 = arith.addf %scan3A_215, %add3A_1098 : vector<16xf32>
        %get3A_1100 = arith.index_cast %scan3A_204 : i32 to index
        %get3A_1101 = arith.constant 2816 : index
        %get3A_1102 = tpu.vector_load %arg5[%get3A_1100, %get3A_1101] {strides = array<i32>} : memref<8x4096xf32, #tpu.memory_space<vmem>>, vector<1x16xf32>,
        %get3A_1103 = vector.shape_cast %get3A_1102 : vector<1x16xf32> to vector<16xf32>
        %get3A_1104 = arith.index_cast %scan3A_204 : i32 to index
        %get3A_1105 = arith.constant 2832 : index
        %get3A_1106 = tpu.vector_load %arg5[%get3A_1104, %get3A_1105] {strides = array<i32>} : memref<8x4096xf32, #tpu.memory_space<vmem>>, vector<1x16xf32>,
        %get3A_1107 = vector.shape_cast %get3A_1106 : vector<1x16xf32> to vector<16xf32>
        %get3A_1108 = arith.index_cast %scan3A_204 : i32 to index
        %get3A_1109 = arith.constant 2848 : index
        %get3A_1110 = tpu.vector_load %arg5[%get3A_1108, %get3A_1109] {strides = array<i32>} : memref<8x4096xf32, #tpu.memory_space<vmem>>, vector<1x16xf32>,
        %get3A_1111 = vector.shape_cast %get3A_1110 : vector<1x16xf32> to vector<16xf32>
        %get3A_1112 = arith.index_cast %scan3A_204 : i32 to index
        %get3A_1113 = arith.constant 2864 : index
        %get3A_1114 = tpu.vector_load %arg5[%get3A_1112, %get3A_1113] {strides = array<i32>} : memref<8x4096xf32, #tpu.memory_space<vmem>>, vector<1x16xf32>,
        %get3A_1115 = vector.shape_cast %get3A_1114 : vector<1x16xf32> to vector<16xf32>
        %get3A_1116 = arith.index_cast %scan3A_204 : i32 to index
        %get3A_1117 = arith.constant 2880 : index
        %get3A_1118 = tpu.vector_load %arg5[%get3A_1116, %get3A_1117] {strides = array<i32>} : memref<8x4096xf32, #tpu.memory_space<vmem>>, vector<1x16xf32>,
        %get3A_1119 = vector.shape_cast %get3A_1118 : vector<1x16xf32> to vector<16xf32>
        %get3A_1120 = arith.index_cast %scan3A_204 : i32 to index
        %get3A_1121 = arith.constant 2896 : index
        %get3A_1122 = tpu.vector_load %arg5[%get3A_1120, %get3A_1121] {strides = array<i32>} : memref<8x4096xf32, #tpu.memory_space<vmem>>, vector<1x16xf32>,
        %get3A_1123 = vector.shape_cast %get3A_1122 : vector<1x16xf32> to vector<16xf32>
        %get3A_1124 = arith.index_cast %scan3A_204 : i32 to index
        %get3A_1125 = arith.constant 2912 : index
        %get3A_1126 = tpu.vector_load %arg5[%get3A_1124, %get3A_1125] {strides = array<i32>} : memref<8x4096xf32, #tpu.memory_space<vmem>>, vector<1x16xf32>,
        %get3A_1127 = vector.shape_cast %get3A_1126 : vector<1x16xf32> to vector<16xf32>
        %get3A_1128 = arith.index_cast %scan3A_204 : i32 to index
        %get3A_1129 = arith.constant 2928 : index
        %get3A_1130 = tpu.vector_load %arg5[%get3A_1128, %get3A_1129] {strides = array<i32>} : memref<8x4096xf32, #tpu.memory_space<vmem>>, vector<1x16xf32>,
        %get3A_1131 = vector.shape_cast %get3A_1130 : vector<1x16xf32> to vector<16xf32>
        %get3A_1132 = arith.index_cast %scan3A_204 : i32 to index
        %get3A_1133 = arith.constant 2944 : index
        %get3A_1134 = tpu.vector_load %arg5[%get3A_1132, %get3A_1133] {strides = array<i32>} : memref<8x4096xf32, #tpu.memory_space<vmem>>, vector<1x16xf32>,
        %get3A_1135 = vector.shape_cast %get3A_1134 : vector<1x16xf32> to vector<16xf32>
        %get3A_1136 = arith.index_cast %scan3A_204 : i32 to index
        %get3A_1137 = arith.constant 2960 : index
        %get3A_1138 = tpu.vector_load %arg5[%get3A_1136, %get3A_1137] {strides = array<i32>} : memref<8x4096xf32, #tpu.memory_space<vmem>>, vector<1x16xf32>,
        %get3A_1139 = vector.shape_cast %get3A_1138 : vector<1x16xf32> to vector<16xf32>
        %get3A_1140 = arith.index_cast %scan3A_204 : i32 to index
        %get3A_1141 = arith.constant 2976 : index
        %get3A_1142 = tpu.vector_load %arg5[%get3A_1140, %get3A_1141] {strides = array<i32>} : memref<8x4096xf32, #tpu.memory_space<vmem>>, vector<1x16xf32>,
        %get3A_1143 = vector.shape_cast %get3A_1142 : vector<1x16xf32> to vector<16xf32>
        %get3A_1144 = arith.index_cast %scan3A_204 : i32 to index
        %get3A_1145 = arith.constant 2992 : index
        %get3A_1146 = tpu.vector_load %arg5[%get3A_1144, %get3A_1145] {strides = array<i32>} : memref<8x4096xf32, #tpu.memory_space<vmem>>, vector<1x16xf32>,
        %get3A_1147 = vector.shape_cast %get3A_1146 : vector<1x16xf32> to vector<16xf32>
        %get3A_1148 = arith.index_cast %scan3A_204 : i32 to index
        %get3A_1149 = arith.constant 3008 : index
        %get3A_1150 = tpu.vector_load %arg5[%get3A_1148, %get3A_1149] {strides = array<i32>} : memref<8x4096xf32, #tpu.memory_space<vmem>>, vector<1x16xf32>,
        %get3A_1151 = vector.shape_cast %get3A_1150 : vector<1x16xf32> to vector<16xf32>
        %get3A_1152 = arith.index_cast %scan3A_204 : i32 to index
        %get3A_1153 = arith.constant 3024 : index
        %get3A_1154 = tpu.vector_load %arg5[%get3A_1152, %get3A_1153] {strides = array<i32>} : memref<8x4096xf32, #tpu.memory_space<vmem>>, vector<1x16xf32>,
        %get3A_1155 = vector.shape_cast %get3A_1154 : vector<1x16xf32> to vector<16xf32>
        %get3A_1156 = arith.index_cast %scan3A_204 : i32 to index
        %get3A_1157 = arith.constant 3040 : index
        %get3A_1158 = tpu.vector_load %arg5[%get3A_1156, %get3A_1157] {strides = array<i32>} : memref<8x4096xf32, #tpu.memory_space<vmem>>, vector<1x16xf32>,
        %get3A_1159 = vector.shape_cast %get3A_1158 : vector<1x16xf32> to vector<16xf32>
        %get3A_1160 = arith.index_cast %scan3A_204 : i32 to index
        %get3A_1161 = arith.constant 3056 : index
        %get3A_1162 = tpu.vector_load %arg5[%get3A_1160, %get3A_1161] {strides = array<i32>} : memref<8x4096xf32, #tpu.memory_space<vmem>>, vector<1x16xf32>,
        %get3A_1163 = vector.shape_cast %get3A_1162 : vector<1x16xf32> to vector<16xf32>
        %add3A_1164 = arith.addf %get3A_1103, %get3A_1107 : vector<16xf32>
        %add3A_1165 = arith.addf %get3A_1111, %get3A_1115 : vector<16xf32>
        %add3A_1166 = arith.addf %get3A_1119, %get3A_1123 : vector<16xf32>
        %add3A_1167 = arith.addf %get3A_1127, %get3A_1131 : vector<16xf32>
        %add3A_1168 = arith.addf %get3A_1135, %get3A_1139 : vector<16xf32>
        %add3A_1169 = arith.addf %get3A_1143, %get3A_1147 : vector<16xf32>
        %add3A_1170 = arith.addf %get3A_1151, %get3A_1155 : vector<16xf32>
        %add3A_1171 = arith.addf %get3A_1159, %get3A_1163 : vector<16xf32>
        %add3A_1172 = arith.addf %add3A_1164, %add3A_1165 : vector<16xf32>
        %add3A_1173 = arith.addf %add3A_1166, %add3A_1167 : vector<16xf32>
        %add3A_1174 = arith.addf %add3A_1168, %add3A_1169 : vector<16xf32>
        %add3A_1175 = arith.addf %add3A_1170, %add3A_1171 : vector<16xf32>
        %add3A_1176 = arith.addf %add3A_1172, %add3A_1173 : vector<16xf32>
        %add3A_1177 = arith.addf %add3A_1174, %add3A_1175 : vector<16xf32>
        %add3A_1178 = arith.addf %add3A_1176, %add3A_1177 : vector<16xf32>
        %add3A_1179 = arith.addf %scan3A_216, %add3A_1178 : vector<16xf32>
        %get3A_1180 = arith.index_cast %scan3A_204 : i32 to index
        %get3A_1181 = arith.constant 3072 : index
        %get3A_1182 = tpu.vector_load %arg5[%get3A_1180, %get3A_1181] {strides = array<i32>} : memref<8x4096xf32, #tpu.memory_space<vmem>>, vector<1x16xf32>,
        %get3A_1183 = vector.shape_cast %get3A_1182 : vector<1x16xf32> to vector<16xf32>
        %get3A_1184 = arith.index_cast %scan3A_204 : i32 to index
        %get3A_1185 = arith.constant 3088 : index
        %get3A_1186 = tpu.vector_load %arg5[%get3A_1184, %get3A_1185] {strides = array<i32>} : memref<8x4096xf32, #tpu.memory_space<vmem>>, vector<1x16xf32>,
        %get3A_1187 = vector.shape_cast %get3A_1186 : vector<1x16xf32> to vector<16xf32>
        %get3A_1188 = arith.index_cast %scan3A_204 : i32 to index
        %get3A_1189 = arith.constant 3104 : index
        %get3A_1190 = tpu.vector_load %arg5[%get3A_1188, %get3A_1189] {strides = array<i32>} : memref<8x4096xf32, #tpu.memory_space<vmem>>, vector<1x16xf32>,
        %get3A_1191 = vector.shape_cast %get3A_1190 : vector<1x16xf32> to vector<16xf32>
        %get3A_1192 = arith.index_cast %scan3A_204 : i32 to index
        %get3A_1193 = arith.constant 3120 : index
        %get3A_1194 = tpu.vector_load %arg5[%get3A_1192, %get3A_1193] {strides = array<i32>} : memref<8x4096xf32, #tpu.memory_space<vmem>>, vector<1x16xf32>,
        %get3A_1195 = vector.shape_cast %get3A_1194 : vector<1x16xf32> to vector<16xf32>
        %get3A_1196 = arith.index_cast %scan3A_204 : i32 to index
        %get3A_1197 = arith.constant 3136 : index
        %get3A_1198 = tpu.vector_load %arg5[%get3A_1196, %get3A_1197] {strides = array<i32>} : memref<8x4096xf32, #tpu.memory_space<vmem>>, vector<1x16xf32>,
        %get3A_1199 = vector.shape_cast %get3A_1198 : vector<1x16xf32> to vector<16xf32>
        %get3A_1200 = arith.index_cast %scan3A_204 : i32 to index
        %get3A_1201 = arith.constant 3152 : index
        %get3A_1202 = tpu.vector_load %arg5[%get3A_1200, %get3A_1201] {strides = array<i32>} : memref<8x4096xf32, #tpu.memory_space<vmem>>, vector<1x16xf32>,
        %get3A_1203 = vector.shape_cast %get3A_1202 : vector<1x16xf32> to vector<16xf32>
        %get3A_1204 = arith.index_cast %scan3A_204 : i32 to index
        %get3A_1205 = arith.constant 3168 : index
        %get3A_1206 = tpu.vector_load %arg5[%get3A_1204, %get3A_1205] {strides = array<i32>} : memref<8x4096xf32, #tpu.memory_space<vmem>>, vector<1x16xf32>,
        %get3A_1207 = vector.shape_cast %get3A_1206 : vector<1x16xf32> to vector<16xf32>
        %get3A_1208 = arith.index_cast %scan3A_204 : i32 to index
        %get3A_1209 = arith.constant 3184 : index
        %get3A_1210 = tpu.vector_load %arg5[%get3A_1208, %get3A_1209] {strides = array<i32>} : memref<8x4096xf32, #tpu.memory_space<vmem>>, vector<1x16xf32>,
        %get3A_1211 = vector.shape_cast %get3A_1210 : vector<1x16xf32> to vector<16xf32>
        %get3A_1212 = arith.index_cast %scan3A_204 : i32 to index
        %get3A_1213 = arith.constant 3200 : index
        %get3A_1214 = tpu.vector_load %arg5[%get3A_1212, %get3A_1213] {strides = array<i32>} : memref<8x4096xf32, #tpu.memory_space<vmem>>, vector<1x16xf32>,
        %get3A_1215 = vector.shape_cast %get3A_1214 : vector<1x16xf32> to vector<16xf32>
        %get3A_1216 = arith.index_cast %scan3A_204 : i32 to index
        %get3A_1217 = arith.constant 3216 : index
        %get3A_1218 = tpu.vector_load %arg5[%get3A_1216, %get3A_1217] {strides = array<i32>} : memref<8x4096xf32, #tpu.memory_space<vmem>>, vector<1x16xf32>,
        %get3A_1219 = vector.shape_cast %get3A_1218 : vector<1x16xf32> to vector<16xf32>
        %get3A_1220 = arith.index_cast %scan3A_204 : i32 to index
        %get3A_1221 = arith.constant 3232 : index
        %get3A_1222 = tpu.vector_load %arg5[%get3A_1220, %get3A_1221] {strides = array<i32>} : memref<8x4096xf32, #tpu.memory_space<vmem>>, vector<1x16xf32>,
        %get3A_1223 = vector.shape_cast %get3A_1222 : vector<1x16xf32> to vector<16xf32>
        %get3A_1224 = arith.index_cast %scan3A_204 : i32 to index
        %get3A_1225 = arith.constant 3248 : index
        %get3A_1226 = tpu.vector_load %arg5[%get3A_1224, %get3A_1225] {strides = array<i32>} : memref<8x4096xf32, #tpu.memory_space<vmem>>, vector<1x16xf32>,
        %get3A_1227 = vector.shape_cast %get3A_1226 : vector<1x16xf32> to vector<16xf32>
        %get3A_1228 = arith.index_cast %scan3A_204 : i32 to index
        %get3A_1229 = arith.constant 3264 : index
        %get3A_1230 = tpu.vector_load %arg5[%get3A_1228, %get3A_1229] {strides = array<i32>} : memref<8x4096xf32, #tpu.memory_space<vmem>>, vector<1x16xf32>,
        %get3A_1231 = vector.shape_cast %get3A_1230 : vector<1x16xf32> to vector<16xf32>
        %get3A_1232 = arith.index_cast %scan3A_204 : i32 to index
        %get3A_1233 = arith.constant 3280 : index
        %get3A_1234 = tpu.vector_load %arg5[%get3A_1232, %get3A_1233] {strides = array<i32>} : memref<8x4096xf32, #tpu.memory_space<vmem>>, vector<1x16xf32>,
        %get3A_1235 = vector.shape_cast %get3A_1234 : vector<1x16xf32> to vector<16xf32>
        %get3A_1236 = arith.index_cast %scan3A_204 : i32 to index
        %get3A_1237 = arith.constant 3296 : index
        %get3A_1238 = tpu.vector_load %arg5[%get3A_1236, %get3A_1237] {strides = array<i32>} : memref<8x4096xf32, #tpu.memory_space<vmem>>, vector<1x16xf32>,
        %get3A_1239 = vector.shape_cast %get3A_1238 : vector<1x16xf32> to vector<16xf32>
        %get3A_1240 = arith.index_cast %scan3A_204 : i32 to index
        %get3A_1241 = arith.constant 3312 : index
        %get3A_1242 = tpu.vector_load %arg5[%get3A_1240, %get3A_1241] {strides = array<i32>} : memref<8x4096xf32, #tpu.memory_space<vmem>>, vector<1x16xf32>,
        %get3A_1243 = vector.shape_cast %get3A_1242 : vector<1x16xf32> to vector<16xf32>
        %add3A_1244 = arith.addf %get3A_1183, %get3A_1187 : vector<16xf32>
        %add3A_1245 = arith.addf %get3A_1191, %get3A_1195 : vector<16xf32>
        %add3A_1246 = arith.addf %get3A_1199, %get3A_1203 : vector<16xf32>
        %add3A_1247 = arith.addf %get3A_1207, %get3A_1211 : vector<16xf32>
        %add3A_1248 = arith.addf %get3A_1215, %get3A_1219 : vector<16xf32>
        %add3A_1249 = arith.addf %get3A_1223, %get3A_1227 : vector<16xf32>
        %add3A_1250 = arith.addf %get3A_1231, %get3A_1235 : vector<16xf32>
        %add3A_1251 = arith.addf %get3A_1239, %get3A_1243 : vector<16xf32>
        %add3A_1252 = arith.addf %add3A_1244, %add3A_1245 : vector<16xf32>
        %add3A_1253 = arith.addf %add3A_1246, %add3A_1247 : vector<16xf32>
        %add3A_1254 = arith.addf %add3A_1248, %add3A_1249 : vector<16xf32>
        %add3A_1255 = arith.addf %add3A_1250, %add3A_1251 : vector<16xf32>
        %add3A_1256 = arith.addf %add3A_1252, %add3A_1253 : vector<16xf32>
        %add3A_1257 = arith.addf %add3A_1254, %add3A_1255 : vector<16xf32>
        %add3A_1258 = arith.addf %add3A_1256, %add3A_1257 : vector<16xf32>
        %add3A_1259 = arith.addf %scan3A_217, %add3A_1258 : vector<16xf32>
        %get3A_1260 = arith.index_cast %scan3A_204 : i32 to index
        %get3A_1261 = arith.constant 3328 : index
        %get3A_1262 = tpu.vector_load %arg5[%get3A_1260, %get3A_1261] {strides = array<i32>} : memref<8x4096xf32, #tpu.memory_space<vmem>>, vector<1x16xf32>,
        %get3A_1263 = vector.shape_cast %get3A_1262 : vector<1x16xf32> to vector<16xf32>
        %get3A_1264 = arith.index_cast %scan3A_204 : i32 to index
        %get3A_1265 = arith.constant 3344 : index
        %get3A_1266 = tpu.vector_load %arg5[%get3A_1264, %get3A_1265] {strides = array<i32>} : memref<8x4096xf32, #tpu.memory_space<vmem>>, vector<1x16xf32>,
        %get3A_1267 = vector.shape_cast %get3A_1266 : vector<1x16xf32> to vector<16xf32>
        %get3A_1268 = arith.index_cast %scan3A_204 : i32 to index
        %get3A_1269 = arith.constant 3360 : index
        %get3A_1270 = tpu.vector_load %arg5[%get3A_1268, %get3A_1269] {strides = array<i32>} : memref<8x4096xf32, #tpu.memory_space<vmem>>, vector<1x16xf32>,
        %get3A_1271 = vector.shape_cast %get3A_1270 : vector<1x16xf32> to vector<16xf32>
        %get3A_1272 = arith.index_cast %scan3A_204 : i32 to index
        %get3A_1273 = arith.constant 3376 : index
        %get3A_1274 = tpu.vector_load %arg5[%get3A_1272, %get3A_1273] {strides = array<i32>} : memref<8x4096xf32, #tpu.memory_space<vmem>>, vector<1x16xf32>,
        %get3A_1275 = vector.shape_cast %get3A_1274 : vector<1x16xf32> to vector<16xf32>
        %get3A_1276 = arith.index_cast %scan3A_204 : i32 to index
        %get3A_1277 = arith.constant 3392 : index
        %get3A_1278 = tpu.vector_load %arg5[%get3A_1276, %get3A_1277] {strides = array<i32>} : memref<8x4096xf32, #tpu.memory_space<vmem>>, vector<1x16xf32>,
        %get3A_1279 = vector.shape_cast %get3A_1278 : vector<1x16xf32> to vector<16xf32>
        %get3A_1280 = arith.index_cast %scan3A_204 : i32 to index
        %get3A_1281 = arith.constant 3408 : index
        %get3A_1282 = tpu.vector_load %arg5[%get3A_1280, %get3A_1281] {strides = array<i32>} : memref<8x4096xf32, #tpu.memory_space<vmem>>, vector<1x16xf32>,
        %get3A_1283 = vector.shape_cast %get3A_1282 : vector<1x16xf32> to vector<16xf32>
        %get3A_1284 = arith.index_cast %scan3A_204 : i32 to index
        %get3A_1285 = arith.constant 3424 : index
        %get3A_1286 = tpu.vector_load %arg5[%get3A_1284, %get3A_1285] {strides = array<i32>} : memref<8x4096xf32, #tpu.memory_space<vmem>>, vector<1x16xf32>,
        %get3A_1287 = vector.shape_cast %get3A_1286 : vector<1x16xf32> to vector<16xf32>
        %get3A_1288 = arith.index_cast %scan3A_204 : i32 to index
        %get3A_1289 = arith.constant 3440 : index
        %get3A_1290 = tpu.vector_load %arg5[%get3A_1288, %get3A_1289] {strides = array<i32>} : memref<8x4096xf32, #tpu.memory_space<vmem>>, vector<1x16xf32>,
        %get3A_1291 = vector.shape_cast %get3A_1290 : vector<1x16xf32> to vector<16xf32>
        %get3A_1292 = arith.index_cast %scan3A_204 : i32 to index
        %get3A_1293 = arith.constant 3456 : index
        %get3A_1294 = tpu.vector_load %arg5[%get3A_1292, %get3A_1293] {strides = array<i32>} : memref<8x4096xf32, #tpu.memory_space<vmem>>, vector<1x16xf32>,
        %get3A_1295 = vector.shape_cast %get3A_1294 : vector<1x16xf32> to vector<16xf32>
        %get3A_1296 = arith.index_cast %scan3A_204 : i32 to index
        %get3A_1297 = arith.constant 3472 : index
        %get3A_1298 = tpu.vector_load %arg5[%get3A_1296, %get3A_1297] {strides = array<i32>} : memref<8x4096xf32, #tpu.memory_space<vmem>>, vector<1x16xf32>,
        %get3A_1299 = vector.shape_cast %get3A_1298 : vector<1x16xf32> to vector<16xf32>
        %get3A_1300 = arith.index_cast %scan3A_204 : i32 to index
        %get3A_1301 = arith.constant 3488 : index
        %get3A_1302 = tpu.vector_load %arg5[%get3A_1300, %get3A_1301] {strides = array<i32>} : memref<8x4096xf32, #tpu.memory_space<vmem>>, vector<1x16xf32>,
        %get3A_1303 = vector.shape_cast %get3A_1302 : vector<1x16xf32> to vector<16xf32>
        %get3A_1304 = arith.index_cast %scan3A_204 : i32 to index
        %get3A_1305 = arith.constant 3504 : index
        %get3A_1306 = tpu.vector_load %arg5[%get3A_1304, %get3A_1305] {strides = array<i32>} : memref<8x4096xf32, #tpu.memory_space<vmem>>, vector<1x16xf32>,
        %get3A_1307 = vector.shape_cast %get3A_1306 : vector<1x16xf32> to vector<16xf32>
        %get3A_1308 = arith.index_cast %scan3A_204 : i32 to index
        %get3A_1309 = arith.constant 3520 : index
        %get3A_1310 = tpu.vector_load %arg5[%get3A_1308, %get3A_1309] {strides = array<i32>} : memref<8x4096xf32, #tpu.memory_space<vmem>>, vector<1x16xf32>,
        %get3A_1311 = vector.shape_cast %get3A_1310 : vector<1x16xf32> to vector<16xf32>
        %get3A_1312 = arith.index_cast %scan3A_204 : i32 to index
        %get3A_1313 = arith.constant 3536 : index
        %get3A_1314 = tpu.vector_load %arg5[%get3A_1312, %get3A_1313] {strides = array<i32>} : memref<8x4096xf32, #tpu.memory_space<vmem>>, vector<1x16xf32>,
        %get3A_1315 = vector.shape_cast %get3A_1314 : vector<1x16xf32> to vector<16xf32>
        %get3A_1316 = arith.index_cast %scan3A_204 : i32 to index
        %get3A_1317 = arith.constant 3552 : index
        %get3A_1318 = tpu.vector_load %arg5[%get3A_1316, %get3A_1317] {strides = array<i32>} : memref<8x4096xf32, #tpu.memory_space<vmem>>, vector<1x16xf32>,
        %get3A_1319 = vector.shape_cast %get3A_1318 : vector<1x16xf32> to vector<16xf32>
        %get3A_1320 = arith.index_cast %scan3A_204 : i32 to index
        %get3A_1321 = arith.constant 3568 : index
        %get3A_1322 = tpu.vector_load %arg5[%get3A_1320, %get3A_1321] {strides = array<i32>} : memref<8x4096xf32, #tpu.memory_space<vmem>>, vector<1x16xf32>,
        %get3A_1323 = vector.shape_cast %get3A_1322 : vector<1x16xf32> to vector<16xf32>
        %add3A_1324 = arith.addf %get3A_1263, %get3A_1267 : vector<16xf32>
        %add3A_1325 = arith.addf %get3A_1271, %get3A_1275 : vector<16xf32>
        %add3A_1326 = arith.addf %get3A_1279, %get3A_1283 : vector<16xf32>
        %add3A_1327 = arith.addf %get3A_1287, %get3A_1291 : vector<16xf32>
        %add3A_1328 = arith.addf %get3A_1295, %get3A_1299 : vector<16xf32>
        %add3A_1329 = arith.addf %get3A_1303, %get3A_1307 : vector<16xf32>
        %add3A_1330 = arith.addf %get3A_1311, %get3A_1315 : vector<16xf32>
        %add3A_1331 = arith.addf %get3A_1319, %get3A_1323 : vector<16xf32>
        %add3A_1332 = arith.addf %add3A_1324, %add3A_1325 : vector<16xf32>
        %add3A_1333 = arith.addf %add3A_1326, %add3A_1327 : vector<16xf32>
        %add3A_1334 = arith.addf %add3A_1328, %add3A_1329 : vector<16xf32>
        %add3A_1335 = arith.addf %add3A_1330, %add3A_1331 : vector<16xf32>
        %add3A_1336 = arith.addf %add3A_1332, %add3A_1333 : vector<16xf32>
        %add3A_1337 = arith.addf %add3A_1334, %add3A_1335 : vector<16xf32>
        %add3A_1338 = arith.addf %add3A_1336, %add3A_1337 : vector<16xf32>
        %add3A_1339 = arith.addf %scan3A_218, %add3A_1338 : vector<16xf32>
        %get3A_1340 = arith.index_cast %scan3A_204 : i32 to index
        %get3A_1341 = arith.constant 3584 : index
        %get3A_1342 = tpu.vector_load %arg5[%get3A_1340, %get3A_1341] {strides = array<i32>} : memref<8x4096xf32, #tpu.memory_space<vmem>>, vector<1x16xf32>,
        %get3A_1343 = vector.shape_cast %get3A_1342 : vector<1x16xf32> to vector<16xf32>
        %get3A_1344 = arith.index_cast %scan3A_204 : i32 to index
        %get3A_1345 = arith.constant 3600 : index
        %get3A_1346 = tpu.vector_load %arg5[%get3A_1344, %get3A_1345] {strides = array<i32>} : memref<8x4096xf32, #tpu.memory_space<vmem>>, vector<1x16xf32>,
        %get3A_1347 = vector.shape_cast %get3A_1346 : vector<1x16xf32> to vector<16xf32>
        %get3A_1348 = arith.index_cast %scan3A_204 : i32 to index
        %get3A_1349 = arith.constant 3616 : index
        %get3A_1350 = tpu.vector_load %arg5[%get3A_1348, %get3A_1349] {strides = array<i32>} : memref<8x4096xf32, #tpu.memory_space<vmem>>, vector<1x16xf32>,
        %get3A_1351 = vector.shape_cast %get3A_1350 : vector<1x16xf32> to vector<16xf32>
        %get3A_1352 = arith.index_cast %scan3A_204 : i32 to index
        %get3A_1353 = arith.constant 3632 : index
        %get3A_1354 = tpu.vector_load %arg5[%get3A_1352, %get3A_1353] {strides = array<i32>} : memref<8x4096xf32, #tpu.memory_space<vmem>>, vector<1x16xf32>,
        %get3A_1355 = vector.shape_cast %get3A_1354 : vector<1x16xf32> to vector<16xf32>
        %get3A_1356 = arith.index_cast %scan3A_204 : i32 to index
        %get3A_1357 = arith.constant 3648 : index
        %get3A_1358 = tpu.vector_load %arg5[%get3A_1356, %get3A_1357] {strides = array<i32>} : memref<8x4096xf32, #tpu.memory_space<vmem>>, vector<1x16xf32>,
        %get3A_1359 = vector.shape_cast %get3A_1358 : vector<1x16xf32> to vector<16xf32>
        %get3A_1360 = arith.index_cast %scan3A_204 : i32 to index
        %get3A_1361 = arith.constant 3664 : index
        %get3A_1362 = tpu.vector_load %arg5[%get3A_1360, %get3A_1361] {strides = array<i32>} : memref<8x4096xf32, #tpu.memory_space<vmem>>, vector<1x16xf32>,
        %get3A_1363 = vector.shape_cast %get3A_1362 : vector<1x16xf32> to vector<16xf32>
        %get3A_1364 = arith.index_cast %scan3A_204 : i32 to index
        %get3A_1365 = arith.constant 3680 : index
        %get3A_1366 = tpu.vector_load %arg5[%get3A_1364, %get3A_1365] {strides = array<i32>} : memref<8x4096xf32, #tpu.memory_space<vmem>>, vector<1x16xf32>,
        %get3A_1367 = vector.shape_cast %get3A_1366 : vector<1x16xf32> to vector<16xf32>
        %get3A_1368 = arith.index_cast %scan3A_204 : i32 to index
        %get3A_1369 = arith.constant 3696 : index
        %get3A_1370 = tpu.vector_load %arg5[%get3A_1368, %get3A_1369] {strides = array<i32>} : memref<8x4096xf32, #tpu.memory_space<vmem>>, vector<1x16xf32>,
        %get3A_1371 = vector.shape_cast %get3A_1370 : vector<1x16xf32> to vector<16xf32>
        %get3A_1372 = arith.index_cast %scan3A_204 : i32 to index
        %get3A_1373 = arith.constant 3712 : index
        %get3A_1374 = tpu.vector_load %arg5[%get3A_1372, %get3A_1373] {strides = array<i32>} : memref<8x4096xf32, #tpu.memory_space<vmem>>, vector<1x16xf32>,
        %get3A_1375 = vector.shape_cast %get3A_1374 : vector<1x16xf32> to vector<16xf32>
        %get3A_1376 = arith.index_cast %scan3A_204 : i32 to index
        %get3A_1377 = arith.constant 3728 : index
        %get3A_1378 = tpu.vector_load %arg5[%get3A_1376, %get3A_1377] {strides = array<i32>} : memref<8x4096xf32, #tpu.memory_space<vmem>>, vector<1x16xf32>,
        %get3A_1379 = vector.shape_cast %get3A_1378 : vector<1x16xf32> to vector<16xf32>
        %get3A_1380 = arith.index_cast %scan3A_204 : i32 to index
        %get3A_1381 = arith.constant 3744 : index
        %get3A_1382 = tpu.vector_load %arg5[%get3A_1380, %get3A_1381] {strides = array<i32>} : memref<8x4096xf32, #tpu.memory_space<vmem>>, vector<1x16xf32>,
        %get3A_1383 = vector.shape_cast %get3A_1382 : vector<1x16xf32> to vector<16xf32>
        %get3A_1384 = arith.index_cast %scan3A_204 : i32 to index
        %get3A_1385 = arith.constant 3760 : index
        %get3A_1386 = tpu.vector_load %arg5[%get3A_1384, %get3A_1385] {strides = array<i32>} : memref<8x4096xf32, #tpu.memory_space<vmem>>, vector<1x16xf32>,
        %get3A_1387 = vector.shape_cast %get3A_1386 : vector<1x16xf32> to vector<16xf32>
        %get3A_1388 = arith.index_cast %scan3A_204 : i32 to index
        %get3A_1389 = arith.constant 3776 : index
        %get3A_1390 = tpu.vector_load %arg5[%get3A_1388, %get3A_1389] {strides = array<i32>} : memref<8x4096xf32, #tpu.memory_space<vmem>>, vector<1x16xf32>,
        %get3A_1391 = vector.shape_cast %get3A_1390 : vector<1x16xf32> to vector<16xf32>
        %get3A_1392 = arith.index_cast %scan3A_204 : i32 to index
        %get3A_1393 = arith.constant 3792 : index
        %get3A_1394 = tpu.vector_load %arg5[%get3A_1392, %get3A_1393] {strides = array<i32>} : memref<8x4096xf32, #tpu.memory_space<vmem>>, vector<1x16xf32>,
        %get3A_1395 = vector.shape_cast %get3A_1394 : vector<1x16xf32> to vector<16xf32>
        %get3A_1396 = arith.index_cast %scan3A_204 : i32 to index
        %get3A_1397 = arith.constant 3808 : index
        %get3A_1398 = tpu.vector_load %arg5[%get3A_1396, %get3A_1397] {strides = array<i32>} : memref<8x4096xf32, #tpu.memory_space<vmem>>, vector<1x16xf32>,
        %get3A_1399 = vector.shape_cast %get3A_1398 : vector<1x16xf32> to vector<16xf32>
        %get3A_1400 = arith.index_cast %scan3A_204 : i32 to index
        %get3A_1401 = arith.constant 3824 : index
        %get3A_1402 = tpu.vector_load %arg5[%get3A_1400, %get3A_1401] {strides = array<i32>} : memref<8x4096xf32, #tpu.memory_space<vmem>>, vector<1x16xf32>,
        %get3A_1403 = vector.shape_cast %get3A_1402 : vector<1x16xf32> to vector<16xf32>
        %add3A_1404 = arith.addf %get3A_1343, %get3A_1347 : vector<16xf32>
        %add3A_1405 = arith.addf %get3A_1351, %get3A_1355 : vector<16xf32>
        %add3A_1406 = arith.addf %get3A_1359, %get3A_1363 : vector<16xf32>
        %add3A_1407 = arith.addf %get3A_1367, %get3A_1371 : vector<16xf32>
        %add3A_1408 = arith.addf %get3A_1375, %get3A_1379 : vector<16xf32>
        %add3A_1409 = arith.addf %get3A_1383, %get3A_1387 : vector<16xf32>
        %add3A_1410 = arith.addf %get3A_1391, %get3A_1395 : vector<16xf32>
        %add3A_1411 = arith.addf %get3A_1399, %get3A_1403 : vector<16xf32>
        %add3A_1412 = arith.addf %add3A_1404, %add3A_1405 : vector<16xf32>
        %add3A_1413 = arith.addf %add3A_1406, %add3A_1407 : vector<16xf32>
        %add3A_1414 = arith.addf %add3A_1408, %add3A_1409 : vector<16xf32>
        %add3A_1415 = arith.addf %add3A_1410, %add3A_1411 : vector<16xf32>
        %add3A_1416 = arith.addf %add3A_1412, %add3A_1413 : vector<16xf32>
        %add3A_1417 = arith.addf %add3A_1414, %add3A_1415 : vector<16xf32>
        %add3A_1418 = arith.addf %add3A_1416, %add3A_1417 : vector<16xf32>
        %add3A_1419 = arith.addf %scan3A_219, %add3A_1418 : vector<16xf32>
        %get3A_1420 = arith.index_cast %scan3A_204 : i32 to index
        %get3A_1421 = arith.constant 3840 : index
        %get3A_1422 = tpu.vector_load %arg5[%get3A_1420, %get3A_1421] {strides = array<i32>} : memref<8x4096xf32, #tpu.memory_space<vmem>>, vector<1x16xf32>,
        %get3A_1423 = vector.shape_cast %get3A_1422 : vector<1x16xf32> to vector<16xf32>
        %get3A_1424 = arith.index_cast %scan3A_204 : i32 to index
        %get3A_1425 = arith.constant 3856 : index
        %get3A_1426 = tpu.vector_load %arg5[%get3A_1424, %get3A_1425] {strides = array<i32>} : memref<8x4096xf32, #tpu.memory_space<vmem>>, vector<1x16xf32>,
        %get3A_1427 = vector.shape_cast %get3A_1426 : vector<1x16xf32> to vector<16xf32>
        %get3A_1428 = arith.index_cast %scan3A_204 : i32 to index
        %get3A_1429 = arith.constant 3872 : index
        %get3A_1430 = tpu.vector_load %arg5[%get3A_1428, %get3A_1429] {strides = array<i32>} : memref<8x4096xf32, #tpu.memory_space<vmem>>, vector<1x16xf32>,
        %get3A_1431 = vector.shape_cast %get3A_1430 : vector<1x16xf32> to vector<16xf32>
        %get3A_1432 = arith.index_cast %scan3A_204 : i32 to index
        %get3A_1433 = arith.constant 3888 : index
        %get3A_1434 = tpu.vector_load %arg5[%get3A_1432, %get3A_1433] {strides = array<i32>} : memref<8x4096xf32, #tpu.memory_space<vmem>>, vector<1x16xf32>,
        %get3A_1435 = vector.shape_cast %get3A_1434 : vector<1x16xf32> to vector<16xf32>
        %get3A_1436 = arith.index_cast %scan3A_204 : i32 to index
        %get3A_1437 = arith.constant 3904 : index
        %get3A_1438 = tpu.vector_load %arg5[%get3A_1436, %get3A_1437] {strides = array<i32>} : memref<8x4096xf32, #tpu.memory_space<vmem>>, vector<1x16xf32>,
        %get3A_1439 = vector.shape_cast %get3A_1438 : vector<1x16xf32> to vector<16xf32>
        %get3A_1440 = arith.index_cast %scan3A_204 : i32 to index
        %get3A_1441 = arith.constant 3920 : index
        %get3A_1442 = tpu.vector_load %arg5[%get3A_1440, %get3A_1441] {strides = array<i32>} : memref<8x4096xf32, #tpu.memory_space<vmem>>, vector<1x16xf32>,
        %get3A_1443 = vector.shape_cast %get3A_1442 : vector<1x16xf32> to vector<16xf32>
        %get3A_1444 = arith.index_cast %scan3A_204 : i32 to index
        %get3A_1445 = arith.constant 3936 : index
        %get3A_1446 = tpu.vector_load %arg5[%get3A_1444, %get3A_1445] {strides = array<i32>} : memref<8x4096xf32, #tpu.memory_space<vmem>>, vector<1x16xf32>,
        %get3A_1447 = vector.shape_cast %get3A_1446 : vector<1x16xf32> to vector<16xf32>
        %get3A_1448 = arith.index_cast %scan3A_204 : i32 to index
        %get3A_1449 = arith.constant 3952 : index
        %get3A_1450 = tpu.vector_load %arg5[%get3A_1448, %get3A_1449] {strides = array<i32>} : memref<8x4096xf32, #tpu.memory_space<vmem>>, vector<1x16xf32>,
        %get3A_1451 = vector.shape_cast %get3A_1450 : vector<1x16xf32> to vector<16xf32>
        %get3A_1452 = arith.index_cast %scan3A_204 : i32 to index
        %get3A_1453 = arith.constant 3968 : index
        %get3A_1454 = tpu.vector_load %arg5[%get3A_1452, %get3A_1453] {strides = array<i32>} : memref<8x4096xf32, #tpu.memory_space<vmem>>, vector<1x16xf32>,
        %get3A_1455 = vector.shape_cast %get3A_1454 : vector<1x16xf32> to vector<16xf32>
        %get3A_1456 = arith.index_cast %scan3A_204 : i32 to index
        %get3A_1457 = arith.constant 3984 : index
        %get3A_1458 = tpu.vector_load %arg5[%get3A_1456, %get3A_1457] {strides = array<i32>} : memref<8x4096xf32, #tpu.memory_space<vmem>>, vector<1x16xf32>,
        %get3A_1459 = vector.shape_cast %get3A_1458 : vector<1x16xf32> to vector<16xf32>
        %get3A_1460 = arith.index_cast %scan3A_204 : i32 to index
        %get3A_1461 = arith.constant 4000 : index
        %get3A_1462 = tpu.vector_load %arg5[%get3A_1460, %get3A_1461] {strides = array<i32>} : memref<8x4096xf32, #tpu.memory_space<vmem>>, vector<1x16xf32>,
        %get3A_1463 = vector.shape_cast %get3A_1462 : vector<1x16xf32> to vector<16xf32>
        %get3A_1464 = arith.index_cast %scan3A_204 : i32 to index
        %get3A_1465 = arith.constant 4016 : index
        %get3A_1466 = tpu.vector_load %arg5[%get3A_1464, %get3A_1465] {strides = array<i32>} : memref<8x4096xf32, #tpu.memory_space<vmem>>, vector<1x16xf32>,
        %get3A_1467 = vector.shape_cast %get3A_1466 : vector<1x16xf32> to vector<16xf32>
        %get3A_1468 = arith.index_cast %scan3A_204 : i32 to index
        %get3A_1469 = arith.constant 4032 : index
        %get3A_1470 = tpu.vector_load %arg5[%get3A_1468, %get3A_1469] {strides = array<i32>} : memref<8x4096xf32, #tpu.memory_space<vmem>>, vector<1x16xf32>,
        %get3A_1471 = vector.shape_cast %get3A_1470 : vector<1x16xf32> to vector<16xf32>
        %get3A_1472 = arith.index_cast %scan3A_204 : i32 to index
        %get3A_1473 = arith.constant 4048 : index
        %get3A_1474 = tpu.vector_load %arg5[%get3A_1472, %get3A_1473] {strides = array<i32>} : memref<8x4096xf32, #tpu.memory_space<vmem>>, vector<1x16xf32>,
        %get3A_1475 = vector.shape_cast %get3A_1474 : vector<1x16xf32> to vector<16xf32>
        %get3A_1476 = arith.index_cast %scan3A_204 : i32 to index
        %get3A_1477 = arith.constant 4064 : index
        %get3A_1478 = tpu.vector_load %arg5[%get3A_1476, %get3A_1477] {strides = array<i32>} : memref<8x4096xf32, #tpu.memory_space<vmem>>, vector<1x16xf32>,
        %get3A_1479 = vector.shape_cast %get3A_1478 : vector<1x16xf32> to vector<16xf32>
        %get3A_1480 = arith.index_cast %scan3A_204 : i32 to index
        %get3A_1481 = arith.constant 4080 : index
        %get3A_1482 = tpu.vector_load %arg5[%get3A_1480, %get3A_1481] {strides = array<i32>} : memref<8x4096xf32, #tpu.memory_space<vmem>>, vector<1x16xf32>,
        %get3A_1483 = vector.shape_cast %get3A_1482 : vector<1x16xf32> to vector<16xf32>
        %add3A_1484 = arith.addf %get3A_1423, %get3A_1427 : vector<16xf32>
        %add3A_1485 = arith.addf %get3A_1431, %get3A_1435 : vector<16xf32>
        %add3A_1486 = arith.addf %get3A_1439, %get3A_1443 : vector<16xf32>
        %add3A_1487 = arith.addf %get3A_1447, %get3A_1451 : vector<16xf32>
        %add3A_1488 = arith.addf %get3A_1455, %get3A_1459 : vector<16xf32>
        %add3A_1489 = arith.addf %get3A_1463, %get3A_1467 : vector<16xf32>
        %add3A_1490 = arith.addf %get3A_1471, %get3A_1475 : vector<16xf32>
        %add3A_1491 = arith.addf %get3A_1479, %get3A_1483 : vector<16xf32>
        %add3A_1492 = arith.addf %add3A_1484, %add3A_1485 : vector<16xf32>
        %add3A_1493 = arith.addf %add3A_1486, %add3A_1487 : vector<16xf32>
        %add3A_1494 = arith.addf %add3A_1488, %add3A_1489 : vector<16xf32>
        %add3A_1495 = arith.addf %add3A_1490, %add3A_1491 : vector<16xf32>
        %add3A_1496 = arith.addf %add3A_1492, %add3A_1493 : vector<16xf32>
        %add3A_1497 = arith.addf %add3A_1494, %add3A_1495 : vector<16xf32>
        %add3A_1498 = arith.addf %add3A_1496, %add3A_1497 : vector<16xf32>
        %add3A_1499 = arith.addf %scan3A_220, %add3A_1498 : vector<16xf32>
        scf.yield %add3A_299, %add3A_379, %add3A_459, %add3A_539, %add3A_619, %add3A_699, %add3A_779, %add3A_859, %add3A_939, %add3A_1019, %add3A_1099, %add3A_1179, %add3A_1259, %add3A_1339, %add3A_1419, %add3A_1499 : vector<16xf32>, vector<16xf32>, vector<16xf32>, vector<16xf32>, vector<16xf32>, vector<16xf32>, vector<16xf32>, vector<16xf32>, vector<16xf32>, vector<16xf32>, vector<16xf32>, vector<16xf32>, vector<16xf32>, vector<16xf32>, vector<16xf32>, vector<16xf32>
      }
      %scan3A_196 = arith.constant 8 : i32
      %add3A_197 = arith.constant 3 : i32
      %add3A_198 = arith.addi %mul3A_165, %add3A_197 : i32
      %lt3A_199 = arith.constant 16 : i32
      %lt3A_200 = arith.cmpi slt, %add3A_198, %lt3A_199 : i32
      %convert_element_type3A_201 = arith.extui %lt3A_200 : i1 to i32
      %cond3A_202 = arith.constant 0 : i32
      %cond3A_203 = arith.cmpi ne, %convert_element_type3A_201, %cond3A_202 : i32
      scf.if %cond3A_203 {
        %add3A_204 = arith.constant 3 : i32
        %add3A_205 = arith.addi %mul3A_165, %add3A_204 : i32
        %mul3A_206 = arith.constant 8 : i32
        %mul3A_207 = arith.muli %add3A_205, %mul3A_206 : i32
        %add3A_208 = arith.addi %mul3A_2, %mul3A_207 : i32
        %dma_start3A_209 = arith.constant 0 : i32
        %dma_start3A_210 = tpu.memref_slice %arg2[%add3A_208, %dma_start3A_209] : memref<4096x4096xf32, #tpu.memory_space<hbm>> -> memref<8x4096xf32, #tpu.memory_space<hbm>>
        %dma_start3A_211 = arith.constant 0 : i32
        %dma_start3A_212 = tpu.memref_slice %arg2[%add3A_208, %dma_start3A_211] : memref<4096x4096xf32, #tpu.memory_space<hbm>> -> memref<8x4096xf32, #tpu.memory_space<hbm>>
        tpu.enqueue_dma source(%dma_start3A_212 : memref<8x4096xf32, #tpu.memory_space<hbm>>) target(%arg5 : memref<8x4096xf32, #tpu.memory_space<vmem>>) target_semaphore(%arg8 : memref<!tpu.dma_semaphore, #tpu.memory_space<semaphore_mem>>)
      } else {
      }
      scf.yield %scan3A_195#0, %scan3A_195#1, %scan3A_195#2, %scan3A_195#3, %scan3A_195#4, %scan3A_195#5, %scan3A_195#6, %scan3A_195#7, %scan3A_195#8, %scan3A_195#9, %scan3A_195#10, %scan3A_195#11, %scan3A_195#12, %scan3A_195#13, %scan3A_195#14, %scan3A_195#15 : vector<16xf32>, vector<16xf32>, vector<16xf32>, vector<16xf32>, vector<16xf32>, vector<16xf32>, vector<16xf32>, vector<16xf32>, vector<16xf32>, vector<16xf32>, vector<16xf32>, vector<16xf32>, vector<16xf32>, vector<16xf32>, vector<16xf32>, vector<16xf32>
    }
    %scan3A_49 = arith.constant 8 : i32
    %swap3A = arith.constant 0 : i32
    %swap3A_50 = arith.index_cast %swap3A : i32 to index
    %swap3A_51 = arith.constant 0 : index
    %swap3A_52 = tpu.vector_load %arg6[%swap3A_50, %swap3A_51] {strides = array<i32>} : memref<16x16xf32, #tpu.memory_space<vmem>>, vector<1x16xf32>,
    %swap3A_53 = vector.shape_cast %swap3A_52 : vector<1x16xf32> to vector<16xf32>
    %swap3A_54 = vector.shape_cast %scan3A_48#0 : vector<16xf32> to vector<1x16xf32>
    tpu.vector_store %arg6[%swap3A_50, %swap3A_51], %swap3A_54 {strides = array<i32>} : memref<16x16xf32, #tpu.memory_space<vmem>>, vector<1x16xf32>,
    %swap3A_55 = arith.constant 1 : i32
    %swap3A_56 = arith.index_cast %swap3A_55 : i32 to index
    %swap3A_57 = arith.constant 0 : index
    %swap3A_58 = tpu.vector_load %arg6[%swap3A_56, %swap3A_57] {strides = array<i32>} : memref<16x16xf32, #tpu.memory_space<vmem>>, vector<1x16xf32>,
    %swap3A_59 = vector.shape_cast %swap3A_58 : vector<1x16xf32> to vector<16xf32>
    %swap3A_60 = vector.shape_cast %scan3A_48#1 : vector<16xf32> to vector<1x16xf32>
    tpu.vector_store %arg6[%swap3A_56, %swap3A_57], %swap3A_60 {strides = array<i32>} : memref<16x16xf32, #tpu.memory_space<vmem>>, vector<1x16xf32>,
    %swap3A_61 = arith.constant 2 : i32
    %swap3A_62 = arith.index_cast %swap3A_61 : i32 to index
    %swap3A_63 = arith.constant 0 : index
    %swap3A_64 = tpu.vector_load %arg6[%swap3A_62, %swap3A_63] {strides = array<i32>} : memref<16x16xf32, #tpu.memory_space<vmem>>, vector<1x16xf32>,
    %swap3A_65 = vector.shape_cast %swap3A_64 : vector<1x16xf32> to vector<16xf32>
    %swap3A_66 = vector.shape_cast %scan3A_48#2 : vector<16xf32> to vector<1x16xf32>
    tpu.vector_store %arg6[%swap3A_62, %swap3A_63], %swap3A_66 {strides = array<i32>} : memref<16x16xf32, #tpu.memory_space<vmem>>, vector<1x16xf32>,
    %swap3A_67 = arith.constant 3 : i32
    %swap3A_68 = arith.index_cast %swap3A_67 : i32 to index
    %swap3A_69 = arith.constant 0 : index
    %swap3A_70 = tpu.vector_load %arg6[%swap3A_68, %swap3A_69] {strides = array<i32>} : memref<16x16xf32, #tpu.memory_space<vmem>>, vector<1x16xf32>,
    %swap3A_71 = vector.shape_cast %swap3A_70 : vector<1x16xf32> to vector<16xf32>
    %swap3A_72 = vector.shape_cast %scan3A_48#3 : vector<16xf32> to vector<1x16xf32>
    tpu.vector_store %arg6[%swap3A_68, %swap3A_69], %swap3A_72 {strides = array<i32>} : memref<16x16xf32, #tpu.memory_space<vmem>>, vector<1x16xf32>,
    %swap3A_73 = arith.constant 4 : i32
    %swap3A_74 = arith.index_cast %swap3A_73 : i32 to index
    %swap3A_75 = arith.constant 0 : index
    %swap3A_76 = tpu.vector_load %arg6[%swap3A_74, %swap3A_75] {strides = array<i32>} : memref<16x16xf32, #tpu.memory_space<vmem>>, vector<1x16xf32>,
    %swap3A_77 = vector.shape_cast %swap3A_76 : vector<1x16xf32> to vector<16xf32>
    %swap3A_78 = vector.shape_cast %scan3A_48#4 : vector<16xf32> to vector<1x16xf32>
    tpu.vector_store %arg6[%swap3A_74, %swap3A_75], %swap3A_78 {strides = array<i32>} : memref<16x16xf32, #tpu.memory_space<vmem>>, vector<1x16xf32>,
    %swap3A_79 = arith.constant 5 : i32
    %swap3A_80 = arith.index_cast %swap3A_79 : i32 to index
    %swap3A_81 = arith.constant 0 : index
    %swap3A_82 = tpu.vector_load %arg6[%swap3A_80, %swap3A_81] {strides = array<i32>} : memref<16x16xf32, #tpu.memory_space<vmem>>, vector<1x16xf32>,
    %swap3A_83 = vector.shape_cast %swap3A_82 : vector<1x16xf32> to vector<16xf32>
    %swap3A_84 = vector.shape_cast %scan3A_48#5 : vector<16xf32> to vector<1x16xf32>
    tpu.vector_store %arg6[%swap3A_80, %swap3A_81], %swap3A_84 {strides = array<i32>} : memref<16x16xf32, #tpu.memory_space<vmem>>, vector<1x16xf32>,
    %swap3A_85 = arith.constant 6 : i32
    %swap3A_86 = arith.index_cast %swap3A_85 : i32 to index
    %swap3A_87 = arith.constant 0 : index
    %swap3A_88 = tpu.vector_load %arg6[%swap3A_86, %swap3A_87] {strides = array<i32>} : memref<16x16xf32, #tpu.memory_space<vmem>>, vector<1x16xf32>,
    %swap3A_89 = vector.shape_cast %swap3A_88 : vector<1x16xf32> to vector<16xf32>
    %swap3A_90 = vector.shape_cast %scan3A_48#6 : vector<16xf32> to vector<1x16xf32>
    tpu.vector_store %arg6[%swap3A_86, %swap3A_87], %swap3A_90 {strides = array<i32>} : memref<16x16xf32, #tpu.memory_space<vmem>>, vector<1x16xf32>,
    %swap3A_91 = arith.constant 7 : i32
    %swap3A_92 = arith.index_cast %swap3A_91 : i32 to index
    %swap3A_93 = arith.constant 0 : index
    %swap3A_94 = tpu.vector_load %arg6[%swap3A_92, %swap3A_93] {strides = array<i32>} : memref<16x16xf32, #tpu.memory_space<vmem>>, vector<1x16xf32>,
    %swap3A_95 = vector.shape_cast %swap3A_94 : vector<1x16xf32> to vector<16xf32>
    %swap3A_96 = vector.shape_cast %scan3A_48#7 : vector<16xf32> to vector<1x16xf32>
    tpu.vector_store %arg6[%swap3A_92, %swap3A_93], %swap3A_96 {strides = array<i32>} : memref<16x16xf32, #tpu.memory_space<vmem>>, vector<1x16xf32>,
    %swap3A_97 = arith.constant 8 : i32
    %swap3A_98 = arith.index_cast %swap3A_97 : i32 to index
    %swap3A_99 = arith.constant 0 : index
    %swap3A_100 = tpu.vector_load %arg6[%swap3A_98, %swap3A_99] {strides = array<i32>} : memref<16x16xf32, #tpu.memory_space<vmem>>, vector<1x16xf32>,
    %swap3A_101 = vector.shape_cast %swap3A_100 : vector<1x16xf32> to vector<16xf32>
    %swap3A_102 = vector.shape_cast %scan3A_48#8 : vector<16xf32> to vector<1x16xf32>
    tpu.vector_store %arg6[%swap3A_98, %swap3A_99], %swap3A_102 {strides = array<i32>} : memref<16x16xf32, #tpu.memory_space<vmem>>, vector<1x16xf32>,
    %swap3A_103 = arith.constant 9 : i32
    %swap3A_104 = arith.index_cast %swap3A_103 : i32 to index
    %swap3A_105 = arith.constant 0 : index
    %swap3A_106 = tpu.vector_load %arg6[%swap3A_104, %swap3A_105] {strides = array<i32>} : memref<16x16xf32, #tpu.memory_space<vmem>>, vector<1x16xf32>,
    %swap3A_107 = vector.shape_cast %swap3A_106 : vector<1x16xf32> to vector<16xf32>
    %swap3A_108 = vector.shape_cast %scan3A_48#9 : vector<16xf32> to vector<1x16xf32>
    tpu.vector_store %arg6[%swap3A_104, %swap3A_105], %swap3A_108 {strides = array<i32>} : memref<16x16xf32, #tpu.memory_space<vmem>>, vector<1x16xf32>,
    %swap3A_109 = arith.constant 10 : i32
    %swap3A_110 = arith.index_cast %swap3A_109 : i32 to index
    %swap3A_111 = arith.constant 0 : index
    %swap3A_112 = tpu.vector_load %arg6[%swap3A_110, %swap3A_111] {strides = array<i32>} : memref<16x16xf32, #tpu.memory_space<vmem>>, vector<1x16xf32>,
    %swap3A_113 = vector.shape_cast %swap3A_112 : vector<1x16xf32> to vector<16xf32>
    %swap3A_114 = vector.shape_cast %scan3A_48#10 : vector<16xf32> to vector<1x16xf32>
    tpu.vector_store %arg6[%swap3A_110, %swap3A_111], %swap3A_114 {strides = array<i32>} : memref<16x16xf32, #tpu.memory_space<vmem>>, vector<1x16xf32>,
    %swap3A_115 = arith.constant 11 : i32
    %swap3A_116 = arith.index_cast %swap3A_115 : i32 to index
    %swap3A_117 = arith.constant 0 : index
    %swap3A_118 = tpu.vector_load %arg6[%swap3A_116, %swap3A_117] {strides = array<i32>} : memref<16x16xf32, #tpu.memory_space<vmem>>, vector<1x16xf32>,
    %swap3A_119 = vector.shape_cast %swap3A_118 : vector<1x16xf32> to vector<16xf32>
    %swap3A_120 = vector.shape_cast %scan3A_48#11 : vector<16xf32> to vector<1x16xf32>
    tpu.vector_store %arg6[%swap3A_116, %swap3A_117], %swap3A_120 {strides = array<i32>} : memref<16x16xf32, #tpu.memory_space<vmem>>, vector<1x16xf32>,
    %swap3A_121 = arith.constant 12 : i32
    %swap3A_122 = arith.index_cast %swap3A_121 : i32 to index
    %swap3A_123 = arith.constant 0 : index
    %swap3A_124 = tpu.vector_load %arg6[%swap3A_122, %swap3A_123] {strides = array<i32>} : memref<16x16xf32, #tpu.memory_space<vmem>>, vector<1x16xf32>,
    %swap3A_125 = vector.shape_cast %swap3A_124 : vector<1x16xf32> to vector<16xf32>
    %swap3A_126 = vector.shape_cast %scan3A_48#12 : vector<16xf32> to vector<1x16xf32>
    tpu.vector_store %arg6[%swap3A_122, %swap3A_123], %swap3A_126 {strides = array<i32>} : memref<16x16xf32, #tpu.memory_space<vmem>>, vector<1x16xf32>,
    %swap3A_127 = arith.constant 13 : i32
    %swap3A_128 = arith.index_cast %swap3A_127 : i32 to index
    %swap3A_129 = arith.constant 0 : index
    %swap3A_130 = tpu.vector_load %arg6[%swap3A_128, %swap3A_129] {strides = array<i32>} : memref<16x16xf32, #tpu.memory_space<vmem>>, vector<1x16xf32>,
    %swap3A_131 = vector.shape_cast %swap3A_130 : vector<1x16xf32> to vector<16xf32>
    %swap3A_132 = vector.shape_cast %scan3A_48#13 : vector<16xf32> to vector<1x16xf32>
    tpu.vector_store %arg6[%swap3A_128, %swap3A_129], %swap3A_132 {strides = array<i32>} : memref<16x16xf32, #tpu.memory_space<vmem>>, vector<1x16xf32>,
    %swap3A_133 = arith.constant 14 : i32
    %swap3A_134 = arith.index_cast %swap3A_133 : i32 to index
    %swap3A_135 = arith.constant 0 : index
    %swap3A_136 = tpu.vector_load %arg6[%swap3A_134, %swap3A_135] {strides = array<i32>} : memref<16x16xf32, #tpu.memory_space<vmem>>, vector<1x16xf32>,
    %swap3A_137 = vector.shape_cast %swap3A_136 : vector<1x16xf32> to vector<16xf32>
    %swap3A_138 = vector.shape_cast %scan3A_48#14 : vector<16xf32> to vector<1x16xf32>
    tpu.vector_store %arg6[%swap3A_134, %swap3A_135], %swap3A_138 {strides = array<i32>} : memref<16x16xf32, #tpu.memory_space<vmem>>, vector<1x16xf32>,
    %swap3A_139 = arith.constant 15 : i32
    %swap3A_140 = arith.index_cast %swap3A_139 : i32 to index
    %swap3A_141 = arith.constant 0 : index
    %swap3A_142 = tpu.vector_load %arg6[%swap3A_140, %swap3A_141] {strides = array<i32>} : memref<16x16xf32, #tpu.memory_space<vmem>>, vector<1x16xf32>,
    %swap3A_143 = vector.shape_cast %swap3A_142 : vector<1x16xf32> to vector<16xf32>
    %swap3A_144 = vector.shape_cast %scan3A_48#15 : vector<16xf32> to vector<1x16xf32>
    tpu.vector_store %arg6[%swap3A_140, %swap3A_141], %swap3A_144 {strides = array<i32>} : memref<16x16xf32, #tpu.memory_space<vmem>>, vector<1x16xf32>,
    %mul3A_145 = arith.constant 16 : i32
    %mul3A_146 = arith.muli %add3A, %mul3A_145 : i32
    "tpu.region"() ({
      %run_scoped3A = tpu.sem_alloc : memref<!tpu.dma_semaphore, #tpu.memory_space<semaphore_mem>>
      %dma_start3A_147 = arith.constant 0 : i32
      %dma_start3A_148 = tpu.memref_slice %arg3[%mul3A_146, %dma_start3A_147] : memref<512x16xf32, #tpu.memory_space<hbm>> -> memref<16x16xf32, #tpu.memory_space<hbm>>
      %dma_start3A_149 = arith.constant 0 : i32
      %dma_start3A_150 = tpu.memref_slice %arg3[%mul3A_146, %dma_start3A_149] : memref<512x16xf32, #tpu.memory_space<hbm>> -> memref<16x16xf32, #tpu.memory_space<hbm>>
      tpu.enqueue_dma source(%arg6 : memref<16x16xf32, #tpu.memory_space<vmem>>) target(%dma_start3A_150 : memref<16x16xf32, #tpu.memory_space<hbm>>) target_semaphore(%run_scoped3A : memref<!tpu.dma_semaphore, #tpu.memory_space<semaphore_mem>>)
      %dma_wait3A = arith.constant 0 : i32
      %dma_wait3A_151 = tpu.memref_slice %arg3[%mul3A_146, %dma_wait3A] : memref<512x16xf32, #tpu.memory_space<hbm>> -> memref<16x16xf32, #tpu.memory_space<hbm>>
      %dma_wait3A_152 = arith.constant 0 : i32
      %dma_wait3A_153 = tpu.memref_slice %arg3[%mul3A_146, %dma_wait3A_152] : memref<512x16xf32, #tpu.memory_space<hbm>> -> memref<16x16xf32, #tpu.memory_space<hbm>>
      tpu.wait_dma2 semaphore(%run_scoped3A : memref<!tpu.dma_semaphore, #tpu.memory_space<semaphore_mem>>) src(%arg6 : memref<16x16xf32, #tpu.memory_space<vmem>>) dst(%dma_wait3A_153 : memref<16x16xf32, #tpu.memory_space<hbm>>)
      tpu.yield
    }) : () -> ()
    return
  }
}

</mosaic_0001>

<sc_bundles>
// kernel: kernel.4.cloned.1.call-start
scs
__scs_entry_jumppad:
0x0: {  	(pc) =	sbr.rel $0x88, $3  }
0x1: {  	(tag) =	ssettag $0x0;
	lr =	simm.s32 $0x1  }
0x2: {  	[smem:$0x3FA0] =	sst lr;
	_ =	strace $0xD0000000  }
0x3: {  	_ = 	snop  }
0x4: {  	_ = 	snop  }
0x5: {  	_ = 	snop  }
0x6: {  	_ = 	snop  }
0x7: {  	_ = 	snop  }
__scs_overlays_trampoline_lowered:
0x8: {  	[smem:$0x3FAF] =	sst s0  }
0x9: {  	[smem:$0x3FB0] =	sst s1  }
0xa: {  	[smem:$0x3FB1] =	sst s2  }
0xb: {  	[smem:$0x3FB2] =	sst s3  }
0xc: {  	[smem:$0x3FB3] =	sst s4  }
0xd: {  	[smem:$0x3FB4] =	sst s5  }
0xe: {  	[smem:$0x3FB5] =	sst s6  }
0xf: {  	[smem:$0x3FB6] =	sst s7  }
0x10: {  	[smem:$0x3FB7] =	sst s8  }
0x11: {  	[smem:$0x3FB8] =	sst s9;
	s0 =	simm.s32 @!p0 $0x0  }
0x12: {  	s1 =	sld [smem:$0x3F9E];
	s0 =	simm.s32 @p0 $0x1  }
0x13: {  	[smem:$0x3FB9] =	sst s0;
	s0 =	simm.s32 @!p1 $0x0  }
0x14: {  	s2 =	sld [smem:$0x3F9D];
	s0 =	simm.s32 @p1 $0x1  }
0x15: {  	[smem:$0x3FBA] =	sst s0;
	s0 =	simm.s32 @!p2 $0x0  }
0x16: {  	s3 =	sld [smem:$0x3FDB];
	s0 =	simm.s32 @p2 $0x1  }
0x17: {  	s4 =	simm.s32 $0x1BF5;
	[smem:$0x3FBC] =	sst s0  }
0x18: {  	s0 =	sld [smem:$0x3F9F];
	_ =	swait.ge [sflag:s4], $0x0  }
0x19: {  	s7 =	sld [smem:$0x3FA0]  }
0x1a: {  	s8 =	sadd.s32 $0xFFFFE003, lr  }
0x1b: {  	s9 =	sadd.s32 $0xFFFFFEF7, lr;
	s5 =	simm.s32 $0xFFFFFFFF;
	p2 =	slt.u32 s8, $0xFFFFF086  }
0x1c: {  	p1 =	slt.u32 s9, $0xF7A;
	s5 =	simm.s32 @!p2 $0x0  }
0x1d: {  	s5 =	simm.s32 @p1 $0x1;
	p0 =	seq.s32 s7, s2  }
0x1e: {  	s7 =	smul.u32 @!p0 $0xF7A, s2;
	p2 =	seq.s32 @!p0 s5, $0x0  }
0x1f: {  	s9 =	smul.u32 $0xF7A, s1;
	s8 =	simm.s32 @!p0 $0x1BF5;
	p2 =	por !p2, p0  }
0x20: {  	[sflag:s8] =	ssyncset.s32 @!p0 $0xFFFFF086;
	s6 =	sadd.s32 @!p0 s3, s7;
	s7 =	simm.s32 @!p0 $0x108  }
0x21: {  	s3 =	sadd.s32 s3, s9;
	s6 =	sadd.s32 @!p0 $0x88, s6;
	s7 =	simm.s32 @p2 $0x1082  }
0x22: {  	[simem:s7], [sflag:s8] =	dma.local @!p0 [hbm:s6], $0xF7A  }
0x23: {  	s9 =	sor.u32 $0xD0000000, s2;
	s6 =	simm.s32 $0x108;
	_ =	swait.ge @!p0 [sflag:s8], $0x0  }
0x24: {  	s3 =	sadd.s32 $0x88, s3;
	s6 =	simm.s32 @!p1 $0x1082;
	[sflag:s4] =	ssyncset.s32 $0xFFFFF086  }
0x25: {  	[simem:s6], [sflag:s4] =	dma.local [hbm:s3], $0xF7A  }
0x26: {  	[smem:$0x3FA0] =	sst s1;
	(tag) =	ssettag s2;
	_ =	strace s9  }
0x27: {  	s1 =	sld [smem:$0x3FB0]  }
0x28: {  	s2 =	sld [smem:$0x3FB1]  }
0x29: {  	s4 =	sld [smem:$0x3FB3]  }
0x2a: {  	p0 =	seq.s32 s5, $0x0;
	s5 =	sld [smem:$0x3FB4]  }
0x2b: {  	s6 =	sld [smem:$0x3FB5]  }
0x2c: {  	s7 =	sld [smem:$0x3FB6]  }
0x2d: {  	s3 =	simm.s32 $0x108;
	s8 =	sld [smem:$0x3FB7]  }
0x2e: {  	s3 =	simm.s32 @!p0 $0x1082;
	s9 =	sld [smem:$0x3FB8]  }
0x2f: {  	lr =	sadd.s32 s0, s3;
	s0 =	sld [smem:$0x3FAF]  }
0x30: {  	s3 =	sld [smem:$0x3FB2]  }
0x31: {  	[smem:$0x3FBB] =	sst s10  }
0x32: {  	s10 =	sld [smem:$0x3FB9];
	_ =	sdelay $0x3  }
0x33: {  	p0 =	seq.s32 s10, $0x1;
	s10 =	sld [smem:$0x3FBB];
	_ =	sdelay $0x3  }
0x34: {  	[smem:$0x3FBB] =	sst s10  }
0x35: {  	s10 =	sld [smem:$0x3FBA];
	_ =	sdelay $0x3  }
0x36: {  	p1 =	seq.s32 s10, $0x1;
	s10 =	sld [smem:$0x3FBB];
	_ =	sdelay $0x3  }
0x37: {  	[smem:$0x3FBB] =	sst s10  }
0x38: {  	s10 =	sld [smem:$0x3FBC]  }
0x39: {  	_ = 	snop;
	(pc) =	sbr.ind lr, $3  }
0x3a: {  	_ = 	snop  }
0x3b: {  	_ = 	snop  }
0x3c: {  	p2 =	seq.s32 s10, $0x1;
	s10 =	sld [smem:$0x3FBB]  }
0x3d: {  	_ =	shalt  }
0x3e: {  	_ =	shalt  }
0x3f: {  	_ =	shalt  }
0x40: {  	_ =	shalt  }
0x41: {  	_ =	shalt  }
0x42: {  	_ =	shalt  }
0x43: {  	_ =	shalt  }
0x44: {  	_ =	shalt  }
0x45: {  	_ =	shalt  }
0x46: {  	_ =	shalt  }
0x47: {  	_ =	shalt  }
0x48: {  	_ =	shalt  }
0x49: {  	_ =	shalt  }
0x4a: {  	_ =	shalt  }
0x4b: {  	_ =	shalt  }
0x4c: {  	_ =	shalt  }
0x4d: {  	_ =	shalt  }
0x4e: {  	_ =	shalt  }
0x4f: {  	_ =	shalt  }
0x50: {  	_ =	shalt  }
0x51: {  	_ =	shalt  }
0x52: {  	_ =	shalt  }
0x53: {  	_ =	shalt  }
0x54: {  	_ =	shalt  }
0x55: {  	_ =	shalt  }
0x56: {  	_ =	shalt  }
0x57: {  	_ =	shalt  }
0x58: {  	_ =	shalt  }
0x59: {  	_ =	shalt  }
0x5a: {  	_ =	shalt  }
0x5b: {  	_ =	shalt  }
0x5c: {  	_ =	shalt  }
0x5d: {  	_ =	shalt  }
0x5e: {  	_ =	shalt  }
0x5f: {  	_ =	shalt  }
0x60: {  	_ =	shalt  }
0x61: {  	_ =	shalt  }
0x62: {  	_ =	shalt  }
0x63: {  	_ =	shalt  }
0x64: {  	_ =	shalt  }
0x65: {  	_ =	shalt  }
0x66: {  	_ =	shalt  }
0x67: {  	_ =	shalt  }
0x68: {  	_ =	shalt  }
0x69: {  	_ =	shalt  }
0x6a: {  	_ =	shalt  }
0x6b: {  	_ =	shalt  }
0x6c: {  	_ =	shalt  }
0x6d: {  	_ =	shalt  }
0x6e: {  	_ =	shalt  }
0x6f: {  	_ =	shalt  }
0x70: {  	_ =	shalt  }
0x71: {  	_ =	shalt  }
0x72: {  	_ =	shalt  }
0x73: {  	_ =	shalt  }
0x74: {  	_ =	shalt  }
0x75: {  	_ =	shalt  }
0x76: {  	_ =	shalt  }
0x77: {  	_ =	shalt  }
0x78: {  	_ =	shalt  }
0x79: {  	_ =	shalt  }
0x7a: {  	_ =	shalt  }
0x7b: {  	_ =	shalt  }
0x7c: {  	_ =	shalt  }
0x7d: {  	_ =	shalt  }
0x7e: {  	_ =	shalt  }
0x7f: {  	_ =	shalt  }
0x80: {  	_ =	shalt  }
0x81: {  	_ =	shalt  }
0x82: {  	_ =	shalt  }
0x83: {  	_ =	shalt  }
0x84: {  	_ =	shalt  }
0x85: {  	_ =	shalt  }
0x86: {  	_ =	shalt  }
0x87: {  	_ =	shalt  }
.Lfunc_end0:
.L_simem_size_0:
called_computation_lowered:
.L_overlay_start_0:
0x88: {  	s2 =	sld [smem:$0x3FD9]  }
0x89: {  	s3 =	sld [smem:$0x3FFE];
	_ =	sdelay $0x1  }
0x8a: {  	s1 =	srdreg.scid  }
0x8b: {  	s0 =	sand.u32 $0x1, s1  }
0x8c: {  	s17 =	sshll.u32 s0, $0xA;
	s2 =	sadd.s32 s3, s2  }
0x8d: {  	s2 =	sadd.s32 s2, s17  }
0x8e: {  	[smem:$0x3FC7] =	sst s2  }
0x8f: {  	_ = 	snop  }
0x90: {  	s2 =	sld [smem:$0x3FC9];
	(tm) =	ssettm $0x1  }
0x91: {  	s18 =	sld [smem:$0x3FFB];
	_ =	sdelay $0x3  }
0x92: {  	_ =	strace s18  }
0x93: {  	s3 =	sld [smem:$0x3FFC];
	_ =	sdelay $0x3  }
0x94: {  	_ =	strace s3  }
0x95: {  	s3 =	sld [smem:$0x3FFD];
	_ =	sdelay $0x3  }
0x96: {  	_ =	strace s3  }
0x97: {  	_ =	strace $0x8FFFFFFF  }
0x98: {  	s19 =	sld [smem:$0x3FDB];
	_ =	sdelay $0x1  }
0x99: {  	s4 =	simm.s32 $_scs_section_size  }
0x9a: {  	s5 =	simm.s32 $_size__tile_overlayer_lowered;
	s6 =	simm.s32 $_tile_overlayer_lowered  }
0x9b: {  	s22 =	simm.s32 $0x1BFF;
	s21 =	sshll.u32 s6, $0x1;
	s3 =	sadd.s32 s4, s19  }
0x9c: {  	s7 =	simm.s32 $0x0;
	s20 =	sshll.u32 s5, $0x1;
	s5 =	sadd.s32 s21, s3  }
0x9d: {  	[timem:s7], [sflag:s22] =	dma.local [hbm:s5], s20  }
0x9e: {  	_ =	swait.ge [sflag:s22], s20  }
0x9f: {  	s4 =	ssub.s32 $0x0, s20;
	[sflag:s22] =	ssyncset.done $0x0  }
0xa0: {  	[sflag:s22] =	ssyncadd.s32 s4;
	_ =	sdelay $0x1  }
0xa1: {  	s23 =	simm.s32 $0x1B8B  }
0xa2: {  	_ =	swait.ge [sflag:s23], $0x1  }
0xa3: {  	[sflag:s23] =	ssyncset.done $0x0  }
0xa4: {  	s25 =	simm.s32 $0x1B8E;
	s24 =	sld [smem:$0x3FFE];
	[sflag:s23] =	ssyncadd.s32 $0xFFFFFFFF  }
0xa5: {  	s26 =	simm.s32 $execute0_lowered;
	[smem:$0x3FD2] =	sst s25  }
0xa6: {  	s5 =	sshll.u32 s26, $0x1;
	_ =	strace $0x80000046;
	[dreg:$0x1] =	wrdreg $0xFFFFFFFF  }
0xa7: {  	s28 =	simm.s32 $_size_execute0_lowered;
	s3 =	sadd.s32 s3, s5;
	[dreg:$0x0] =	wrdreg $0x0  }
0xa8: {  	s5 =	sshll.u32 s28, $0x1;
	[dreg:$0x2] =	wrdreg s3  }
0xa9: {  	[dreg:$0x3] =	wrdreg s5  }
0xaa: {  	[dreg:$0x4] =	wrdreg $0xC0  }
0xab: {  	_ =	task [dreg:s7], $0x5FFFF  }
0xac: {  	[dreg:$0x1] =	wrdreg $0xFFFFFFFF  }
0xad: {  	[dreg:$0x0] =	wrdreg $0x60  }
0xae: {  	[dreg:$0x2] =	wrdreg s2  }
0xaf: {  	[dreg:$0x3] =	wrdreg s24  }
0xb0: {  	[dreg:$0x4] =	wrdreg $0x9  }
0xb1: {  	_ =	task.clear_ibuf [dreg:s7], $0x5FFFF;
	_ =	strace $0x90000046  }
0xb2: {  	s29 =	simm.s32 $0x9;
	_ =	strace $0x80000048  }
0xb3: {  	_ =	swait.ge [sflag:s29], $0x1  }
0xb4: {  	[sflag:s29] =	ssyncadd.s32 $0xFFFFFFFF  }
0xb5: {  	_ =	strace $0x90000048  }
0xb6: {  	_ =	sfence  }
0xb7: {  	s30 =	sld [smem:$0x0];
	_ =	sdelay $0x2  }
0xb8: {  	s31 =	sshll.u32 s1, $0xD;
	s1 =	sshrl.u32 s1, $0x2  }
0xb9: {  	s3 =	sand.u32 $0x4000, s31;
	s1 =	sadd.s32 s1, s30  }
0xba: {  	s0 =	sor.u32 s3, s0;
	s1 =	sshll.u32 s1, $0x11  }
0xbb: {  	s0 =	sor.u32 s1, s0  }
0xbc: {  	s0 =	sadd.s32 $0x8F2B, s0  }
0xbd: {  	[sflag:s0] =	ssyncadd.remote.s32 $0x1  }
0xbe: {  	_ =	sfence.sel $0xFFFF  }
0xbf: {  	[dreg:$0x0] =	wrdreg $0xFFFFFFFF;
	(pc) =	sbr.abs _section_cstart, $3  }
0xc0: {  	[dreg:$0x1] =	wrdreg $0xFFFFFFFF  }
0xc1: {  	_ =	task.clear_ibuf [dreg:s7], $0x2FFFF;
	_ =	strace $0x9FFFFFFF  }
0xc2: {  	(tm) =	ssettm $0x7FFFFFFF  }
0xc3: {  	_ =	shalt  }
tec
execute0_lowered:
.L_overlay_start_1:
0x0: {  	(tag) =	ssettag $0x1  }
0x1: {  	s3 =	rddreg [dreg:$0x0]  }
0x2: {  	s4 =	rddreg [dreg:$0x1]  }
0x3: {  	s0 =	rddreg [dreg:$0x2]  }
0x4: {  	s2 =	simm.s32 $0x0;
	s5 =	srdreg.scid;
	s1 =	stileid.u32  }
0x5: {  	s9 =	simm.s32 $0x8000;
	s10 =	simm.s32 $0x1;
	s11 =	simm.s32 $0x2  }
0x6: {  	s12 =	simm.s32 $0x10000;
	s13 =	simm.s32 $0x3;
	s14 =	simm.s32 $0x0  }
0x7: {  	[smem:$0x7FF] =	sst s2;
	s5 =	sand.u32 $0x1, s5;
	s6 =	sshll.u32 s1, $0x1  }
.Ltmp0:
0x8: {  	_ =	strace $0x80000047;
	s6 =	sor.u32 s5, s6;
	(pc) =	sbr.rel .LBB2_1-.Ltmp0, $4  }
0x9: {  	s5 =	ssub.s32 $0x2, s5;
	s7 =	sshll.u32 s6, $0x8;
	s6 =	sshll.u32 s6, $0x10  }
0xa: {  	s31 =	sshrl.u32 s5, $0x1;
	s7 =	sadd.s32 s7, s4;
	s3 =	sadd.s32 s3, s6  }
0xb: {  	s8 =	ssub.s32 s5, s31;
	s4 =	sadd.s32 $0x1000, s3;
	s5 =	sadd.s32 $0x2000, s3  }
0xc: {  	s6 =	sadd.s32 $0x3000, s3;
	s7 =	sadd.s32 $0x800, s7;
	s8 =	smax.u32 s8, $0x1  }
.LBB2_8:
0xd: {  	[tilespmem:$0x10000] =	vst v15  }
0xe: {  	[tilespmem:$0x10080] =	vst v14  }
0xf: {  	[tilespmem:$0x10100] =	vst v13  }
0x10: {  	[tilespmem:$0x10180] =	vst v12  }
0x11: {  	[tilespmem:$0x10200] =	vst v11  }
0x12: {  	[tilespmem:$0x10280] =	vst v10  }
0x13: {  	[tilespmem:$0x10300] =	vst v9  }
0x14: {  	[tilespmem:$0x10380] =	vst v8  }
0x15: {  	[tilespmem:$0x10400] =	vst v7  }
0x16: {  	[tilespmem:$0x10480] =	vst v6  }
0x17: {  	[tilespmem:$0x10500] =	vst v5  }
0x18: {  	[tilespmem:$0x10580] =	vst v3  }
0x19: {  	[tilespmem:$0x10600] =	vst v2  }
0x1a: {  	[tilespmem:$0x10680] =	vst v1;
	s14 =	sadd.s32 $0x1, s14  }
0x1b: {  	[tilespmem:$0x10700] =	vst v0;
	p0 =	sne.s32 s14, s8  }
.Ltmp1:
0x1c: {  	[tilespmem:$0x10780] =	vst v4;
	(pc) =	sbr.rel @!p0 .LBB2_9-.Ltmp1, $4  }
0x1d: {  	[hbm4b:s7+s2] =	stream.linear.scatter [tilespmem:s12], [sflag:$0x3], $0x800, $0x38;
	[tilespmem:$0x10800] =	vst v63  }
0x1e: {  	_ =	swait.ge [sflag:s13], $0x800  }
0x1f: {  	[sflag:s13] =	ssyncset.done $0x0  }
0x20: {  	[sflag:s13] =	ssyncadd.s32 $0xFFFFF800  }
.LBB2_1:
0x21: {  	v4 =	vimm.f32 $0.0e+00  }
0x22: {  	v0 =	vimm.f32 $0.0e+00;
	v1 =	vimm.f32 $0.0e+00;
	v2 =	vimm.f32 $0.0e+00  }
0x23: {  	v3 =	vimm.f32 $0.0e+00;
	v5 =	vimm.f32 $0.0e+00;
	v6 =	vimm.f32 $0.0e+00  }
0x24: {  	[tilespmem:s2], [sflag:$0x1] =	stream.linear.gather [hbm4b:s3+s2], $0x8000, $0x38;
	v7 =	vimm.f32 $0.0e+00;
	v8 =	vimm.f32 $0.0e+00;
	v9 =	vimm.f32 $0.0e+00;
	[tilespmem:$0x10800] =	vst v63  }
0x25: {  	v10 =	vimm.f32 $0.0e+00;
	v11 =	vimm.f32 $0.0e+00;
	v12 =	vimm.f32 $0.0e+00;
	s15 =	simm.s32 $0x0  }
0x26: {  	v13 =	vimm.f32 $0.0e+00;
	v14 =	vimm.f32 $0.0e+00;
	v15 =	vimm.f32 $0.0e+00;
	[tilespmem:s9], [sflag:$0x2] =	stream.linear.gather [hbm4b:s4+s2], $0x8000, $0x38;
	[tilespmem:$0x10800] =	vst v63  }
.LBB2_2:
0x27: {  	_ =	swait.ge [sflag:s10], $0x8000  }
0x28: {  	s16 =	simm.s32 $0x0;
	[sflag:s10] =	ssyncset.done $0x0  }
0x29: {  	s17 =	sand.u32 $0x3FFFFF80, s16;
	[sflag:s10] =	ssyncadd.s32 $0xFFFF8000  }
0x2a: {  	v17 =	vld [tilespmem:s17+$0x7800]  }
0x2b: {  	v24 =	vld [tilespmem:s17+$0x7810]  }
0x2c: {  	v21 =	vld [tilespmem:s17+$0x7820]  }
0x2d: {  	v16 =	vld [tilespmem:s17+$0x7830]  }
0x2e: {  	v20 =	vld [tilespmem:s17+$0x7840]  }
0x2f: {  	v34 =	vld [tilespmem:s17+$0x7850]  }
0x30: {  	v36 =	vld [tilespmem:s17+$0x7860]  }
0x31: {  	v39 =	vld [tilespmem:s17+$0x7870]  }
0x32: {  	v40 =	vld [tilespmem:s17+$0x7C00]  }
0x33: {  	v47 =	vld [tilespmem:s17+$0x7C10]  }
0x34: {  	v52 =	vld [tilespmem:s17+$0x7C20]  }
0x35: {  	v63 =	vld [tilespmem:s17+$0x7C30]  }
0x36: {  	v59 =	vld [tilespmem:s17+$0x7C40]  }
0x37: {  	s16 =	simm.s32 $0x1;
	v61 =	vld [tilespmem:s17+$0x7C50]  }
.LBB2_3:
0x38: {  	p0 =	sne.s32 s16, $0x7;
	v18 =	vld [tilespmem:s17+$0x7C60]  }
0x39: {  	v19 =	vld [tilespmem:s17+$0x7C70]  }
0x3a: {  	v22 =	vld [tilespmem:s17+$0x0]  }
0x3b: {  	v17 =	vadd.f32 v24, v17;
	v16 =	vadd.f32 v16, v21;
	v23 =	vld [tilespmem:s17+$0x10]  }
0x3c: {  	v20 =	vadd.f32 v34, v20;
	v24 =	vadd.f32 v39, v36;
	v21 =	vld [tilespmem:s17+$0x20]  }
0x3d: {  	v26 =	vadd.f32 v47, v40;
	v27 =	vadd.f32 v63, v52;
	v25 =	vld [tilespmem:s17+$0x30]  }
0x3e: {  	v29 =	vadd.f32 v61, v59;
	v28 =	vld [tilespmem:s17+$0x40];
	v18 =	vadd.f32 v19, v18  }
0x3f: {  	v16 =	vadd.f32 v16, v17;
	v17 =	vadd.f32 v24, v20;
	v19 =	vld [tilespmem:s17+$0x50]  }
0x40: {  	v24 =	vadd.f32 v27, v26;
	v20 =	vld [tilespmem:s17+$0x60];
	v18 =	vadd.f32 v18, v29  }
0x41: {  	v22 =	vadd.f32 v23, v22;
	v26 =	vld [tilespmem:s17+$0x70]  }
0x42: {  	v16 =	vadd.f32 v17, v16;
	v23 =	vld [tilespmem:s17+$0x400];
	v17 =	vadd.f32 v18, v24  }
0x43: {  	v21 =	vadd.f32 v25, v21;
	v18 =	vld [tilespmem:s17+$0x410]  }
0x44: {  	v24 =	vld [tilespmem:s17+$0x420];
	v19 =	vadd.f32 v19, v28;
	v16 =	vadd.f32 v17, v16  }
0x45: {  	v21 =	vadd.f32 v21, v22;
	v17 =	vld [tilespmem:s17+$0x430]  }
0x46: {  	v22 =	vld [tilespmem:s17+$0x440];
	v20 =	vadd.f32 v26, v20;
	v4 =	vadd.f32 v16, v4  }
0x47: {  	v16 =	vld [tilespmem:s17+$0x450]  }
0x48: {  	v25 =	vld [tilespmem:s17+$0x460];
	v18 =	vadd.f32 v18, v23;
	v19 =	vadd.f32 v20, v19  }
0x49: {  	v20 =	vld [tilespmem:s17+$0x470]  }
0x4a: {  	v17 =	vadd.f32 v17, v24;
	v19 =	vadd.f32 v19, v21;
	v21 =	vld [tilespmem:s17+$0x800]  }
0x4b: {  	v23 =	vld [tilespmem:s17+$0x810]  }
0x4c: {  	v16 =	vadd.f32 v16, v22;
	v17 =	vadd.f32 v17, v18;
	v18 =	vld [tilespmem:s17+$0x820]  }
0x4d: {  	v22 =	vld [tilespmem:s17+$0x830]  }
0x4e: {  	v20 =	vadd.f32 v20, v25;
	v24 =	vld [tilespmem:s17+$0x840]  }
0x4f: {  	v25 =	vld [tilespmem:s17+$0x850]  }
0x50: {  	v16 =	vadd.f32 v20, v16;
	v20 =	vld [tilespmem:s17+$0x860];
	v21 =	vadd.f32 v23, v21  }
0x51: {  	v23 =	vld [tilespmem:s17+$0x870]  }
0x52: {  	v16 =	vadd.f32 v16, v17;
	v17 =	vld [tilespmem:s17+$0xC00];
	v18 =	vadd.f32 v22, v18  }
0x53: {  	v22 =	vld [tilespmem:s17+$0xC10]  }
0x54: {  	v26 =	vld [tilespmem:s17+$0xC20];
	v24 =	vadd.f32 v25, v24;
	v18 =	vadd.f32 v18, v21  }
0x55: {  	v16 =	vadd.f32 v16, v19;
	v19 =	vld [tilespmem:s17+$0xC30]  }
0x56: {  	v21 =	vld [tilespmem:s17+$0xC40];
	v20 =	vadd.f32 v23, v20  }
0x57: {  	v15 =	vadd.f32 v16, v15;
	v16 =	vld [tilespmem:s17+$0xC50]  }
0x58: {  	v23 =	vld [tilespmem:s17+$0xC60];
	v17 =	vadd.f32 v22, v17;
	v20 =	vadd.f32 v20, v24  }
0x59: {  	v22 =	vld [tilespmem:s17+$0xC70]  }
0x5a: {  	v19 =	vadd.f32 v19, v26;
	v18 =	vadd.f32 v20, v18;
	v20 =	vld [tilespmem:s17+$0x1000]  }
0x5b: {  	v24 =	vld [tilespmem:s17+$0x1010]  }
0x5c: {  	v16 =	vadd.f32 v16, v21;
	v17 =	vadd.f32 v19, v17;
	v19 =	vld [tilespmem:s17+$0x1020]  }
0x5d: {  	v21 =	vld [tilespmem:s17+$0x1030]  }
0x5e: {  	v22 =	vadd.f32 v22, v23;
	v23 =	vld [tilespmem:s17+$0x1040]  }
0x5f: {  	v25 =	vld [tilespmem:s17+$0x1050]  }
0x60: {  	v16 =	vadd.f32 v22, v16;
	v22 =	vld [tilespmem:s17+$0x1060];
	v20 =	vadd.f32 v24, v20  }
0x61: {  	v24 =	vld [tilespmem:s17+$0x1070]  }
0x62: {  	v16 =	vadd.f32 v16, v17;
	v17 =	vld [tilespmem:s17+$0x1400];
	v19 =	vadd.f32 v21, v19  }
0x63: {  	v21 =	vld [tilespmem:s17+$0x1410]  }
0x64: {  	v26 =	vld [tilespmem:s17+$0x1420];
	v23 =	vadd.f32 v25, v23;
	v19 =	vadd.f32 v19, v20  }
0x65: {  	v16 =	vadd.f32 v16, v18;
	v18 =	vld [tilespmem:s17+$0x1430]  }
0x66: {  	v20 =	vld [tilespmem:s17+$0x1440];
	v22 =	vadd.f32 v24, v22  }
0x67: {  	v14 =	vadd.f32 v16, v14;
	v16 =	vld [tilespmem:s17+$0x1450]  }
0x68: {  	v24 =	vld [tilespmem:s17+$0x1460];
	v17 =	vadd.f32 v21, v17;
	v21 =	vadd.f32 v22, v23  }
0x69: {  	v22 =	vld [tilespmem:s17+$0x1470]  }
0x6a: {  	v18 =	vadd.f32 v18, v26;
	v19 =	vadd.f32 v21, v19;
	v21 =	vld [tilespmem:s17+$0x1800]  }
0x6b: {  	v23 =	vld [tilespmem:s17+$0x1810]  }
0x6c: {  	v16 =	vadd.f32 v16, v20;
	v17 =	vadd.f32 v18, v17;
	v18 =	vld [tilespmem:s17+$0x1820]  }
0x6d: {  	v20 =	vld [tilespmem:s17+$0x1830]  }
0x6e: {  	v22 =	vadd.f32 v22, v24;
	v24 =	vld [tilespmem:s17+$0x1840]  }
0x6f: {  	v25 =	vld [tilespmem:s17+$0x1850]  }
0x70: {  	v16 =	vadd.f32 v22, v16;
	v22 =	vld [tilespmem:s17+$0x1860];
	v21 =	vadd.f32 v23, v21  }
0x71: {  	v23 =	vld [tilespmem:s17+$0x1870]  }
0x72: {  	v16 =	vadd.f32 v16, v17;
	v17 =	vld [tilespmem:s17+$0x1C00];
	v18 =	vadd.f32 v20, v18  }
0x73: {  	v20 =	vld [tilespmem:s17+$0x1C10]  }
0x74: {  	v26 =	vld [tilespmem:s17+$0x1C20];
	v24 =	vadd.f32 v25, v24;
	v18 =	vadd.f32 v18, v21  }
0x75: {  	v16 =	vadd.f32 v16, v19;
	v19 =	vld [tilespmem:s17+$0x1C30]  }
0x76: {  	v21 =	vld [tilespmem:s17+$0x1C40];
	v22 =	vadd.f32 v23, v22  }
0x77: {  	v13 =	vadd.f32 v16, v13;
	v16 =	vld [tilespmem:s17+$0x1C50]  }
0x78: {  	v23 =	vld [tilespmem:s17+$0x1C60];
	v17 =	vadd.f32 v20, v17;
	v20 =	vadd.f32 v22, v24  }
0x79: {  	v22 =	vld [tilespmem:s17+$0x1C70]  }
0x7a: {  	v19 =	vadd.f32 v19, v26;
	v18 =	vadd.f32 v20, v18;
	v20 =	vld [tilespmem:s17+$0x2000]  }
0x7b: {  	v24 =	vld [tilespmem:s17+$0x2010]  }
0x7c: {  	v16 =	vadd.f32 v16, v21;
	v17 =	vadd.f32 v19, v17;
	v19 =	vld [tilespmem:s17+$0x2020]  }
0x7d: {  	v21 =	vld [tilespmem:s17+$0x2030]  }
0x7e: {  	v22 =	vadd.f32 v22, v23;
	v23 =	vld [tilespmem:s17+$0x2040]  }
0x7f: {  	v25 =	vld [tilespmem:s17+$0x2050]  }
0x80: {  	v16 =	vadd.f32 v22, v16;
	v22 =	vld [tilespmem:s17+$0x2060];
	v20 =	vadd.f32 v24, v20  }
0x81: {  	v24 =	vld [tilespmem:s17+$0x2070]  }
0x82: {  	v16 =	vadd.f32 v16, v17;
	v17 =	vld [tilespmem:s17+$0x2400];
	v19 =	vadd.f32 v21, v19  }
0x83: {  	v21 =	vld [tilespmem:s17+$0x2410]  }
0x84: {  	v26 =	vld [tilespmem:s17+$0x2420];
	v23 =	vadd.f32 v25, v23;
	v19 =	vadd.f32 v19, v20  }
0x85: {  	v16 =	vadd.f32 v16, v18;
	v18 =	vld [tilespmem:s17+$0x2430]  }
0x86: {  	v20 =	vld [tilespmem:s17+$0x2440];
	v22 =	vadd.f32 v24, v22  }
0x87: {  	v12 =	vadd.f32 v16, v12;
	v16 =	vld [tilespmem:s17+$0x2450]  }
0x88: {  	v24 =	vld [tilespmem:s17+$0x2460];
	v17 =	vadd.f32 v21, v17;
	v21 =	vadd.f32 v22, v23  }
0x89: {  	v22 =	vld [tilespmem:s17+$0x2470]  }
0x8a: {  	v18 =	vadd.f32 v18, v26;
	v19 =	vadd.f32 v21, v19;
	v21 =	vld [tilespmem:s17+$0x2800]  }
0x8b: {  	v23 =	vld [tilespmem:s17+$0x2810]  }
0x8c: {  	v16 =	vadd.f32 v16, v20;
	v17 =	vadd.f32 v18, v17;
	v18 =	vld [tilespmem:s17+$0x2820]  }
0x8d: {  	v20 =	vld [tilespmem:s17+$0x2830]  }
0x8e: {  	v22 =	vadd.f32 v22, v24;
	v24 =	vld [tilespmem:s17+$0x2840]  }
0x8f: {  	v25 =	vld [tilespmem:s17+$0x2850]  }
0x90: {  	v16 =	vadd.f32 v22, v16;
	v22 =	vld [tilespmem:s17+$0x2860];
	v21 =	vadd.f32 v23, v21  }
0x91: {  	v23 =	vld [tilespmem:s17+$0x2870]  }
0x92: {  	v16 =	vadd.f32 v16, v17;
	v17 =	vld [tilespmem:s17+$0x2C00];
	v18 =	vadd.f32 v20, v18  }
0x93: {  	v20 =	vld [tilespmem:s17+$0x2C10]  }
0x94: {  	v26 =	vld [tilespmem:s17+$0x2C20];
	v24 =	vadd.f32 v25, v24;
	v18 =	vadd.f32 v18, v21  }
0x95: {  	v16 =	vadd.f32 v16, v19;
	v19 =	vld [tilespmem:s17+$0x2C30]  }
0x96: {  	v21 =	vld [tilespmem:s17+$0x2C40];
	v22 =	vadd.f32 v23, v22  }
0x97: {  	v11 =	vadd.f32 v16, v11;
	v16 =	vld [tilespmem:s17+$0x2C50]  }
0x98: {  	v23 =	vld [tilespmem:s17+$0x2C60];
	v17 =	vadd.f32 v20, v17;
	v20 =	vadd.f32 v22, v24  }
0x99: {  	v22 =	vld [tilespmem:s17+$0x2C70]  }
0x9a: {  	v19 =	vadd.f32 v19, v26;
	v18 =	vadd.f32 v20, v18;
	v20 =	vld [tilespmem:s17+$0x3000]  }
0x9b: {  	v24 =	vld [tilespmem:s17+$0x3010]  }
0x9c: {  	v16 =	vadd.f32 v16, v21;
	v17 =	vadd.f32 v19, v17;
	v19 =	vld [tilespmem:s17+$0x3020]  }
0x9d: {  	v21 =	vld [tilespmem:s17+$0x3030]  }
0x9e: {  	v22 =	vadd.f32 v22, v23;
	v23 =	vld [tilespmem:s17+$0x3040]  }
0x9f: {  	v25 =	vld [tilespmem:s17+$0x3050]  }
0xa0: {  	v16 =	vadd.f32 v22, v16;
	v22 =	vld [tilespmem:s17+$0x3060];
	v20 =	vadd.f32 v24, v20  }
0xa1: {  	v24 =	vld [tilespmem:s17+$0x3070]  }
0xa2: {  	v16 =	vadd.f32 v16, v17;
	v17 =	vld [tilespmem:s17+$0x3400];
	v19 =	vadd.f32 v21, v19  }
0xa3: {  	v21 =	vld [tilespmem:s17+$0x3410]  }
0xa4: {  	v26 =	vld [tilespmem:s17+$0x3420];
	v23 =	vadd.f32 v25, v23;
	v19 =	vadd.f32 v19, v20  }
0xa5: {  	v16 =	vadd.f32 v16, v18;
	v18 =	vld [tilespmem:s17+$0x3430]  }
0xa6: {  	v20 =	vld [tilespmem:s17+$0x3440];
	v22 =	vadd.f32 v24, v22  }
0xa7: {  	v10 =	vadd.f32 v16, v10;
	v16 =	vld [tilespmem:s17+$0x3450]  }
0xa8: {  	v24 =	vld [tilespmem:s17+$0x3460];
	v17 =	vadd.f32 v21, v17;
	v21 =	vadd.f32 v22, v23  }
0xa9: {  	v22 =	vld [tilespmem:s17+$0x3470]  }
0xaa: {  	v18 =	vadd.f32 v18, v26;
	v19 =	vadd.f32 v21, v19;
	v21 =	vld [tilespmem:s17+$0x3800]  }
0xab: {  	v23 =	vld [tilespmem:s17+$0x3810]  }
0xac: {  	v16 =	vadd.f32 v16, v20;
	v17 =	vadd.f32 v18, v17;
	v18 =	vld [tilespmem:s17+$0x3820]  }
0xad: {  	v20 =	vld [tilespmem:s17+$0x3830]  }
0xae: {  	v22 =	vadd.f32 v22, v24;
	v24 =	vld [tilespmem:s17+$0x3840]  }
0xaf: {  	v25 =	vld [tilespmem:s17+$0x3850]  }
0xb0: {  	v16 =	vadd.f32 v22, v16;
	v22 =	vld [tilespmem:s17+$0x3860];
	v21 =	vadd.f32 v23, v21  }
0xb1: {  	v23 =	vld [tilespmem:s17+$0x3870]  }
0xb2: {  	v16 =	vadd.f32 v16, v17;
	v17 =	vld [tilespmem:s17+$0x3C00];
	v18 =	vadd.f32 v20, v18  }
0xb3: {  	v20 =	vld [tilespmem:s17+$0x3C10]  }
0xb4: {  	v26 =	vld [tilespmem:s17+$0x3C20];
	v24 =	vadd.f32 v25, v24;
	v18 =	vadd.f32 v18, v21  }
0xb5: {  	v16 =	vadd.f32 v16, v19;
	v19 =	vld [tilespmem:s17+$0x3C30]  }
0xb6: {  	v21 =	vld [tilespmem:s17+$0x3C40];
	v22 =	vadd.f32 v23, v22  }
0xb7: {  	v9 =	vadd.f32 v16, v9;
	v16 =	vld [tilespmem:s17+$0x3C50]  }
0xb8: {  	v23 =	vld [tilespmem:s17+$0x3C60];
	v17 =	vadd.f32 v20, v17;
	v20 =	vadd.f32 v22, v24  }
0xb9: {  	v22 =	vld [tilespmem:s17+$0x3C70]  }
0xba: {  	v19 =	vadd.f32 v19, v26;
	v18 =	vadd.f32 v20, v18;
	v20 =	vld [tilespmem:s17+$0x4000]  }
0xbb: {  	v24 =	vld [tilespmem:s17+$0x4010]  }
0xbc: {  	v16 =	vadd.f32 v16, v21;
	v17 =	vadd.f32 v19, v17;
	v19 =	vld [tilespmem:s17+$0x4020]  }
0xbd: {  	v21 =	vld [tilespmem:s17+$0x4030]  }
0xbe: {  	v22 =	vadd.f32 v22, v23;
	v23 =	vld [tilespmem:s17+$0x4040]  }
0xbf: {  	v25 =	vld [tilespmem:s17+$0x4050]  }
0xc0: {  	v16 =	vadd.f32 v22, v16;
	v22 =	vld [tilespmem:s17+$0x4060];
	v20 =	vadd.f32 v24, v20  }
0xc1: {  	v24 =	vld [tilespmem:s17+$0x4070]  }
0xc2: {  	v16 =	vadd.f32 v16, v17;
	v17 =	vld [tilespmem:s17+$0x4400];
	v19 =	vadd.f32 v21, v19  }
0xc3: {  	v21 =	vld [tilespmem:s17+$0x4410]  }
0xc4: {  	v26 =	vld [tilespmem:s17+$0x4420];
	v23 =	vadd.f32 v25, v23;
	v19 =	vadd.f32 v19, v20  }
0xc5: {  	v16 =	vadd.f32 v16, v18;
	v18 =	vld [tilespmem:s17+$0x4430]  }
0xc6: {  	v20 =	vld [tilespmem:s17+$0x4440];
	v22 =	vadd.f32 v24, v22  }
0xc7: {  	v8 =	vadd.f32 v16, v8;
	v16 =	vld [tilespmem:s17+$0x4450]  }
0xc8: {  	v24 =	vld [tilespmem:s17+$0x4460];
	v17 =	vadd.f32 v21, v17;
	v21 =	vadd.f32 v22, v23  }
0xc9: {  	v22 =	vld [tilespmem:s17+$0x4470]  }
0xca: {  	v18 =	vadd.f32 v18, v26;
	v19 =	vadd.f32 v21, v19;
	v21 =	vld [tilespmem:s17+$0x4800]  }
0xcb: {  	v23 =	vld [tilespmem:s17+$0x4810]  }
0xcc: {  	v16 =	vadd.f32 v16, v20;
	v17 =	vadd.f32 v18, v17;
	v18 =	vld [tilespmem:s17+$0x4820]  }
0xcd: {  	v20 =	vld [tilespmem:s17+$0x4830]  }
0xce: {  	v22 =	vadd.f32 v22, v24;
	v24 =	vld [tilespmem:s17+$0x4840]  }
0xcf: {  	v25 =	vld [tilespmem:s17+$0x4850]  }
0xd0: {  	v16 =	vadd.f32 v22, v16;
	v22 =	vld [tilespmem:s17+$0x4860];
	v21 =	vadd.f32 v23, v21  }
0xd1: {  	v23 =	vld [tilespmem:s17+$0x4870]  }
0xd2: {  	v16 =	vadd.f32 v16, v17;
	v17 =	vld [tilespmem:s17+$0x4C00];
	v18 =	vadd.f32 v20, v18  }
0xd3: {  	v20 =	vld [tilespmem:s17+$0x4C10]  }
0xd4: {  	v26 =	vld [tilespmem:s17+$0x4C20];
	v24 =	vadd.f32 v25, v24;
	v18 =	vadd.f32 v18, v21  }
0xd5: {  	v16 =	vadd.f32 v16, v19;
	v19 =	vld [tilespmem:s17+$0x4C30]  }
0xd6: {  	v21 =	vld [tilespmem:s17+$0x4C40];
	v22 =	vadd.f32 v23, v22  }
0xd7: {  	v7 =	vadd.f32 v16, v7;
	v16 =	vld [tilespmem:s17+$0x4C50]  }
0xd8: {  	v23 =	vld [tilespmem:s17+$0x4C60];
	v17 =	vadd.f32 v20, v17;
	v20 =	vadd.f32 v22, v24  }
0xd9: {  	v22 =	vld [tilespmem:s17+$0x4C70]  }
0xda: {  	v19 =	vadd.f32 v19, v26;
	v18 =	vadd.f32 v20, v18;
	v20 =	vld [tilespmem:s17+$0x5000]  }
0xdb: {  	v24 =	vld [tilespmem:s17+$0x5010]  }
0xdc: {  	v16 =	vadd.f32 v16, v21;
	v17 =	vadd.f32 v19, v17;
	v19 =	vld [tilespmem:s17+$0x5020]  }
0xdd: {  	v21 =	vld [tilespmem:s17+$0x5030]  }
0xde: {  	v22 =	vadd.f32 v22, v23;
	v23 =	vld [tilespmem:s17+$0x5040]  }
0xdf: {  	v25 =	vld [tilespmem:s17+$0x5050]  }
0xe0: {  	v16 =	vadd.f32 v22, v16;
	v22 =	vld [tilespmem:s17+$0x5060];
	v20 =	vadd.f32 v24, v20  }
0xe1: {  	v24 =	vld [tilespmem:s17+$0x5070]  }
0xe2: {  	v16 =	vadd.f32 v16, v17;
	v17 =	vld [tilespmem:s17+$0x5400];
	v19 =	vadd.f32 v21, v19  }
0xe3: {  	v21 =	vld [tilespmem:s17+$0x5410]  }
0xe4: {  	v26 =	vld [tilespmem:s17+$0x5420];
	v23 =	vadd.f32 v25, v23;
	v19 =	vadd.f32 v19, v20  }
0xe5: {  	v16 =	vadd.f32 v16, v18;
	v18 =	vld [tilespmem:s17+$0x5430]  }
0xe6: {  	v20 =	vld [tilespmem:s17+$0x5440];
	v22 =	vadd.f32 v24, v22  }
0xe7: {  	v6 =	vadd.f32 v16, v6;
	v16 =	vld [tilespmem:s17+$0x5450]  }
0xe8: {  	v24 =	vld [tilespmem:s17+$0x5460];
	v17 =	vadd.f32 v21, v17;
	v21 =	vadd.f32 v22, v23  }
0xe9: {  	v22 =	vld [tilespmem:s17+$0x5470]  }
0xea: {  	v18 =	vadd.f32 v18, v26;
	v19 =	vadd.f32 v21, v19;
	v21 =	vld [tilespmem:s17+$0x5800]  }
0xeb: {  	v23 =	vld [tilespmem:s17+$0x5810]  }
0xec: {  	v16 =	vadd.f32 v16, v20;
	v17 =	vadd.f32 v18, v17;
	v18 =	vld [tilespmem:s17+$0x5820]  }
0xed: {  	v20 =	vld [tilespmem:s17+$0x5830]  }
0xee: {  	v22 =	vadd.f32 v22, v24;
	v24 =	vld [tilespmem:s17+$0x5840]  }
0xef: {  	v25 =	vld [tilespmem:s17+$0x5850]  }
0xf0: {  	v16 =	vadd.f32 v22, v16;
	v22 =	vld [tilespmem:s17+$0x5860];
	v21 =	vadd.f32 v23, v21  }
0xf1: {  	v23 =	vld [tilespmem:s17+$0x5870]  }
0xf2: {  	v16 =	vadd.f32 v16, v17;
	v17 =	vld [tilespmem:s17+$0x5C00];
	v18 =	vadd.f32 v20, v18  }
0xf3: {  	v20 =	vld [tilespmem:s17+$0x5C10]  }
0xf4: {  	v26 =	vld [tilespmem:s17+$0x5C20];
	v24 =	vadd.f32 v25, v24;
	v18 =	vadd.f32 v18, v21  }
0xf5: {  	v16 =	vadd.f32 v16, v19;
	v19 =	vld [tilespmem:s17+$0x5C30]  }
0xf6: {  	v21 =	vld [tilespmem:s17+$0x5C40];
	v22 =	vadd.f32 v23, v22  }
0xf7: {  	v5 =	vadd.f32 v16, v5;
	v16 =	vld [tilespmem:s17+$0x5C50]  }
0xf8: {  	v23 =	vld [tilespmem:s17+$0x5C60];
	v17 =	vadd.f32 v20, v17;
	v20 =	vadd.f32 v22, v24  }
0xf9: {  	v22 =	vld [tilespmem:s17+$0x5C70]  }
0xfa: {  	v19 =	vadd.f32 v19, v26;
	v18 =	vadd.f32 v20, v18;
	v20 =	vld [tilespmem:s17+$0x6000]  }
0xfb: {  	v24 =	vld [tilespmem:s17+$0x6010]  }
0xfc: {  	v16 =	vadd.f32 v16, v21;
	v17 =	vadd.f32 v19, v17;
	v19 =	vld [tilespmem:s17+$0x6020]  }
0xfd: {  	v21 =	vld [tilespmem:s17+$0x6030]  }
0xfe: {  	v22 =	vadd.f32 v22, v23;
	v23 =	vld [tilespmem:s17+$0x6040]  }
0xff: {  	v25 =	vld [tilespmem:s17+$0x6050]  }
0x100: {  	v16 =	vadd.f32 v22, v16;
	v22 =	vld [tilespmem:s17+$0x6060];
	v20 =	vadd.f32 v24, v20  }
0x101: {  	v24 =	vld [tilespmem:s17+$0x6070]  }
0x102: {  	v16 =	vadd.f32 v16, v17;
	v17 =	vld [tilespmem:s17+$0x6400];
	v19 =	vadd.f32 v21, v19  }
0x103: {  	v21 =	vld [tilespmem:s17+$0x6410]  }
0x104: {  	v26 =	vld [tilespmem:s17+$0x6420];
	v23 =	vadd.f32 v25, v23;
	v19 =	vadd.f32 v19, v20  }
0x105: {  	v16 =	vadd.f32 v16, v18;
	v18 =	vld [tilespmem:s17+$0x6430]  }
0x106: {  	v20 =	vld [tilespmem:s17+$0x6440];
	v22 =	vadd.f32 v24, v22  }
0x107: {  	v3 =	vadd.f32 v16, v3;
	v16 =	vld [tilespmem:s17+$0x6450]  }
0x108: {  	v24 =	vld [tilespmem:s17+$0x6460];
	v17 =	vadd.f32 v21, v17;
	v21 =	vadd.f32 v22, v23  }
0x109: {  	v22 =	vld [tilespmem:s17+$0x6470]  }
0x10a: {  	v18 =	vadd.f32 v18, v26;
	v19 =	vadd.f32 v21, v19;
	v21 =	vld [tilespmem:s17+$0x6800]  }
0x10b: {  	v23 =	vld [tilespmem:s17+$0x6810]  }
0x10c: {  	v16 =	vadd.f32 v16, v20;
	v17 =	vadd.f32 v18, v17;
	v18 =	vld [tilespmem:s17+$0x6820]  }
0x10d: {  	v20 =	vld [tilespmem:s17+$0x6830]  }
0x10e: {  	v22 =	vadd.f32 v22, v24;
	v24 =	vld [tilespmem:s17+$0x6840]  }
0x10f: {  	v25 =	vld [tilespmem:s17+$0x6850]  }
0x110: {  	v16 =	vadd.f32 v22, v16;
	v22 =	vld [tilespmem:s17+$0x6860];
	v21 =	vadd.f32 v23, v21  }
0x111: {  	v23 =	vld [tilespmem:s17+$0x6870]  }
0x112: {  	v16 =	vadd.f32 v16, v17;
	v17 =	vld [tilespmem:s17+$0x6C00];
	v18 =	vadd.f32 v20, v18  }
0x113: {  	v20 =	vld [tilespmem:s17+$0x6C10]  }
0x114: {  	v26 =	vld [tilespmem:s17+$0x6C20];
	v24 =	vadd.f32 v25, v24;
	v18 =	vadd.f32 v18, v21  }
0x115: {  	v16 =	vadd.f32 v16, v19;
	v19 =	vld [tilespmem:s17+$0x6C30]  }
0x116: {  	v21 =	vld [tilespmem:s17+$0x6C40];
	v22 =	vadd.f32 v23, v22  }
0x117: {  	v2 =	vadd.f32 v16, v2;
	v16 =	vld [tilespmem:s17+$0x6C50]  }
0x118: {  	v23 =	vld [tilespmem:s17+$0x6C60];
	v17 =	vadd.f32 v20, v17;
	v20 =	vadd.f32 v22, v24  }
0x119: {  	v22 =	vld [tilespmem:s17+$0x6C70]  }
0x11a: {  	v19 =	vadd.f32 v19, v26;
	v18 =	vadd.f32 v20, v18;
	v20 =	vld [tilespmem:s17+$0x7000]  }
0x11b: {  	v24 =	vld [tilespmem:s17+$0x7010]  }
0x11c: {  	v16 =	vadd.f32 v16, v21;
	v17 =	vadd.f32 v19, v17;
	v19 =	vld [tilespmem:s17+$0x7020]  }
0x11d: {  	v21 =	vld [tilespmem:s17+$0x7030]  }
0x11e: {  	v22 =	vadd.f32 v22, v23;
	v23 =	vld [tilespmem:s17+$0x7040]  }
0x11f: {  	v25 =	vld [tilespmem:s17+$0x7050]  }
0x120: {  	v16 =	vadd.f32 v22, v16;
	v22 =	vld [tilespmem:s17+$0x7060];
	v20 =	vadd.f32 v24, v20  }
0x121: {  	v24 =	vld [tilespmem:s17+$0x7070]  }
0x122: {  	v16 =	vadd.f32 v16, v17;
	v17 =	vld [tilespmem:s17+$0x7400];
	v19 =	vadd.f32 v21, v19  }
0x123: {  	v21 =	vld [tilespmem:s17+$0x7410]  }
0x124: {  	v26 =	vld [tilespmem:s17+$0x7420];
	v23 =	vadd.f32 v25, v23;
	v19 =	vadd.f32 v19, v20  }
0x125: {  	v16 =	vadd.f32 v16, v18;
	v18 =	vld [tilespmem:s17+$0x7430]  }
0x126: {  	v20 =	vld [tilespmem:s17+$0x7440];
	v22 =	vadd.f32 v24, v22  }
0x127: {  	v1 =	vadd.f32 v16, v1;
	v16 =	vld [tilespmem:s17+$0x7450]  }
0x128: {  	s18 =	sshll.u32 s16, $0x7;
	v25 =	vld [tilespmem:s17+$0x7460];
	v27 =	vadd.f32 v21, v17;
	v21 =	vadd.f32 v22, v23  }
0x129: {  	v22 =	vld [tilespmem:s17+$0x7470];
	s17 =	sand.u32 $0x3FFFFF80, s18  }
0x12a: {  	v17 =	vld [tilespmem:s17+$0x7800];
	v18 =	vadd.f32 v18, v26;
	v19 =	vadd.f32 v21, v19  }
0x12b: {  	v24 =	vld [tilespmem:s17+$0x7810]  }
0x12c: {  	v21 =	vld [tilespmem:s17+$0x7820];
	v23 =	vadd.f32 v16, v20;
	v18 =	vadd.f32 v18, v27  }
0x12d: {  	v16 =	vld [tilespmem:s17+$0x7830]  }
0x12e: {  	v20 =	vld [tilespmem:s17+$0x7840];
	v22 =	vadd.f32 v22, v25  }
0x12f: {  	v34 =	vld [tilespmem:s17+$0x7850]  }
0x130: {  	v36 =	vld [tilespmem:s17+$0x7860];
	v22 =	vadd.f32 v22, v23  }
0x131: {  	v39 =	vld [tilespmem:s17+$0x7870]  }
0x132: {  	v40 =	vld [tilespmem:s17+$0x7C00];
	v18 =	vadd.f32 v22, v18  }
.Ltmp2:
0x133: {  	v47 =	vld [tilespmem:s17+$0x7C10];
	(pc) =	sbr.rel @p0 .LBB2_3-.Ltmp2, $4  }
0x134: {  	v52 =	vld [tilespmem:s17+$0x7C20];
	v18 =	vadd.f32 v18, v19  }
0x135: {  	v63 =	vld [tilespmem:s17+$0x7C30]  }
0x136: {  	v59 =	vld [tilespmem:s17+$0x7C40];
	v0 =	vadd.f32 v18, v0  }
0x137: {  	s16 =	sadd.s32 $0x1, s16;
	v61 =	vld [tilespmem:s17+$0x7C50]  }
0x138: {  	v19 =	vld [tilespmem:s17+$0x7C60]  }
0x139: {  	v18 =	vld [tilespmem:s17+$0x7C70]  }
0x13a: {  	v38 =	vld [tilespmem:s17+$0x0]  }
0x13b: {  	v27 =	vld [tilespmem:s17+$0x10]  }
0x13c: {  	v28 =	vld [tilespmem:s17+$0x20]  }
0x13d: {  	v23 =	vld [tilespmem:s17+$0x30]  }
0x13e: {  	v29 =	vld [tilespmem:s17+$0x40]  }
0x13f: {  	v25 =	vld [tilespmem:s17+$0x50]  }
0x140: {  	v41 =	vld [tilespmem:s17+$0x60]  }
0x141: {  	v32 =	vld [tilespmem:s17+$0x70]  }
0x142: {  	v42 =	vld [tilespmem:s17+$0x400]  }
0x143: {  	v33 =	vld [tilespmem:s17+$0x410]  }
0x144: {  	v35 =	vld [tilespmem:s17+$0x420]  }
0x145: {  	v60 =	vld [tilespmem:s17+$0x1000]  }
0x146: {  	v30 =	vld [tilespmem:s17+$0x430]  }
0x147: {  	v37 =	vld [tilespmem:s17+$0x440]  }
0x148: {  	v31 =	vld [tilespmem:s17+$0x450]  }
0x149: {  	v26 =	vld [tilespmem:s17+$0x460]  }
0x14a: {  	[tilespmem:$0x1F720] =	vst v60;
	v60 =	vld [tilespmem:s17+$0x1010]  }
0x14b: {  	v22 =	vld [tilespmem:s17+$0x470]  }
0x14c: {  	v46 =	vld [tilespmem:s17+$0x800]  }
0x14d: {  	v45 =	vld [tilespmem:s17+$0x810]  }
0x14e: {  	v44 =	vld [tilespmem:s17+$0x820]  }
0x14f: {  	[tilespmem:$0x1F730] =	vst v60;
	v60 =	vld [tilespmem:s17+$0x1020]  }
0x150: {  	v43 =	vld [tilespmem:s17+$0x830]  }
0x151: {  	v50 =	vld [tilespmem:s17+$0x840]  }
0x152: {  	v48 =	vld [tilespmem:s17+$0x850]  }
0x153: {  	v49 =	vld [tilespmem:s17+$0x860]  }
0x154: {  	[tilespmem:$0x1F740] =	vst v60;
	v60 =	vld [tilespmem:s17+$0x1030]  }
0x155: {  	v55 =	vld [tilespmem:s17+$0x870]  }
0x156: {  	v62 =	vld [tilespmem:s17+$0xC00]  }
0x157: {  	v56 =	vld [tilespmem:s17+$0xC10]  }
0x158: {  	v57 =	vld [tilespmem:s17+$0xC20]  }
0x159: {  	[tilespmem:$0x1F750] =	vst v60;
	v60 =	vld [tilespmem:s17+$0x1040]  }
0x15a: {  	v51 =	vld [tilespmem:s17+$0xC30]  }
0x15b: {  	v58 =	vld [tilespmem:s17+$0xC40]  }
0x15c: {  	v53 =	vld [tilespmem:s17+$0xC50]  }
0x15d: {  	v54 =	vld [tilespmem:s17+$0xC60];
	[tilespmem:$0x1F710] =	vst v49  }
0x15e: {  	v49 =	vld [tilespmem:s17+$0xC70];
	[tilespmem:$0x1F760] =	vst v60  }
0x15f: {  	v60 =	vld [tilespmem:s17+$0x1050];
	_ =	sdelay $0x4  }
0x160: {  	[tilespmem:$0x1F770] =	vst v60;
	v60 =	vld [tilespmem:s17+$0x1060];
	_ =	sdelay $0x4  }
0x161: {  	[tilespmem:$0x1F780] =	vst v60;
	v60 =	vld [tilespmem:s17+$0x1070];
	_ =	sdelay $0x4  }
0x162: {  	[tilespmem:$0x1F790] =	vst v60;
	v60 =	vld [tilespmem:s17+$0x1400];
	_ =	sdelay $0x4  }
0x163: {  	[tilespmem:$0x1F7A0] =	vst v60;
	v60 =	vld [tilespmem:s17+$0x1410];
	_ =	sdelay $0x4  }
0x164: {  	[tilespmem:$0x1F7B0] =	vst v60;
	v60 =	vld [tilespmem:s17+$0x1420];
	_ =	sdelay $0x4  }
0x165: {  	[tilespmem:$0x1F7C0] =	vst v60;
	v60 =	vld [tilespmem:s17+$0x1430];
	_ =	sdelay $0x4  }
0x166: {  	[tilespmem:$0x1F7D0] =	vst v60;
	v60 =	vld [tilespmem:s17+$0x1440];
	_ =	sdelay $0x4  }
0x167: {  	[tilespmem:$0x1F7E0] =	vst v60;
	v60 =	vld [tilespmem:s17+$0x1450];
	_ =	sdelay $0x4  }
0x168: {  	[tilespmem:$0x1F7F0] =	vst v60;
	v60 =	vld [tilespmem:s17+$0x1460];
	_ =	sdelay $0x4  }
0x169: {  	[tilespmem:$0x1F800] =	vst v60;
	v60 =	vld [tilespmem:s17+$0x1470];
	_ =	sdelay $0x4  }
0x16a: {  	[tilespmem:$0x1F810] =	vst v60;
	v60 =	vld [tilespmem:s17+$0x1800];
	_ =	sdelay $0x4  }
0x16b: {  	[tilespmem:$0x1F820] =	vst v60;
	v60 =	vld [tilespmem:s17+$0x1810];
	_ =	sdelay $0x4  }
0x16c: {  	[tilespmem:$0x1F830] =	vst v60;
	v60 =	vld [tilespmem:s17+$0x1820];
	_ =	sdelay $0x4  }
0x16d: {  	[tilespmem:$0x1F840] =	vst v60;
	v60 =	vld [tilespmem:s17+$0x1830];
	_ =	sdelay $0x4  }
0x16e: {  	[tilespmem:$0x1F850] =	vst v60;
	v60 =	vld [tilespmem:s17+$0x1840];
	_ =	sdelay $0x4  }
0x16f: {  	[tilespmem:$0x1F860] =	vst v60;
	v60 =	vld [tilespmem:s17+$0x1850];
	_ =	sdelay $0x4  }
0x170: {  	[tilespmem:$0x1F870] =	vst v60;
	v60 =	vld [tilespmem:s17+$0x1860];
	_ =	sdelay $0x4  }
0x171: {  	[tilespmem:$0x1F880] =	vst v60;
	v60 =	vld [tilespmem:s17+$0x1870];
	_ =	sdelay $0x4  }
0x172: {  	[tilespmem:$0x1F890] =	vst v60;
	v60 =	vld [tilespmem:s17+$0x1C00];
	_ =	sdelay $0x4  }
0x173: {  	[tilespmem:$0x1F8A0] =	vst v60;
	v60 =	vld [tilespmem:s17+$0x1C10];
	_ =	sdelay $0x4  }
0x174: {  	[tilespmem:$0x1F8B0] =	vst v60;
	v60 =	vld [tilespmem:s17+$0x1C20];
	_ =	sdelay $0x4  }
0x175: {  	[tilespmem:$0x1F8C0] =	vst v60;
	v60 =	vld [tilespmem:s17+$0x1C30];
	_ =	sdelay $0x4  }
0x176: {  	[tilespmem:$0x1F8D0] =	vst v60;
	v60 =	vld [tilespmem:s17+$0x1C40];
	_ =	sdelay $0x4  }
0x177: {  	[tilespmem:$0x1F8E0] =	vst v60;
	v60 =	vld [tilespmem:s17+$0x1C50];
	_ =	sdelay $0x4  }
0x178: {  	[tilespmem:$0x1F8F0] =	vst v60;
	v60 =	vld [tilespmem:s17+$0x1C60];
	_ =	sdelay $0x4  }
0x179: {  	[tilespmem:$0x1F900] =	vst v60;
	v60 =	vld [tilespmem:s17+$0x1C70];
	_ =	sdelay $0x4  }
0x17a: {  	[tilespmem:$0x1F910] =	vst v60;
	v60 =	vld [tilespmem:s17+$0x2000];
	_ =	sdelay $0x4  }
0x17b: {  	[tilespmem:$0x1F920] =	vst v60;
	v60 =	vld [tilespmem:s17+$0x2010];
	_ =	sdelay $0x4  }
0x17c: {  	[tilespmem:$0x1F930] =	vst v60;
	v60 =	vld [tilespmem:s17+$0x2020];
	_ =	sdelay $0x4  }
0x17d: {  	[tilespmem:$0x1F940] =	vst v60;
	v60 =	vld [tilespmem:s17+$0x2030];
	_ =	sdelay $0x4  }
0x17e: {  	[tilespmem:$0x1F950] =	vst v60;
	v60 =	vld [tilespmem:s17+$0x2040];
	_ =	sdelay $0x4  }
0x17f: {  	[tilespmem:$0x1F960] =	vst v60;
	v60 =	vld [tilespmem:s17+$0x2050];
	_ =	sdelay $0x4  }
0x180: {  	[tilespmem:$0x1F970] =	vst v60;
	v60 =	vld [tilespmem:s17+$0x2060];
	_ =	sdelay $0x4  }
0x181: {  	[tilespmem:$0x1F980] =	vst v60;
	v60 =	vld [tilespmem:s17+$0x2070];
	_ =	sdelay $0x4  }
0x182: {  	[tilespmem:$0x1F990] =	vst v60;
	v60 =	vld [tilespmem:s17+$0x2400];
	_ =	sdelay $0x4  }
0x183: {  	[tilespmem:$0x1F9A0] =	vst v60;
	v60 =	vld [tilespmem:s17+$0x2410];
	_ =	sdelay $0x4  }
0x184: {  	[tilespmem:$0x1F9B0] =	vst v60;
	v60 =	vld [tilespmem:s17+$0x2420];
	_ =	sdelay $0x4  }
0x185: {  	[tilespmem:$0x1F9C0] =	vst v60;
	v60 =	vld [tilespmem:s17+$0x2430];
	_ =	sdelay $0x4  }
0x186: {  	[tilespmem:$0x1F9D0] =	vst v60;
	v60 =	vld [tilespmem:s17+$0x2440];
	_ =	sdelay $0x4  }
0x187: {  	[tilespmem:$0x1F9E0] =	vst v60;
	v60 =	vld [tilespmem:s17+$0x2450];
	_ =	sdelay $0x4  }
0x188: {  	[tilespmem:$0x1F9F0] =	vst v60;
	v60 =	vld [tilespmem:s17+$0x2460];
	_ =	sdelay $0x4  }
0x189: {  	[tilespmem:$0x1FA00] =	vst v60;
	v60 =	vld [tilespmem:s17+$0x2470];
	_ =	sdelay $0x4  }
0x18a: {  	[tilespmem:$0x1FA10] =	vst v60;
	v60 =	vld [tilespmem:s17+$0x2800];
	_ =	sdelay $0x4  }
0x18b: {  	[tilespmem:$0x1FA20] =	vst v60;
	v60 =	vld [tilespmem:s17+$0x2810];
	_ =	sdelay $0x4  }
0x18c: {  	[tilespmem:$0x1FA30] =	vst v60;
	v60 =	vld [tilespmem:s17+$0x2820]  }
0x18d: {  	v16 =	vadd.f32 v16, v21;
	v21 =	vld [tilespmem:s17+$0x4010];
	_ =	sdelay $0x1  }
0x18e: {  	v18 =	vadd.f32 v18, v19;
	v19 =	vld [tilespmem:s17+$0x4050]  }
0x18f: {  	v17 =	vadd.f32 v24, v17;
	v20 =	vadd.f32 v34, v20  }
0x190: {  	v52 =	vadd.f32 v63, v52;
	v63 =	vadd.f32 v61, v59;
	[tilespmem:$0x1FA40] =	vst v60;
	v60 =	vld [tilespmem:s17+$0x2830]  }
0x191: {  	v24 =	vadd.f32 v47, v40;
	[tilespmem:$0x1FD30] =	vst v21;
	v21 =	vadd.f32 v39, v36  }
0x192: {  	v16 =	vadd.f32 v16, v17;
	v18 =	vadd.f32 v18, v63  }
0x193: {  	[tilespmem:$0x1FD50] =	vst v19;
	v19 =	vadd.f32 v52, v24;
	v17 =	vadd.f32 v21, v20;
	_ =	sdelay $0x1  }
0x194: {  	v16 =	vadd.f32 v17, v16;
	v17 =	vadd.f32 v18, v19;
	[tilespmem:$0x1FA50] =	vst v60;
	v60 =	vld [tilespmem:s17+$0x2840]  }
0x195: {  	v20 =	vld [tilespmem:s17+$0x4410]  }
0x196: {  	v16 =	vadd.f32 v17, v16;
	v17 =	vld [tilespmem:s17+$0x4420];
	_ =	sdelay $0x2  }
0x197: {  	v18 =	vadd.f32 v27, v38;
	v19 =	vadd.f32 v23, v28;
	[tilespmem:$0x1FA60] =	vst v60;
	v60 =	vld [tilespmem:s17+$0x2850]  }
0x198: {  	[tilespmem:$0x1FD60] =	vst v20;
	v20 =	vadd.f32 v25, v29  }
0x199: {  	v23 =	vld [tilespmem:s17+$0x4440];
	[tilespmem:$0x1FD70] =	vst v17;
	v17 =	vadd.f32 v19, v18;
	v18 =	vadd.f32 v32, v41  }
0x19a: {  	v19 =	vld [tilespmem:s17+$0x4430]  }
0x19b: {  	v4 =	vadd.f32 v16, v4;
	v16 =	vadd.f32 v18, v20;
	v18 =	vld [tilespmem:s17+$0x4460]  }
0x19c: {  	[tilespmem:$0x1FA70] =	vst v60;
	v60 =	vld [tilespmem:s17+$0x2860]  }
0x19d: {  	v20 =	vld [tilespmem:s17+$0x4470]  }
0x19e: {  	v22 =	vadd.f32 v22, v26;
	v21 =	vadd.f32 v30, v35;
	[tilespmem:$0x1FD90] =	vst v23  }
0x19f: {  	v23 =	vadd.f32 v31, v37;
	[tilespmem:$0x1FD80] =	vst v19;
	v19 =	vadd.f32 v33, v42  }
0x1a0: {  	[tilespmem:$0x1FDB0] =	vst v18  }
0x1a1: {  	v18 =	vadd.f32 v21, v19;
	v19 =	vadd.f32 v22, v23;
	[tilespmem:$0x1FA80] =	vst v60;
	v60 =	vld [tilespmem:s17+$0x2870]  }
0x1a2: {  	[tilespmem:$0x1FDC0] =	vst v20;
	v20 =	vadd.f32 v45, v46;
	v21 =	vadd.f32 v43, v44;
	v22 =	vld [tilespmem:s17+$0x4800]  }
0x1a3: {  	v16 =	vadd.f32 v16, v17;
	v17 =	vadd.f32 v19, v18;
	v18 =	vld [tilespmem:s17+$0x4810]  }
0x1a4: {  	v19 =	vadd.f32 v21, v20;
	v20 =	vld [tilespmem:s17+$0x4820]  }
0x1a5: {  	v16 =	vadd.f32 v17, v16;
	v17 =	vld [tilespmem:$0x1F710]  }
0x1a6: {  	[tilespmem:$0x1FA90] =	vst v60;
	v60 =	vld [tilespmem:s17+$0x2C00];
	_ =	sdelay $0x1  }
0x1a7: {  	[tilespmem:$0x1FDD0] =	vst v22  }
0x1a8: {  	v22 =	vld [tilespmem:s17+$0x4840];
	[tilespmem:$0x1FDE0] =	vst v18  }
0x1a9: {  	v18 =	vadd.f32 v48, v50;
	[tilespmem:$0x1FDF0] =	vst v20;
	v20 =	vld [tilespmem:s17+$0x4830];
	v17 =	vadd.f32 v55, v17  }
0x1aa: {  	[tilespmem:$0x1FAA0] =	vst v60;
	v60 =	vld [tilespmem:s17+$0x2C10]  }
0x1ab: {  	v15 =	vadd.f32 v16, v15;
	v16 =	vadd.f32 v17, v18;
	v17 =	vld [tilespmem:s17+$0x4860];
	_ =	sdelay $0x1  }
0x1ac: {  	[tilespmem:$0x1FE10] =	vst v22  }
0x1ad: {  	v21 =	vadd.f32 v51, v57;
	[tilespmem:$0x1FE00] =	vst v20;
	v20 =	vadd.f32 v56, v62  }
0x1ae: {  	v23 =	vadd.f32 v49, v54;
	v22 =	vadd.f32 v53, v58;
	[tilespmem:$0x1FAB0] =	vst v60;
	v60 =	vld [tilespmem:s17+$0x2C20]  }
0x1af: {  	[tilespmem:$0x1FE30] =	vst v17;
	v17 =	vadd.f32 v21, v20;
	v20 =	vld [tilespmem:s17+$0x4870]  }
0x1b0: {  	v18 =	vadd.f32 v23, v22  }
0x1b1: {  	v21 =	vld [tilespmem:$0x1F730]  }
0x1b2: {  	v18 =	vadd.f32 v18, v17;
	v17 =	vld [tilespmem:s17+$0x4C10]  }
0x1b3: {  	[tilespmem:$0x1FAC0] =	vst v60;
	v60 =	vld [tilespmem:s17+$0x2C30]  }
0x1b4: {  	[tilespmem:$0x1FE40] =	vst v20;
	v20 =	vld [tilespmem:$0x1F720];
	_ =	sdelay $0x1  }
0x1b5: {  	v16 =	vadd.f32 v16, v19;
	v19 =	vld [tilespmem:$0x1F770]  }
0x1b6: {  	[tilespmem:$0x1FE60] =	vst v17;
	v17 =	vld [tilespmem:$0x1F760]  }
0x1b7: {  	[tilespmem:$0x1FAD0] =	vst v60;
	v60 =	vld [tilespmem:s17+$0x2C40]  }
0x1b8: {  	v22 =	vadd.f32 v21, v20;
	v20 =	vld [tilespmem:$0x1F740]  }
0x1b9: {  	v21 =	vld [tilespmem:$0x1F750]  }
0x1ba: {  	v25 =	vld [tilespmem:s17+$0x4450];
	_ =	sdelay $0x1  }
0x1bb: {  	[tilespmem:$0x1FAE0] =	vst v60;
	v60 =	vld [tilespmem:s17+$0x2C50]  }
0x1bc: {  	v19 =	vadd.f32 v19, v17;
	v17 =	vld [tilespmem:s17+$0x4C20]  }
0x1bd: {  	v23 =	vadd.f32 v21, v20  }
0x1be: {  	[tilespmem:$0x1FDA0] =	vst v25;
	v25 =	vld [tilespmem:s17+$0x4850]  }
0x1bf: {  	v23 =	vadd.f32 v23, v22;
	v22 =	vadd.f32 v18, v16;
	v16 =	vld [tilespmem:$0x1F780]  }
0x1c0: {  	[tilespmem:$0x1FAF0] =	vst v60;
	v60 =	vld [tilespmem:s17+$0x2C60]  }
0x1c1: {  	[tilespmem:$0x1FE70] =	vst v17;
	v17 =	vld [tilespmem:$0x1F790];
	_ =	sdelay $0x3  }
0x1c2: {  	[tilespmem:$0x1FB00] =	vst v60;
	v60 =	vld [tilespmem:s17+$0x2C70]  }
0x1c3: {  	[tilespmem:$0x1FE20] =	vst v25;
	v25 =	vadd.f32 v17, v16;
	v16 =	vld [tilespmem:s17+$0x4C30];
	_ =	sdelay $0x2  }
0x1c4: {  	v17 =	vld [tilespmem:$0x1F7B0]  }
0x1c5: {  	[tilespmem:$0x1FB10] =	vst v60;
	v60 =	vld [tilespmem:s17+$0x3000]  }
0x1c6: {  	[tilespmem:$0x1FE80] =	vst v16;
	v16 =	vld [tilespmem:$0x1F7A0];
	_ =	sdelay $0x3  }
0x1c7: {  	[tilespmem:$0x1FB20] =	vst v60;
	v60 =	vld [tilespmem:s17+$0x3010]  }
0x1c8: {  	v26 =	vadd.f32 v17, v16;
	v16 =	vld [tilespmem:$0x1F7C0]  }
0x1c9: {  	v17 =	vld [tilespmem:$0x1F7D0];
	_ =	sdelay $0x2  }
0x1ca: {  	[tilespmem:$0x1FB30] =	vst v60;
	v60 =	vld [tilespmem:s17+$0x3020];
	_ =	sdelay $0x1  }
0x1cb: {  	v27 =	vadd.f32 v17, v16;
	v16 =	vld [tilespmem:s17+$0x4C40];
	_ =	sdelay $0x2  }
0x1cc: {  	[tilespmem:$0x1FB40] =	vst v60;
	v60 =	vld [tilespmem:s17+$0x3030]  }
0x1cd: {  	v17 =	vld [tilespmem:$0x1F7F0]  }
0x1ce: {  	[tilespmem:$0x1FE90] =	vst v16;
	v16 =	vld [tilespmem:$0x1F7E0];
	_ =	sdelay $0x2  }
0x1cf: {  	[tilespmem:$0x1FB50] =	vst v60;
	v60 =	vld [tilespmem:s17+$0x3040];
	_ =	sdelay $0x1  }
0x1d0: {  	v28 =	vadd.f32 v17, v16;
	v16 =	vld [tilespmem:$0x1F800]  }
0x1d1: {  	v17 =	vld [tilespmem:$0x1F810];
	_ =	sdelay $0x1  }
0x1d2: {  	[tilespmem:$0x1FB60] =	vst v60;
	v60 =	vld [tilespmem:s17+$0x3050];
	_ =	sdelay $0x2  }
0x1d3: {  	v29 =	vadd.f32 v17, v16;
	v16 =	vld [tilespmem:s17+$0x4C50];
	_ =	sdelay $0x1  }
0x1d4: {  	[tilespmem:$0x1FB70] =	vst v60;
	v60 =	vld [tilespmem:s17+$0x3060];
	_ =	sdelay $0x2  }
0x1d5: {  	[tilespmem:$0x1FEA0] =	vst v16;
	v16 =	vld [tilespmem:s17+$0x4C60];
	_ =	sdelay $0x1  }
0x1d6: {  	[tilespmem:$0x1FB80] =	vst v60;
	v60 =	vld [tilespmem:s17+$0x3070];
	_ =	sdelay $0x2  }
0x1d7: {  	[tilespmem:$0x1FEB0] =	vst v16;
	v16 =	vld [tilespmem:s17+$0x4C70];
	_ =	sdelay $0x1  }
0x1d8: {  	[tilespmem:$0x1FB90] =	vst v60;
	v60 =	vld [tilespmem:s17+$0x3400];
	_ =	sdelay $0x1  }
0x1d9: {  	v17 =	vld [tilespmem:$0x1F830]  }
0x1da: {  	[tilespmem:$0x1FEC0] =	vst v16;
	v16 =	vld [tilespmem:$0x1F820];
	_ =	sdelay $0x1  }
0x1db: {  	[tilespmem:$0x1FBA0] =	vst v60;
	v60 =	vld [tilespmem:s17+$0x3410];
	_ =	sdelay $0x1  }
0x1dc: {  	v26 =	vadd.f32 v27, v26  }
0x1dd: {  	v27 =	vadd.f32 v29, v28;
	v28 =	vadd.f32 v17, v16;
	v16 =	vld [tilespmem:$0x1F840]  }
0x1de: {  	v17 =	vld [tilespmem:$0x1F850]  }
0x1df: {  	[tilespmem:$0x1FBB0] =	vst v60;
	v60 =	vld [tilespmem:s17+$0x3420];
	_ =	sdelay $0x3  }
0x1e0: {  	v29 =	vadd.f32 v17, v16;
	v16 =	vld [tilespmem:$0x1F860]  }
0x1e1: {  	[tilespmem:$0x1FBC0] =	vst v60;
	v60 =	vld [tilespmem:s17+$0x3430]  }
0x1e2: {  	v17 =	vld [tilespmem:$0x1F870];
	_ =	sdelay $0x3  }
0x1e3: {  	[tilespmem:$0x1FBD0] =	vst v60;
	v60 =	vld [tilespmem:s17+$0x3440]  }
0x1e4: {  	v31 =	vadd.f32 v17, v16;
	v16 =	vld [tilespmem:$0x1F880]  }
0x1e5: {  	v17 =	vld [tilespmem:$0x1F890];
	_ =	sdelay $0x2  }
0x1e6: {  	[tilespmem:$0x1FBE0] =	vst v60;
	v60 =	vld [tilespmem:s17+$0x3450];
	_ =	sdelay $0x1  }
0x1e7: {  	v46 =	vadd.f32 v17, v16;
	v16 =	vld [tilespmem:$0x1F8A0]  }
0x1e8: {  	v17 =	vld [tilespmem:$0x1F8B0];
	_ =	sdelay $0x1  }
0x1e9: {  	[tilespmem:$0x1FBF0] =	vst v60;
	v60 =	vld [tilespmem:s17+$0x3460];
	_ =	sdelay $0x2  }
0x1ea: {  	v47 =	vadd.f32 v17, v16;
	v16 =	vld [tilespmem:$0x1F8C0]  }
0x1eb: {  	v17 =	vld [tilespmem:$0x1F8D0]  }
0x1ec: {  	[tilespmem:$0x1FC00] =	vst v60;
	v60 =	vld [tilespmem:s17+$0x3470];
	_ =	sdelay $0x3  }
0x1ed: {  	v48 =	vadd.f32 v17, v16;
	v16 =	vld [tilespmem:$0x1F8E0]  }
0x1ee: {  	[tilespmem:$0x1FC10] =	vst v60;
	v60 =	vld [tilespmem:s17+$0x3800]  }
0x1ef: {  	v17 =	vld [tilespmem:$0x1F8F0];
	_ =	sdelay $0x3  }
0x1f0: {  	[tilespmem:$0x1FC20] =	vst v60;
	v60 =	vld [tilespmem:s17+$0x3810]  }
0x1f1: {  	v49 =	vadd.f32 v17, v16;
	v16 =	vld [tilespmem:$0x1F900]  }
0x1f2: {  	v17 =	vld [tilespmem:$0x1F910];
	_ =	sdelay $0x2  }
0x1f3: {  	[tilespmem:$0x1FC30] =	vst v60;
	v60 =	vld [tilespmem:s17+$0x3820];
	_ =	sdelay $0x1  }
0x1f4: {  	v50 =	vadd.f32 v17, v16;
	v16 =	vld [tilespmem:s17+$0x5050];
	_ =	sdelay $0x2  }
0x1f5: {  	[tilespmem:$0x1FC40] =	vst v60;
	v60 =	vld [tilespmem:s17+$0x3830];
	_ =	sdelay $0x1  }
0x1f6: {  	[tilespmem:$0x1FED0] =	vst v16;
	v16 =	vld [tilespmem:s17+$0x5060];
	_ =	sdelay $0x2  }
0x1f7: {  	[tilespmem:$0x1FC50] =	vst v60;
	v60 =	vld [tilespmem:s17+$0x3840];
	_ =	sdelay $0x1  }
0x1f8: {  	[tilespmem:$0x1FEE0] =	vst v16;
	v16 =	vld [tilespmem:s17+$0x5070];
	_ =	sdelay $0x2  }
0x1f9: {  	[tilespmem:$0x1FC60] =	vst v60;
	v60 =	vld [tilespmem:s17+$0x3850]  }
0x1fa: {  	v17 =	vld [tilespmem:$0x1F930]  }
0x1fb: {  	[tilespmem:$0x1FEF0] =	vst v16;
	v16 =	vld [tilespmem:$0x1F920];
	_ =	sdelay $0x2  }
0x1fc: {  	[tilespmem:$0x1FC70] =	vst v60;
	v60 =	vld [tilespmem:s17+$0x3860];
	_ =	sdelay $0x1  }
0x1fd: {  	v53 =	vadd.f32 v17, v16;
	v16 =	vld [tilespmem:$0x1F940]  }
0x1fe: {  	v17 =	vld [tilespmem:$0x1F950];
	_ =	sdelay $0x1  }
0x1ff: {  	[tilespmem:$0x1FC80] =	vst v60;
	v60 =	vld [tilespmem:s17+$0x3870];
	_ =	sdelay $0x2  }
0x200: {  	v54 =	vadd.f32 v17, v16;
	v16 =	vld [tilespmem:s17+$0x5400];
	_ =	sdelay $0x1  }
0x201: {  	[tilespmem:$0x1FC90] =	vst v60;
	v60 =	vld [tilespmem:s17+$0x3C00];
	_ =	sdelay $0x2  }
0x202: {  	[tilespmem:$0x1FF00] =	vst v16;
	v16 =	vld [tilespmem:s17+$0x5410];
	_ =	sdelay $0x1  }
0x203: {  	[tilespmem:$0x1FCA0] =	vst v60;
	v60 =	vld [tilespmem:s17+$0x3C10];
	_ =	sdelay $0x1  }
0x204: {  	v17 =	vld [tilespmem:$0x1F970]  }
0x205: {  	[tilespmem:$0x1FF10] =	vst v16;
	v16 =	vld [tilespmem:$0x1F960];
	_ =	sdelay $0x1  }
0x206: {  	[tilespmem:$0x1FCB0] =	vst v60;
	v60 =	vld [tilespmem:s17+$0x3C20];
	_ =	sdelay $0x2  }
0x207: {  	v55 =	vadd.f32 v17, v16;
	v16 =	vld [tilespmem:s17+$0x5420];
	_ =	sdelay $0x1  }
0x208: {  	[tilespmem:$0x1FCC0] =	vst v60;
	v60 =	vld [tilespmem:s17+$0x3C30];
	_ =	sdelay $0x1  }
0x209: {  	v17 =	vld [tilespmem:$0x1F990]  }
0x20a: {  	[tilespmem:$0x1FF20] =	vst v16;
	v16 =	vld [tilespmem:$0x1F980];
	_ =	sdelay $0x1  }
0x20b: {  	[tilespmem:$0x1FCD0] =	vst v60;
	v60 =	vld [tilespmem:s17+$0x3C40];
	_ =	sdelay $0x2  }
0x20c: {  	v57 =	vadd.f32 v17, v16;
	v16 =	vld [tilespmem:s17+$0x5430];
	_ =	sdelay $0x1  }
0x20d: {  	[tilespmem:$0x1FCE0] =	vst v60;
	v60 =	vld [tilespmem:s17+$0x3C50];
	_ =	sdelay $0x1  }
0x20e: {  	v17 =	vld [tilespmem:$0x1F9B0]  }
0x20f: {  	[tilespmem:$0x1FF30] =	vst v16;
	v16 =	vld [tilespmem:$0x1F9A0];
	_ =	sdelay $0x1  }
0x210: {  	[tilespmem:$0x1FCF0] =	vst v60;
	v60 =	vld [tilespmem:s17+$0x3C60];
	_ =	sdelay $0x2  }
0x211: {  	v58 =	vadd.f32 v17, v16;
	v16 =	vld [tilespmem:$0x1F9C0]  }
0x212: {  	v17 =	vld [tilespmem:$0x1F9D0]  }
0x213: {  	[tilespmem:$0x1FD00] =	vst v60;
	v60 =	vld [tilespmem:s17+$0x3C70];
	_ =	sdelay $0x3  }
0x214: {  	v59 =	vadd.f32 v17, v16;
	v16 =	vld [tilespmem:s17+$0x5440]  }
0x215: {  	[tilespmem:$0x1FD10] =	vst v60;
	v60 =	vld [tilespmem:s17+$0x4000];
	_ =	sdelay $0x2  }
0x216: {  	v17 =	vld [tilespmem:$0x1F9F0]  }
0x217: {  	[tilespmem:$0x1FF40] =	vst v16;
	v16 =	vld [tilespmem:$0x1F9E0]  }
0x218: {  	[tilespmem:$0x1FD20] =	vst v60;
	v60 =	vld [tilespmem:s17+$0x4030];
	_ =	sdelay $0x4  }
0x219: {  	[tilespmem:$0x1FD40] =	vst v60;
	v60 =	vadd.f32 v17, v16;
	v16 =	vld [tilespmem:$0x1FA00]  }
0x21a: {  	v17 =	vld [tilespmem:$0x1FA10];
	_ =	sdelay $0x4  }
0x21b: {  	v61 =	vadd.f32 v17, v16;
	v16 =	vld [tilespmem:s17+$0x5450];
	_ =	sdelay $0x4  }
0x21c: {  	[tilespmem:$0x1FF50] =	vst v16;
	v16 =	vld [tilespmem:s17+$0x5460];
	_ =	sdelay $0x4  }
0x21d: {  	[tilespmem:$0x1FF60] =	vst v16;
	v16 =	vld [tilespmem:s17+$0x5470];
	_ =	sdelay $0x3  }
0x21e: {  	v17 =	vld [tilespmem:$0x1FA30]  }
0x21f: {  	[tilespmem:$0x1FF70] =	vst v16;
	v16 =	vld [tilespmem:$0x1FA20];
	_ =	sdelay $0x4  }
0x220: {  	v32 =	vadd.f32 v17, v16;
	v16 =	vld [tilespmem:$0x1FA40]  }
0x221: {  	v17 =	vld [tilespmem:$0x1FA50];
	_ =	sdelay $0x4  }
0x222: {  	v33 =	vadd.f32 v17, v16;
	v16 =	vld [tilespmem:s17+$0x5800];
	_ =	sdelay $0x4  }
0x223: {  	[tilespmem:$0x1FF80] =	vst v16;
	v16 =	vld [tilespmem:s17+$0x5810];
	_ =	sdelay $0x3  }
0x224: {  	v17 =	vld [tilespmem:$0x1FA70]  }
0x225: {  	[tilespmem:$0x1FF90] =	vst v16;
	v16 =	vld [tilespmem:$0x1FA60];
	_ =	sdelay $0x2  }
0x226: {  	v35 =	vadd.f32 v48, v47;
	v52 =	vadd.f32 v50, v49;
	_ =	sdelay $0x1  }
0x227: {  	v37 =	vadd.f32 v52, v35;
	v35 =	vadd.f32 v17, v16;
	v16 =	vld [tilespmem:s17+$0x5820];
	_ =	sdelay $0x3  }
0x228: {  	v17 =	vld [tilespmem:$0x1FA90]  }
0x229: {  	[tilespmem:$0x1FFA0] =	vst v16;
	v16 =	vld [tilespmem:$0x1FA80];
	_ =	sdelay $0x4  }
0x22a: {  	v41 =	vadd.f32 v17, v16;
	v16 =	vld [tilespmem:s17+$0x5830];
	_ =	sdelay $0x3  }
0x22b: {  	v45 =	vadd.f32 v29, v28;
	v51 =	vadd.f32 v46, v31;
	v17 =	vld [tilespmem:$0x1FAB0]  }
0x22c: {  	[tilespmem:$0x1FFB0] =	vst v16;
	v16 =	vld [tilespmem:$0x1FAA0]  }
0x22d: {  	v42 =	vadd.f32 v51, v45;
	_ =	sdelay $0x1  }
0x22e: {  	v42 =	vadd.f32 v37, v42;
	_ =	sdelay $0x1  }
0x22f: {  	v12 =	vadd.f32 v42, v12;
	v42 =	vadd.f32 v17, v16;
	v16 =	vld [tilespmem:$0x1FAC0]  }
0x230: {  	v17 =	vld [tilespmem:$0x1FAD0];
	_ =	sdelay $0x4  }
0x231: {  	v43 =	vadd.f32 v17, v16;
	v16 =	vld [tilespmem:s17+$0x5840];
	_ =	sdelay $0x3  }
0x232: {  	v17 =	vld [tilespmem:$0x1FAF0]  }
0x233: {  	[tilespmem:$0x1FFC0] =	vst v16;
	v16 =	vld [tilespmem:$0x1FAE0];
	_ =	sdelay $0x4  }
0x234: {  	v44 =	vadd.f32 v17, v16;
	v16 =	vld [tilespmem:$0x1FB00]  }
0x235: {  	v17 =	vld [tilespmem:$0x1FB10];
	_ =	sdelay $0x4  }
0x236: {  	v45 =	vadd.f32 v17, v16;
	v16 =	vld [tilespmem:s17+$0x5850];
	_ =	sdelay $0x4  }
0x237: {  	[tilespmem:$0x1FFD0] =	vst v16;
	v16 =	vld [tilespmem:s17+$0x5860];
	_ =	sdelay $0x4  }
0x238: {  	[tilespmem:$0x1FFE0] =	vst v16;
	v16 =	vld [tilespmem:s17+$0x5870];
	_ =	sdelay $0x3  }
0x239: {  	v17 =	vld [tilespmem:$0x1FB30]  }
0x23a: {  	v56 =	vadd.f32 v54, v53;
	v62 =	vadd.f32 v57, v55;
	[tilespmem:$0x1FFF0] =	vst v16;
	v16 =	vld [tilespmem:$0x1FB20]  }
0x23b: {  	v46 =	vadd.f32 v59, v58;
	v63 =	vadd.f32 v61, v60;
	_ =	sdelay $0x1  }
0x23c: {  	v51 =	vadd.f32 v62, v56;
	v48 =	vadd.f32 v63, v46;
	_ =	sdelay $0x1  }
0x23d: {  	v38 =	vadd.f32 v48, v51;
	v48 =	vadd.f32 v17, v16;
	v16 =	vld [tilespmem:$0x1FB40]  }
0x23e: {  	v17 =	vld [tilespmem:$0x1FB50];
	_ =	sdelay $0x4  }
0x23f: {  	v49 =	vadd.f32 v17, v16;
	v16 =	vld [tilespmem:$0x1FB60]  }
0x240: {  	v17 =	vld [tilespmem:$0x1FB70];
	_ =	sdelay $0x4  }
0x241: {  	v50 =	vadd.f32 v17, v16;
	v16 =	vld [tilespmem:$0x1FB80]  }
0x242: {  	v17 =	vld [tilespmem:$0x1FB90];
	_ =	sdelay $0x4  }
0x243: {  	v37 =	vadd.f32 v33, v32;
	v32 =	vadd.f32 v17, v16;
	v16 =	vld [tilespmem:$0x1FBA0]  }
0x244: {  	v17 =	vld [tilespmem:$0x1FBB0];
	_ =	sdelay $0x4  }
0x245: {  	v30 =	vadd.f32 v25, v19;
	v19 =	vadd.f32 v17, v16;
	v16 =	vld [tilespmem:$0x1FBC0]  }
0x246: {  	v17 =	vld [tilespmem:$0x1FBD0];
	_ =	sdelay $0x3  }
0x247: {  	v20 =	vld [tilespmem:s17+$0x4C00]  }
0x248: {  	v18 =	vadd.f32 v17, v16;
	v16 =	vld [tilespmem:$0x1FBE0]  }
0x249: {  	v17 =	vld [tilespmem:$0x1FBF0];
	_ =	sdelay $0x3  }
0x24a: {  	[tilespmem:$0x1FE50] =	vst v20;
	v20 =	vld [tilespmem:$0x1FC10]  }
0x24b: {  	v17 =	vadd.f32 v17, v16;
	v16 =	vld [tilespmem:$0x1FC00];
	_ =	sdelay $0x4  }
0x24c: {  	v16 =	vadd.f32 v20, v16  }
0x24d: {  	v18 =	vadd.f32 v18, v19;
	v19 =	vld [tilespmem:$0x1FC30]  }
0x24e: {  	v16 =	vadd.f32 v16, v17;
	v17 =	vld [tilespmem:$0x1FC20];
	_ =	sdelay $0x2  }
0x24f: {  	v46 =	vadd.f32 v41, v35  }
0x250: {  	v56 =	vadd.f32 v43, v42;
	v47 =	vadd.f32 v45, v44;
	v20 =	vld [tilespmem:$0x1FC50]  }
0x251: {  	v19 =	vadd.f32 v19, v17;
	v17 =	vld [tilespmem:$0x1FC40]  }
0x252: {  	v55 =	vadd.f32 v46, v37;
	v56 =	vadd.f32 v47, v56;
	_ =	sdelay $0x1  }
0x253: {  	v55 =	vadd.f32 v56, v55  }
0x254: {  	v58 =	vadd.f32 v49, v48;
	v16 =	vadd.f32 v16, v18;
	v18 =	vld [tilespmem:$0x1FC70]  }
0x255: {  	v33 =	vadd.f32 v32, v50;
	v35 =	vadd.f32 v20, v17;
	v17 =	vld [tilespmem:$0x1FC60];
	_ =	sdelay $0x1  }
0x256: {  	v10 =	vadd.f32 v55, v10;
	v55 =	vadd.f32 v33, v58;
	_ =	sdelay $0x1  }
0x257: {  	v20 =	vadd.f32 v16, v55;
	v16 =	vld [tilespmem:$0x1FC80]  }
0x258: {  	v37 =	vadd.f32 v18, v17;
	v17 =	vld [tilespmem:$0x1FC90];
	_ =	sdelay $0x4  }
0x259: {  	v11 =	vadd.f32 v38, v11;
	v38 =	vadd.f32 v17, v16;
	v16 =	vld [tilespmem:$0x1FCA0]  }
0x25a: {  	v17 =	vld [tilespmem:$0x1FCB0];
	_ =	sdelay $0x4  }
0x25b: {  	v21 =	vadd.f32 v35, v19;
	v19 =	vadd.f32 v17, v16;
	v16 =	vld [tilespmem:$0x1FCC0]  }
0x25c: {  	v17 =	vld [tilespmem:$0x1FCD0];
	_ =	sdelay $0x4  }
0x25d: {  	v18 =	vadd.f32 v17, v16;
	v16 =	vld [tilespmem:$0x1FCE0]  }
0x25e: {  	v17 =	vld [tilespmem:$0x1FCF0];
	_ =	sdelay $0x3  }
0x25f: {  	v14 =	vadd.f32 v22, v14;
	v22 =	vld [tilespmem:$0x1FD10]  }
0x260: {  	v17 =	vadd.f32 v17, v16;
	v16 =	vld [tilespmem:$0x1FD00];
	_ =	sdelay $0x4  }
0x261: {  	v16 =	vadd.f32 v22, v16  }
0x262: {  	v18 =	vadd.f32 v18, v19;
	v19 =	vld [tilespmem:$0x1FD30]  }
0x263: {  	v16 =	vadd.f32 v16, v17;
	v17 =	vld [tilespmem:$0x1FD20];
	_ =	sdelay $0x3  }
0x264: {  	v39 =	vld [tilespmem:s17+$0x4020];
	v9 =	vadd.f32 v20, v9  }
0x265: {  	v20 =	vadd.f32 v38, v37;
	v19 =	vadd.f32 v19, v17;
	v17 =	vld [tilespmem:$0x1FD40];
	_ =	sdelay $0x1  }
0x266: {  	v40 =	vld [tilespmem:s17+$0x4040];
	v20 =	vadd.f32 v20, v21;
	v16 =	vadd.f32 v16, v18  }
0x267: {  	v36 =	vld [tilespmem:s17+$0x4400]  }
0x268: {  	v21 =	vadd.f32 v16, v20;
	v16 =	vld [tilespmem:$0x1FD60]  }
0x269: {  	v41 =	vadd.f32 v17, v39;
	v17 =	vld [tilespmem:$0x1FD50];
	_ =	sdelay $0x2  }
0x26a: {  	v30 =	vadd.f32 v30, v23  }
0x26b: {  	v23 =	vadd.f32 v41, v19;
	v19 =	vadd.f32 v16, v36;
	v16 =	vld [tilespmem:$0x1FD70]  }
0x26c: {  	v22 =	vadd.f32 v17, v40;
	v17 =	vld [tilespmem:$0x1FD80];
	_ =	sdelay $0x2  }
0x26d: {  	v34 =	vld [tilespmem:s17+$0x4070]  }
0x26e: {  	v24 =	vld [tilespmem:s17+$0x4060]  }
0x26f: {  	v18 =	vadd.f32 v17, v16;
	v16 =	vld [tilespmem:$0x1FD90]  }
0x270: {  	v17 =	vld [tilespmem:$0x1FDA0];
	_ =	sdelay $0x3  }
0x271: {  	v20 =	vadd.f32 v34, v24;
	v24 =	vld [tilespmem:$0x1FDC0]  }
0x272: {  	v17 =	vadd.f32 v17, v16;
	v16 =	vld [tilespmem:$0x1FDB0];
	_ =	sdelay $0x4  }
0x273: {  	v16 =	vadd.f32 v24, v16  }
0x274: {  	v18 =	vadd.f32 v18, v19;
	v19 =	vld [tilespmem:$0x1FDE0]  }
0x275: {  	v16 =	vadd.f32 v16, v17;
	v17 =	vld [tilespmem:$0x1FDD0];
	_ =	sdelay $0x1  }
0x276: {  	v25 =	vld [tilespmem:s17+$0x5000]  }
0x277: {  	v27 =	vadd.f32 v27, v26;
	v26 =	vld [tilespmem:s17+$0x5010]  }
0x278: {  	v8 =	vadd.f32 v21, v8;
	v21 =	vld [tilespmem:$0x1FE00]  }
0x279: {  	v19 =	vadd.f32 v19, v17;
	v17 =	vld [tilespmem:$0x1FDF0]  }
0x27a: {  	v28 =	vld [tilespmem:s17+$0x5020]  }
0x27b: {  	v29 =	vadd.f32 v27, v30;
	v30 =	vld [tilespmem:s17+$0x5030]  }
0x27c: {  	v27 =	vld [tilespmem:s17+$0x5040]  }
0x27d: {  	v16 =	vadd.f32 v16, v18;
	v18 =	vld [tilespmem:$0x1FE20]  }
0x27e: {  	v20 =	vadd.f32 v20, v22;
	v22 =	vadd.f32 v21, v17;
	v17 =	vld [tilespmem:$0x1FE10]  }
0x27f: {  	v13 =	vadd.f32 v29, v13;
	v29 =	vld [tilespmem:s17+$0x6C10]  }
0x280: {  	v52 =	vld [tilespmem:s17+$0x5C50];
	v20 =	vadd.f32 v20, v23  }
0x281: {  	v54 =	vld [tilespmem:s17+$0x5C40]  }
0x282: {  	v21 =	vadd.f32 v16, v20;
	v16 =	vld [tilespmem:$0x1FE30]  }
0x283: {  	v23 =	vadd.f32 v18, v17;
	v17 =	vld [tilespmem:$0x1FE40]  }
0x284: {  	v31 =	vld [tilespmem:s17+$0x6870]  }
0x285: {  	v53 =	vld [tilespmem:s17+$0x6000]  }
0x286: {  	v52 =	vadd.f32 v52, v54;
	v54 =	vld [tilespmem:s17+$0x7050]  }
0x287: {  	v57 =	vld [tilespmem:s17+$0x5C10]  }
0x288: {  	v20 =	vadd.f32 v17, v16;
	v16 =	vld [tilespmem:$0x1FE50]  }
0x289: {  	v17 =	vld [tilespmem:$0x1FE60]  }
0x28a: {  	v62 =	vld [tilespmem:s17+$0x5C30]  }
0x28b: {  	v59 =	vld [tilespmem:s17+$0x5C00]  }
0x28c: {  	v60 =	vld [tilespmem:s17+$0x5C20]  }
0x28d: {  	v61 =	vld [tilespmem:s17+$0x6020]  }
0x28e: {  	v22 =	vadd.f32 v22, v19;
	v19 =	vadd.f32 v17, v16;
	v16 =	vld [tilespmem:$0x1FE70]  }
0x28f: {  	v17 =	vld [tilespmem:$0x1FE80]  }
0x290: {  	v51 =	vld [tilespmem:s17+$0x6010]  }
0x291: {  	v57 =	vadd.f32 v57, v59;
	v59 =	vadd.f32 v62, v60;
	v60 =	vld [tilespmem:s17+$0x7040]  }
0x292: {  	v62 =	vld [tilespmem:s17+$0x7420]  }
0x293: {  	v46 =	vld [tilespmem:s17+$0x6070]  }
0x294: {  	v18 =	vadd.f32 v17, v16;
	v16 =	vld [tilespmem:$0x1FE90]  }
0x295: {  	v17 =	vld [tilespmem:$0x1FEA0]  }
0x296: {  	v43 =	vld [tilespmem:s17+$0x6430]  }
0x297: {  	v42 =	vld [tilespmem:s17+$0x6800]  }
0x298: {  	v45 =	vld [tilespmem:s17+$0x6400]  }
0x299: {  	v24 =	vld [tilespmem:$0x1FEC0]  }
0x29a: {  	v17 =	vadd.f32 v17, v16;
	v16 =	vld [tilespmem:$0x1FEB0]  }
0x29b: {  	v44 =	vld [tilespmem:s17+$0x6410]  }
0x29c: {  	v47 =	vld [tilespmem:s17+$0x6050]  }
0x29d: {  	v49 =	vld [tilespmem:s17+$0x6030]  }
0x29e: {  	v56 =	vld [tilespmem:s17+$0x5C60]  }
0x29f: {  	v63 =	vld [tilespmem:$0x1FFD0];
	v16 =	vadd.f32 v24, v16  }
0x2a0: {  	v48 =	vld [tilespmem:s17+$0x6040];
	v20 =	vadd.f32 v20, v23  }
0x2a1: {  	v18 =	vadd.f32 v18, v19;
	v16 =	vadd.f32 v16, v17;
	v17 =	vld [tilespmem:$0x1FED0]  }
0x2a2: {  	v49 =	vadd.f32 v49, v61;
	v61 =	vld [tilespmem:s17+$0x7410]  }
0x2a3: {  	v50 =	vld [tilespmem:s17+$0x5C70];
	v20 =	vadd.f32 v20, v22;
	v16 =	vadd.f32 v16, v18  }
0x2a4: {  	v32 =	vld [tilespmem:s17+$0x6860]  }
0x2a5: {  	v7 =	vadd.f32 v21, v7;
	v21 =	vadd.f32 v16, v20;
	v16 =	vld [tilespmem:$0x1FEE0]  }
0x2a6: {  	v22 =	vadd.f32 v17, v27;
	v17 =	vld [tilespmem:$0x1FEF0]  }
0x2a7: {  	v58 =	vld [tilespmem:s17+$0x6420]  }
0x2a8: {  	v33 =	vld [tilespmem:s17+$0x6850];
	v50 =	vadd.f32 v50, v56  }
0x2a9: {  	v55 =	vld [tilespmem:s17+$0x6060]  }
0x2aa: {  	v50 =	vadd.f32 v50, v52;
	v52 =	vld [tilespmem:s17+$0x7070]  }
0x2ab: {  	v20 =	vadd.f32 v17, v16;
	v16 =	vld [tilespmem:$0x1FF00]  }
0x2ac: {  	v17 =	vld [tilespmem:$0x1FF10]  }
0x2ad: {  	v43 =	vadd.f32 v43, v58;
	v58 =	vld [tilespmem:s17+$0x7460]  }
0x2ae: {  	v35 =	vld [tilespmem:s17+$0x6460];
	v46 =	vadd.f32 v46, v55  }
0x2af: {  	v55 =	vld [tilespmem:s17+$0x7440];
	v23 =	vadd.f32 v30, v28;
	v19 =	vadd.f32 v26, v25  }
0x2b0: {  	v38 =	vld [tilespmem:s17+$0x6450]  }
0x2b1: {  	v23 =	vadd.f32 v23, v19;
	v19 =	vadd.f32 v17, v16;
	v16 =	vld [tilespmem:$0x1FF20]  }
0x2b2: {  	v17 =	vld [tilespmem:$0x1FF30]  }
0x2b3: {  	v37 =	vld [tilespmem:s17+$0x6830]  }
0x2b4: {  	v34 =	vld [tilespmem:s17+$0x6470]  }
0x2b5: {  	v39 =	vld [tilespmem:s17+$0x6810]  }
0x2b6: {  	v41 =	vld [tilespmem:s17+$0x6440]  }
0x2b7: {  	v18 =	vadd.f32 v17, v16;
	v16 =	vld [tilespmem:$0x1FF40]  }
0x2b8: {  	v17 =	vld [tilespmem:$0x1FF50]  }
0x2b9: {  	v36 =	vld [tilespmem:s17+$0x6840]  }
0x2ba: {  	v40 =	vld [tilespmem:s17+$0x6820]  }
0x2bb: {  	v30 =	vld [tilespmem:s17+$0x6C00]  }
0x2bc: {  	v24 =	vld [tilespmem:$0x1FF70]  }
0x2bd: {  	v17 =	vadd.f32 v17, v16;
	v16 =	vld [tilespmem:$0x1FF60]  }
0x2be: {  	v28 =	vld [tilespmem:s17+$0x6C20]  }
0x2bf: {  	v26 =	vld [tilespmem:s17+$0x6C30]  }
0x2c0: {  	v20 =	vadd.f32 v20, v22;
	v22 =	vld [tilespmem:$0x1FF90]  }
0x2c1: {  	v18 =	vadd.f32 v18, v19;
	v19 =	vld [tilespmem:$0x1FF80]  }
0x2c2: {  	v20 =	vadd.f32 v20, v23;
	v23 =	vld [tilespmem:$0x1FFC0];
	v16 =	vadd.f32 v24, v16  }
0x2c3: {  	v25 =	vld [tilespmem:$0x1FFB0]  }
0x2c4: {  	v27 =	vld [tilespmem:s17+$0x6C40];
	v16 =	vadd.f32 v16, v17  }
0x2c5: {  	v6 =	vadd.f32 v21, v6;
	v21 =	vld [tilespmem:s17+$0x6C60]  }
0x2c6: {  	v19 =	vadd.f32 v22, v19;
	v22 =	vld [tilespmem:$0x1FFA0];
	v16 =	vadd.f32 v16, v18  }
0x2c7: {  	v23 =	vadd.f32 v63, v23;
	v63 =	vld [tilespmem:$0x1FFF0]  }
0x2c8: {  	v16 =	vadd.f32 v16, v20;
	v20 =	vld [tilespmem:$0x1FFE0]  }
0x2c9: {  	v24 =	vld [tilespmem:s17+$0x6C50]  }
0x2ca: {  	v44 =	vadd.f32 v44, v45;
	v17 =	vld [tilespmem:s17+$0x6C70]  }
0x2cb: {  	v47 =	vadd.f32 v47, v48;
	v22 =	vadd.f32 v25, v22;
	v25 =	vld [tilespmem:s17+$0x7000]  }
0x2cc: {  	v31 =	vadd.f32 v31, v32;
	v43 =	vadd.f32 v43, v44;
	v18 =	vld [tilespmem:s17+$0x7010]  }
0x2cd: {  	v19 =	vadd.f32 v22, v19;
	v22 =	vld [tilespmem:s17+$0x7020];
	v20 =	vadd.f32 v63, v20  }
0x2ce: {  	v34 =	vadd.f32 v34, v35;
	v38 =	vadd.f32 v38, v41;
	v63 =	vld [tilespmem:s17+$0x7030]  }
0x2cf: {  	v5 =	vadd.f32 v16, v5;
	v16 =	vadd.f32 v20, v23;
	v20 =	vld [tilespmem:s17+$0x7060]  }
0x2d0: {  	v56 =	vadd.f32 v46, v47;
	v23 =	vadd.f32 v59, v57;
	v57 =	vld [tilespmem:s17+$0x7450]  }
0x2d1: {  	v33 =	vadd.f32 v33, v36;
	v34 =	vadd.f32 v34, v38;
	v59 =	vld [tilespmem:s17+$0x7470]  }
0x2d2: {  	s16 =	sshll.u32 s15, $0xD;
	p0 =	seq.s32 s15, $0x7;
	v19 =	vadd.f32 v16, v19;
	v16 =	vadd.f32 v51, v53;
	v51 =	vld [tilespmem:s17+$0x7400]  }
0x2d3: {  	s18 =	simm.s32 @!p0 $0x0;
	v29 =	vadd.f32 v29, v30;
	v26 =	vadd.f32 v26, v28;
	v53 =	vld [tilespmem:s17+$0x7430];
	s17 =	sadd.s32 @!p0 s16, s5  }
0x2d4: {  	v24 =	vadd.f32 v24, v27;
	v17 =	vadd.f32 v17, v21;
	[tilespmem:s18], [sflag:$0x1] =	stream.linear.gather @!p0 [hbm4b:s17+s18], $0x8000, $0x38;
	[tilespmem:$0x10800] =	vst v63  }
0x2d5: {  	v37 =	vadd.f32 v37, v40;
	v34 =	vadd.f32 v34, v43;
	_ =	swait.ge [sflag:s11], $0x8000  }
0x2d6: {  	s31 =	simm.s32 $0x0;
	v26 =	vadd.f32 v26, v29;
	v24 =	vadd.f32 v17, v24;
	[sflag:s11] =	ssyncset.done $0x0  }
0x2d7: {  	v30 =	vadd.f32 v31, v33;
	v29 =	vadd.f32 v54, v60;
	s17 =	sand.u32 $0x3FFFFF80, s31;
	[sflag:s11] =	ssyncadd.s32 $0xFFFF8000  }
0x2d8: {  	v25 =	vadd.f32 v18, v25;
	v24 =	vadd.f32 v24, v26;
	v17 =	vld [tilespmem:s17+$0xF810]  }
0x2d9: {  	v22 =	vadd.f32 v63, v22;
	v16 =	vadd.f32 v49, v16;
	v18 =	vld [tilespmem:s17+$0xF820]  }
0x2da: {  	v20 =	vadd.f32 v52, v20;
	v63 =	vadd.f32 v59, v58;
	v27 =	vld [tilespmem:s17+$0xF830]  }
0x2db: {  	v22 =	vadd.f32 v22, v25;
	v41 =	vadd.f32 v56, v16;
	v28 =	vld [tilespmem:s17+$0xF840]  }
0x2dc: {  	v16 =	vadd.f32 v39, v42;
	v31 =	vadd.f32 v61, v51;
	v39 =	vld [tilespmem:s17+$0xF850]  }
0x2dd: {  	v61 =	vadd.f32 v53, v62;
	v62 =	vadd.f32 v57, v55;
	v44 =	vld [tilespmem:s17+$0xF860]  }
0x2de: {  	v20 =	vadd.f32 v20, v29;
	v47 =	vld [tilespmem:s17+$0xF870];
	v21 =	vadd.f32 v37, v16  }
0x2df: {  	v49 =	vld [tilespmem:s17+$0xFC00];
	v25 =	vadd.f32 v61, v31;
	v29 =	vadd.f32 v63, v62  }
0x2e0: {  	v23 =	vadd.f32 v50, v23;
	v50 =	vld [tilespmem:s17+$0xFC10];
	v20 =	vadd.f32 v20, v22  }
0x2e1: {  	v53 =	vld [tilespmem:s17+$0xFC20];
	v21 =	vadd.f32 v30, v21;
	v22 =	vadd.f32 v29, v25  }
0x2e2: {  	v19 =	vadd.f32 v23, v19;
	v26 =	vld [tilespmem:s17+$0xFC30];
	v23 =	vadd.f32 v34, v41  }
0x2e3: {  	v59 =	vld [tilespmem:s17+$0xFC40];
	v21 =	vadd.f32 v24, v21;
	v20 =	vadd.f32 v22, v20  }
0x2e4: {  	v3 =	vadd.f32 v19, v3;
	v16 =	vld [tilespmem:s17+$0xF800];
	v2 =	vadd.f32 v23, v2  }
0x2e5: {  	s18 =	simm.s32 $0x1;
	v23 =	vld [tilespmem:s17+$0xFC50];
	v1 =	vadd.f32 v21, v1;
	v0 =	vadd.f32 v20, v0  }
.LBB2_5:
0x2e6: {  	p1 =	sne.s32 s18, $0x7;
	v19 =	vld [tilespmem:s17+$0xFC60]  }
0x2e7: {  	v20 =	vld [tilespmem:s17+$0xFC70]  }
0x2e8: {  	v21 =	vld [tilespmem:s17+$0x8000]  }
0x2e9: {  	v16 =	vadd.f32 v17, v16;
	v17 =	vadd.f32 v27, v18;
	v22 =	vld [tilespmem:s17+$0x8010]  }
0x2ea: {  	v24 =	vadd.f32 v39, v28;
	v25 =	vadd.f32 v47, v44;
	v18 =	vld [tilespmem:s17+$0x8020]  }
0x2eb: {  	v28 =	vadd.f32 v50, v49;
	v26 =	vadd.f32 v26, v53;
	v27 =	vld [tilespmem:s17+$0x8030]  }
0x2ec: {  	v23 =	vadd.f32 v23, v59;
	v29 =	vld [tilespmem:s17+$0x8040];
	v19 =	vadd.f32 v20, v19  }
0x2ed: {  	v16 =	vadd.f32 v17, v16;
	v17 =	vadd.f32 v25, v24;
	v20 =	vld [tilespmem:s17+$0x8050]  }
0x2ee: {  	v25 =	vadd.f32 v26, v28;
	v24 =	vld [tilespmem:s17+$0x8060];
	v19 =	vadd.f32 v19, v23  }
0x2ef: {  	v21 =	vadd.f32 v22, v21;
	v23 =	vld [tilespmem:s17+$0x8070]  }
0x2f0: {  	v16 =	vadd.f32 v17, v16;
	v22 =	vld [tilespmem:s17+$0x8400];
	v17 =	vadd.f32 v19, v25  }
0x2f1: {  	v18 =	vadd.f32 v27, v18;
	v19 =	vld [tilespmem:s17+$0x8410]  }
0x2f2: {  	v25 =	vld [tilespmem:s17+$0x8420];
	v20 =	vadd.f32 v20, v29;
	v16 =	vadd.f32 v17, v16  }
0x2f3: {  	v18 =	vadd.f32 v18, v21;
	v17 =	vld [tilespmem:s17+$0x8430]  }
0x2f4: {  	v21 =	vld [tilespmem:s17+$0x8440];
	v23 =	vadd.f32 v23, v24;
	v4 =	vadd.f32 v16, v4  }
0x2f5: {  	v16 =	vld [tilespmem:s17+$0x8450]  }
0x2f6: {  	v24 =	vld [tilespmem:s17+$0x8460];
	v19 =	vadd.f32 v19, v22;
	v20 =	vadd.f32 v23, v20  }
0x2f7: {  	v22 =	vld [tilespmem:s17+$0x8470]  }
0x2f8: {  	v17 =	vadd.f32 v17, v25;
	v18 =	vadd.f32 v20, v18;
	v20 =	vld [tilespmem:s17+$0x8800]  }
0x2f9: {  	v23 =	vld [tilespmem:s17+$0x8810]  }
0x2fa: {  	v16 =	vadd.f32 v16, v21;
	v17 =	vadd.f32 v17, v19;
	v19 =	vld [tilespmem:s17+$0x8820]  }
0x2fb: {  	v21 =	vld [tilespmem:s17+$0x8830]  }
0x2fc: {  	v22 =	vadd.f32 v22, v24;
	v24 =	vld [tilespmem:s17+$0x8840]  }
0x2fd: {  	v25 =	vld [tilespmem:s17+$0x8850]  }
0x2fe: {  	v16 =	vadd.f32 v22, v16;
	v22 =	vld [tilespmem:s17+$0x8860];
	v20 =	vadd.f32 v23, v20  }
0x2ff: {  	v23 =	vld [tilespmem:s17+$0x8870]  }
0x300: {  	v16 =	vadd.f32 v16, v17;
	v17 =	vld [tilespmem:s17+$0x8C00];
	v19 =	vadd.f32 v21, v19  }
0x301: {  	v21 =	vld [tilespmem:s17+$0x8C10]  }
0x302: {  	v26 =	vld [tilespmem:s17+$0x8C20];
	v24 =	vadd.f32 v25, v24;
	v19 =	vadd.f32 v19, v20  }
0x303: {  	v16 =	vadd.f32 v16, v18;
	v18 =	vld [tilespmem:s17+$0x8C30]  }
0x304: {  	v20 =	vld [tilespmem:s17+$0x8C40];
	v22 =	vadd.f32 v23, v22  }
0x305: {  	v15 =	vadd.f32 v16, v15;
	v16 =	vld [tilespmem:s17+$0x8C50]  }
0x306: {  	v23 =	vld [tilespmem:s17+$0x8C60];
	v17 =	vadd.f32 v21, v17;
	v21 =	vadd.f32 v22, v24  }
0x307: {  	v22 =	vld [tilespmem:s17+$0x8C70]  }
0x308: {  	v18 =	vadd.f32 v18, v26;
	v19 =	vadd.f32 v21, v19;
	v21 =	vld [tilespmem:s17+$0x9000]  }
0x309: {  	v24 =	vld [tilespmem:s17+$0x9010]  }
0x30a: {  	v16 =	vadd.f32 v16, v20;
	v17 =	vadd.f32 v18, v17;
	v18 =	vld [tilespmem:s17+$0x9020]  }
0x30b: {  	v20 =	vld [tilespmem:s17+$0x9030]  }
0x30c: {  	v22 =	vadd.f32 v22, v23;
	v23 =	vld [tilespmem:s17+$0x9040]  }
0x30d: {  	v25 =	vld [tilespmem:s17+$0x9050]  }
0x30e: {  	v16 =	vadd.f32 v22, v16;
	v22 =	vld [tilespmem:s17+$0x9060];
	v21 =	vadd.f32 v24, v21  }
0x30f: {  	v24 =	vld [tilespmem:s17+$0x9070]  }
0x310: {  	v16 =	vadd.f32 v16, v17;
	v17 =	vld [tilespmem:s17+$0x9400];
	v18 =	vadd.f32 v20, v18  }
0x311: {  	v20 =	vld [tilespmem:s17+$0x9410]  }
0x312: {  	v26 =	vld [tilespmem:s17+$0x9420];
	v23 =	vadd.f32 v25, v23;
	v18 =	vadd.f32 v18, v21  }
0x313: {  	v16 =	vadd.f32 v16, v19;
	v19 =	vld [tilespmem:s17+$0x9430]  }
0x314: {  	v21 =	vld [tilespmem:s17+$0x9440];
	v22 =	vadd.f32 v24, v22  }
0x315: {  	v14 =	vadd.f32 v16, v14;
	v16 =	vld [tilespmem:s17+$0x9450]  }
0x316: {  	v24 =	vld [tilespmem:s17+$0x9460];
	v17 =	vadd.f32 v20, v17;
	v20 =	vadd.f32 v22, v23  }
0x317: {  	v22 =	vld [tilespmem:s17+$0x9470]  }
0x318: {  	v19 =	vadd.f32 v19, v26;
	v18 =	vadd.f32 v20, v18;
	v20 =	vld [tilespmem:s17+$0x9800]  }
0x319: {  	v23 =	vld [tilespmem:s17+$0x9810]  }
0x31a: {  	v16 =	vadd.f32 v16, v21;
	v17 =	vadd.f32 v19, v17;
	v19 =	vld [tilespmem:s17+$0x9820]  }
0x31b: {  	v21 =	vld [tilespmem:s17+$0x9830]  }
0x31c: {  	v22 =	vadd.f32 v22, v24;
	v24 =	vld [tilespmem:s17+$0x9840]  }
0x31d: {  	v25 =	vld [tilespmem:s17+$0x9850]  }
0x31e: {  	v16 =	vadd.f32 v22, v16;
	v22 =	vld [tilespmem:s17+$0x9860];
	v20 =	vadd.f32 v23, v20  }
0x31f: {  	v23 =	vld [tilespmem:s17+$0x9870]  }
0x320: {  	v16 =	vadd.f32 v16, v17;
	v17 =	vld [tilespmem:s17+$0x9C00];
	v19 =	vadd.f32 v21, v19  }
0x321: {  	v21 =	vld [tilespmem:s17+$0x9C10]  }
0x322: {  	v26 =	vld [tilespmem:s17+$0x9C20];
	v24 =	vadd.f32 v25, v24;
	v19 =	vadd.f32 v19, v20  }
0x323: {  	v16 =	vadd.f32 v16, v18;
	v18 =	vld [tilespmem:s17+$0x9C30]  }
0x324: {  	v20 =	vld [tilespmem:s17+$0x9C40];
	v22 =	vadd.f32 v23, v22  }
0x325: {  	v13 =	vadd.f32 v16, v13;
	v16 =	vld [tilespmem:s17+$0x9C50]  }
0x326: {  	v23 =	vld [tilespmem:s17+$0x9C60];
	v17 =	vadd.f32 v21, v17;
	v21 =	vadd.f32 v22, v24  }
0x327: {  	v22 =	vld [tilespmem:s17+$0x9C70]  }
0x328: {  	v18 =	vadd.f32 v18, v26;
	v19 =	vadd.f32 v21, v19;
	v21 =	vld [tilespmem:s17+$0xA000]  }
0x329: {  	v24 =	vld [tilespmem:s17+$0xA010]  }
0x32a: {  	v16 =	vadd.f32 v16, v20;
	v17 =	vadd.f32 v18, v17;
	v18 =	vld [tilespmem:s17+$0xA020]  }
0x32b: {  	v20 =	vld [tilespmem:s17+$0xA030]  }
0x32c: {  	v22 =	vadd.f32 v22, v23;
	v23 =	vld [tilespmem:s17+$0xA040]  }
0x32d: {  	v25 =	vld [tilespmem:s17+$0xA050]  }
0x32e: {  	v16 =	vadd.f32 v22, v16;
	v22 =	vld [tilespmem:s17+$0xA060];
	v21 =	vadd.f32 v24, v21  }
0x32f: {  	v24 =	vld [tilespmem:s17+$0xA070]  }
0x330: {  	v16 =	vadd.f32 v16, v17;
	v17 =	vld [tilespmem:s17+$0xA400];
	v18 =	vadd.f32 v20, v18  }
0x331: {  	v20 =	vld [tilespmem:s17+$0xA410]  }
0x332: {  	v26 =	vld [tilespmem:s17+$0xA420];
	v23 =	vadd.f32 v25, v23;
	v18 =	vadd.f32 v18, v21  }
0x333: {  	v16 =	vadd.f32 v16, v19;
	v19 =	vld [tilespmem:s17+$0xA430]  }
0x334: {  	v21 =	vld [tilespmem:s17+$0xA440];
	v22 =	vadd.f32 v24, v22  }
0x335: {  	v12 =	vadd.f32 v16, v12;
	v16 =	vld [tilespmem:s17+$0xA450]  }
0x336: {  	v24 =	vld [tilespmem:s17+$0xA460];
	v17 =	vadd.f32 v20, v17;
	v20 =	vadd.f32 v22, v23  }
0x337: {  	v22 =	vld [tilespmem:s17+$0xA470]  }
0x338: {  	v19 =	vadd.f32 v19, v26;
	v18 =	vadd.f32 v20, v18;
	v20 =	vld [tilespmem:s17+$0xA800]  }
0x339: {  	v23 =	vld [tilespmem:s17+$0xA810]  }
0x33a: {  	v16 =	vadd.f32 v16, v21;
	v17 =	vadd.f32 v19, v17;
	v19 =	vld [tilespmem:s17+$0xA820]  }
0x33b: {  	v21 =	vld [tilespmem:s17+$0xA830]  }
0x33c: {  	v22 =	vadd.f32 v22, v24;
	v24 =	vld [tilespmem:s17+$0xA840]  }
0x33d: {  	v25 =	vld [tilespmem:s17+$0xA850]  }
0x33e: {  	v16 =	vadd.f32 v22, v16;
	v22 =	vld [tilespmem:s17+$0xA860];
	v20 =	vadd.f32 v23, v20  }
0x33f: {  	v23 =	vld [tilespmem:s17+$0xA870]  }
0x340: {  	v16 =	vadd.f32 v16, v17;
	v17 =	vld [tilespmem:s17+$0xAC00];
	v19 =	vadd.f32 v21, v19  }
0x341: {  	v21 =	vld [tilespmem:s17+$0xAC10]  }
0x342: {  	v26 =	vld [tilespmem:s17+$0xAC20];
	v24 =	vadd.f32 v25, v24;
	v19 =	vadd.f32 v19, v20  }
0x343: {  	v16 =	vadd.f32 v16, v18;
	v18 =	vld [tilespmem:s17+$0xAC30]  }
0x344: {  	v20 =	vld [tilespmem:s17+$0xAC40];
	v22 =	vadd.f32 v23, v22  }
0x345: {  	v11 =	vadd.f32 v16, v11;
	v16 =	vld [tilespmem:s17+$0xAC50]  }
0x346: {  	v23 =	vld [tilespmem:s17+$0xAC60];
	v17 =	vadd.f32 v21, v17;
	v21 =	vadd.f32 v22, v24  }
0x347: {  	v22 =	vld [tilespmem:s17+$0xAC70]  }
0x348: {  	v18 =	vadd.f32 v18, v26;
	v19 =	vadd.f32 v21, v19;
	v21 =	vld [tilespmem:s17+$0xB000]  }
0x349: {  	v24 =	vld [tilespmem:s17+$0xB010]  }
0x34a: {  	v16 =	vadd.f32 v16, v20;
	v17 =	vadd.f32 v18, v17;
	v18 =	vld [tilespmem:s17+$0xB020]  }
0x34b: {  	v20 =	vld [tilespmem:s17+$0xB030]  }
0x34c: {  	v22 =	vadd.f32 v22, v23;
	v23 =	vld [tilespmem:s17+$0xB040]  }
0x34d: {  	v25 =	vld [tilespmem:s17+$0xB050]  }
0x34e: {  	v16 =	vadd.f32 v22, v16;
	v22 =	vld [tilespmem:s17+$0xB060];
	v21 =	vadd.f32 v24, v21  }
0x34f: {  	v24 =	vld [tilespmem:s17+$0xB070]  }
0x350: {  	v16 =	vadd.f32 v16, v17;
	v17 =	vld [tilespmem:s17+$0xB400];
	v18 =	vadd.f32 v20, v18  }
0x351: {  	v20 =	vld [tilespmem:s17+$0xB410]  }
0x352: {  	v26 =	vld [tilespmem:s17+$0xB420];
	v23 =	vadd.f32 v25, v23;
	v18 =	vadd.f32 v18, v21  }
0x353: {  	v16 =	vadd.f32 v16, v19;
	v19 =	vld [tilespmem:s17+$0xB430]  }
0x354: {  	v21 =	vld [tilespmem:s17+$0xB440];
	v22 =	vadd.f32 v24, v22  }
0x355: {  	v10 =	vadd.f32 v16, v10;
	v16 =	vld [tilespmem:s17+$0xB450]  }
0x356: {  	v24 =	vld [tilespmem:s17+$0xB460];
	v17 =	vadd.f32 v20, v17;
	v20 =	vadd.f32 v22, v23  }
0x357: {  	v22 =	vld [tilespmem:s17+$0xB470]  }
0x358: {  	v19 =	vadd.f32 v19, v26;
	v18 =	vadd.f32 v20, v18;
	v20 =	vld [tilespmem:s17+$0xB800]  }
0x359: {  	v23 =	vld [tilespmem:s17+$0xB810]  }
0x35a: {  	v16 =	vadd.f32 v16, v21;
	v17 =	vadd.f32 v19, v17;
	v19 =	vld [tilespmem:s17+$0xB820]  }
0x35b: {  	v21 =	vld [tilespmem:s17+$0xB830]  }
0x35c: {  	v22 =	vadd.f32 v22, v24;
	v24 =	vld [tilespmem:s17+$0xB840]  }
0x35d: {  	v25 =	vld [tilespmem:s17+$0xB850]  }
0x35e: {  	v16 =	vadd.f32 v22, v16;
	v22 =	vld [tilespmem:s17+$0xB860];
	v20 =	vadd.f32 v23, v20  }
0x35f: {  	v23 =	vld [tilespmem:s17+$0xB870]  }
0x360: {  	v16 =	vadd.f32 v16, v17;
	v17 =	vld [tilespmem:s17+$0xBC00];
	v19 =	vadd.f32 v21, v19  }
0x361: {  	v21 =	vld [tilespmem:s17+$0xBC10]  }
0x362: {  	v26 =	vld [tilespmem:s17+$0xBC20];
	v24 =	vadd.f32 v25, v24;
	v19 =	vadd.f32 v19, v20  }
0x363: {  	v16 =	vadd.f32 v16, v18;
	v18 =	vld [tilespmem:s17+$0xBC30]  }
0x364: {  	v20 =	vld [tilespmem:s17+$0xBC40];
	v22 =	vadd.f32 v23, v22  }
0x365: {  	v9 =	vadd.f32 v16, v9;
	v16 =	vld [tilespmem:s17+$0xBC50]  }
0x366: {  	v23 =	vld [tilespmem:s17+$0xBC60];
	v17 =	vadd.f32 v21, v17;
	v21 =	vadd.f32 v22, v24  }
0x367: {  	v22 =	vld [tilespmem:s17+$0xBC70]  }
0x368: {  	v18 =	vadd.f32 v18, v26;
	v19 =	vadd.f32 v21, v19;
	v21 =	vld [tilespmem:s17+$0xC000]  }
0x369: {  	v24 =	vld [tilespmem:s17+$0xC010]  }
0x36a: {  	v16 =	vadd.f32 v16, v20;
	v17 =	vadd.f32 v18, v17;
	v18 =	vld [tilespmem:s17+$0xC020]  }
0x36b: {  	v20 =	vld [tilespmem:s17+$0xC030]  }
0x36c: {  	v22 =	vadd.f32 v22, v23;
	v23 =	vld [tilespmem:s17+$0xC040]  }
0x36d: {  	v25 =	vld [tilespmem:s17+$0xC050]  }
0x36e: {  	v16 =	vadd.f32 v22, v16;
	v22 =	vld [tilespmem:s17+$0xC060];
	v21 =	vadd.f32 v24, v21  }
0x36f: {  	v24 =	vld [tilespmem:s17+$0xC070]  }
0x370: {  	v16 =	vadd.f32 v16, v17;
	v17 =	vld [tilespmem:s17+$0xC400];
	v18 =	vadd.f32 v20, v18  }
0x371: {  	v20 =	vld [tilespmem:s17+$0xC410]  }
0x372: {  	v26 =	vld [tilespmem:s17+$0xC420];
	v23 =	vadd.f32 v25, v23;
	v18 =	vadd.f32 v18, v21  }
0x373: {  	v16 =	vadd.f32 v16, v19;
	v19 =	vld [tilespmem:s17+$0xC430]  }
0x374: {  	v21 =	vld [tilespmem:s17+$0xC440];
	v22 =	vadd.f32 v24, v22  }
0x375: {  	v8 =	vadd.f32 v16, v8;
	v16 =	vld [tilespmem:s17+$0xC450]  }
0x376: {  	v24 =	vld [tilespmem:s17+$0xC460];
	v17 =	vadd.f32 v20, v17;
	v20 =	vadd.f32 v22, v23  }
0x377: {  	v22 =	vld [tilespmem:s17+$0xC470]  }
0x378: {  	v19 =	vadd.f32 v19, v26;
	v18 =	vadd.f32 v20, v18;
	v20 =	vld [tilespmem:s17+$0xC800]  }
0x379: {  	v23 =	vld [tilespmem:s17+$0xC810]  }
0x37a: {  	v16 =	vadd.f32 v16, v21;
	v17 =	vadd.f32 v19, v17;
	v19 =	vld [tilespmem:s17+$0xC820]  }
0x37b: {  	v21 =	vld [tilespmem:s17+$0xC830]  }
0x37c: {  	v22 =	vadd.f32 v22, v24;
	v24 =	vld [tilespmem:s17+$0xC840]  }
0x37d: {  	v25 =	vld [tilespmem:s17+$0xC850]  }
0x37e: {  	v16 =	vadd.f32 v22, v16;
	v22 =	vld [tilespmem:s17+$0xC860];
	v20 =	vadd.f32 v23, v20  }
0x37f: {  	v23 =	vld [tilespmem:s17+$0xC870]  }
0x380: {  	v16 =	vadd.f32 v16, v17;
	v17 =	vld [tilespmem:s17+$0xCC00];
	v19 =	vadd.f32 v21, v19  }
0x381: {  	v21 =	vld [tilespmem:s17+$0xCC10]  }
0x382: {  	v26 =	vld [tilespmem:s17+$0xCC20];
	v24 =	vadd.f32 v25, v24;
	v19 =	vadd.f32 v19, v20  }
0x383: {  	v16 =	vadd.f32 v16, v18;
	v18 =	vld [tilespmem:s17+$0xCC30]  }
0x384: {  	v20 =	vld [tilespmem:s17+$0xCC40];
	v22 =	vadd.f32 v23, v22  }
0x385: {  	v7 =	vadd.f32 v16, v7;
	v16 =	vld [tilespmem:s17+$0xCC50]  }
0x386: {  	v23 =	vld [tilespmem:s17+$0xCC60];
	v17 =	vadd.f32 v21, v17;
	v21 =	vadd.f32 v22, v24  }
0x387: {  	v22 =	vld [tilespmem:s17+$0xCC70]  }
0x388: {  	v18 =	vadd.f32 v18, v26;
	v19 =	vadd.f32 v21, v19;
	v21 =	vld [tilespmem:s17+$0xD000]  }
0x389: {  	v24 =	vld [tilespmem:s17+$0xD010]  }
0x38a: {  	v16 =	vadd.f32 v16, v20;
	v17 =	vadd.f32 v18, v17;
	v18 =	vld [tilespmem:s17+$0xD020]  }
0x38b: {  	v20 =	vld [tilespmem:s17+$0xD030]  }
0x38c: {  	v22 =	vadd.f32 v22, v23;
	v23 =	vld [tilespmem:s17+$0xD040]  }
0x38d: {  	v25 =	vld [tilespmem:s17+$0xD050]  }
0x38e: {  	v16 =	vadd.f32 v22, v16;
	v22 =	vld [tilespmem:s17+$0xD060];
	v21 =	vadd.f32 v24, v21  }
0x38f: {  	v24 =	vld [tilespmem:s17+$0xD070]  }
0x390: {  	v16 =	vadd.f32 v16, v17;
	v17 =	vld [tilespmem:s17+$0xD400];
	v18 =	vadd.f32 v20, v18  }
0x391: {  	v20 =	vld [tilespmem:s17+$0xD410]  }
0x392: {  	v26 =	vld [tilespmem:s17+$0xD420];
	v23 =	vadd.f32 v25, v23;
	v18 =	vadd.f32 v18, v21  }
0x393: {  	v16 =	vadd.f32 v16, v19;
	v19 =	vld [tilespmem:s17+$0xD430]  }
0x394: {  	v21 =	vld [tilespmem:s17+$0xD440];
	v22 =	vadd.f32 v24, v22  }
0x395: {  	v6 =	vadd.f32 v16, v6;
	v16 =	vld [tilespmem:s17+$0xD450]  }
0x396: {  	v24 =	vld [tilespmem:s17+$0xD460];
	v17 =	vadd.f32 v20, v17;
	v20 =	vadd.f32 v22, v23  }
0x397: {  	v22 =	vld [tilespmem:s17+$0xD470]  }
0x398: {  	v19 =	vadd.f32 v19, v26;
	v18 =	vadd.f32 v20, v18;
	v20 =	vld [tilespmem:s17+$0xD800]  }
0x399: {  	v23 =	vld [tilespmem:s17+$0xD810]  }
0x39a: {  	v16 =	vadd.f32 v16, v21;
	v17 =	vadd.f32 v19, v17;
	v19 =	vld [tilespmem:s17+$0xD820]  }
0x39b: {  	v21 =	vld [tilespmem:s17+$0xD830]  }
0x39c: {  	v22 =	vadd.f32 v22, v24;
	v24 =	vld [tilespmem:s17+$0xD840]  }
0x39d: {  	v25 =	vld [tilespmem:s17+$0xD850]  }
0x39e: {  	v16 =	vadd.f32 v22, v16;
	v22 =	vld [tilespmem:s17+$0xD860];
	v20 =	vadd.f32 v23, v20  }
0x39f: {  	v23 =	vld [tilespmem:s17+$0xD870]  }
0x3a0: {  	v16 =	vadd.f32 v16, v17;
	v17 =	vld [tilespmem:s17+$0xDC00];
	v19 =	vadd.f32 v21, v19  }
0x3a1: {  	v21 =	vld [tilespmem:s17+$0xDC10]  }
0x3a2: {  	v26 =	vld [tilespmem:s17+$0xDC20];
	v24 =	vadd.f32 v25, v24;
	v19 =	vadd.f32 v19, v20  }
0x3a3: {  	v16 =	vadd.f32 v16, v18;
	v18 =	vld [tilespmem:s17+$0xDC30]  }
0x3a4: {  	v20 =	vld [tilespmem:s17+$0xDC40];
	v22 =	vadd.f32 v23, v22  }
0x3a5: {  	v5 =	vadd.f32 v16, v5;
	v16 =	vld [tilespmem:s17+$0xDC50]  }
0x3a6: {  	v23 =	vld [tilespmem:s17+$0xDC60];
	v17 =	vadd.f32 v21, v17;
	v21 =	vadd.f32 v22, v24  }
0x3a7: {  	v22 =	vld [tilespmem:s17+$0xDC70]  }
0x3a8: {  	v18 =	vadd.f32 v18, v26;
	v19 =	vadd.f32 v21, v19;
	v21 =	vld [tilespmem:s17+$0xE000]  }
0x3a9: {  	v24 =	vld [tilespmem:s17+$0xE010]  }
0x3aa: {  	v16 =	vadd.f32 v16, v20;
	v17 =	vadd.f32 v18, v17;
	v18 =	vld [tilespmem:s17+$0xE020]  }
0x3ab: {  	v20 =	vld [tilespmem:s17+$0xE030]  }
0x3ac: {  	v22 =	vadd.f32 v22, v23;
	v23 =	vld [tilespmem:s17+$0xE040]  }
0x3ad: {  	v25 =	vld [tilespmem:s17+$0xE050]  }
0x3ae: {  	v16 =	vadd.f32 v22, v16;
	v22 =	vld [tilespmem:s17+$0xE060];
	v21 =	vadd.f32 v24, v21  }
0x3af: {  	v24 =	vld [tilespmem:s17+$0xE070]  }
0x3b0: {  	v16 =	vadd.f32 v16, v17;
	v17 =	vld [tilespmem:s17+$0xE400];
	v18 =	vadd.f32 v20, v18  }
0x3b1: {  	v20 =	vld [tilespmem:s17+$0xE410]  }
0x3b2: {  	v26 =	vld [tilespmem:s17+$0xE420];
	v23 =	vadd.f32 v25, v23;
	v18 =	vadd.f32 v18, v21  }
0x3b3: {  	v16 =	vadd.f32 v16, v19;
	v19 =	vld [tilespmem:s17+$0xE430]  }
0x3b4: {  	v21 =	vld [tilespmem:s17+$0xE440];
	v22 =	vadd.f32 v24, v22  }
0x3b5: {  	v3 =	vadd.f32 v16, v3;
	v16 =	vld [tilespmem:s17+$0xE450]  }
0x3b6: {  	v24 =	vld [tilespmem:s17+$0xE460];
	v17 =	vadd.f32 v20, v17;
	v20 =	vadd.f32 v22, v23  }
0x3b7: {  	v22 =	vld [tilespmem:s17+$0xE470]  }
0x3b8: {  	v19 =	vadd.f32 v19, v26;
	v18 =	vadd.f32 v20, v18;
	v20 =	vld [tilespmem:s17+$0xE800]  }
0x3b9: {  	v23 =	vld [tilespmem:s17+$0xE810]  }
0x3ba: {  	v16 =	vadd.f32 v16, v21;
	v17 =	vadd.f32 v19, v17;
	v19 =	vld [tilespmem:s17+$0xE820]  }
0x3bb: {  	v21 =	vld [tilespmem:s17+$0xE830]  }
0x3bc: {  	v22 =	vadd.f32 v22, v24;
	v24 =	vld [tilespmem:s17+$0xE840]  }
0x3bd: {  	v25 =	vld [tilespmem:s17+$0xE850]  }
0x3be: {  	v16 =	vadd.f32 v22, v16;
	v22 =	vld [tilespmem:s17+$0xE860];
	v20 =	vadd.f32 v23, v20  }
0x3bf: {  	v23 =	vld [tilespmem:s17+$0xE870]  }
0x3c0: {  	v16 =	vadd.f32 v16, v17;
	v17 =	vld [tilespmem:s17+$0xEC00];
	v19 =	vadd.f32 v21, v19  }
0x3c1: {  	v21 =	vld [tilespmem:s17+$0xEC10]  }
0x3c2: {  	v26 =	vld [tilespmem:s17+$0xEC20];
	v24 =	vadd.f32 v25, v24;
	v19 =	vadd.f32 v19, v20  }
0x3c3: {  	v16 =	vadd.f32 v16, v18;
	v18 =	vld [tilespmem:s17+$0xEC30]  }
0x3c4: {  	v20 =	vld [tilespmem:s17+$0xEC40];
	v22 =	vadd.f32 v23, v22  }
0x3c5: {  	v2 =	vadd.f32 v16, v2;
	v16 =	vld [tilespmem:s17+$0xEC50]  }
0x3c6: {  	v23 =	vld [tilespmem:s17+$0xEC60];
	v17 =	vadd.f32 v21, v17;
	v21 =	vadd.f32 v22, v24  }
0x3c7: {  	v22 =	vld [tilespmem:s17+$0xEC70]  }
0x3c8: {  	v18 =	vadd.f32 v18, v26;
	v19 =	vadd.f32 v21, v19;
	v21 =	vld [tilespmem:s17+$0xF000]  }
0x3c9: {  	v24 =	vld [tilespmem:s17+$0xF010]  }
0x3ca: {  	v16 =	vadd.f32 v16, v20;
	v17 =	vadd.f32 v18, v17;
	v18 =	vld [tilespmem:s17+$0xF020]  }
0x3cb: {  	v20 =	vld [tilespmem:s17+$0xF030]  }
0x3cc: {  	v22 =	vadd.f32 v22, v23;
	v23 =	vld [tilespmem:s17+$0xF040]  }
0x3cd: {  	v25 =	vld [tilespmem:s17+$0xF050]  }
0x3ce: {  	v16 =	vadd.f32 v22, v16;
	v22 =	vld [tilespmem:s17+$0xF060];
	v21 =	vadd.f32 v24, v21  }
0x3cf: {  	v24 =	vld [tilespmem:s17+$0xF070]  }
0x3d0: {  	v16 =	vadd.f32 v16, v17;
	v17 =	vld [tilespmem:s17+$0xF400];
	v18 =	vadd.f32 v20, v18  }
0x3d1: {  	v20 =	vld [tilespmem:s17+$0xF410]  }
0x3d2: {  	v26 =	vld [tilespmem:s17+$0xF420];
	v23 =	vadd.f32 v25, v23;
	v18 =	vadd.f32 v18, v21  }
0x3d3: {  	v16 =	vadd.f32 v16, v19;
	v19 =	vld [tilespmem:s17+$0xF430]  }
0x3d4: {  	v21 =	vld [tilespmem:s17+$0xF440];
	v22 =	vadd.f32 v24, v22  }
0x3d5: {  	v1 =	vadd.f32 v16, v1;
	v24 =	vld [tilespmem:s17+$0xF450]  }
0x3d6: {  	s19 =	sshll.u32 s18, $0x7;
	v25 =	vld [tilespmem:s17+$0xF460];
	v20 =	vadd.f32 v20, v17;
	v17 =	vadd.f32 v22, v23  }
0x3d7: {  	v22 =	vld [tilespmem:s17+$0xF470];
	s17 =	sand.u32 $0x3FFFFF80, s19  }
0x3d8: {  	v16 =	vld [tilespmem:s17+$0xF800];
	v19 =	vadd.f32 v19, v26;
	v23 =	vadd.f32 v17, v18  }
0x3d9: {  	v17 =	vld [tilespmem:s17+$0xF810]  }
0x3da: {  	v18 =	vld [tilespmem:s17+$0xF820];
	v21 =	vadd.f32 v24, v21;
	v19 =	vadd.f32 v19, v20  }
0x3db: {  	v27 =	vld [tilespmem:s17+$0xF830]  }
0x3dc: {  	v28 =	vld [tilespmem:s17+$0xF840];
	v20 =	vadd.f32 v22, v25  }
0x3dd: {  	v39 =	vld [tilespmem:s17+$0xF850]  }
0x3de: {  	v44 =	vld [tilespmem:s17+$0xF860];
	v20 =	vadd.f32 v20, v21  }
0x3df: {  	v47 =	vld [tilespmem:s17+$0xF870]  }
0x3e0: {  	v49 =	vld [tilespmem:s17+$0xFC00];
	v19 =	vadd.f32 v20, v19  }
.Ltmp3:
0x3e1: {  	v50 =	vld [tilespmem:s17+$0xFC10];
	(pc) =	sbr.rel @p1 .LBB2_5-.Ltmp3, $4  }
0x3e2: {  	v53 =	vld [tilespmem:s17+$0xFC20];
	v19 =	vadd.f32 v19, v23  }
0x3e3: {  	v26 =	vld [tilespmem:s17+$0xFC30]  }
0x3e4: {  	v59 =	vld [tilespmem:s17+$0xFC40];
	v0 =	vadd.f32 v19, v0  }
0x3e5: {  	s18 =	sadd.s32 $0x1, s18;
	v23 =	vld [tilespmem:s17+$0xFC50]  }
0x3e6: {  	v20 =	vld [tilespmem:s17+$0xFC60]  }
0x3e7: {  	v19 =	vld [tilespmem:s17+$0xFC70]  }
0x3e8: {  	v38 =	vld [tilespmem:s17+$0x8000]  }
0x3e9: {  	v29 =	vld [tilespmem:s17+$0x8010]  }
0x3ea: {  	v30 =	vld [tilespmem:s17+$0x8020]  }
0x3eb: {  	v22 =	vld [tilespmem:s17+$0x8030]  }
0x3ec: {  	v31 =	vld [tilespmem:s17+$0x8040]  }
0x3ed: {  	v24 =	vld [tilespmem:s17+$0x8050]  }
0x3ee: {  	v40 =	vld [tilespmem:s17+$0x8060]  }
0x3ef: {  	v34 =	vld [tilespmem:s17+$0x8070]  }
0x3f0: {  	v41 =	vld [tilespmem:s17+$0x8400]  }
0x3f1: {  	v35 =	vld [tilespmem:s17+$0x8410]  }
0x3f2: {  	v36 =	vld [tilespmem:s17+$0x8420]  }
0x3f3: {  	v32 =	vld [tilespmem:s17+$0x8430]  }
0x3f4: {  	v37 =	vld [tilespmem:s17+$0x8440]  }
0x3f5: {  	v62 =	vld [tilespmem:s17+$0x9000];
	_ =	sdelay $0x4  }
0x3f6: {  	[tilespmem:$0x1EEA0] =	vst v62;
	v62 =	vld [tilespmem:s17+$0x9010];
	_ =	sdelay $0x4  }
0x3f7: {  	[tilespmem:$0x1EEB0] =	vst v62;
	v62 =	vld [tilespmem:s17+$0x9020];
	_ =	sdelay $0x4  }
0x3f8: {  	[tilespmem:$0x1EEC0] =	vst v62;
	v62 =	vld [tilespmem:s17+$0x9030];
	_ =	sdelay $0x4  }
0x3f9: {  	[tilespmem:$0x1EED0] =	vst v62;
	v62 =	vld [tilespmem:s17+$0x9040];
	_ =	sdelay $0x4  }
0x3fa: {  	[tilespmem:$0x1EEE0] =	vst v62;
	v62 =	vld [tilespmem:s17+$0x9050];
	_ =	sdelay $0x4  }
0x3fb: {  	[tilespmem:$0x1EEF0] =	vst v62;
	v62 =	vld [tilespmem:s17+$0x9060];
	_ =	sdelay $0x4  }
0x3fc: {  	[tilespmem:$0x1EF00] =	vst v62;
	v62 =	vld [tilespmem:s17+$0x9070];
	_ =	sdelay $0x4  }
0x3fd: {  	[tilespmem:$0x1EF10] =	vst v62;
	v62 =	vld [tilespmem:s17+$0x9400];
	_ =	sdelay $0x4  }
0x3fe: {  	[tilespmem:$0x1EF20] =	vst v62;
	v62 =	vld [tilespmem:s17+$0x9410];
	_ =	sdelay $0x4  }
0x3ff: {  	[tilespmem:$0x1EF30] =	vst v62;
	v62 =	vld [tilespmem:s17+$0x9420];
	_ =	sdelay $0x4  }
0x400: {  	[tilespmem:$0x1EF40] =	vst v62;
	v62 =	vld [tilespmem:s17+$0x9430];
	_ =	sdelay $0x4  }
0x401: {  	[tilespmem:$0x1EF50] =	vst v62;
	v62 =	vld [tilespmem:s17+$0x9440];
	_ =	sdelay $0x4  }
0x402: {  	[tilespmem:$0x1EF60] =	vst v62;
	v62 =	vld [tilespmem:s17+$0x9450];
	_ =	sdelay $0x4  }
0x403: {  	[tilespmem:$0x1EF70] =	vst v62;
	v62 =	vld [tilespmem:s17+$0x9460];
	_ =	sdelay $0x4  }
0x404: {  	[tilespmem:$0x1EF80] =	vst v62;
	v62 =	vld [tilespmem:s17+$0x9470];
	_ =	sdelay $0x4  }
0x405: {  	[tilespmem:$0x1EF90] =	vst v62;
	v62 =	vld [tilespmem:s17+$0x9800];
	_ =	sdelay $0x4  }
0x406: {  	[tilespmem:$0x1EFA0] =	vst v62;
	v62 =	vld [tilespmem:s17+$0x9810];
	_ =	sdelay $0x4  }
0x407: {  	[tilespmem:$0x1EFB0] =	vst v62;
	v62 =	vld [tilespmem:s17+$0x9820];
	_ =	sdelay $0x4  }
0x408: {  	[tilespmem:$0x1EFC0] =	vst v62;
	v62 =	vld [tilespmem:s17+$0x9830];
	_ =	sdelay $0x4  }
0x409: {  	[tilespmem:$0x1EFD0] =	vst v62;
	v62 =	vld [tilespmem:s17+$0x9840];
	_ =	sdelay $0x4  }
0x40a: {  	[tilespmem:$0x1EFE0] =	vst v62;
	v62 =	vld [tilespmem:s17+$0x9850];
	_ =	sdelay $0x4  }
0x40b: {  	[tilespmem:$0x1EFF0] =	vst v62;
	v62 =	vld [tilespmem:s17+$0x9860];
	_ =	sdelay $0x4  }
0x40c: {  	[tilespmem:$0x1F000] =	vst v62;
	v62 =	vld [tilespmem:s17+$0x9870];
	_ =	sdelay $0x4  }
0x40d: {  	[tilespmem:$0x1F010] =	vst v62;
	v62 =	vld [tilespmem:s17+$0x9C00];
	_ =	sdelay $0x4  }
0x40e: {  	[tilespmem:$0x1F020] =	vst v62;
	v62 =	vld [tilespmem:s17+$0x9C10];
	_ =	sdelay $0x4  }
0x40f: {  	[tilespmem:$0x1F030] =	vst v62;
	v62 =	vld [tilespmem:s17+$0x9C20];
	_ =	sdelay $0x4  }
0x410: {  	[tilespmem:$0x1F040] =	vst v62;
	v62 =	vld [tilespmem:s17+$0x9C30];
	_ =	sdelay $0x4  }
0x411: {  	[tilespmem:$0x1F050] =	vst v62;
	v62 =	vld [tilespmem:s17+$0x9C40];
	_ =	sdelay $0x4  }
0x412: {  	[tilespmem:$0x1F060] =	vst v62;
	v62 =	vld [tilespmem:s17+$0x9C50];
	_ =	sdelay $0x4  }
0x413: {  	[tilespmem:$0x1F070] =	vst v62;
	v62 =	vld [tilespmem:s17+$0x9C60];
	_ =	sdelay $0x4  }
0x414: {  	[tilespmem:$0x1F080] =	vst v62;
	v62 =	vld [tilespmem:s17+$0x9C70];
	_ =	sdelay $0x4  }
0x415: {  	[tilespmem:$0x1F090] =	vst v62;
	v62 =	vld [tilespmem:s17+$0xA000];
	_ =	sdelay $0x4  }
0x416: {  	[tilespmem:$0x1F0A0] =	vst v62;
	v62 =	vld [tilespmem:s17+$0xA010];
	_ =	sdelay $0x4  }
0x417: {  	[tilespmem:$0x1F0B0] =	vst v62;
	v62 =	vld [tilespmem:s17+$0xA020];
	_ =	sdelay $0x4  }
0x418: {  	[tilespmem:$0x1F0C0] =	vst v62;
	v62 =	vld [tilespmem:s17+$0xA030];
	_ =	sdelay $0x4  }
0x419: {  	[tilespmem:$0x1F0D0] =	vst v62;
	v62 =	vld [tilespmem:s17+$0xA040];
	_ =	sdelay $0x4  }
0x41a: {  	[tilespmem:$0x1F0E0] =	vst v62;
	v62 =	vld [tilespmem:s17+$0xA050];
	_ =	sdelay $0x4  }
0x41b: {  	[tilespmem:$0x1F0F0] =	vst v62;
	v62 =	vld [tilespmem:s17+$0xA060];
	_ =	sdelay $0x4  }
0x41c: {  	[tilespmem:$0x1F100] =	vst v62;
	v62 =	vld [tilespmem:s17+$0xA070];
	_ =	sdelay $0x4  }
0x41d: {  	[tilespmem:$0x1F110] =	vst v62;
	v62 =	vld [tilespmem:s17+$0xA400];
	_ =	sdelay $0x4  }
0x41e: {  	[tilespmem:$0x1F120] =	vst v62;
	v62 =	vld [tilespmem:s17+$0xA410];
	_ =	sdelay $0x4  }
0x41f: {  	[tilespmem:$0x1F130] =	vst v62;
	v62 =	vld [tilespmem:s17+$0xA420];
	_ =	sdelay $0x4  }
0x420: {  	[tilespmem:$0x1F140] =	vst v62;
	v62 =	vld [tilespmem:s17+$0xA430];
	_ =	sdelay $0x4  }
0x421: {  	[tilespmem:$0x1F150] =	vst v62;
	v62 =	vld [tilespmem:s17+$0xA440];
	_ =	sdelay $0x4  }
0x422: {  	[tilespmem:$0x1F160] =	vst v62;
	v62 =	vld [tilespmem:s17+$0xA450];
	_ =	sdelay $0x4  }
0x423: {  	[tilespmem:$0x1F170] =	vst v62;
	v62 =	vld [tilespmem:s17+$0xA460];
	_ =	sdelay $0x4  }
0x424: {  	[tilespmem:$0x1F180] =	vst v62;
	v62 =	vld [tilespmem:s17+$0xA470];
	_ =	sdelay $0x4  }
0x425: {  	[tilespmem:$0x1F190] =	vst v62;
	v62 =	vld [tilespmem:s17+$0xA800];
	_ =	sdelay $0x4  }
0x426: {  	[tilespmem:$0x1F1A0] =	vst v62;
	v62 =	vld [tilespmem:s17+$0xA810];
	_ =	sdelay $0x4  }
0x427: {  	[tilespmem:$0x1F1B0] =	vst v62;
	v62 =	vld [tilespmem:s17+$0xA820];
	_ =	sdelay $0x4  }
0x428: {  	[tilespmem:$0x1F1C0] =	vst v62;
	v62 =	vld [tilespmem:s17+$0xA830];
	_ =	sdelay $0x4  }
0x429: {  	[tilespmem:$0x1F1D0] =	vst v62;
	v62 =	vld [tilespmem:s17+$0xA840];
	_ =	sdelay $0x4  }
0x42a: {  	[tilespmem:$0x1F1E0] =	vst v62;
	v62 =	vld [tilespmem:s17+$0xA850];
	_ =	sdelay $0x4  }
0x42b: {  	[tilespmem:$0x1F1F0] =	vst v62;
	v62 =	vld [tilespmem:s17+$0xA860];
	_ =	sdelay $0x4  }
0x42c: {  	[tilespmem:$0x1F200] =	vst v62;
	v62 =	vld [tilespmem:s17+$0xA870];
	_ =	sdelay $0x4  }
0x42d: {  	[tilespmem:$0x1F210] =	vst v62;
	v62 =	vld [tilespmem:s17+$0xAC00];
	_ =	sdelay $0x4  }
0x42e: {  	[tilespmem:$0x1F220] =	vst v62;
	v62 =	vld [tilespmem:s17+$0xAC10];
	_ =	sdelay $0x4  }
0x42f: {  	[tilespmem:$0x1F230] =	vst v62;
	v62 =	vld [tilespmem:s17+$0xAC20];
	_ =	sdelay $0x4  }
0x430: {  	[tilespmem:$0x1F240] =	vst v62;
	v62 =	vld [tilespmem:s17+$0xAC30];
	_ =	sdelay $0x4  }
0x431: {  	[tilespmem:$0x1F250] =	vst v62;
	v62 =	vld [tilespmem:s17+$0xAC40];
	_ =	sdelay $0x4  }
0x432: {  	[tilespmem:$0x1F260] =	vst v62;
	v62 =	vld [tilespmem:s17+$0xAC50];
	_ =	sdelay $0x4  }
0x433: {  	[tilespmem:$0x1F270] =	vst v62;
	v62 =	vld [tilespmem:s17+$0xAC60];
	_ =	sdelay $0x4  }
0x434: {  	[tilespmem:$0x1F280] =	vst v62;
	v62 =	vld [tilespmem:s17+$0xAC70];
	_ =	sdelay $0x4  }
0x435: {  	[tilespmem:$0x1F290] =	vst v62;
	v62 =	vld [tilespmem:s17+$0xB000];
	_ =	sdelay $0x4  }
0x436: {  	[tilespmem:$0x1F2A0] =	vst v62;
	v62 =	vld [tilespmem:s17+$0xB010];
	_ =	sdelay $0x4  }
0x437: {  	[tilespmem:$0x1F2B0] =	vst v62;
	v62 =	vld [tilespmem:s17+$0xB020];
	_ =	sdelay $0x4  }
0x438: {  	[tilespmem:$0x1F2C0] =	vst v62;
	v62 =	vld [tilespmem:s17+$0xB030];
	_ =	sdelay $0x4  }
0x439: {  	[tilespmem:$0x1F2D0] =	vst v62;
	v62 =	vld [tilespmem:s17+$0xB040];
	_ =	sdelay $0x4  }
0x43a: {  	[tilespmem:$0x1F2E0] =	vst v62;
	v62 =	vld [tilespmem:s17+$0xB050];
	_ =	sdelay $0x4  }
0x43b: {  	[tilespmem:$0x1F2F0] =	vst v62;
	v62 =	vld [tilespmem:s17+$0xB060];
	_ =	sdelay $0x4  }
0x43c: {  	[tilespmem:$0x1F300] =	vst v62;
	v62 =	vld [tilespmem:s17+$0xB070];
	_ =	sdelay $0x4  }
0x43d: {  	[tilespmem:$0x1F310] =	vst v62;
	v62 =	vld [tilespmem:s17+$0xB400];
	_ =	sdelay $0x4  }
0x43e: {  	[tilespmem:$0x1F320] =	vst v62;
	v62 =	vld [tilespmem:s17+$0xB410];
	_ =	sdelay $0x4  }
0x43f: {  	[tilespmem:$0x1F330] =	vst v62;
	v62 =	vld [tilespmem:s17+$0xB420];
	_ =	sdelay $0x4  }
0x440: {  	[tilespmem:$0x1F340] =	vst v62;
	v62 =	vld [tilespmem:s17+$0xB430];
	_ =	sdelay $0x4  }
0x441: {  	[tilespmem:$0x1F350] =	vst v62;
	v62 =	vld [tilespmem:s17+$0xB440];
	_ =	sdelay $0x4  }
0x442: {  	[tilespmem:$0x1F360] =	vst v62;
	v62 =	vld [tilespmem:s17+$0xB450];
	_ =	sdelay $0x4  }
0x443: {  	[tilespmem:$0x1F370] =	vst v62;
	v62 =	vld [tilespmem:s17+$0xB460];
	_ =	sdelay $0x4  }
0x444: {  	[tilespmem:$0x1F380] =	vst v62;
	v62 =	vld [tilespmem:s17+$0xB470];
	_ =	sdelay $0x4  }
0x445: {  	[tilespmem:$0x1F390] =	vst v62;
	v62 =	vld [tilespmem:s17+$0xB800];
	_ =	sdelay $0x4  }
0x446: {  	[tilespmem:$0x1F3A0] =	vst v62;
	v62 =	vld [tilespmem:s17+$0xB810];
	_ =	sdelay $0x4  }
0x447: {  	[tilespmem:$0x1F3B0] =	vst v62;
	v62 =	vld [tilespmem:s17+$0xB820];
	_ =	sdelay $0x4  }
0x448: {  	[tilespmem:$0x1F3C0] =	vst v62;
	v62 =	vld [tilespmem:s17+$0xB830];
	_ =	sdelay $0x4  }
0x449: {  	[tilespmem:$0x1F3D0] =	vst v62;
	v62 =	vld [tilespmem:s17+$0xB840];
	_ =	sdelay $0x4  }
0x44a: {  	[tilespmem:$0x1F3E0] =	vst v62;
	v62 =	vld [tilespmem:s17+$0xB850];
	_ =	sdelay $0x4  }
0x44b: {  	[tilespmem:$0x1F3F0] =	vst v62;
	v62 =	vld [tilespmem:s17+$0xB860];
	_ =	sdelay $0x4  }
0x44c: {  	[tilespmem:$0x1F400] =	vst v62;
	v62 =	vld [tilespmem:s17+$0xB870];
	_ =	sdelay $0x4  }
0x44d: {  	[tilespmem:$0x1F410] =	vst v62;
	v62 =	vld [tilespmem:s17+$0xBC00];
	_ =	sdelay $0x4  }
0x44e: {  	[tilespmem:$0x1F420] =	vst v62;
	v62 =	vld [tilespmem:s17+$0xBC10];
	_ =	sdelay $0x4  }
0x44f: {  	[tilespmem:$0x1F430] =	vst v62;
	v62 =	vld [tilespmem:s17+$0xBC20];
	_ =	sdelay $0x4  }
0x450: {  	[tilespmem:$0x1F440] =	vst v62;
	v62 =	vld [tilespmem:s17+$0xBC30];
	_ =	sdelay $0x1  }
0x451: {  	v33 =	vld [tilespmem:s17+$0x8450];
	v16 =	vadd.f32 v17, v16;
	v17 =	vadd.f32 v27, v18  }
0x452: {  	v25 =	vld [tilespmem:s17+$0x8460];
	v18 =	vadd.f32 v39, v28;
	v50 =	vadd.f32 v50, v49  }
0x453: {  	v21 =	vld [tilespmem:s17+$0x8470];
	v23 =	vadd.f32 v23, v59;
	v19 =	vadd.f32 v19, v20  }
0x454: {  	v46 =	vld [tilespmem:s17+$0x8800];
	v26 =	vadd.f32 v26, v53;
	[tilespmem:$0x1F450] =	vst v62;
	v62 =	vadd.f32 v47, v44  }
0x455: {  	v45 =	vld [tilespmem:s17+$0x8810];
	v16 =	vadd.f32 v17, v16;
	v19 =	vadd.f32 v19, v23  }
0x456: {  	v43 =	vld [tilespmem:s17+$0x8820];
	v17 =	vadd.f32 v62, v18;
	v62 =	vadd.f32 v26, v50  }
0x457: {  	v42 =	vld [tilespmem:s17+$0x8830]  }
0x458: {  	v52 =	vld [tilespmem:s17+$0x8840];
	v16 =	vadd.f32 v17, v16;
	v17 =	vadd.f32 v19, v62  }
0x459: {  	v48 =	vld [tilespmem:s17+$0x8850];
	v53 =	vadd.f32 v22, v30;
	v32 =	vadd.f32 v32, v36  }
0x45a: {  	v21 =	vadd.f32 v21, v25;
	v16 =	vadd.f32 v17, v16;
	v17 =	vld [tilespmem:s17+$0xC050]  }
0x45b: {  	v51 =	vld [tilespmem:s17+$0x8860];
	v62 =	vadd.f32 v24, v31;
	v31 =	vadd.f32 v35, v41  }
0x45c: {  	v57 =	vld [tilespmem:s17+$0x8870];
	v50 =	vadd.f32 v29, v38;
	v35 =	vadd.f32 v33, v37  }
0x45d: {  	v63 =	vld [tilespmem:s17+$0x8C00];
	v29 =	vadd.f32 v34, v40;
	v38 =	vadd.f32 v32, v31  }
0x45e: {  	v58 =	vld [tilespmem:s17+$0x8C10];
	v40 =	vadd.f32 v21, v35;
	v4 =	vadd.f32 v16, v4  }
0x45f: {  	v60 =	vld [tilespmem:s17+$0x8C20];
	v16 =	vadd.f32 v29, v62;
	[tilespmem:$0x1F490] =	vst v17;
	v17 =	vadd.f32 v53, v50  }
0x460: {  	v54 =	vld [tilespmem:s17+$0x8C30]  }
0x461: {  	v61 =	vld [tilespmem:s17+$0x8C40];
	v16 =	vadd.f32 v16, v17;
	v17 =	vadd.f32 v40, v38  }
0x462: {  	v59 =	vld [tilespmem:s17+$0xC040];
	[tilespmem:$0x1EE90] =	vst v51  }
0x463: {  	v16 =	vadd.f32 v17, v16;
	v17 =	vld [tilespmem:$0x1EE90]  }
0x464: {  	v55 =	vld [tilespmem:s17+$0x8C50]  }
0x465: {  	v56 =	vld [tilespmem:s17+$0x8C60]  }
0x466: {  	v49 =	vld [tilespmem:s17+$0xC030]  }
0x467: {  	v51 =	vld [tilespmem:s17+$0x8C70]  }
0x468: {  	[tilespmem:$0x1F480] =	vst v59;
	v59 =	vadd.f32 v48, v52;
	v34 =	vld [tilespmem:s17+$0xC070];
	v17 =	vadd.f32 v57, v17  }
0x469: {  	v37 =	vld [tilespmem:s17+$0xC410]  }
0x46a: {  	v15 =	vadd.f32 v16, v15;
	v16 =	vadd.f32 v17, v59;
	v17 =	vld [tilespmem:s17+$0xC810];
	_ =	sdelay $0x1  }
0x46b: {  	[tilespmem:$0x1F470] =	vst v49;
	v31 =	vadd.f32 v58, v63;
	v32 =	vadd.f32 v54, v60  }
0x46c: {  	v35 =	vadd.f32 v51, v56;
	[tilespmem:$0x1F4B0] =	vst v34;
	v34 =	vadd.f32 v55, v61  }
0x46d: {  	v46 =	vadd.f32 v45, v46;
	v49 =	vadd.f32 v42, v43;
	[tilespmem:$0x1F4D0] =	vst v37  }
0x46e: {  	v37 =	vadd.f32 v35, v34;
	[tilespmem:$0x1F550] =	vst v17;
	v17 =	vadd.f32 v32, v31;
	_ =	sdelay $0x1  }
0x46f: {  	v62 =	vadd.f32 v49, v46;
	v46 =	vadd.f32 v37, v17;
	v17 =	vld [tilespmem:s17+$0xC840];
	_ =	sdelay $0x3  }
0x470: {  	v48 =	vld [tilespmem:$0x1EEF0]  }
0x471: {  	[tilespmem:$0x1F580] =	vst v17;
	v17 =	vld [tilespmem:$0x1EEE0];
	_ =	sdelay $0x4  }
0x472: {  	v49 =	vadd.f32 v48, v17;
	v17 =	vld [tilespmem:s17+$0xC850];
	_ =	sdelay $0x1  }
0x473: {  	v16 =	vadd.f32 v16, v62;
	_ =	sdelay $0x1  }
0x474: {  	v51 =	vadd.f32 v46, v16;
	v16 =	vld [tilespmem:$0x1EF00]  }
0x475: {  	[tilespmem:$0x1F590] =	vst v17;
	v17 =	vld [tilespmem:$0x1EF10];
	_ =	sdelay $0x4  }
0x476: {  	v52 =	vadd.f32 v17, v16;
	v16 =	vld [tilespmem:s17+$0xC860];
	_ =	sdelay $0x2  }
0x477: {  	v53 =	vld [tilespmem:s17+$0xC440]  }
0x478: {  	v17 =	vld [tilespmem:$0x1EF30]  }
0x479: {  	[tilespmem:$0x1F5A0] =	vst v16;
	v16 =	vld [tilespmem:$0x1EF20];
	_ =	sdelay $0x4  }
0x47a: {  	[tilespmem:$0x1F500] =	vst v53;
	v53 =	vadd.f32 v17, v16;
	v16 =	vld [tilespmem:$0x1EF40]  }
0x47b: {  	v17 =	vld [tilespmem:$0x1EF50];
	_ =	sdelay $0x4  }
0x47c: {  	v54 =	vadd.f32 v17, v16;
	v16 =	vld [tilespmem:s17+$0xC870];
	_ =	sdelay $0x3  }
0x47d: {  	v17 =	vld [tilespmem:$0x1EF70]  }
0x47e: {  	[tilespmem:$0x1F5B0] =	vst v16;
	v16 =	vld [tilespmem:$0x1EF60];
	_ =	sdelay $0x4  }
0x47f: {  	v55 =	vadd.f32 v17, v16;
	v16 =	vld [tilespmem:$0x1EF80]  }
0x480: {  	v17 =	vld [tilespmem:$0x1EF90];
	_ =	sdelay $0x4  }
0x481: {  	v56 =	vadd.f32 v17, v16;
	v16 =	vld [tilespmem:s17+$0xCC00];
	_ =	sdelay $0x4  }
0x482: {  	[tilespmem:$0x1F5C0] =	vst v16;
	v16 =	vld [tilespmem:s17+$0xCC10];
	_ =	sdelay $0x4  }
0x483: {  	[tilespmem:$0x1F5D0] =	vst v16;
	v16 =	vld [tilespmem:s17+$0xCC20];
	_ =	sdelay $0x3  }
0x484: {  	v17 =	vld [tilespmem:$0x1EFB0]  }
0x485: {  	[tilespmem:$0x1F5E0] =	vst v16;
	v16 =	vld [tilespmem:$0x1EFA0];
	_ =	sdelay $0x4  }
0x486: {  	v59 =	vadd.f32 v17, v16;
	v16 =	vld [tilespmem:$0x1EFC0]  }
0x487: {  	v17 =	vld [tilespmem:$0x1EFD0];
	_ =	sdelay $0x4  }
0x488: {  	v60 =	vadd.f32 v17, v16;
	v16 =	vld [tilespmem:s17+$0xCC30];
	_ =	sdelay $0x3  }
0x489: {  	v17 =	vld [tilespmem:$0x1EFF0]  }
0x48a: {  	[tilespmem:$0x1F5F0] =	vst v16;
	v16 =	vld [tilespmem:$0x1EFE0];
	_ =	sdelay $0x2  }
0x48b: {  	v41 =	vld [tilespmem:s17+$0xC420]  }
0x48c: {  	v42 =	vld [tilespmem:$0x1EEC0]  }
0x48d: {  	v61 =	vadd.f32 v17, v16;
	v16 =	vld [tilespmem:$0x1F000]  }
0x48e: {  	v17 =	vld [tilespmem:$0x1F010]  }
0x48f: {  	v43 =	vld [tilespmem:$0x1EED0]  }
0x490: {  	[tilespmem:$0x1F4E0] =	vst v41;
	v41 =	vld [tilespmem:$0x1EEB0]  }
0x491: {  	v50 =	vld [tilespmem:s17+$0xC430]  }
0x492: {  	v40 =	vld [tilespmem:$0x1EEA0]  }
0x493: {  	v20 =	vadd.f32 v17, v16;
	v16 =	vld [tilespmem:$0x1F020]  }
0x494: {  	v17 =	vld [tilespmem:$0x1F030];
	_ =	sdelay $0x2  }
0x495: {  	v22 =	vadd.f32 v43, v42;
	v21 =	vadd.f32 v41, v40;
	_ =	sdelay $0x1  }
0x496: {  	[tilespmem:$0x1F4F0] =	vst v50;
	v50 =	vadd.f32 v22, v21;
	v21 =	vadd.f32 v17, v16;
	v16 =	vld [tilespmem:$0x1F040]  }
0x497: {  	v17 =	vld [tilespmem:$0x1F050];
	_ =	sdelay $0x4  }
0x498: {  	v22 =	vadd.f32 v17, v16;
	v16 =	vld [tilespmem:s17+$0xCC70];
	_ =	sdelay $0x3  }
0x499: {  	v17 =	vld [tilespmem:$0x1F070]  }
0x49a: {  	[tilespmem:$0x1F600] =	vst v16;
	v16 =	vld [tilespmem:$0x1F060];
	_ =	sdelay $0x4  }
0x49b: {  	v23 =	vadd.f32 v17, v16;
	v16 =	vld [tilespmem:$0x1F080]  }
0x49c: {  	v17 =	vld [tilespmem:$0x1F090];
	_ =	sdelay $0x4  }
0x49d: {  	v24 =	vadd.f32 v17, v16;
	v16 =	vld [tilespmem:s17+$0xD000];
	_ =	sdelay $0x4  }
0x49e: {  	[tilespmem:$0x1F610] =	vst v16;
	v16 =	vld [tilespmem:s17+$0xD010];
	_ =	sdelay $0x4  }
0x49f: {  	[tilespmem:$0x1F620] =	vst v16;
	v16 =	vld [tilespmem:s17+$0xD020];
	_ =	sdelay $0x2  }
0x4a0: {  	v33 =	vld [tilespmem:s17+$0xC470]  }
0x4a1: {  	v17 =	vld [tilespmem:$0x1F0B0]  }
0x4a2: {  	[tilespmem:$0x1F630] =	vst v16;
	v16 =	vld [tilespmem:$0x1F0A0];
	_ =	sdelay $0x4  }
0x4a3: {  	[tilespmem:$0x1F530] =	vst v33;
	v33 =	vadd.f32 v17, v16;
	v16 =	vld [tilespmem:$0x1F0C0]  }
0x4a4: {  	v17 =	vld [tilespmem:$0x1F0D0];
	_ =	sdelay $0x4  }
0x4a5: {  	v35 =	vadd.f32 v17, v16;
	v16 =	vld [tilespmem:s17+$0xD030];
	_ =	sdelay $0x4  }
0x4a6: {  	[tilespmem:$0x1F640] =	vst v16;
	v16 =	vld [tilespmem:s17+$0xD040];
	_ =	sdelay $0x3  }
0x4a7: {  	v17 =	vld [tilespmem:$0x1F0F0]  }
0x4a8: {  	[tilespmem:$0x1F650] =	vst v16;
	v16 =	vld [tilespmem:$0x1F0E0];
	_ =	sdelay $0x4  }
0x4a9: {  	v37 =	vadd.f32 v17, v16;
	v16 =	vld [tilespmem:s17+$0xD050];
	_ =	sdelay $0x3  }
0x4aa: {  	v17 =	vld [tilespmem:$0x1F110]  }
0x4ab: {  	[tilespmem:$0x1F660] =	vst v16;
	v16 =	vld [tilespmem:$0x1F100];
	_ =	sdelay $0x4  }
0x4ac: {  	v58 =	vadd.f32 v56, v55;
	v56 =	vadd.f32 v17, v16;
	v16 =	vld [tilespmem:s17+$0xD060];
	_ =	sdelay $0x3  }
0x4ad: {  	v17 =	vld [tilespmem:$0x1F130]  }
0x4ae: {  	[tilespmem:$0x1F670] =	vst v16;
	v16 =	vld [tilespmem:$0x1F120];
	_ =	sdelay $0x2  }
0x4af: {  	v57 =	vadd.f32 v52, v49  }
0x4b0: {  	v29 =	vld [tilespmem:s17+$0xC450]  }
0x4b1: {  	v32 =	vadd.f32 v57, v50;
	v57 =	vadd.f32 v17, v16;
	v16 =	vld [tilespmem:$0x1F140]  }
0x4b2: {  	v17 =	vld [tilespmem:$0x1F150];
	_ =	sdelay $0x2  }
0x4b3: {  	v25 =	vadd.f32 v54, v53;
	_ =	sdelay $0x1  }
0x4b4: {  	[tilespmem:$0x1F510] =	vst v29;
	v29 =	vadd.f32 v58, v25;
	v58 =	vadd.f32 v17, v16;
	v16 =	vld [tilespmem:s17+$0xD070];
	_ =	sdelay $0x3  }
0x4b5: {  	v17 =	vld [tilespmem:$0x1F170]  }
0x4b6: {  	[tilespmem:$0x1F680] =	vst v16;
	v16 =	vld [tilespmem:$0x1F160];
	_ =	sdelay $0x4  }
0x4b7: {  	v62 =	vadd.f32 v60, v59;
	v59 =	vadd.f32 v17, v16;
	v16 =	vld [tilespmem:$0x1F180]  }
0x4b8: {  	v17 =	vld [tilespmem:$0x1F190];
	_ =	sdelay $0x4  }
0x4b9: {  	v60 =	vadd.f32 v17, v16;
	v16 =	vld [tilespmem:s17+$0xD400];
	_ =	sdelay $0x4  }
0x4ba: {  	[tilespmem:$0x1F690] =	vst v16;
	v16 =	vld [tilespmem:s17+$0xD410];
	_ =	sdelay $0x4  }
0x4bb: {  	[tilespmem:$0x1F6A0] =	vst v16;
	v16 =	vld [tilespmem:s17+$0xD420];
	_ =	sdelay $0x3  }
0x4bc: {  	v17 =	vld [tilespmem:$0x1F1B0]  }
0x4bd: {  	[tilespmem:$0x1F6B0] =	vst v16;
	v16 =	vld [tilespmem:$0x1F1A0];
	_ =	sdelay $0x2  }
0x4be: {  	v63 =	vadd.f32 v29, v32;
	_ =	sdelay $0x1  }
0x4bf: {  	v13 =	vadd.f32 v63, v13;
	v63 =	vadd.f32 v17, v16;
	v16 =	vld [tilespmem:$0x1F1C0]  }
0x4c0: {  	v17 =	vld [tilespmem:$0x1F1D0];
	_ =	sdelay $0x4  }
0x4c1: {  	v31 =	vadd.f32 v20, v61;
	v20 =	vadd.f32 v17, v16;
	v16 =	vld [tilespmem:s17+$0xD430];
	_ =	sdelay $0x2  }
0x4c2: {  	v36 =	vld [tilespmem:s17+$0xC400];
	_ =	sdelay $0x1  }
0x4c3: {  	[tilespmem:$0x1F6C0] =	vst v16;
	v16 =	vld [tilespmem:s17+$0xD440];
	_ =	sdelay $0x2  }
0x4c4: {  	[tilespmem:$0x1F4C0] =	vst v36;
	v36 =	vld [tilespmem:s17+$0xC800]  }
0x4c5: {  	v17 =	vld [tilespmem:$0x1F1F0]  }
0x4c6: {  	[tilespmem:$0x1F6D0] =	vst v16;
	v16 =	vld [tilespmem:$0x1F1E0];
	_ =	sdelay $0x4  }
0x4c7: {  	[tilespmem:$0x1F540] =	vst v36;
	v36 =	vadd.f32 v22, v21;
	v21 =	vadd.f32 v17, v16;
	v16 =	vld [tilespmem:s17+$0xD450];
	_ =	sdelay $0x3  }
0x4c8: {  	v17 =	vld [tilespmem:$0x1F210]  }
0x4c9: {  	[tilespmem:$0x1F6E0] =	vst v16;
	v16 =	vld [tilespmem:$0x1F200];
	_ =	sdelay $0x4  }
0x4ca: {  	v22 =	vadd.f32 v17, v16;
	v16 =	vld [tilespmem:s17+$0xD460];
	_ =	sdelay $0x3  }
0x4cb: {  	v17 =	vld [tilespmem:$0x1F230]  }
0x4cc: {  	[tilespmem:$0x1F6F0] =	vst v16;
	v16 =	vld [tilespmem:$0x1F220];
	_ =	sdelay $0x4  }
0x4cd: {  	v32 =	vadd.f32 v24, v23;
	v23 =	vadd.f32 v17, v16;
	v16 =	vld [tilespmem:$0x1F240]  }
0x4ce: {  	v17 =	vld [tilespmem:$0x1F250];
	_ =	sdelay $0x4  }
0x4cf: {  	v24 =	vadd.f32 v17, v16;
	v16 =	vld [tilespmem:$0x1F260]  }
0x4d0: {  	v17 =	vld [tilespmem:$0x1F270];
	_ =	sdelay $0x4  }
0x4d1: {  	v41 =	vadd.f32 v31, v62;
	v31 =	vadd.f32 v17, v16;
	v16 =	vld [tilespmem:$0x1F280]  }
0x4d2: {  	v17 =	vld [tilespmem:$0x1F290];
	_ =	sdelay $0x4  }
0x4d3: {  	v36 =	vadd.f32 v32, v36;
	v32 =	vadd.f32 v17, v16;
	v16 =	vld [tilespmem:s17+$0xD800];
	_ =	sdelay $0x3  }
0x4d4: {  	v17 =	vld [tilespmem:$0x1F2B0]  }
0x4d5: {  	[tilespmem:$0x1F700] =	vst v16;
	v16 =	vld [tilespmem:$0x1F2A0];
	_ =	sdelay $0x4  }
0x4d6: {  	v41 =	vadd.f32 v36, v41;
	v36 =	vadd.f32 v17, v16;
	v16 =	vld [tilespmem:$0x1F2C0]  }
0x4d7: {  	v17 =	vld [tilespmem:$0x1F2D0];
	_ =	sdelay $0x4  }
0x4d8: {  	v61 =	vadd.f32 v56, v37;
	v37 =	vadd.f32 v17, v16;
	v16 =	vld [tilespmem:$0x1F2E0]  }
0x4d9: {  	v17 =	vld [tilespmem:$0x1F2F0];
	_ =	sdelay $0x4  }
0x4da: {  	v40 =	vadd.f32 v17, v16;
	v16 =	vld [tilespmem:$0x1F300]  }
0x4db: {  	v17 =	vld [tilespmem:$0x1F310];
	_ =	sdelay $0x4  }
0x4dc: {  	v12 =	vadd.f32 v41, v12;
	v41 =	vadd.f32 v17, v16;
	v16 =	vld [tilespmem:$0x1F320]  }
0x4dd: {  	v17 =	vld [tilespmem:$0x1F330];
	_ =	sdelay $0x4  }
0x4de: {  	v42 =	vadd.f32 v17, v16;
	v16 =	vld [tilespmem:$0x1F340]  }
0x4df: {  	v17 =	vld [tilespmem:$0x1F350];
	_ =	sdelay $0x4  }
0x4e0: {  	v43 =	vadd.f32 v17, v16;
	v16 =	vld [tilespmem:$0x1F360]  }
0x4e1: {  	v17 =	vld [tilespmem:$0x1F370];
	_ =	sdelay $0x1  }
0x4e2: {  	v46 =	vadd.f32 v58, v57;
	v62 =	vadd.f32 v60, v59;
	_ =	sdelay $0x1  }
0x4e3: {  	v46 =	vadd.f32 v62, v46;
	v62 =	vld [tilespmem:$0x1F390]  }
0x4e4: {  	v17 =	vadd.f32 v17, v16;
	v16 =	vld [tilespmem:$0x1F380]  }
0x4e5: {  	v38 =	vld [tilespmem:s17+$0xC820];
	_ =	sdelay $0x3  }
0x4e6: {  	v16 =	vadd.f32 v62, v16  }
0x4e7: {  	[tilespmem:$0x1F560] =	vst v38;
	v38 =	vadd.f32 v35, v33;
	v35 =	vadd.f32 v32, v31;
	v31 =	vld [tilespmem:$0x1F3B0]  }
0x4e8: {  	v16 =	vadd.f32 v16, v17;
	v17 =	vld [tilespmem:$0x1F3A0]  }
0x4e9: {  	v54 =	vadd.f32 v61, v38  }
0x4ea: {  	v14 =	vadd.f32 v51, v14  }
0x4eb: {  	v46 =	vadd.f32 v46, v54;
	v51 =	vadd.f32 v20, v63  }
0x4ec: {  	v33 =	vadd.f32 v22, v21;
	v34 =	vadd.f32 v24, v23;
	v32 =	vld [tilespmem:$0x1F3D0]  }
0x4ed: {  	v11 =	vadd.f32 v46, v11;
	v19 =	vadd.f32 v31, v17;
	v17 =	vld [tilespmem:$0x1F3C0]  }
0x4ee: {  	v46 =	vadd.f32 v33, v51;
	v38 =	vadd.f32 v35, v34;
	_ =	sdelay $0x1  }
0x4ef: {  	v46 =	vadd.f32 v38, v46  }
0x4f0: {  	v34 =	vld [tilespmem:$0x1F3F0];
	v60 =	vadd.f32 v37, v36;
	v24 =	vadd.f32 v41, v40  }
0x4f1: {  	v18 =	vadd.f32 v43, v42;
	v33 =	vadd.f32 v32, v17;
	v17 =	vld [tilespmem:$0x1F3E0]  }
0x4f2: {  	v10 =	vadd.f32 v46, v10  }
0x4f3: {  	v46 =	vadd.f32 v24, v60;
	v16 =	vadd.f32 v16, v18;
	_ =	sdelay $0x1  }
0x4f4: {  	v37 =	vadd.f32 v16, v46;
	v16 =	vld [tilespmem:$0x1F400]  }
0x4f5: {  	v35 =	vadd.f32 v34, v17;
	v17 =	vld [tilespmem:$0x1F410];
	_ =	sdelay $0x4  }
0x4f6: {  	v38 =	vadd.f32 v17, v16;
	v16 =	vld [tilespmem:$0x1F420]  }
0x4f7: {  	v17 =	vld [tilespmem:$0x1F430];
	_ =	sdelay $0x3  }
0x4f8: {  	v27 =	vld [tilespmem:s17+$0xBC40]  }
0x4f9: {  	v62 =	vadd.f32 v17, v16;
	v16 =	vld [tilespmem:$0x1F440]  }
0x4fa: {  	v17 =	vld [tilespmem:$0x1F450];
	_ =	sdelay $0x1  }
0x4fb: {  	v39 =	vld [tilespmem:s17+$0xBC50]  }
0x4fc: {  	v44 =	vld [tilespmem:s17+$0xBC60]  }
0x4fd: {  	[tilespmem:$0x1F460] =	vst v27;
	v47 =	vld [tilespmem:s17+$0xBC70]  }
0x4fe: {  	v24 =	vadd.f32 v17, v16;
	v16 =	vld [tilespmem:$0x1F460];
	_ =	sdelay $0x4  }
0x4ff: {  	v17 =	vadd.f32 v39, v16;
	v16 =	vadd.f32 v47, v44  }
0x500: {  	v28 =	vld [tilespmem:s17+$0xC020]  }
0x501: {  	v16 =	vadd.f32 v16, v17;
	v17 =	vld [tilespmem:$0x1F470];
	_ =	sdelay $0x2  }
0x502: {  	v30 =	vld [tilespmem:s17+$0xC060]  }
0x503: {  	v36 =	vadd.f32 v33, v19;
	v34 =	vld [tilespmem:$0x1F490];
	v31 =	vadd.f32 v38, v35  }
0x504: {  	v18 =	vadd.f32 v24, v62;
	v33 =	vadd.f32 v17, v28;
	v17 =	vld [tilespmem:$0x1F480];
	_ =	sdelay $0x1  }
0x505: {  	v20 =	vadd.f32 v31, v36;
	v16 =	vadd.f32 v16, v18  }
0x506: {  	[tilespmem:$0x1F4A0] =	vst v30  }
0x507: {  	v21 =	vadd.f32 v16, v20;
	v16 =	vld [tilespmem:$0x1F4A0]  }
0x508: {  	v35 =	vadd.f32 v34, v17;
	v17 =	vld [tilespmem:$0x1F4B0];
	_ =	sdelay $0x4  }
0x509: {  	v28 =	vadd.f32 v17, v16;
	v16 =	vld [tilespmem:$0x1F4C0]  }
0x50a: {  	v17 =	vld [tilespmem:$0x1F4D0];
	_ =	sdelay $0x2  }
0x50b: {  	v27 =	vld [tilespmem:s17+$0xC000]  }
0x50c: {  	v26 =	vld [tilespmem:s17+$0xC010]  }
0x50d: {  	v31 =	vadd.f32 v17, v16;
	v16 =	vld [tilespmem:$0x1F4E0]  }
0x50e: {  	v17 =	vld [tilespmem:$0x1F4F0];
	_ =	sdelay $0x2  }
0x50f: {  	v32 =	vadd.f32 v26, v27  }
0x510: {  	v30 =	vld [tilespmem:s17+$0xC460]  }
0x511: {  	v23 =	vadd.f32 v33, v32;
	v32 =	vadd.f32 v17, v16;
	v16 =	vld [tilespmem:$0x1F500]  }
0x512: {  	v17 =	vld [tilespmem:$0x1F510];
	_ =	sdelay $0x3  }
0x513: {  	[tilespmem:$0x1F520] =	vst v30;
	v33 =	vld [tilespmem:$0x1F530]  }
0x514: {  	v17 =	vadd.f32 v17, v16;
	v16 =	vld [tilespmem:$0x1F520];
	_ =	sdelay $0x2  }
0x515: {  	v45 =	vld [tilespmem:s17+$0xC830];
	_ =	sdelay $0x1  }
0x516: {  	v16 =	vadd.f32 v33, v16  }
0x517: {  	v34 =	vld [tilespmem:$0x1F550]  }
0x518: {  	v16 =	vadd.f32 v16, v17;
	v17 =	vld [tilespmem:$0x1F540]  }
0x519: {  	[tilespmem:$0x1F570] =	vst v45;
	v45 =	vld [tilespmem:s17+$0xDC60]  }
0x51a: {  	v30 =	vld [tilespmem:s17+$0xCC50]  }
0x51b: {  	v49 =	vld [tilespmem:s17+$0xDC30]  }
0x51c: {  	v20 =	vadd.f32 v28, v35;
	v35 =	vld [tilespmem:$0x1F570]  }
0x51d: {  	v19 =	vadd.f32 v34, v17;
	v17 =	vld [tilespmem:$0x1F560]  }
0x51e: {  	v50 =	vld [tilespmem:s17+$0xDC20]  }
0x51f: {  	v48 =	vld [tilespmem:s17+$0xDC40]  }
0x520: {  	v52 =	vld [tilespmem:s17+$0xDC00]  }
0x521: {  	v24 =	vld [tilespmem:$0x1F590]  }
0x522: {  	v18 =	vadd.f32 v32, v31;
	v62 =	vadd.f32 v35, v17;
	v17 =	vld [tilespmem:$0x1F580]  }
0x523: {  	v49 =	vadd.f32 v49, v50;
	v50 =	vld [tilespmem:s17+$0xEC70]  }
0x524: {  	v53 =	vld [tilespmem:s17+$0xD870];
	v20 =	vadd.f32 v20, v23;
	v16 =	vadd.f32 v16, v18  }
0x525: {  	v55 =	vld [tilespmem:s17+$0xD840]  }
0x526: {  	v8 =	vadd.f32 v21, v8;
	v21 =	vadd.f32 v16, v20;
	v16 =	vld [tilespmem:$0x1F5A0]  }
0x527: {  	v23 =	vadd.f32 v24, v17;
	v17 =	vld [tilespmem:$0x1F5B0]  }
0x528: {  	v25 =	vld [tilespmem:s17+$0xCC40]  }
0x529: {  	v29 =	vld [tilespmem:s17+$0xCC60]  }
0x52a: {  	v56 =	vld [tilespmem:s17+$0xDC50]  }
0x52b: {  	v61 =	vld [tilespmem:s17+$0xD850]  }
0x52c: {  	v26 =	vadd.f32 v17, v16;
	v16 =	vld [tilespmem:$0x1F5C0]  }
0x52d: {  	v17 =	vld [tilespmem:$0x1F5D0]  }
0x52e: {  	v57 =	vld [tilespmem:s17+$0xD820]  }
0x52f: {  	v54 =	vld [tilespmem:s17+$0xD860]  }
0x530: {  	v63 =	vld [tilespmem:s17+$0xD830]  }
0x531: {  	v51 =	vld [tilespmem:s17+$0xDC10]  }
0x532: {  	v22 =	vadd.f32 v62, v19;
	v62 =	vadd.f32 v17, v16;
	v16 =	vld [tilespmem:$0x1F5E0]  }
0x533: {  	v17 =	vld [tilespmem:$0x1F5F0]  }
0x534: {  	v61 =	vadd.f32 v61, v55;
	v55 =	vld [tilespmem:s17+$0xEC50]  }
0x535: {  	v58 =	vld [tilespmem:s17+$0xD470]  }
0x536: {  	v59 =	vld [tilespmem:s17+$0xD810]  }
0x537: {  	v57 =	vadd.f32 v63, v57;
	v63 =	vadd.f32 v53, v54;
	v53 =	vld [tilespmem:s17+$0xEC60]  }
0x538: {  	v51 =	vadd.f32 v51, v52;
	v24 =	vadd.f32 v17, v16;
	v16 =	vld [tilespmem:$0x1F600]  }
0x539: {  	v52 =	vld [tilespmem:s17+$0xF440]  }
0x53a: {  	v54 =	vadd.f32 v49, v51;
	v49 =	vld [tilespmem:s17+$0xF420]  }
0x53b: {  	v51 =	vld [tilespmem:s17+$0xF430]  }
0x53c: {  	v41 =	vld [tilespmem:s17+$0xE040]  }
0x53d: {  	v60 =	vld [tilespmem:s17+$0xE050];
	v17 =	vadd.f32 v30, v25;
	v16 =	vadd.f32 v16, v29  }
0x53e: {  	v20 =	vadd.f32 v26, v23;
	v26 =	vld [tilespmem:$0x1F620]  }
0x53f: {  	v16 =	vadd.f32 v16, v17;
	v17 =	vld [tilespmem:$0x1F610]  }
0x540: {  	v42 =	vld [tilespmem:s17+$0xDC70]  }
0x541: {  	v40 =	vld [tilespmem:s17+$0xE060]  }
0x542: {  	v41 =	vadd.f32 v60, v41;
	v60 =	vld [tilespmem:s17+$0xF050]  }
0x543: {  	v27 =	vld [tilespmem:$0x1F640]  }
0x544: {  	v19 =	vadd.f32 v26, v17;
	v17 =	vld [tilespmem:$0x1F630]  }
0x545: {  	v48 =	vadd.f32 v56, v48;
	v43 =	vld [tilespmem:s17+$0xE030];
	v42 =	vadd.f32 v42, v45  }
0x546: {  	v45 =	vld [tilespmem:s17+$0xF000]  }
0x547: {  	v42 =	vadd.f32 v42, v48;
	v48 =	vld [tilespmem:s17+$0xF020]  }
0x548: {  	v25 =	vld [tilespmem:$0x1F660]  }
0x549: {  	v18 =	vadd.f32 v24, v62;
	v62 =	vadd.f32 v27, v17;
	v17 =	vld [tilespmem:$0x1F650]  }
0x54a: {  	v46 =	vld [tilespmem:s17+$0xE010];
	v9 =	vadd.f32 v37, v9  }
0x54b: {  	v37 =	vld [tilespmem:s17+$0xE410];
	v20 =	vadd.f32 v20, v22;
	v16 =	vadd.f32 v16, v18  }
0x54c: {  	v38 =	vld [tilespmem:s17+$0xE400]  }
0x54d: {  	v18 =	vadd.f32 v16, v20;
	v16 =	vld [tilespmem:$0x1F670]  }
0x54e: {  	v22 =	vadd.f32 v25, v17;
	v17 =	vld [tilespmem:$0x1F680]  }
0x54f: {  	v36 =	vld [tilespmem:s17+$0xE420]  }
0x550: {  	v47 =	vld [tilespmem:s17+$0xE000]  }
0x551: {  	v44 =	vld [tilespmem:s17+$0xE020]  }
0x552: {  	v39 =	vld [tilespmem:s17+$0xE070]  }
0x553: {  	v20 =	vadd.f32 v17, v16;
	v16 =	vld [tilespmem:$0x1F690]  }
0x554: {  	v17 =	vld [tilespmem:$0x1F6A0]  }
0x555: {  	v56 =	vadd.f32 v46, v47;
	v46 =	vld [tilespmem:s17+$0xF030]  }
0x556: {  	v47 =	vld [tilespmem:s17+$0xF410]  }
0x557: {  	v28 =	vld [tilespmem:s17+$0xE470]  }
0x558: {  	v32 =	vld [tilespmem:s17+$0xE450];
	v7 =	vadd.f32 v21, v7  }
0x559: {  	v21 =	vadd.f32 v62, v19;
	v19 =	vadd.f32 v17, v16;
	v16 =	vld [tilespmem:$0x1F6B0]  }
0x55a: {  	v17 =	vld [tilespmem:$0x1F6C0]  }
0x55b: {  	v31 =	vld [tilespmem:s17+$0xE460]  }
0x55c: {  	v33 =	vld [tilespmem:s17+$0xE800]  }
0x55d: {  	v34 =	vld [tilespmem:s17+$0xE440]  }
0x55e: {  	v62 =	vld [tilespmem:$0x1F6E0]  }
0x55f: {  	v17 =	vadd.f32 v17, v16;
	v16 =	vld [tilespmem:$0x1F6D0]  }
0x560: {  	v35 =	vld [tilespmem:s17+$0xE430]  }
0x561: {  	v23 =	vld [tilespmem:s17+$0xE870]  }
0x562: {  	v30 =	vld [tilespmem:s17+$0xE810]  }
0x563: {  	v24 =	vld [tilespmem:s17+$0xE860]  }
0x564: {  	v16 =	vadd.f32 v62, v16;
	v62 =	vld [tilespmem:$0x1F6F0]  }
0x565: {  	v28 =	vadd.f32 v28, v31;
	v32 =	vadd.f32 v32, v34;
	v29 =	vld [tilespmem:s17+$0xE820]  }
0x566: {  	v37 =	vadd.f32 v37, v38;
	v39 =	vadd.f32 v39, v40;
	v26 =	vld [tilespmem:s17+$0xE840]  }
0x567: {  	v28 =	vadd.f32 v28, v32;
	v35 =	vadd.f32 v35, v36;
	v27 =	vld [tilespmem:s17+$0xE830]  }
0x568: {  	v6 =	vadd.f32 v18, v6;
	v25 =	vld [tilespmem:s17+$0xE850];
	v18 =	vadd.f32 v20, v22  }
0x569: {  	v35 =	vadd.f32 v35, v37;
	v20 =	vld [tilespmem:s17+$0xEC10];
	v58 =	vadd.f32 v58, v62  }
0x56a: {  	v18 =	vadd.f32 v18, v21;
	v21 =	vadd.f32 v42, v54;
	v54 =	vld [tilespmem:s17+$0xF450]  }
0x56b: {  	v17 =	vadd.f32 v17, v19;
	v16 =	vadd.f32 v58, v16;
	v58 =	vld [tilespmem:$0x1F700]  }
0x56c: {  	v28 =	vadd.f32 v28, v35;
	v30 =	vadd.f32 v30, v33;
	v19 =	vld [tilespmem:s17+$0xEC20]  }
0x56d: {  	v23 =	vadd.f32 v23, v24;
	v62 =	vld [tilespmem:s17+$0xEC00];
	v16 =	vadd.f32 v16, v17  }
0x56e: {  	v27 =	vadd.f32 v27, v29;
	v29 =	vadd.f32 v51, v49;
	v17 =	vld [tilespmem:s17+$0xEC40]  }
0x56f: {  	v25 =	vadd.f32 v25, v26;
	v16 =	vadd.f32 v16, v18;
	v18 =	vld [tilespmem:s17+$0xF010]  }
0x570: {  	v27 =	vadd.f32 v27, v30;
	v22 =	vadd.f32 v59, v58;
	v58 =	vld [tilespmem:s17+$0xEC30]  }
0x571: {  	v23 =	vadd.f32 v23, v25;
	v42 =	vadd.f32 v39, v41;
	v59 =	vld [tilespmem:s17+$0xF040]  }
0x572: {  	v5 =	vadd.f32 v16, v5;
	v16 =	vadd.f32 v63, v61;
	v61 =	vld [tilespmem:s17+$0xF060]  }
0x573: {  	v63 =	vld [tilespmem:s17+$0xF070];
	v22 =	vadd.f32 v57, v22;
	v57 =	vadd.f32 v43, v44  }
0x574: {  	v44 =	vld [tilespmem:s17+$0xF400];
	v17 =	vadd.f32 v55, v17;
	v55 =	vadd.f32 v50, v53  }
0x575: {  	v16 =	vadd.f32 v16, v22;
	v22 =	vadd.f32 v57, v56;
	v56 =	vld [tilespmem:s17+$0xF460]  }
0x576: {  	v23 =	vadd.f32 v23, v27;
	v24 =	vadd.f32 v54, v52;
	v57 =	vld [tilespmem:s17+$0xF470]  }
0x577: {  	v20 =	vadd.f32 v20, v62;
	v17 =	vadd.f32 v55, v17  }
0x578: {  	v18 =	vadd.f32 v18, v45;
	v19 =	vadd.f32 v58, v19  }
0x579: {  	v58 =	vadd.f32 v46, v48;
	v59 =	vadd.f32 v60, v59  }
0x57a: {  	v31 =	vadd.f32 v63, v61;
	v19 =	vadd.f32 v19, v20  }
0x57b: {  	v32 =	vadd.f32 v47, v44;
	v25 =	vadd.f32 v57, v56  }
0x57c: {  	v18 =	vadd.f32 v58, v18;
	v60 =	vadd.f32 v31, v59  }
0x57d: {  	v61 =	vadd.f32 v29, v32;
	v24 =	vadd.f32 v25, v24  }
0x57e: {  	v22 =	vadd.f32 v42, v22;
	v17 =	vadd.f32 v17, v19  }
.Ltmp4:
0x57f: {  	v18 =	vadd.f32 v60, v18;
	v62 =	vadd.f32 v24, v61;
	(pc) =	sbr.rel @p0 .LBB2_8-.Ltmp4, $4  }
0x580: {  	v16 =	vadd.f32 v21, v16;
	v63 =	vadd.f32 v28, v22  }
0x581: {  	v17 =	vadd.f32 v17, v23;
	v18 =	vadd.f32 v62, v18  }
0x582: {  	v3 =	vadd.f32 v16, v3;
	v2 =	vadd.f32 v63, v2  }
0x583: {  	v1 =	vadd.f32 v17, v1;
	v0 =	vadd.f32 v18, v0  }
.Ltmp5:
0x584: {  	(pc) =	sbr.rel .LBB2_2-.Ltmp5, $3  }
0x585: {  	_ =	sdelay $0x1  }
0x586: {  	s16 =	sadd.s32 s16, s6;
	s15 =	sadd.s32 $0x1, s15  }
0x587: {  	[tilespmem:s9], [sflag:$0x2] =	stream.linear.gather [hbm4b:s16+s2], $0x8000, $0x38;
	[tilespmem:$0x10800] =	vst v63  }
.LBB2_9:
0x588: {  	_ =	sfence.sel $0x180000  }
0x589: {  	[bflag:$0x0] =	sbarrier.arrive $0xFFFF  }
0x58a: {  	p0 =	sne.s32 s1, $0x0;
	_ =	strace $0x90000047  }
0x58b: {  	s0 =	sadd.s32 @!p0 $0x100000, s0;
	[bflag:$0x2] =	sbarrier.arrive $0xFFFF  }
0x58c: {  	[sflag:s0] =	ssyncadd.tile.s32 @!p0 $0x1;
	_ =	shalt  }
.Lfunc_end2:
_tile_overlayer_lowered:
.L_overlay_start_2:
0x58d: {  	(tag) =	ssettag $0x2  }
0x58e: {  	s0 =	rddreg [dreg:$0x0];
	s2 =	stileid.u32  }
0x58f: {  	s1 =	rddreg [dreg:$0x1];
	p0 =	sne.s32 s2, $0x0  }
0x590: {  	s3 =	rddreg [dreg:$0x2];
	[bflag:$0x3] =	sbarrier.arrive $0xFFFF;
	s2 =	simm.s32 @!p0 $0x1C03  }
0x591: {  	[timem:s3], [sflag:s2] =	dma.local @!p0 [hbm:s0], s1  }
0x592: {  	s0 =	simm.s32 @!p0 $0x3  }
0x593: {  	_ =	swait.ge @!p0 [sflag:s0], s1  }
0x594: {  	s1 =	ssub.s32 @!p0 $0x0, s1;
	[sflag:s0] =	ssyncset.done @!p0 $0x0  }
0x595: {  	[sflag:s0] =	ssyncadd.s32 @!p0 s1  }
0x596: {  	[bflag:$0x3] =	sbarrier.arrive $0xFFFF  }
0x597: {  	_ =	shalt  }

// kernel: kernel.7.cloned.1.call-start
scs
__scs_entry_jumppad:
0x0: {  	(pc) =	sbr.rel $0x88, $3  }
0x1: {  	(tag) =	ssettag $0x0;
	lr =	simm.s32 $0x1  }
0x2: {  	[smem:$0x3FA0] =	sst lr;
	_ =	strace $0xD0000000  }
0x3: {  	_ = 	snop  }
0x4: {  	_ = 	snop  }
0x5: {  	_ = 	snop  }
0x6: {  	_ = 	snop  }
0x7: {  	_ = 	snop  }
__scs_overlays_trampoline_lowered:
0x8: {  	[smem:$0x3FAF] =	sst s0  }
0x9: {  	[smem:$0x3FB0] =	sst s1  }
0xa: {  	[smem:$0x3FB1] =	sst s2  }
0xb: {  	[smem:$0x3FB2] =	sst s3  }
0xc: {  	[smem:$0x3FB3] =	sst s4  }
0xd: {  	[smem:$0x3FB4] =	sst s5  }
0xe: {  	[smem:$0x3FB5] =	sst s6  }
0xf: {  	[smem:$0x3FB6] =	sst s7  }
0x10: {  	[smem:$0x3FB7] =	sst s8  }
0x11: {  	[smem:$0x3FB8] =	sst s9;
	s0 =	simm.s32 @!p0 $0x0  }
0x12: {  	s1 =	sld [smem:$0x3F9E];
	s0 =	simm.s32 @p0 $0x1  }
0x13: {  	[smem:$0x3FB9] =	sst s0;
	s0 =	simm.s32 @!p1 $0x0  }
0x14: {  	s2 =	sld [smem:$0x3F9D];
	s0 =	simm.s32 @p1 $0x1  }
0x15: {  	[smem:$0x3FBA] =	sst s0;
	s0 =	simm.s32 @!p2 $0x0  }
0x16: {  	s3 =	sld [smem:$0x3FDB];
	s0 =	simm.s32 @p2 $0x1  }
0x17: {  	s4 =	simm.s32 $0x1BF5;
	[smem:$0x3FBC] =	sst s0  }
0x18: {  	s0 =	sld [smem:$0x3F9F];
	_ =	swait.ge [sflag:s4], $0x0  }
0x19: {  	s7 =	sld [smem:$0x3FA0]  }
0x1a: {  	s8 =	sadd.s32 $0xFFFFE003, lr  }
0x1b: {  	s9 =	sadd.s32 $0xFFFFFEF7, lr;
	s5 =	simm.s32 $0xFFFFFFFF;
	p2 =	slt.u32 s8, $0xFFFFF086  }
0x1c: {  	p1 =	slt.u32 s9, $0xF7A;
	s5 =	simm.s32 @!p2 $0x0  }
0x1d: {  	s5 =	simm.s32 @p1 $0x1;
	p0 =	seq.s32 s7, s2  }
0x1e: {  	s7 =	smul.u32 @!p0 $0xF7A, s2;
	p2 =	seq.s32 @!p0 s5, $0x0  }
0x1f: {  	s9 =	smul.u32 $0xF7A, s1;
	s8 =	simm.s32 @!p0 $0x1BF5;
	p2 =	por !p2, p0  }
0x20: {  	[sflag:s8] =	ssyncset.s32 @!p0 $0xFFFFF086;
	s6 =	sadd.s32 @!p0 s3, s7;
	s7 =	simm.s32 @!p0 $0x108  }
0x21: {  	s3 =	sadd.s32 s3, s9;
	s6 =	sadd.s32 @!p0 $0x88, s6;
	s7 =	simm.s32 @p2 $0x1082  }
0x22: {  	[simem:s7], [sflag:s8] =	dma.local @!p0 [hbm:s6], $0xF7A  }
0x23: {  	s9 =	sor.u32 $0xD0000000, s2;
	s6 =	simm.s32 $0x108;
	_ =	swait.ge @!p0 [sflag:s8], $0x0  }
0x24: {  	s3 =	sadd.s32 $0x88, s3;
	s6 =	simm.s32 @!p1 $0x1082;
	[sflag:s4] =	ssyncset.s32 $0xFFFFF086  }
0x25: {  	[simem:s6], [sflag:s4] =	dma.local [hbm:s3], $0xF7A  }
0x26: {  	[smem:$0x3FA0] =	sst s1;
	(tag) =	ssettag s2;
	_ =	strace s9  }
0x27: {  	s1 =	sld [smem:$0x3FB0]  }
0x28: {  	s2 =	sld [smem:$0x3FB1]  }
0x29: {  	s4 =	sld [smem:$0x3FB3]  }
0x2a: {  	p0 =	seq.s32 s5, $0x0;
	s5 =	sld [smem:$0x3FB4]  }
0x2b: {  	s6 =	sld [smem:$0x3FB5]  }
0x2c: {  	s7 =	sld [smem:$0x3FB6]  }
0x2d: {  	s3 =	simm.s32 $0x108;
	s8 =	sld [smem:$0x3FB7]  }
0x2e: {  	s3 =	simm.s32 @!p0 $0x1082;
	s9 =	sld [smem:$0x3FB8]  }
0x2f: {  	lr =	sadd.s32 s0, s3;
	s0 =	sld [smem:$0x3FAF]  }
0x30: {  	s3 =	sld [smem:$0x3FB2]  }
0x31: {  	[smem:$0x3FBB] =	sst s10  }
0x32: {  	s10 =	sld [smem:$0x3FB9];
	_ =	sdelay $0x3  }
0x33: {  	p0 =	seq.s32 s10, $0x1;
	s10 =	sld [smem:$0x3FBB];
	_ =	sdelay $0x3  }
0x34: {  	[smem:$0x3FBB] =	sst s10  }
0x35: {  	s10 =	sld [smem:$0x3FBA];
	_ =	sdelay $0x3  }
0x36: {  	p1 =	seq.s32 s10, $0x1;
	s10 =	sld [smem:$0x3FBB];
	_ =	sdelay $0x3  }
0x37: {  	[smem:$0x3FBB] =	sst s10  }
0x38: {  	s10 =	sld [smem:$0x3FBC]  }
0x39: {  	_ = 	snop;
	(pc) =	sbr.ind lr, $3  }
0x3a: {  	_ = 	snop  }
0x3b: {  	_ = 	snop  }
0x3c: {  	p2 =	seq.s32 s10, $0x1;
	s10 =	sld [smem:$0x3FBB]  }
0x3d: {  	_ =	shalt  }
0x3e: {  	_ =	shalt  }
0x3f: {  	_ =	shalt  }
0x40: {  	_ =	shalt  }
0x41: {  	_ =	shalt  }
0x42: {  	_ =	shalt  }
0x43: {  	_ =	shalt  }
0x44: {  	_ =	shalt  }
0x45: {  	_ =	shalt  }
0x46: {  	_ =	shalt  }
0x47: {  	_ =	shalt  }
0x48: {  	_ =	shalt  }
0x49: {  	_ =	shalt  }
0x4a: {  	_ =	shalt  }
0x4b: {  	_ =	shalt  }
0x4c: {  	_ =	shalt  }
0x4d: {  	_ =	shalt  }
0x4e: {  	_ =	shalt  }
0x4f: {  	_ =	shalt  }
0x50: {  	_ =	shalt  }
0x51: {  	_ =	shalt  }
0x52: {  	_ =	shalt  }
0x53: {  	_ =	shalt  }
0x54: {  	_ =	shalt  }
0x55: {  	_ =	shalt  }
0x56: {  	_ =	shalt  }
0x57: {  	_ =	shalt  }
0x58: {  	_ =	shalt  }
0x59: {  	_ =	shalt  }
0x5a: {  	_ =	shalt  }
0x5b: {  	_ =	shalt  }
0x5c: {  	_ =	shalt  }
0x5d: {  	_ =	shalt  }
0x5e: {  	_ =	shalt  }
0x5f: {  	_ =	shalt  }
0x60: {  	_ =	shalt  }
0x61: {  	_ =	shalt  }
0x62: {  	_ =	shalt  }
0x63: {  	_ =	shalt  }
0x64: {  	_ =	shalt  }
0x65: {  	_ =	shalt  }
0x66: {  	_ =	shalt  }
0x67: {  	_ =	shalt  }
0x68: {  	_ =	shalt  }
0x69: {  	_ =	shalt  }
0x6a: {  	_ =	shalt  }
0x6b: {  	_ =	shalt  }
0x6c: {  	_ =	shalt  }
0x6d: {  	_ =	shalt  }
0x6e: {  	_ =	shalt  }
0x6f: {  	_ =	shalt  }
0x70: {  	_ =	shalt  }
0x71: {  	_ =	shalt  }
0x72: {  	_ =	shalt  }
0x73: {  	_ =	shalt  }
0x74: {  	_ =	shalt  }
0x75: {  	_ =	shalt  }
0x76: {  	_ =	shalt  }
0x77: {  	_ =	shalt  }
0x78: {  	_ =	shalt  }
0x79: {  	_ =	shalt  }
0x7a: {  	_ =	shalt  }
0x7b: {  	_ =	shalt  }
0x7c: {  	_ =	shalt  }
0x7d: {  	_ =	shalt  }
0x7e: {  	_ =	shalt  }
0x7f: {  	_ =	shalt  }
0x80: {  	_ =	shalt  }
0x81: {  	_ =	shalt  }
0x82: {  	_ =	shalt  }
0x83: {  	_ =	shalt  }
0x84: {  	_ =	shalt  }
0x85: {  	_ =	shalt  }
0x86: {  	_ =	shalt  }
0x87: {  	_ =	shalt  }
.Lfunc_end0:
.L_simem_size_0:
called_computation.1_lowered:
.L_overlay_start_0:
0x88: {  	s2 =	sld [smem:$0x3FD9]  }
0x89: {  	s3 =	sld [smem:$0x3FFE];
	_ =	sdelay $0x1  }
0x8a: {  	s1 =	srdreg.scid  }
0x8b: {  	s0 =	sand.u32 $0x1, s1  }
0x8c: {  	s17 =	sshll.u32 s0, $0xA;
	s2 =	sadd.s32 s3, s2  }
0x8d: {  	s2 =	sadd.s32 s2, s17  }
0x8e: {  	[smem:$0x3FC7] =	sst s2  }
0x8f: {  	_ = 	snop  }
0x90: {  	s2 =	sld [smem:$0x3FD0];
	(tm) =	ssettm $0x1  }
0x91: {  	s18 =	sld [smem:$0x3FFB];
	_ =	sdelay $0x3  }
0x92: {  	_ =	strace s18  }
0x93: {  	s3 =	sld [smem:$0x3FFC];
	_ =	sdelay $0x3  }
0x94: {  	_ =	strace s3  }
0x95: {  	s3 =	sld [smem:$0x3FFD];
	_ =	sdelay $0x3  }
0x96: {  	_ =	strace s3  }
0x97: {  	_ =	strace $0x8FFFFFFF  }
0x98: {  	s19 =	sld [smem:$0x3FDB];
	_ =	sdelay $0x1  }
0x99: {  	s4 =	simm.s32 $_scs_section_size  }
0x9a: {  	s5 =	simm.s32 $_size__tile_overlayer_lowered;
	s6 =	simm.s32 $_tile_overlayer_lowered  }
0x9b: {  	s22 =	simm.s32 $0x1BFF;
	s21 =	sshll.u32 s6, $0x1;
	s3 =	sadd.s32 s4, s19  }
0x9c: {  	s7 =	simm.s32 $0x0;
	s20 =	sshll.u32 s5, $0x1;
	s5 =	sadd.s32 s21, s3  }
0x9d: {  	[timem:s7], [sflag:s22] =	dma.local [hbm:s5], s20  }
0x9e: {  	_ =	swait.ge [sflag:s22], s20  }
0x9f: {  	s4 =	ssub.s32 $0x0, s20;
	[sflag:s22] =	ssyncset.done $0x0  }
0xa0: {  	[sflag:s22] =	ssyncadd.s32 s4;
	_ =	sdelay $0x1  }
0xa1: {  	s23 =	simm.s32 $0x1B8B  }
0xa2: {  	_ =	swait.ge [sflag:s23], $0x1  }
0xa3: {  	[sflag:s23] =	ssyncset.done $0x0  }
0xa4: {  	s25 =	simm.s32 $0x1B8E;
	s24 =	sld [smem:$0x3FFE];
	[sflag:s23] =	ssyncadd.s32 $0xFFFFFFFF  }
0xa5: {  	s26 =	simm.s32 $execute0_lowered;
	[smem:$0x3FD2] =	sst s25  }
0xa6: {  	s5 =	sshll.u32 s26, $0x1;
	_ =	strace $0x80000049;
	[dreg:$0x1] =	wrdreg $0xFFFFFFFF  }
0xa7: {  	s28 =	simm.s32 $_size_execute0_lowered;
	s3 =	sadd.s32 s3, s5;
	[dreg:$0x0] =	wrdreg $0x0  }
0xa8: {  	s5 =	sshll.u32 s28, $0x1;
	[dreg:$0x2] =	wrdreg s3  }
0xa9: {  	[dreg:$0x3] =	wrdreg s5  }
0xaa: {  	[dreg:$0x4] =	wrdreg $0xC0  }
0xab: {  	_ =	task [dreg:s7], $0x5FFFF  }
0xac: {  	[dreg:$0x1] =	wrdreg $0xFFFFFFFF  }
0xad: {  	[dreg:$0x0] =	wrdreg $0x60  }
0xae: {  	[dreg:$0x2] =	wrdreg s24  }
0xaf: {  	[dreg:$0x3] =	wrdreg s2  }
0xb0: {  	[dreg:$0x4] =	wrdreg $0x9  }
0xb1: {  	_ =	task.clear_ibuf [dreg:s7], $0x5FFFF;
	_ =	strace $0x90000049  }
0xb2: {  	s29 =	simm.s32 $0x9;
	_ =	strace $0x8000004B  }
0xb3: {  	_ =	swait.ge [sflag:s29], $0x1  }
0xb4: {  	[sflag:s29] =	ssyncadd.s32 $0xFFFFFFFF  }
0xb5: {  	_ =	strace $0x9000004B  }
0xb6: {  	_ =	sfence  }
0xb7: {  	s30 =	sld [smem:$0x0];
	_ =	sdelay $0x2  }
0xb8: {  	s31 =	sshll.u32 s1, $0xD;
	s1 =	sshrl.u32 s1, $0x2  }
0xb9: {  	s3 =	sand.u32 $0x4000, s31;
	s1 =	sadd.s32 s1, s30  }
0xba: {  	s0 =	sor.u32 s3, s0;
	s1 =	sshll.u32 s1, $0x11  }
0xbb: {  	s0 =	sor.u32 s1, s0  }
0xbc: {  	s0 =	sadd.s32 $0x8F2B, s0  }
0xbd: {  	[sflag:s0] =	ssyncadd.remote.s32 $0x1  }
0xbe: {  	_ =	sfence.sel $0xFFFF  }
0xbf: {  	[dreg:$0x0] =	wrdreg $0xFFFFFFFF;
	(pc) =	sbr.abs _section_cstart, $3  }
0xc0: {  	[dreg:$0x1] =	wrdreg $0xFFFFFFFF  }
0xc1: {  	_ =	task.clear_ibuf [dreg:s7], $0x2FFFF;
	_ =	strace $0x9FFFFFFF  }
0xc2: {  	(tm) =	ssettm $0x7FFFFFFF  }
0xc3: {  	_ =	shalt  }
tec
execute0_lowered:
.L_overlay_start_1:
0x0: {  	(tag) =	ssettag $0x1  }
0x1: {  	s0 =	srdreg.scid  }
0x2: {  	s31 =	stileid.u32;
	s4 =	sand.u32 $0x1, s0  }
0x3: {  	s5 =	sshll.u32 s31, $0x1;
	s6 =	ssub.s32 $0x0, s4  }
0x4: {  	p0 =	sne.s32 s5, s6  }
.Ltmp0:
0x5: {  	_ = 	snop;
	(pc) =	sbr.rel @p0 .LBB2_5-.Ltmp0, $2  }
0x6: {  	_ =	sdelay $0x2  }
0x7: {  	s3 =	rddreg [dreg:$0x0];
	_ =	strace $0x8000004A  }
0x8: {  	vm0 =	vcmask $0x300;
	vm1 =	vcmask $0x704;
	vm2 =	vcmask $0xB08  }
0x9: {  	s4 =	ssub.s32 $0x2, s4;
	vm3 =	vcmask $0xF0C;
	vm4 =	vcmask $0x1310;
	vm5 =	vcmask $0x1714  }
0xa: {  	vm6 =	vcmask $0x1B18;
	vm7 =	vcmask $0x1F1C;
	vm8 =	vcmask $0x2320;
	s5 =	sshrl.u32 s4, $0x1  }
0xb: {  	s3 =	sadd.s32 $0x800, s3;
	s0 =	simm.s32 $0x0;
	vm9 =	vcmask $0x2724;
	vm10 =	vcmask $0x2B28;
	vm11 =	vcmask $0x2F2C;
	s4 =	ssub.s32 s4, s5  }
0xc: {  	s6 =	simm.s32 $0x1;
	vm12 =	vcmask $0x3330;
	vm13 =	vcmask $0x3734;
	vm14 =	vcmask $0x3B38;
	s8 =	simm.s32 $0x0;
	s4 =	smax.u32 s4, $0x1  }
.LBB2_2:
0xd: {  	[tilespmem:s0], [sflag:$0x1] =	stream.linear.gather [hbm4b:s3+s0], $0x10000, $0x38;
	[tilespmem:$0x10080] =	vst v63  }
0xe: {  	_ =	swait.ge [sflag:s6], $0x10000  }
0xf: {  	[sflag:s6] =	ssyncset.done $0x0  }
0x10: {  	s11 =	simm.s32 $0x0;
	[sflag:s6] =	ssyncadd.s32 $0xFFFF0000  }
0x11: {  	v0 =	vld [tilespmem:s11+$0x780]  }
0x12: {  	v1 =	vld [tilespmem:s11+$0x0]  }
0x13: {  	v3 =	vld [tilespmem:s11+$0x80]  }
0x14: {  	v4 =	vld [tilespmem:s11+$0x100]  }
0x15: {  	v5 =	vld [tilespmem:s11+$0x180]  }
0x16: {  	v6 =	vld [tilespmem:s11+$0x200]  }
0x17: {  	v7 =	vld [tilespmem:s11+$0x280]  }
0x18: {  	v8 =	vld [tilespmem:s11+$0x300]  }
0x19: {  	v9 =	vld [tilespmem:s11+$0x380]  }
0x1a: {  	v12 =	vimm.f32 $0.0e+00;
	v10 =	vld [tilespmem:s11+$0x400]  }
0x1b: {  	v13 =	vld [tilespmem:s11+$0x480];
	v0 =	vadd.f32 v0, v12  }
0x1c: {  	v2 =	vadd.f32 v1, v12;
	v31 =	vadd.f32 v3, v12  }
0x1d: {  	v14 =	vld [tilespmem:s11+$0x500];
	v29 =	vadd.f32 v4, v12;
	v28 =	vadd.f32 v5, v12  }
0x1e: {  	v11 =	vld [tilespmem:s11+$0x580];
	v26 =	vadd.f32 v6, v12;
	v24 =	vadd.f32 v7, v12  }
0x1f: {  	v22 =	vadd.f32 v8, v12;
	v20 =	vadd.f32 v9, v12;
	v8 =	vld [tilespmem:s11+$0x600]  }
0x20: {  	v18 =	vadd.f32 v10, v12;
	v5 =	vld [tilespmem:s11+$0x680];
	v16 =	vadd.f32 v13, v12;
	v10 =	vimm.f32 $0.0e+00  }
0x21: {  	s9 =	simm.s32 $0x800;
	s10 =	simm.s32 $0x4000;
	v3 =	vld [tilespmem:s11+$0x700];
	v7 =	vimm.f32 $0.0e+00;
	v4 =	vimm.f32 $0.0e+00;
	v1 =	vimm.f32 $0.0e+00  }
.LBB2_3:
0x22: {  	p0 =	sne.s32 s10, $0x3E000;
	v6 =	vld [tilespmem:s9+$0x780];
	v12 =	vadd.f32 v14, v12  }
0x23: {  	v9 =	vld [tilespmem:s9+$0x0];
	v10 =	vadd.f32 v11, v10  }
0x24: {  	v11 =	vld [tilespmem:s9+$0x80];
	v7 =	vadd.f32 v8, v7  }
0x25: {  	v8 =	vld [tilespmem:s9+$0x100];
	v4 =	vadd.f32 v5, v4  }
0x26: {  	v5 =	vld [tilespmem:s9+$0x180];
	v1 =	vadd.f32 v3, v1  }
0x27: {  	v3 =	vld [tilespmem:s9+$0x200];
	v0 =	vadd.f32 v6, v0  }
0x28: {  	v2 =	vadd.f32 v9, v2;
	v6 =	vld [tilespmem:s9+$0x280]  }
0x29: {  	v31 =	vadd.f32 v11, v31;
	v9 =	vld [tilespmem:s9+$0x300]  }
0x2a: {  	v29 =	vadd.f32 v8, v29;
	v8 =	vld [tilespmem:s9+$0x380]  }
0x2b: {  	v28 =	vadd.f32 v5, v28;
	v5 =	vld [tilespmem:s9+$0x400]  }
0x2c: {  	v26 =	vadd.f32 v3, v26;
	v3 =	vld [tilespmem:s9+$0x480]  }
.Ltmp1:
0x2d: {  	v24 =	vadd.f32 v6, v24;
	v14 =	vld [tilespmem:s9+$0x500];
	(pc) =	sbr.rel @p0 .LBB2_3-.Ltmp1, $4  }
0x2e: {  	v22 =	vadd.f32 v9, v22;
	v11 =	vld [tilespmem:s9+$0x580]  }
0x2f: {  	v20 =	vadd.f32 v8, v20;
	v8 =	vld [tilespmem:s9+$0x600]  }
0x30: {  	v18 =	vadd.f32 v5, v18;
	v5 =	vld [tilespmem:s9+$0x680]  }
0x31: {  	v16 =	vadd.f32 v3, v16;
	v3 =	vld [tilespmem:s9+$0x700];
	s9 =	sshra.s32 s10, $0x2;
	s10 =	sadd.s32 $0x2000, s10  }
0x32: {  	v6 =	vld [tilespmem:s9+$0x0];
	_ =	sdelay $0x4  }
0x33: {  	v32 =	vadd.f32 v6, v2;
	_ =	sdelay $0x1  }
0x34: {  	(v2sf) =	vpush v32, $0x0  }
0x35: {  	(v2sf) =	vpush v32, $0x1  }
0x36: {  	(v2sf) =	vpush v32, $0x2  }
0x37: {  	(v2sf) =	vpush v32, $0x3  }
0x38: {  	(v2sf) =	vpush v32, $0x4  }
0x39: {  	(v2sf) =	vpush v32, $0x5  }
0x3a: {  	(v2sf) =	vpush v32, $0x6  }
0x3b: {  	(v2sf) =	vpush v32, $0x7  }
0x3c: {  	(v2sf) =	vpush v32, $0x8  }
0x3d: {  	v60 =	vld [tilespmem:s9+$0x780]  }
0x3e: {  	v33 =	vld [tilespmem:s9+$0x80]  }
0x3f: {  	v34 =	vld [tilespmem:s9+$0x100]  }
0x40: {  	v35 =	vld [tilespmem:s9+$0x180]  }
0x41: {  	v30 =	vld [tilespmem:s9+$0x200]  }
0x42: {  	v27 =	vld [tilespmem:s9+$0x280]  }
0x43: {  	v25 =	vld [tilespmem:s9+$0x300];
	s10 =	spop (v2sf)  }
0x44: {  	v23 =	vld [tilespmem:s9+$0x380];
	s12 =	spop (v2sf)  }
0x45: {  	v21 =	vld [tilespmem:s9+$0x400];
	s11 =	spop (v2sf)  }
0x46: {  	v19 =	vld [tilespmem:s9+$0x480];
	s14 =	spop (v2sf)  }
0x47: {  	v17 =	vld [tilespmem:s9+$0x500];
	s13 =	spop (v2sf)  }
0x48: {  	v15 =	vld [tilespmem:s9+$0x580];
	s16 =	spop (v2sf)  }
0x49: {  	v13 =	vld [tilespmem:s9+$0x600];
	s15 =	spop (v2sf)  }
0x4a: {  	v9 =	vld [tilespmem:s9+$0x680];
	s17 =	spop (v2sf)  }
0x4b: {  	v61 =	vld [tilespmem:s9+$0x700];
	(v2sf) =	vpush v32, $0x9;
	s9 =	spop (v2sf)  }
0x4c: {  	(v2sf) =	vpush v32, $0xA  }
0x4d: {  	(v2sf) =	vpush v32, $0xB  }
0x4e: {  	(v2sf) =	vpush v32, $0xC  }
0x4f: {  	(v2sf) =	vpush v32, $0xD  }
0x50: {  	v31 =	vadd.f32 v33, v31;
	(v2sf) =	vpush v32, $0xE  }
0x51: {  	(v2sf) =	vpush v32, $0xF  }
0x52: {  	(v2sf) =	vpush v31, $0x0  }
0x53: {  	(v2sf) =	vpush v31, $0x1  }
0x54: {  	(v2sf) =	vpush v31, $0x2  }
0x55: {  	(v2sf) =	vpush v31, $0x3  }
0x56: {  	(v2sf) =	vpush v31, $0x4  }
0x57: {  	(v2sf) =	vpush v31, $0x5  }
0x58: {  	(v2sf) =	vpush v31, $0x6  }
0x59: {  	(v2sf) =	vpush v31, $0x7  }
0x5a: {  	s18 =	spop (v2sf);
	(v2sf) =	vpush v31, $0x8  }
0x5b: {  	s19 =	spop (v2sf);
	(v2sf) =	vpush v31, $0x9  }
0x5c: {  	s20 =	spop (v2sf);
	(v2sf) =	vpush v31, $0xA  }
0x5d: {  	s21 =	spop (v2sf);
	(v2sf) =	vpush v31, $0xB  }
0x5e: {  	s22 =	spop (v2sf);
	(v2sf) =	vpush v31, $0xC  }
0x5f: {  	s23 =	spop (v2sf);
	(v2sf) =	vpush v31, $0xD  }
0x60: {  	v29 =	vadd.f32 v34, v29;
	s24 =	spop (v2sf);
	(v2sf) =	vpush v31, $0xE  }
0x61: {  	(v2sf) =	vpush v31, $0xF;
	s25 =	spop (v2sf)  }
0x62: {  	s26 =	spop (v2sf);
	(v2sf) =	vpush v29, $0x0  }
0x63: {  	s28 =	spop (v2sf);
	(v2sf) =	vpush v29, $0x1  }
0x64: {  	s10 =	sadd.f32 s12, s10;
	s29 =	spop (v2sf);
	(v2sf) =	vpush v29, $0x2  }
0x65: {  	s14 =	sadd.f32 s14, s11;
	s30 =	spop (v2sf);
	(v2sf) =	vpush v29, $0x3  }
0x66: {  	s13 =	sadd.f32 s16, s13;
	s31 =	spop (v2sf);
	(v2sf) =	vpush v29, $0x4  }
0x67: {  	s10 =	sadd.f32 s14, s10;
	s1 =	spop (v2sf);
	(v2sf) =	vpush v29, $0x5  }
0x68: {  	s15 =	sadd.f32 s17, s15;
	s0 =	spop (v2sf);
	(v2sf) =	vpush v29, $0x6  }
0x69: {  	s9 =	sadd.f32 s18, s9;
	s2 =	spop (v2sf);
	(v2sf) =	vpush v29, $0x7  }
0x6a: {  	s20 =	sadd.f32 s20, s19;
	s7 =	spop (v2sf);
	(v2sf) =	vpush v29, $0x8  }
0x6b: {  	s22 =	sadd.f32 s22, s21;
	s5 =	spop (v2sf);
	(v2sf) =	vpush v29, $0x9  }
0x6c: {  	s9 =	sadd.f32 s20, s9;
	s16 =	spop (v2sf);
	(v2sf) =	vpush v29, $0xA  }
0x6d: {  	s23 =	sadd.f32 s24, s23;
	s17 =	spop (v2sf);
	(v2sf) =	vpush v29, $0xB  }
0x6e: {  	s24 =	sadd.f32 s15, s13;
	s18 =	spop (v2sf);
	(v2sf) =	vpush v29, $0xC  }
0x6f: {  	s20 =	sadd.f32 s23, s22;
	s19 =	spop (v2sf);
	(v2sf) =	vpush v29, $0xD  }
0x70: {  	v28 =	vadd.f32 v35, v28;
	s10 =	sadd.f32 s24, s10;
	s21 =	spop (v2sf);
	(v2sf) =	vpush v29, $0xE  }
0x71: {  	s23 =	sadd.f32 s26, s25;
	(v2sf) =	vpush v29, $0xF;
	s11 =	spop (v2sf)  }
0x72: {  	s9 =	sadd.f32 s20, s9;
	s12 =	spop (v2sf);
	(v2sf) =	vpush v28, $0x0  }
0x73: {  	s25 =	sadd.f32 s29, s28;
	s13 =	spop (v2sf);
	(v2sf) =	vpush v28, $0x1  }
0x74: {  	s31 =	sadd.f32 s31, s30;
	s14 =	spop (v2sf);
	(v2sf) =	vpush v28, $0x2  }
0x75: {  	s23 =	sadd.f32 s25, s23;
	s15 =	spop (v2sf);
	(v2sf) =	vpush v28, $0x3  }
0x76: {  	s9 =	sadd.f32 s9, s10;
	s22 =	spop (v2sf);
	(v2sf) =	vpush v28, $0x4  }
0x77: {  	s0 =	sadd.f32 s0, s1;
	s20 =	spop (v2sf);
	(v2sf) =	vpush v28, $0x5  }
0x78: {  	s2 =	sadd.f32 s7, s2;
	s24 =	spop (v2sf);
	(v2sf) =	vpush v28, $0x6  }
0x79: {  	s0 =	sadd.f32 s0, s31;
	s26 =	spop (v2sf);
	(v2sf) =	vpush v28, $0x7  }
0x7a: {  	s5 =	sadd.f32 s16, s5;
	s29 =	spop (v2sf);
	(v2sf) =	vpush v28, $0x8  }
0x7b: {  	s0 =	sadd.f32 s0, s23;
	s1 =	spop (v2sf);
	(v2sf) =	vpush v28, $0x9  }
0x7c: {  	s17 =	sadd.f32 s18, s17;
	s7 =	spop (v2sf);
	(v2sf) =	vpush v28, $0xA  }
0x7d: {  	s19 =	sadd.f32 s21, s19;
	s16 =	spop (v2sf);
	(v2sf) =	vpush v28, $0xB  }
0x7e: {  	s2 =	sadd.f32 s5, s2;
	s18 =	spop (v2sf);
	(v2sf) =	vpush v28, $0xC  }
0x7f: {  	s17 =	sadd.f32 s19, s17;
	s21 =	spop (v2sf);
	(v2sf) =	vpush v28, $0xD  }
0x80: {  	v26 =	vadd.f32 v30, v26;
	s12 =	sadd.f32 s12, s11;
	s25 =	spop (v2sf);
	(v2sf) =	vpush v28, $0xE  }
0x81: {  	s2 =	sadd.f32 s17, s2;
	(v2sf) =	vpush v28, $0xF;
	s28 =	spop (v2sf)  }
0x82: {  	s31 =	sadd.f32 s14, s13;
	s5 =	spop (v2sf);
	(v2sf) =	vpush v26, $0x0  }
0x83: {  	s10 =	sadd.f32 s2, s0;
	s19 =	spop (v2sf);
	(v2sf) =	vpush v26, $0x1  }
0x84: {  	s14 =	sadd.f32 s22, s15;
	s23 =	spop (v2sf);
	(v2sf) =	vpush v26, $0x2  }
0x85: {  	s2 =	sadd.f32 s31, s12;
	s17 =	spop (v2sf);
	(v2sf) =	vpush v26, $0x3  }
0x86: {  	s20 =	sadd.f32 s24, s20;
	s30 =	spop (v2sf);
	(v2sf) =	vpush v26, $0x4  }
0x87: {  	s29 =	sadd.f32 s29, s26;
	s0 =	spop (v2sf);
	(v2sf) =	vpush v26, $0x5  }
0x88: {  	s14 =	sadd.f32 s20, s14;
	s11 =	spop (v2sf);
	(v2sf) =	vpush v26, $0x6  }
0x89: {  	s1 =	sadd.f32 s7, s1;
	s13 =	spop (v2sf);
	(v2sf) =	vpush v26, $0x7  }
0x8a: {  	s2 =	sadd.f32 s14, s2;
	s15 =	spop (v2sf);
	(v2sf) =	vpush v26, $0x8  }
0x8b: {  	s16 =	sadd.f32 s18, s16;
	s22 =	spop (v2sf);
	(v2sf) =	vpush v26, $0x9  }
0x8c: {  	s21 =	sadd.f32 s25, s21;
	s26 =	spop (v2sf);
	(v2sf) =	vpush v26, $0xA  }
0x8d: {  	s1 =	sadd.f32 s1, s29;
	s7 =	spop (v2sf);
	(v2sf) =	vpush v26, $0xB  }
0x8e: {  	s16 =	sadd.f32 s21, s16;
	s18 =	spop (v2sf);
	(v2sf) =	vpush v26, $0xC  }
0x8f: {  	s5 =	sadd.f32 s5, s28;
	s25 =	spop (v2sf);
	(v2sf) =	vpush v26, $0xD  }
0x90: {  	v24 =	vadd.f32 v27, v24;
	s1 =	sadd.f32 s16, s1;
	s31 =	spop (v2sf);
	(v2sf) =	vpush v26, $0xE  }
0x91: {  	s19 =	sadd.f32 s23, s19;
	(v2sf) =	vpush v26, $0xF;
	s20 =	spop (v2sf)  }
0x92: {  	s17 =	sadd.f32 s30, s17;
	s24 =	spop (v2sf);
	(v2sf) =	vpush v24, $0x0  }
0x93: {  	s5 =	sadd.f32 s19, s5;
	s21 =	spop (v2sf);
	(v2sf) =	vpush v24, $0x1  }
0x94: {  	s0 =	sadd.f32 s11, s0;
	s14 =	spop (v2sf);
	(v2sf) =	vpush v24, $0x2  }
0x95: {  	s15 =	sadd.f32 s15, s13;
	s16 =	spop (v2sf);
	(v2sf) =	vpush v24, $0x3  }
0x96: {  	s0 =	sadd.f32 s0, s17;
	s28 =	spop (v2sf);
	(v2sf) =	vpush v24, $0x4  }
0x97: {  	s26 =	sadd.f32 s26, s22;
	s23 =	spop (v2sf);
	(v2sf) =	vpush v24, $0x5  }
0x98: {  	s7 =	sadd.f32 s18, s7;
	s29 =	spop (v2sf);
	(v2sf) =	vpush v24, $0x6  }
0x99: {  	s12 =	sadd.f32 s31, s25;
	s30 =	spop (v2sf);
	(v2sf) =	vpush v24, $0x7  }
0x9a: {  	s11 =	sadd.f32 s26, s15;
	s13 =	spop (v2sf);
	(v2sf) =	vpush v24, $0x8  }
0x9b: {  	s7 =	sadd.f32 s12, s7;
	s22 =	spop (v2sf);
	(v2sf) =	vpush v24, $0x9  }
0x9c: {  	s0 =	sadd.f32 s0, s5;
	s18 =	spop (v2sf);
	(v2sf) =	vpush v24, $0xA  }
0x9d: {  	s7 =	sadd.f32 s7, s11;
	s25 =	spop (v2sf);
	(v2sf) =	vpush v24, $0xB  }
0x9e: {  	s11 =	sadd.f32 s1, s2;
	s19 =	spop (v2sf);
	(v2sf) =	vpush v24, $0xC  }
0x9f: {  	s2 =	sadd.f32 s24, s20;
	s17 =	spop (v2sf);
	(v2sf) =	vpush v24, $0xD  }
0xa0: {  	v22 =	vadd.f32 v25, v22;
	s14 =	sadd.f32 s14, s21;
	s15 =	spop (v2sf);
	(v2sf) =	vpush v24, $0xE  }
0xa1: {  	s12 =	sadd.f32 s7, s0;
	(v2sf) =	vpush v24, $0xF;
	s26 =	spop (v2sf)  }
0xa2: {  	s16 =	sadd.f32 s28, s16;
	s5 =	spop (v2sf);
	(v2sf) =	vpush v22, $0x0  }
0xa3: {  	s2 =	sadd.f32 s14, s2;
	s31 =	spop (v2sf);
	(v2sf) =	vpush v22, $0x1  }
0xa4: {  	s23 =	sadd.f32 s29, s23;
	s1 =	spop (v2sf);
	(v2sf) =	vpush v22, $0x2  }
0xa5: {  	s13 =	sadd.f32 s13, s30;
	s0 =	spop (v2sf);
	(v2sf) =	vpush v22, $0x3  }
0xa6: {  	s16 =	sadd.f32 s23, s16;
	s7 =	spop (v2sf);
	(v2sf) =	vpush v22, $0x4  }
0xa7: {  	s18 =	sadd.f32 s18, s22;
	s20 =	spop (v2sf);
	(v2sf) =	vpush v22, $0x5  }
0xa8: {  	s2 =	sadd.f32 s16, s2;
	s21 =	spop (v2sf);
	(v2sf) =	vpush v22, $0x6  }
0xa9: {  	s19 =	sadd.f32 s19, s25;
	s24 =	spop (v2sf);
	(v2sf) =	vpush v22, $0x7  }
0xaa: {  	s15 =	sadd.f32 s15, s17;
	s28 =	spop (v2sf);
	(v2sf) =	vpush v22, $0x8  }
0xab: {  	s13 =	sadd.f32 s18, s13;
	s22 =	spop (v2sf);
	(v2sf) =	vpush v22, $0x9  }
0xac: {  	s15 =	sadd.f32 s15, s19;
	s25 =	spop (v2sf);
	(v2sf) =	vpush v22, $0xA  }
0xad: {  	s5 =	sadd.f32 s5, s26;
	s17 =	spop (v2sf);
	(v2sf) =	vpush v22, $0xB  }
0xae: {  	s13 =	sadd.f32 s15, s13;
	s14 =	spop (v2sf);
	(v2sf) =	vpush v22, $0xC  }
0xaf: {  	s1 =	sadd.f32 s1, s31;
	s23 =	spop (v2sf);
	(v2sf) =	vpush v22, $0xD  }
0xb0: {  	v20 =	vadd.f32 v23, v20;
	s0 =	sadd.f32 s7, s0;
	s30 =	spop (v2sf);
	(v2sf) =	vpush v22, $0xE  }
0xb1: {  	s1 =	sadd.f32 s1, s5;
	(v2sf) =	vpush v22, $0xF;
	s19 =	spop (v2sf)  }
0xb2: {  	s13 =	sadd.f32 s13, s2;
	s16 =	spop (v2sf);
	(v2sf) =	vpush v20, $0x0  }
0xb3: {  	s20 =	sadd.f32 s21, s20;
	s15 =	spop (v2sf);
	(v2sf) =	vpush v20, $0x1  }
0xb4: {  	s24 =	sadd.f32 s28, s24;
	s26 =	spop (v2sf);
	(v2sf) =	vpush v20, $0x2  }
0xb5: {  	s0 =	sadd.f32 s20, s0;
	s29 =	spop (v2sf);
	(v2sf) =	vpush v20, $0x3  }
0xb6: {  	s22 =	sadd.f32 s25, s22;
	s7 =	spop (v2sf);
	(v2sf) =	vpush v20, $0x4  }
0xb7: {  	s0 =	sadd.f32 s0, s1;
	s21 =	spop (v2sf);
	(v2sf) =	vpush v20, $0x5  }
0xb8: {  	s14 =	sadd.f32 s14, s17;
	s28 =	spop (v2sf);
	(v2sf) =	vpush v20, $0x6  }
0xb9: {  	s18 =	sadd.f32 s30, s23;
	s25 =	spop (v2sf);
	(v2sf) =	vpush v20, $0x7  }
0xba: {  	s22 =	sadd.f32 s22, s24;
	s17 =	spop (v2sf);
	(v2sf) =	vpush v20, $0x8  }
0xbb: {  	s14 =	sadd.f32 s18, s14;
	s23 =	spop (v2sf);
	(v2sf) =	vpush v20, $0x9  }
0xbc: {  	s16 =	sadd.f32 s16, s19;
	s5 =	spop (v2sf);
	(v2sf) =	vpush v20, $0xA  }
0xbd: {  	s14 =	sadd.f32 s14, s22;
	s20 =	spop (v2sf);
	(v2sf) =	vpush v20, $0xB  }
0xbe: {  	s15 =	sadd.f32 s26, s15;
	s24 =	spop (v2sf);
	(v2sf) =	vpush v20, $0xC  }
0xbf: {  	s14 =	sadd.f32 s14, s0;
	s18 =	spop (v2sf);
	(v2sf) =	vpush v20, $0xD  }
0xc0: {  	v18 =	vadd.f32 v21, v18;
	s7 =	sadd.f32 s7, s29;
	s30 =	spop (v2sf);
	(v2sf) =	vpush v20, $0xE  }
0xc1: {  	s15 =	sadd.f32 s15, s16;
	s22 =	spop (v2sf);
	(v2sf) =	vpush v20, $0xF  }
0xc2: {  	s21 =	sadd.f32 s28, s21;
	s31 =	spop (v2sf);
	(v2sf) =	vpush v18, $0x0  }
0xc3: {  	s17 =	sadd.f32 s17, s25;
	s0 =	spop (v2sf);
	(v2sf) =	vpush v18, $0x1  }
0xc4: {  	s7 =	sadd.f32 s21, s7;
	s19 =	spop (v2sf);
	(v2sf) =	vpush v18, $0x2  }
0xc5: {  	s5 =	sadd.f32 s5, s23;
	s26 =	spop (v2sf);
	(v2sf) =	vpush v18, $0x3  }
0xc6: {  	s7 =	sadd.f32 s7, s15;
	s29 =	spop (v2sf);
	(v2sf) =	vpush v18, $0x4  }
0xc7: {  	s20 =	sadd.f32 s24, s20;
	s28 =	spop (v2sf);
	(v2sf) =	vpush v18, $0x5  }
0xc8: {  	s1 =	sadd.f32 s30, s18;
	s25 =	spop (v2sf);
	(v2sf) =	vpush v18, $0x6  }
0xc9: {  	s5 =	sadd.f32 s5, s17;
	s23 =	spop (v2sf);
	(v2sf) =	vpush v18, $0x7  }
0xca: {  	s1 =	sadd.f32 s1, s20;
	s24 =	spop (v2sf);
	(v2sf) =	vpush v18, $0x8  }
0xcb: {  	s2 =	sadd.f32 s31, s22;
	s18 =	spop (v2sf);
	(v2sf) =	vpush v18, $0x9  }
0xcc: {  	s1 =	sadd.f32 s1, s5;
	s16 =	spop (v2sf);
	(v2sf) =	vpush v18, $0xA  }
0xcd: {  	s0 =	sadd.f32 s19, s0;
	s21 =	spop (v2sf);
	(v2sf) =	vpush v18, $0xB  }
0xce: {  	s26 =	sadd.f32 s29, s26;
	s17 =	spop (v2sf);
	(v2sf) =	vpush v18, $0xC  }
0xcf: {  	s0 =	sadd.f32 s0, s2;
	s20 =	spop (v2sf);
	(v2sf) =	vpush v18, $0xD  }
0xd0: {  	v16 =	vadd.f32 v19, v16;
	s25 =	sadd.f32 s25, s28;
	s30 =	spop (v2sf);
	(v2sf) =	vpush v18, $0xE  }
0xd1: {  	s23 =	sadd.f32 s24, s23;
	s5 =	spop (v2sf);
	(v2sf) =	vpush v18, $0xF  }
0xd2: {  	s25 =	sadd.f32 s25, s26;
	s31 =	spop (v2sf);
	(v2sf) =	vpush v16, $0x0  }
0xd3: {  	s16 =	sadd.f32 s16, s18;
	s19 =	spop (v2sf);
	(v2sf) =	vpush v16, $0x1  }
0xd4: {  	s0 =	sadd.f32 s25, s0;
	s29 =	spop (v2sf);
	(v2sf) =	vpush v16, $0x2  }
0xd5: {  	s17 =	sadd.f32 s17, s21;
	s28 =	spop (v2sf);
	(v2sf) =	vpush v16, $0x3  }
0xd6: {  	s15 =	sadd.f32 s30, s20;
	s24 =	spop (v2sf);
	(v2sf) =	vpush v16, $0x4  }
0xd7: {  	s16 =	sadd.f32 s16, s23;
	s18 =	spop (v2sf);
	(v2sf) =	vpush v16, $0x5  }
0xd8: {  	s15 =	sadd.f32 s15, s17;
	s21 =	spop (v2sf);
	(v2sf) =	vpush v16, $0x6  }
0xd9: {  	s5 =	sadd.f32 s31, s5;
	s20 =	spop (v2sf);
	(v2sf) =	vpush v16, $0x7  }
0xda: {  	s16 =	sadd.f32 s15, s16;
	s2 =	spop (v2sf);
	(v2sf) =	vpush v16, $0x8  }
0xdb: {  	s15 =	sadd.f32 s1, s7;
	s26 =	spop (v2sf);
	(v2sf) =	vpush v16, $0x9  }
0xdc: {  	s19 =	sadd.f32 s29, s19;
	s23 =	spop (v2sf);
	(v2sf) =	vpush v16, $0xA  }
0xdd: {  	s16 =	sadd.f32 s16, s0;
	s17 =	spop (v2sf);
	(v2sf) =	vpush v16, $0xB  }
0xde: {  	v12 =	vadd.f32 v14, v12;
	s24 =	sadd.f32 s24, s28;
	s25 =	spop (v2sf);
	(v2sf) =	vpush v16, $0xC  }
0xdf: {  	s5 =	sadd.f32 s19, s5;
	s30 =	spop (v2sf);
	(v2sf) =	vpush v16, $0xD  }
0xe0: {  	v12 =	vadd.f32 v17, v12;
	s18 =	sadd.f32 s21, s18;
	s1 =	spop (v2sf);
	(v2sf) =	vpush v16, $0xE  }
0xe1: {  	s2 =	sadd.f32 s2, s20;
	s7 =	spop (v2sf);
	(v2sf) =	vpush v16, $0xF  }
0xe2: {  	s18 =	sadd.f32 s18, s24;
	s31 =	spop (v2sf);
	(v2sf) =	vpush v12, $0x0  }
0xe3: {  	s23 =	sadd.f32 s23, s26;
	s22 =	spop (v2sf);
	(v2sf) =	vpush v12, $0x1  }
0xe4: {  	s5 =	sadd.f32 s18, s5;
	s28 =	spop (v2sf);
	(v2sf) =	vpush v12, $0x2  }
0xe5: {  	s17 =	sadd.f32 s25, s17;
	s21 =	spop (v2sf);
	(v2sf) =	vpush v12, $0x3  }
0xe6: {  	s1 =	sadd.f32 s1, s30;
	s20 =	spop (v2sf);
	(v2sf) =	vpush v12, $0x4  }
0xe7: {  	s2 =	sadd.f32 s23, s2;
	s26 =	spop (v2sf);
	(v2sf) =	vpush v12, $0x5  }
0xe8: {  	s1 =	sadd.f32 s1, s17;
	s25 =	spop (v2sf);
	(v2sf) =	vpush v12, $0x6  }
0xe9: {  	s0 =	sadd.f32 s31, s7;
	s29 =	spop (v2sf);
	(v2sf) =	vpush v12, $0x7  }
0xea: {  	s1 =	sadd.f32 s1, s2;
	s19 =	spop (v2sf);
	(v2sf) =	vpush v12, $0x8  }
0xeb: {  	s22 =	sadd.f32 s28, s22;
	s24 =	spop (v2sf);
	(v2sf) =	vpush v12, $0x9  }
0xec: {  	s20 =	sadd.f32 s20, s21;
	s23 =	spop (v2sf);
	(v2sf) =	vpush v12, $0xA  }
0xed: {  	s0 =	sadd.f32 s22, s0;
	s17 =	spop (v2sf);
	(v2sf) =	vpush v12, $0xB  }
0xee: {  	v10 =	vadd.f32 v11, v10;
	s25 =	sadd.f32 s25, s26;
	s30 =	spop (v2sf);
	(v2sf) =	vpush v12, $0xC  }
0xef: {  	s19 =	sadd.f32 s19, s29;
	s2 =	spop (v2sf);
	(v2sf) =	vpush v12, $0xD  }
0xf0: {  	v10 =	vadd.f32 v15, v10;
	s23 =	sadd.f32 s23, s24;
	s31 =	spop (v2sf);
	(v2sf) =	vpush v12, $0xE  }
0xf1: {  	s17 =	sadd.f32 s30, s17;
	s28 =	spop (v2sf);
	(v2sf) =	vpush v12, $0xF  }
0xf2: {  	s19 =	sadd.f32 s23, s19;
	s21 =	spop (v2sf);
	(v2sf) =	vpush v10, $0x0  }
0xf3: {  	s2 =	sadd.f32 s31, s2;
	s26 =	spop (v2sf);
	(v2sf) =	vpush v10, $0x1  }
0xf4: {  	s31 =	sadd.f32 s25, s20;
	s29 =	spop (v2sf);
	(v2sf) =	vpush v10, $0x2  }
0xf5: {  	s2 =	sadd.f32 s2, s17;
	s24 =	spop (v2sf);
	(v2sf) =	vpush v10, $0x3  }
0xf6: {  	s0 =	sadd.f32 s31, s0;
	s30 =	spop (v2sf);
	(v2sf) =	vpush v10, $0x4  }
0xf7: {  	s2 =	sadd.f32 s2, s19;
	s7 =	spop (v2sf);
	(v2sf) =	vpush v10, $0x5  }
0xf8: {  	s17 =	sadd.f32 s1, s5;
	s22 =	spop (v2sf);
	(v2sf) =	vpush v10, $0x6  }
0xf9: {  	s18 =	sadd.f32 s2, s0;
	s20 =	spop (v2sf);
	(v2sf) =	vpush v10, $0x7  }
0xfa: {  	s2 =	sadd.f32 s21, s28;
	s23 =	spop (v2sf);
	(v2sf) =	vpush v10, $0x8  }
0xfb: {  	s21 =	sadd.f32 s29, s26;
	s25 =	spop (v2sf);
	(v2sf) =	vpush v10, $0x9  }
0xfc: {  	s24 =	sadd.f32 s30, s24;
	s31 =	spop (v2sf);
	(v2sf) =	vpush v10, $0xA  }
0xfd: {  	s7 =	sadd.f32 s22, s7;
	s19 =	spop (v2sf);
	(v2sf) =	vpush v10, $0xB  }
0xfe: {  	v7 =	vadd.f32 v8, v7;
	s2 =	sadd.f32 s21, s2;
	s1 =	spop (v2sf);
	(v2sf) =	vpush v10, $0xC  }
0xff: {  	s20 =	sadd.f32 s23, s20;
	s0 =	spop (v2sf);
	(v2sf) =	vpush v10, $0xD  }
0x100: {  	v7 =	vadd.f32 v13, v7;
	s7 =	sadd.f32 s7, s24;
	s5 =	spop (v2sf);
	(v2sf) =	vpush v10, $0xE  }
0x101: {  	s25 =	sadd.f32 s31, s25;
	s26 =	spop (v2sf);
	(v2sf) =	vpush v10, $0xF  }
0x102: {  	s2 =	sadd.f32 s7, s2;
	s28 =	spop (v2sf);
	(v2sf) =	vpush v7, $0x0  }
0x103: {  	s1 =	sadd.f32 s1, s19;
	s22 =	spop (v2sf);
	(v2sf) =	vpush v7, $0x1  }
0x104: {  	s0 =	sadd.f32 s5, s0;
	s30 =	spop (v2sf);
	(v2sf) =	vpush v7, $0x2  }
0x105: {  	s20 =	sadd.f32 s25, s20;
	s29 =	spop (v2sf);
	(v2sf) =	vpush v7, $0x3  }
0x106: {  	s0 =	sadd.f32 s0, s1;
	s31 =	spop (v2sf);
	(v2sf) =	vpush v7, $0x4  }
0x107: {  	s26 =	sadd.f32 s28, s26;
	s5 =	spop (v2sf);
	(v2sf) =	vpush v7, $0x5  }
0x108: {  	s0 =	sadd.f32 s0, s20;
	s21 =	spop (v2sf);
	(v2sf) =	vpush v7, $0x6  }
0x109: {  	s22 =	sadd.f32 s30, s22;
	s24 =	spop (v2sf);
	(v2sf) =	vpush v7, $0x7  }
0x10a: {  	s19 =	sadd.f32 s31, s29;
	s25 =	spop (v2sf);
	(v2sf) =	vpush v7, $0x8  }
0x10b: {  	s22 =	sadd.f32 s22, s26;
	s1 =	spop (v2sf);
	(v2sf) =	vpush v7, $0x9  }
0x10c: {  	s5 =	sadd.f32 s21, s5;
	s7 =	spop (v2sf);
	(v2sf) =	vpush v7, $0xA  }
0x10d: {  	s24 =	sadd.f32 s25, s24;
	s20 =	spop (v2sf);
	(v2sf) =	vpush v7, $0xB  }
0x10e: {  	v4 =	vadd.f32 v5, v4;
	s5 =	sadd.f32 s5, s19;
	s28 =	spop (v2sf);
	(v2sf) =	vpush v7, $0xC  }
0x10f: {  	s19 =	sadd.f32 s0, s2;
	s30 =	spop (v2sf);
	(v2sf) =	vpush v7, $0xD  }
0x110: {  	v4 =	vadd.f32 v9, v4;
	s1 =	sadd.f32 s7, s1;
	s31 =	spop (v2sf);
	(v2sf) =	vpush v7, $0xE  }
0x111: {  	s5 =	sadd.f32 s5, s22;
	s21 =	spop (v2sf);
	(v2sf) =	vpush v7, $0xF  }
0x112: {  	s20 =	sadd.f32 s28, s20;
	s25 =	spop (v2sf);
	(v2sf) =	vpush v4, $0x0  }
0x113: {  	s23 =	sadd.f32 s31, s30;
	s7 =	spop (v2sf);
	(v2sf) =	vpush v4, $0x1  }
0x114: {  	s1 =	sadd.f32 s1, s24;
	s28 =	spop (v2sf);
	(v2sf) =	vpush v4, $0x2  }
0x115: {  	s20 =	sadd.f32 s23, s20;
	s29 =	spop (v2sf);
	(v2sf) =	vpush v4, $0x3  }
0x116: {  	s2 =	sadd.f32 s25, s21;
	s26 =	spop (v2sf);
	(v2sf) =	vpush v4, $0x4  }
0x117: {  	s1 =	sadd.f32 s20, s1;
	s30 =	spop (v2sf);
	(v2sf) =	vpush v4, $0x5  }
0x118: {  	s7 =	sadd.f32 s28, s7;
	s24 =	spop (v2sf);
	(v2sf) =	vpush v4, $0x6  }
0x119: {  	s20 =	sadd.f32 s1, s5;
	s23 =	spop (v2sf);
	(v2sf) =	vpush v4, $0x7  }
0x11a: {  	s25 =	sadd.f32 s26, s29;
	s22 =	spop (v2sf);
	(v2sf) =	vpush v4, $0x8  }
0x11b: {  	s2 =	sadd.f32 s7, s2;
	s31 =	spop (v2sf);
	(v2sf) =	vpush v4, $0x9  }
0x11c: {  	s24 =	sadd.f32 s24, s30;
	s0 =	spop (v2sf);
	(v2sf) =	vpush v4, $0xA  }
0x11d: {  	s22 =	sadd.f32 s22, s23;
	s1 =	spop (v2sf);
	(v2sf) =	vpush v4, $0xB  }
0x11e: {  	v1 =	vadd.f32 v3, v1;
	s24 =	sadd.f32 s24, s25;
	s5 =	spop (v2sf);
	(v2sf) =	vpush v4, $0xC  }
0x11f: {  	s0 =	sadd.f32 s0, s31;
	s21 =	spop (v2sf);
	(v2sf) =	vpush v4, $0xD  }
0x120: {  	v1 =	vadd.f32 v61, v1;
	s2 =	sadd.f32 s24, s2;
	s26 =	spop (v2sf);
	(v2sf) =	vpush v4, $0xE  }
0x121: {  	s1 =	sadd.f32 s5, s1;
	s28 =	spop (v2sf);
	(v2sf) =	vpush v4, $0xF  }
0x122: {  	s21 =	sadd.f32 s26, s21;
	s23 =	spop (v2sf);
	(v2sf) =	vpush v1, $0x0  }
0x123: {  	s0 =	sadd.f32 s0, s22;
	s29 =	spop (v2sf);
	(v2sf) =	vpush v1, $0x1  }
0x124: {  	s1 =	sadd.f32 s21, s1;
	s5 =	spop (v2sf);
	(v2sf) =	vpush v1, $0x2  }
0x125: {  	s23 =	sadd.f32 s23, s28;
	s26 =	spop (v2sf);
	(v2sf) =	vpush v1, $0x3  }
0x126: {  	s0 =	sadd.f32 s1, s0;
	s7 =	spop (v2sf);
	(v2sf) =	vpush v1, $0x4  }
0x127: {  	s5 =	sadd.f32 s5, s29;
	s25 =	spop (v2sf);
	(v2sf) =	vpush v1, $0x5  }
0x128: {  	s7 =	sadd.f32 s7, s26;
	s30 =	spop (v2sf);
	(v2sf) =	vpush v1, $0x6  }
0x129: {  	s5 =	sadd.f32 s5, s23;
	s21 =	spop (v2sf);
	(v2sf) =	vpush v1, $0x7  }
0x12a: {  	s22 =	sadd.f32 s30, s25;
	s31 =	spop (v2sf);
	(v2sf) =	vpush v1, $0x8  }
0x12b: {  	s1 =	spop (v2sf);
	(v2sf) =	vpush v1, $0x9;
	s21 =	sadd.f32 s31, s21  }
0x12c: {  	s7 =	sadd.f32 s22, s7;
	s28 =	spop (v2sf);
	(v2sf) =	vpush v1, $0xA  }
0x12d: {  	s29 =	spop (v2sf);
	(v2sf) =	vpush v1, $0xB;
	s1 =	sadd.f32 s28, s1  }
0x12e: {  	s5 =	sadd.f32 s7, s5;
	s26 =	spop (v2sf);
	(v2sf) =	vpush v1, $0xC  }
0x12f: {  	s30 =	spop (v2sf);
	(v2sf) =	vpush v1, $0xD;
	s26 =	sadd.f32 s26, s29  }
0x130: {  	v0 =	vadd.f32 v60, v0;
	s1 =	sadd.f32 s1, s21;
	s31 =	spop (v2sf);
	(v2sf) =	vpush v1, $0xE  }
0x131: {  	s28 =	spop (v2sf);
	(v2sf) =	vpush v1, $0xF;
	s24 =	sadd.f32 s31, s30  }
0x132: {  	s21 =	sadd.f32 s0, s2;
	s29 =	spop (v2sf);
	(v2sf) =	vpush v0, $0x0  }
0x133: {  	s25 =	spop (v2sf);
	(v2sf) =	vpush v0, $0x1;
	s26 =	sadd.f32 s24, s26  }
0x134: {  	s2 =	sadd.f32 s29, s28;
	s23 =	spop (v2sf);
	(v2sf) =	vpush v0, $0x2  }
0x135: {  	s29 =	sadd.f32 s20, s19;
	s30 =	spop (v2sf);
	(v2sf) =	vpush v0, $0x3  }
0x136: {  	s1 =	sadd.f32 s26, s1;
	s31 =	spop (v2sf);
	(v2sf) =	vpush v0, $0x4  }
0x137: {  	s23 =	sadd.f32 s23, s25;
	s24 =	spop (v2sf);
	(v2sf) =	vpush v0, $0x5  }
0x138: {  	s22 =	sadd.f32 s1, s5;
	s7 =	spop (v2sf);
	(v2sf) =	vpush v0, $0x6  }
0x139: {  	s28 =	sadd.f32 s31, s30;
	s26 =	spop (v2sf);
	(v2sf) =	vpush v0, $0x7  }
0x13a: {  	s2 =	sadd.f32 s23, s2;
	s0 =	spop (v2sf);
	(v2sf) =	vpush v0, $0x8  }
0x13b: {  	s7 =	sadd.f32 s7, s24;
	s1 =	spop (v2sf);
	(v2sf) =	vpush v0, $0x9  }
0x13c: {  	s0 =	sadd.f32 s0, s26;
	s5 =	spop (v2sf);
	(v2sf) =	vpush v0, $0xA  }
0x13d: {  	s7 =	sadd.f32 s7, s28;
	s25 =	spop (v2sf);
	(v2sf) =	vpush v0, $0xB  }
0x13e: {  	s1 =	sadd.f32 s5, s1;
	s31 =	spop (v2sf);
	(v2sf) =	vpush v0, $0xC  }
0x13f: {  	s2 =	sadd.f32 s7, s2;
	s24 =	spop (v2sf);
	(v2sf) =	vpush v0, $0xD  }
0x140: {  	s25 =	sadd.f32 s31, s25;
	s30 =	spop (v2sf);
	(v2sf) =	vpush v0, $0xE  }
0x141: {  	s5 =	spop (v2sf);
	(v2sf) =	vpush v0, $0xF;
	s24 =	sadd.f32 s30, s24  }
0x142: {  	s0 =	sadd.f32 s1, s0;
	s31 =	spop (v2sf)  }
0x143: {  	s26 =	spop (v2sf);
	s24 =	sadd.f32 s24, s25  }
0x144: {  	s5 =	sadd.f32 s31, s5;
	s23 =	spop (v2sf)  }
0x145: {  	s28 =	spop (v2sf);
	s0 =	sadd.f32 s24, s0  }
0x146: {  	s23 =	sadd.f32 s23, s26;
	s30 =	spop (v2sf)  }
0x147: {  	s25 =	spop (v2sf);
	s1 =	sadd.f32 s30, s28  }
0x148: {  	s5 =	sadd.f32 s23, s5;
	s7 =	spop (v2sf)  }
0x149: {  	s0 =	sadd.f32 s0, s2;
	s24 =	spop (v2sf)  }
0x14a: {  	s23 =	sadd.f32 s10, s9;
	s31 =	spop (v2sf)  }
0x14b: {  	s7 =	sadd.f32 s7, s25;
	s26 =	spop (v2sf)  }
0x14c: {  	s24 =	sadd.f32 s31, s24;
	s30 =	spop (v2sf)  }
0x14d: {  	s1 =	sadd.f32 s7, s1;
	s25 =	spop (v2sf)  }
0x14e: {  	s26 =	sadd.f32 s30, s26;
	s31 =	spop (v2sf)  }
0x14f: {  	s1 =	sadd.f32 s1, s5;
	s30 =	spop (v2sf)  }
0x150: {  	s25 =	sadd.f32 s31, s25;
	s31 =	spop (v2sf)  }
0x151: {  	s28 =	sadd.f32 s31, s30  }
0x152: {  	s30 =	sadd.f32 s26, s24  }
0x153: {  	s24 =	sadd.f32 s12, s11  }
0x154: {  	s26 =	sadd.f32 s16, s15  }
0x155: {  	s31 =	sadd.f32 s28, s25  }
0x156: {  	s25 =	sadd.f32 s14, s13  }
0x157: {  	s28 =	sadd.f32 s18, s17  }
0x158: {  	s2 =	sadd.f32 s24, s23  }
0x159: {  	s7 =	sadd.f32 s31, s30  }
0x15a: {  	s30 =	sadd.f32 s22, s21  }
0x15b: {  	s1 =	sadd.f32 s7, s1  }
0x15c: {  	s24 =	sadd.f32 s29, s28  }
0x15d: {  	s31 =	sadd.f32 s1, s0  }
0x15e: {  	s7 =	sadd.f32 s26, s25  }
0x15f: {  	s5 =	sadd.f32 s31, s30  }
0x160: {  	v62 =	vmov s1;
	s26 =	sadd.f32 s7, s2  }
0x161: {  	v0 =	vsel vm0, s9, v62;
	s28 =	sadd.f32 s5, s24  }
0x162: {  	v0 =	vsel vm1, s10, v0  }
0x163: {  	v0 =	vsel vm2, s11, v0;
	s1 =	sadd.f32 s28, s26  }
0x164: {  	v0 =	vsel vm3, s12, v0  }
0x165: {  	v0 =	vsel vm4, s13, v0;
	v63 =	vmov s1  }
0x166: {  	v0 =	vsel vm5, s14, v0;
	(erf) = vrcp.f32 v63  }
0x167: {  	v0 =	vsel vm6, s15, v0  }
0x168: {  	v0 =	vsel vm7, s16, v0  }
0x169: {  	v0 =	vsel vm8, s17, v0  }
0x16a: {  	v0 =	vsel vm9, s18, v0  }
0x16b: {  	v0 =	vsel vm10, s19, v0  }
0x16c: {  	v0 =	vsel vm11, s20, v0  }
0x16d: {  	v0 =	vsel vm12, s21, v0  }
0x16e: {  	v0 =	vsel vm13, s22, v0  }
0x16f: {  	v0 =	vsel vm14, s0, v0;
	v1 =	vpop (erf)  }
0x170: {  	s8 =	sadd.s32 $0x1, s8;
	v0 =	vmul.f32 v1, v0  }
0x171: {  	p0 =	sne.s32 s8, s4;
	s29 =	rddreg [dreg:$0x1]  }
.Ltmp2:
0x172: {  	s30 =	simm.s32 $0x0;
	s31 =	simm.s32 $0x10000;
	[tilespmem:$0x10000] =	vst v0;
	(pc) =	sbr.rel @p0 .LBB2_2-.Ltmp2, $4  }
0x173: {  	[hbm4b:s29+s30] =	stream.linear.scatter [tilespmem:s31], [sflag:$0x1], $0x80, $0x38;
	[tilespmem:$0x10080] =	vst v63  }
0x174: {  	_ =	swait.ge [sflag:s6], $0x80  }
0x175: {  	[sflag:s6] =	ssyncset.done $0x0  }
0x176: {  	s0 =	simm.s32 $0x0;
	[sflag:s6] =	ssyncadd.s32 $0xFFFFFF80  }
.LBB2_5:
0x177: {  	_ =	sfence.sel $0x180000  }
0x178: {  	[bflag:$0x0] =	sbarrier.arrive $0xFFFF  }
0x179: {  	_ =	strace $0x9000004A  }
0x17a: {  	s0 =	stileid.u32;
	[bflag:$0x2] =	sbarrier.arrive $0xFFFF  }
0x17b: {  	p0 =	sne.s32 s0, $0x0;
	s0 =	rddreg [dreg:$0x2]  }
0x17c: {  	s0 =	sadd.s32 @!p0 $0x100000, s0  }
0x17d: {  	[sflag:s0] =	ssyncadd.tile.s32 @!p0 $0x1;
	_ =	shalt  }
.Lfunc_end2:
_tile_overlayer_lowered:
.L_overlay_start_2:
0x17e: {  	(tag) =	ssettag $0x2  }
0x17f: {  	s0 =	rddreg [dreg:$0x0];
	s2 =	stileid.u32  }
0x180: {  	s1 =	rddreg [dreg:$0x1];
	p0 =	sne.s32 s2, $0x0  }
0x181: {  	s3 =	rddreg [dreg:$0x2];
	[bflag:$0x3] =	sbarrier.arrive $0xFFFF;
	s2 =	simm.s32 @!p0 $0x1C01  }
0x182: {  	[timem:s3], [sflag:s2] =	dma.local @!p0 [hbm:s0], s1  }
0x183: {  	s0 =	simm.s32 @!p0 $0x1  }
0x184: {  	_ =	swait.ge @!p0 [sflag:s0], s1  }
0x185: {  	s1 =	ssub.s32 @!p0 $0x0, s1;
	[sflag:s0] =	ssyncset.done @!p0 $0x0  }
0x186: {  	[sflag:s0] =	ssyncadd.s32 @!p0 s1  }
0x187: {  	[bflag:$0x3] =	sbarrier.arrive $0xFFFF  }
0x188: {  	_ =	shalt  }

</sc_bundles>
